<compile_context>
chip_gen: v7x
topology: tpu7x:2x2x1
jax: 0.10.2.dev20260603
libtpu: 0.0.44.dev20260713+nightly
codegen_flags: <defaults>
</compile_context>

<pallas_src>
import functools

import jax
import jax.numpy as jnp
from jax import lax
from jax.experimental import pallas as pl
from jax.experimental.pallas import tpu as pltpu
from jax.experimental.pallas import tpu_sc as plsc

D_MODEL = 768
BATCH = 4
SEQ = 2048
N_TOKENS = BATCH * SEQ
NC, NS, L = 2, 16, 16
NW = NC * NS
PER_W = N_TOKENS // NW
W_PER_ROW = SEQ // PER_W
CHUNK = 16
NCHUNK = PER_W // CHUNK
NBUF = 4
LEAD = 3
VECS = D_MODEL // L


def _emb_kernel(toks_hbm, pos_hbm, we_hbm, wpos_hbm, out_hbm,
                tok_idx, pos_idx,
                tb0, pb0, tb1, pb1, tb2, pb2, tb3, pb3,
                gs0, gs1, gs2, gs3, ws0, ws1, ws2, ws3):
    wid = lax.axis_index("s") * NC + lax.axis_index("c")
    brow = wid // W_PER_ROW
    bcol = (wid % W_PER_ROW) * PER_W

    tokbufs = (tb0, tb1, tb2, tb3)
    posbufs = (pb0, pb1, pb2, pb3)
    gsems = (gs0, gs1, gs2, gs3)
    wsems = (ws0, ws1, ws2, ws3)

    h1 = pltpu.async_copy(toks_hbm.at[brow, pl.ds(bcol, PER_W)], tok_idx, gs0)
    h2 = pltpu.async_copy(pos_hbm.at[brow, pl.ds(bcol, PER_W)], pos_idx, gs1)
    h1.wait()
    h2.wait()

    def fire(c, slot):
        tsl = tok_idx.at[pl.ds(c * CHUNK, CHUNK)]
        psl = pos_idx.at[pl.ds(c * CHUNK, CHUNK)]
        pltpu.async_copy(we_hbm.at[tsl], tokbufs[slot], gsems[slot])
        pltpu.async_copy(wpos_hbm.at[psl], posbufs[slot], gsems[slot])

    def drain_gathers(slot):
        pltpu.make_async_copy(we_hbm.at[pl.ds(0, CHUNK)], tokbufs[slot],
                              gsems[slot]).wait()
        pltpu.make_async_copy(we_hbm.at[pl.ds(0, CHUNK)], posbufs[slot],
                              gsems[slot]).wait()

    def drain_wb(slot):
        pltpu.make_async_copy(tokbufs[slot],
                              out_hbm.at[0, pl.ds(0, CHUNK)],
                              wsems[slot]).wait()

    for c0 in range(LEAD):
        fire(c0, c0)

    def quad_body(i, carry):
        for b in range(NBUF):
            c = NBUF * i + b
            cur = b
            ahead = (b + LEAD) % NBUF

            @pl.when(c + LEAD < NCHUNK)
            def _():
                @pl.when(c >= NBUF - LEAD)
                def _():
                    drain_wb(ahead)
                fire(c + LEAD, ahead)

            drain_gathers(cur)

            tb, pb = tokbufs[cur], posbufs[cur]

            def row_body(r, rc):
                for j in range(VECS):
                    sl = pl.ds(j * L, L)
                    plsc.addupdate(tb.at[r, sl], pb[r, sl])
                return rc

            lax.fori_loop(0, CHUNK, row_body, 0)

            pltpu.async_copy(
                tb, out_hbm.at[brow, pl.ds(bcol + c * CHUNK, CHUNK)],
                wsems[cur])
        return carry

    lax.fori_loop(0, NCHUNK // NBUF, quad_body, 0)

    for slot in range(NBUF):
        drain_wb(slot)


@jax.jit
def kernel(toks, pos, W_E, W_pos):
    B, S = toks.shape
    toks32 = toks.astype(jnp.int32)
    pos32 = pos.astype(jnp.int32)

    run = functools.partial(
        pl.kernel,
        out_type=jax.ShapeDtypeStruct((BATCH, SEQ, D_MODEL), jnp.float32),
        mesh=plsc.VectorSubcoreMesh(core_axis_name="c", subcore_axis_name="s"),
        scratch_types=(
            [pltpu.VMEM((PER_W,), jnp.int32)] * 2
            + [pltpu.VMEM((CHUNK, D_MODEL), jnp.float32)] * (2 * NBUF)
            + [pltpu.SemaphoreType.DMA] * (2 * NBUF)
        ),
    )(_emb_kernel)
    return run(toks32, pos32, W_E, W_pos)

# --- scband reference (transcript-rebuilt; emitter-appended) ---
"""Pipeline reference for scband-gpt2-embedding-35390530519040 (READ-ONLY COPY).

The authoritative reference and input builder live on the scoring server;
editing this copy changes nothing except your own understanding.
"""

import jax, jax.numpy as jnp
import numpy as np

VOCAB_SIZE = 50257
MAX_LENGTH = 2048
D_MODEL = 768
BATCH = 4
SEQ = 2048

def setup_inputs(seed: int = 0) -> dict:
    key = jax.random.key(seed)
    k1, k2, k3, k4 = jax.random.split(key, 4)
    toks = jax.random.randint(k1, (BATCH, SEQ), 0, VOCAB_SIZE, dtype=jnp.int64 if jax.config.jax_enable_x64 else jnp.int32)
    pos = jax.random.randint(k2, (BATCH, SEQ), 0, MAX_LENGTH, dtype=jnp.int64 if jax.config.jax_enable_x64 else jnp.int32)
    W_E = jax.random.normal(k3, (VOCAB_SIZE, D_MODEL), dtype=jnp.float32) * 0.02
    W_pos = jax.random.normal(k4, (MAX_LENGTH, D_MODEL), dtype=jnp.float32) * 0.02
    return {"toks": toks, "pos": pos, "W_E": W_E, "W_pos": W_pos}

def reference(toks, pos, W_E, W_pos):
    # tok embedding lookup
    tok_emb = jnp.take(W_E, toks, axis=0)          # [B, S, d_model]
    # positional embedding lookup
    pos_emb = jnp.take(W_pos, pos, axis=0)         # [B, S, d_model]
    resid = tok_emb + pos_emb                      # hook_resid_emb is identity
    return resid

if __name__ == "__main__":
    import jax
    _d = setup_inputs()
    print(jax.jit(kernel)(*tuple(_d.values())))

</pallas_src>

<mosaic_0001>
#map = affine_map<(d0, d1) -> (0, 0)>
#map1 = affine_map<(d0, d1) -> (0, 0, 0)>
module attributes {stable_mosaic.version = 14 : i64} {
  func.func @_emb_kernel(%arg0: i32, %arg1: i32, %arg2: memref<4x2048xi32, #tpu.memory_space<hbm>>, %arg3: memref<4x2048xi32, #tpu.memory_space<hbm>>, %arg4: memref<50257x768xf32, #tpu.memory_space<hbm>>, %arg5: memref<2048x768xf32, #tpu.memory_space<hbm>>, %arg6: memref<4x2048x768xf32, #tpu.memory_space<hbm>>, %arg7: memref<256xi32, #tpu.memory_space<vmem>>, %arg8: memref<256xi32, #tpu.memory_space<vmem>>, %arg9: memref<16x768xf32, #tpu.memory_space<vmem>>, %arg10: memref<16x768xf32, #tpu.memory_space<vmem>>, %arg11: memref<16x768xf32, #tpu.memory_space<vmem>>, %arg12: memref<16x768xf32, #tpu.memory_space<vmem>>, %arg13: memref<16x768xf32, #tpu.memory_space<vmem>>, %arg14: memref<16x768xf32, #tpu.memory_space<vmem>>, %arg15: memref<16x768xf32, #tpu.memory_space<vmem>>, %arg16: memref<16x768xf32, #tpu.memory_space<vmem>>, %arg17: memref<!tpu.dma_semaphore, #tpu.memory_space<semaphore_mem>>, %arg18: memref<!tpu.dma_semaphore, #tpu.memory_space<semaphore_mem>>, %arg19: memref<!tpu.dma_semaphore, #tpu.memory_space<semaphore_mem>>, %arg20: memref<!tpu.dma_semaphore, #tpu.memory_space<semaphore_mem>>, %arg21: memref<!tpu.dma_semaphore, #tpu.memory_space<semaphore_mem>>, %arg22: memref<!tpu.dma_semaphore, #tpu.memory_space<semaphore_mem>>, %arg23: memref<!tpu.dma_semaphore, #tpu.memory_space<semaphore_mem>>, %arg24: memref<!tpu.dma_semaphore, #tpu.memory_space<semaphore_mem>>) attributes {dimension_semantics = [#tpu.dimension_semantics<core_parallel>, #tpu.dimension_semantics<subcore_parallel>], iteration_bounds = array<i64: 2, 16>, scalar_prefetch = 0 : i64, scratch_operands = 18 : i64, tpu.core_type = #tpu.core_type<sc_vector_subcore>, window_params = [{transform_indices = #map}, {transform_indices = #map}, {transform_indices = #map}, {transform_indices = #map}, {transform_indices = #map1}]} {
    %mul3A = arith.constant 2 : i32
    %mul3A_0 = arith.muli %arg1, %mul3A : i32
    %add3A = arith.addi %mul3A_0, %arg0 : i32
    %jit3A = arith.constant 8 : i32
    %div3A = arith.divsi %add3A, %jit3A : i32
    %sign3A = arith.constant 0 : i32
    %sign3A_1 = arith.cmpi sgt, %add3A, %sign3A : i32
    %sign3A_2 = arith.extui %sign3A_1 : i1 to i32
    %sign3A_3 = arith.constant 0 : i32
    %sign3A_4 = arith.cmpi slt, %add3A, %sign3A_3 : i32
    %sign3A_5 = arith.extui %sign3A_4 : i1 to i32
    %sign3A_6 = arith.subi %sign3A_2, %sign3A_5 : i32
    %sign3A_7 = arith.constant 0 : i32
    %sign3A_8 = arith.cmpi sgt, %jit3A, %sign3A_7 : i32
    %sign3A_9 = arith.extui %sign3A_8 : i1 to i32
    %sign3A_10 = arith.constant 0 : i32
    %sign3A_11 = arith.cmpi slt, %jit3A, %sign3A_10 : i32
    %sign3A_12 = arith.extui %sign3A_11 : i1 to i32
    %sign3A_13 = arith.subi %sign3A_9, %sign3A_12 : i32
    %ne3A = arith.cmpi ne, %sign3A_6, %sign3A_13 : i32
    %rem3A = arith.remsi %add3A, %jit3A : i32
    %ne3A_14 = arith.constant 0 : i32
    %ne3A_15 = arith.cmpi ne, %rem3A, %ne3A_14 : i32
    %and3A = arith.andi %ne3A, %ne3A_15 : i1
    %sub3A = arith.constant 1 : i32
    %sub3A_16 = arith.subi %div3A, %sub3A : i32
    %select_n3A = arith.select %and3A, %sub3A_16, %div3A : i32
    %jit3A_17 = arith.constant 8 : i32
    %eq3A = arith.constant 0 : i32
    %eq3A_18 = arith.cmpi eq, %jit3A_17, %eq3A : i32
    %jit3A_19 = arith.constant 1 : i32
    %select_n3A_20 = arith.select %eq3A_18, %jit3A_19, %jit3A_17 : i32
    %rem3A_21 = arith.remsi %add3A, %select_n3A_20 : i32
    %ne3A_22 = arith.constant 0 : i32
    %ne3A_23 = arith.cmpi ne, %rem3A_21, %ne3A_22 : i32
    %lt3A = arith.constant 0 : i32
    %lt3A_24 = arith.cmpi slt, %rem3A_21, %lt3A : i32
    %lt3A_25 = arith.constant 0 : i32
    %lt3A_26 = arith.cmpi slt, %select_n3A_20, %lt3A_25 : i32
    %ne3A_27 = arith.xori %lt3A_24, %lt3A_26 : i1
    %and3A_28 = arith.andi %ne3A_27, %ne3A_23 : i1
    %add3A_29 = arith.addi %rem3A_21, %select_n3A_20 : i32
    %select_n3A_30 = arith.select %and3A_28, %add3A_29, %rem3A_21 : i32
    %mul3A_31 = arith.constant 256 : i32
    %mul3A_32 = arith.muli %select_n3A_30, %mul3A_31 : i32
    %dma_start3A = tpu.memref_slice %arg2[%select_n3A, %mul3A_32] : memref<4x2048xi32, #tpu.memory_space<hbm>> -> memref<1x256xi32, #tpu.memory_space<hbm>>
    %dma_start3A_33 = tpu.memref_squeeze %dma_start3A : memref<1x256xi32, #tpu.memory_space<hbm>> -> memref<256xi32, #tpu.memory_space<hbm>>
    %dma_start3A_34 = tpu.memref_slice %arg2[%select_n3A, %mul3A_32] : memref<4x2048xi32, #tpu.memory_space<hbm>> -> memref<1x256xi32, #tpu.memory_space<hbm>>
    %dma_start3A_35 = tpu.memref_squeeze %dma_start3A_34 : memref<1x256xi32, #tpu.memory_space<hbm>> -> memref<256xi32, #tpu.memory_space<hbm>>
    tpu.enqueue_dma source(%dma_start3A_35 : memref<256xi32, #tpu.memory_space<hbm>>) target(%arg7 : memref<256xi32, #tpu.memory_space<vmem>>) target_semaphore(%arg17 : memref<!tpu.dma_semaphore, #tpu.memory_space<semaphore_mem>>)
    %dma_start3A_36 = tpu.memref_slice %arg3[%select_n3A, %mul3A_32] : memref<4x2048xi32, #tpu.memory_space<hbm>> -> memref<1x256xi32, #tpu.memory_space<hbm>>
    %dma_start3A_37 = tpu.memref_squeeze %dma_start3A_36 : memref<1x256xi32, #tpu.memory_space<hbm>> -> memref<256xi32, #tpu.memory_space<hbm>>
    %dma_start3A_38 = tpu.memref_slice %arg3[%select_n3A, %mul3A_32] : memref<4x2048xi32, #tpu.memory_space<hbm>> -> memref<1x256xi32, #tpu.memory_space<hbm>>
    %dma_start3A_39 = tpu.memref_squeeze %dma_start3A_38 : memref<1x256xi32, #tpu.memory_space<hbm>> -> memref<256xi32, #tpu.memory_space<hbm>>
    tpu.enqueue_dma source(%dma_start3A_39 : memref<256xi32, #tpu.memory_space<hbm>>) target(%arg8 : memref<256xi32, #tpu.memory_space<vmem>>) target_semaphore(%arg18 : memref<!tpu.dma_semaphore, #tpu.memory_space<semaphore_mem>>)
    %dma_wait3A = tpu.memref_slice %arg2[%select_n3A, %mul3A_32] : memref<4x2048xi32, #tpu.memory_space<hbm>> -> memref<1x256xi32, #tpu.memory_space<hbm>>
    %dma_wait3A_40 = tpu.memref_squeeze %dma_wait3A : memref<1x256xi32, #tpu.memory_space<hbm>> -> memref<256xi32, #tpu.memory_space<hbm>>
    %dma_wait3A_41 = tpu.memref_slice %arg2[%select_n3A, %mul3A_32] : memref<4x2048xi32, #tpu.memory_space<hbm>> -> memref<1x256xi32, #tpu.memory_space<hbm>>
    %dma_wait3A_42 = tpu.memref_squeeze %dma_wait3A_41 : memref<1x256xi32, #tpu.memory_space<hbm>> -> memref<256xi32, #tpu.memory_space<hbm>>
    tpu.wait_dma2 semaphore(%arg17 : memref<!tpu.dma_semaphore, #tpu.memory_space<semaphore_mem>>) src(%dma_wait3A_42 : memref<256xi32, #tpu.memory_space<hbm>>) dst(%arg7 : memref<256xi32, #tpu.memory_space<vmem>>)
    %dma_wait3A_43 = tpu.memref_slice %arg3[%select_n3A, %mul3A_32] : memref<4x2048xi32, #tpu.memory_space<hbm>> -> memref<1x256xi32, #tpu.memory_space<hbm>>
    %dma_wait3A_44 = tpu.memref_squeeze %dma_wait3A_43 : memref<1x256xi32, #tpu.memory_space<hbm>> -> memref<256xi32, #tpu.memory_space<hbm>>
    %dma_wait3A_45 = tpu.memref_slice %arg3[%select_n3A, %mul3A_32] : memref<4x2048xi32, #tpu.memory_space<hbm>> -> memref<1x256xi32, #tpu.memory_space<hbm>>
    %dma_wait3A_46 = tpu.memref_squeeze %dma_wait3A_45 : memref<1x256xi32, #tpu.memory_space<hbm>> -> memref<256xi32, #tpu.memory_space<hbm>>
    tpu.wait_dma2 semaphore(%arg18 : memref<!tpu.dma_semaphore, #tpu.memory_space<semaphore_mem>>) src(%dma_wait3A_46 : memref<256xi32, #tpu.memory_space<hbm>>) dst(%arg8 : memref<256xi32, #tpu.memory_space<vmem>>)
    %dma_start3A_47 = arith.constant 0 : i32
    %dma_start3A_48 = tpu.memref_slice %arg7[%dma_start3A_47] : memref<256xi32, #tpu.memory_space<vmem>> -> memref<16xi32, #tpu.memory_space<vmem>>
    %dma_start3A_49 = arith.constant 0 : i32
    %dma_start3A_50 = arith.constant 0 : i32
    %dma_start3A_51 = tpu.memref_slice %arg4[%dma_start3A_49, %dma_start3A_50] : memref<50257x768xf32, #tpu.memory_space<hbm>> -> memref<50257x768xf32, #tpu.memory_space<hbm>>
    tpu.enqueue_indirect_dma source(%dma_start3A_51 : memref<50257x768xf32, #tpu.memory_space<hbm>>) target(%arg9 : memref<16x768xf32, #tpu.memory_space<vmem>>) offsets(%dma_start3A_48 : memref<16xi32, #tpu.memory_space<vmem>>) semaphore(%arg17 : memref<!tpu.dma_semaphore, #tpu.memory_space<semaphore_mem>>)
    %dma_start3A_52 = arith.constant 0 : i32
    %dma_start3A_53 = tpu.memref_slice %arg8[%dma_start3A_52] : memref<256xi32, #tpu.memory_space<vmem>> -> memref<16xi32, #tpu.memory_space<vmem>>
    %dma_start3A_54 = arith.constant 0 : i32
    %dma_start3A_55 = arith.constant 0 : i32
    %dma_start3A_56 = tpu.memref_slice %arg5[%dma_start3A_54, %dma_start3A_55] : memref<2048x768xf32, #tpu.memory_space<hbm>> -> memref<2048x768xf32, #tpu.memory_space<hbm>>
    tpu.enqueue_indirect_dma source(%dma_start3A_56 : memref<2048x768xf32, #tpu.memory_space<hbm>>) target(%arg10 : memref<16x768xf32, #tpu.memory_space<vmem>>) offsets(%dma_start3A_53 : memref<16xi32, #tpu.memory_space<vmem>>) semaphore(%arg17 : memref<!tpu.dma_semaphore, #tpu.memory_space<semaphore_mem>>)
    %dma_start3A_57 = arith.constant 16 : i32
    %dma_start3A_58 = tpu.memref_slice %arg7[%dma_start3A_57] : memref<256xi32, #tpu.memory_space<vmem>> -> memref<16xi32, #tpu.memory_space<vmem>>
    %dma_start3A_59 = arith.constant 0 : i32
    %dma_start3A_60 = arith.constant 0 : i32
    %dma_start3A_61 = tpu.memref_slice %arg4[%dma_start3A_59, %dma_start3A_60] : memref<50257x768xf32, #tpu.memory_space<hbm>> -> memref<50257x768xf32, #tpu.memory_space<hbm>>
    tpu.enqueue_indirect_dma source(%dma_start3A_61 : memref<50257x768xf32, #tpu.memory_space<hbm>>) target(%arg11 : memref<16x768xf32, #tpu.memory_space<vmem>>) offsets(%dma_start3A_58 : memref<16xi32, #tpu.memory_space<vmem>>) semaphore(%arg18 : memref<!tpu.dma_semaphore, #tpu.memory_space<semaphore_mem>>)
    %dma_start3A_62 = arith.constant 16 : i32
    %dma_start3A_63 = tpu.memref_slice %arg8[%dma_start3A_62] : memref<256xi32, #tpu.memory_space<vmem>> -> memref<16xi32, #tpu.memory_space<vmem>>
    %dma_start3A_64 = arith.constant 0 : i32
    %dma_start3A_65 = arith.constant 0 : i32
    %dma_start3A_66 = tpu.memref_slice %arg5[%dma_start3A_64, %dma_start3A_65] : memref<2048x768xf32, #tpu.memory_space<hbm>> -> memref<2048x768xf32, #tpu.memory_space<hbm>>
    tpu.enqueue_indirect_dma source(%dma_start3A_66 : memref<2048x768xf32, #tpu.memory_space<hbm>>) target(%arg12 : memref<16x768xf32, #tpu.memory_space<vmem>>) offsets(%dma_start3A_63 : memref<16xi32, #tpu.memory_space<vmem>>) semaphore(%arg18 : memref<!tpu.dma_semaphore, #tpu.memory_space<semaphore_mem>>)
    %dma_start3A_67 = arith.constant 32 : i32
    %dma_start3A_68 = tpu.memref_slice %arg7[%dma_start3A_67] : memref<256xi32, #tpu.memory_space<vmem>> -> memref<16xi32, #tpu.memory_space<vmem>>
    %dma_start3A_69 = arith.constant 0 : i32
    %dma_start3A_70 = arith.constant 0 : i32
    %dma_start3A_71 = tpu.memref_slice %arg4[%dma_start3A_69, %dma_start3A_70] : memref<50257x768xf32, #tpu.memory_space<hbm>> -> memref<50257x768xf32, #tpu.memory_space<hbm>>
    tpu.enqueue_indirect_dma source(%dma_start3A_71 : memref<50257x768xf32, #tpu.memory_space<hbm>>) target(%arg13 : memref<16x768xf32, #tpu.memory_space<vmem>>) offsets(%dma_start3A_68 : memref<16xi32, #tpu.memory_space<vmem>>) semaphore(%arg19 : memref<!tpu.dma_semaphore, #tpu.memory_space<semaphore_mem>>)
    %dma_start3A_72 = arith.constant 32 : i32
    %dma_start3A_73 = tpu.memref_slice %arg8[%dma_start3A_72] : memref<256xi32, #tpu.memory_space<vmem>> -> memref<16xi32, #tpu.memory_space<vmem>>
    %dma_start3A_74 = arith.constant 0 : i32
    %dma_start3A_75 = arith.constant 0 : i32
    %dma_start3A_76 = tpu.memref_slice %arg5[%dma_start3A_74, %dma_start3A_75] : memref<2048x768xf32, #tpu.memory_space<hbm>> -> memref<2048x768xf32, #tpu.memory_space<hbm>>
    tpu.enqueue_indirect_dma source(%dma_start3A_76 : memref<2048x768xf32, #tpu.memory_space<hbm>>) target(%arg14 : memref<16x768xf32, #tpu.memory_space<vmem>>) offsets(%dma_start3A_73 : memref<16xi32, #tpu.memory_space<vmem>>) semaphore(%arg19 : memref<!tpu.dma_semaphore, #tpu.memory_space<semaphore_mem>>)
    %scan3A = arith.constant 0 : i32
    %scan3A_77 = arith.constant 0 : i32
    %scan3A_78 = arith.constant 4 : i32
    %scan3A_79 = arith.addi %scan3A_77, %scan3A_78 : i32
    %scan3A_80 = arith.constant 1 : i32
    scf.for %scan3A_118 = %scan3A_77 to %scan3A_79 step %scan3A_80  : i32 {
      %mul3A_119 = arith.constant 4 : i32
      %mul3A_120 = arith.muli %mul3A_119, %scan3A_118 : i32
      %add3A_121 = arith.constant 0 : i32
      %add3A_122 = arith.addi %mul3A_120, %add3A_121 : i32
      %add3A_123 = arith.constant 3 : i32
      %add3A_124 = arith.addi %add3A_122, %add3A_123 : i32
      %lt3A_125 = arith.constant 16 : i32
      %lt3A_126 = arith.cmpi slt, %add3A_124, %lt3A_125 : i32
      %convert_element_type3A = arith.extui %lt3A_126 : i1 to i32
      %cond3A = arith.constant 0 : i32
      %cond3A_127 = arith.cmpi ne, %convert_element_type3A, %cond3A : i32
      scf.if %cond3A_127 {
        %ge3A = arith.constant 1 : i32
        %ge3A_269 = arith.cmpi sge, %add3A_122, %ge3A : i32
        %convert_element_type3A_270 = arith.extui %ge3A_269 : i1 to i32
        %cond3A_271 = arith.constant 0 : i32
        %cond3A_272 = arith.cmpi ne, %convert_element_type3A_270, %cond3A_271 : i32
        scf.if %cond3A_272 {
          %dma_wait3A_287 = arith.constant 0 : i32
          %dma_wait3A_288 = arith.constant 0 : i32
          %dma_wait3A_289 = arith.constant 0 : i32
          %dma_wait3A_290 = tpu.memref_slice %arg6[%dma_wait3A_287, %dma_wait3A_288, %dma_wait3A_289] : memref<4x2048x768xf32, #tpu.memory_space<hbm>> -> memref<1x16x768xf32, #tpu.memory_space<hbm>>
          %dma_wait3A_291 = tpu.memref_squeeze %dma_wait3A_290 : memref<1x16x768xf32, #tpu.memory_space<hbm>> -> memref<16x768xf32, #tpu.memory_space<hbm>>
          %dma_wait3A_292 = arith.constant 0 : i32
          %dma_wait3A_293 = arith.constant 0 : i32
          %dma_wait3A_294 = tpu.memref_slice %arg6[%dma_wait3A_287, %dma_wait3A_292, %dma_wait3A_293] : memref<4x2048x768xf32, #tpu.memory_space<hbm>> -> memref<1x16x768xf32, #tpu.memory_space<hbm>>
          %dma_wait3A_295 = tpu.memref_squeeze %dma_wait3A_294 : memref<1x16x768xf32, #tpu.memory_space<hbm>> -> memref<16x768xf32, #tpu.memory_space<hbm>>
          tpu.wait_dma2 semaphore(%arg24 : memref<!tpu.dma_semaphore, #tpu.memory_space<semaphore_mem>>) src(%arg15 : memref<16x768xf32, #tpu.memory_space<vmem>>) dst(%dma_wait3A_295 : memref<16x768xf32, #tpu.memory_space<hbm>>)
        } else {
        }
        %add3A_273 = arith.constant 3 : i32
        %add3A_274 = arith.addi %add3A_122, %add3A_273 : i32
        %mul3A_275 = arith.constant 16 : i32
        %mul3A_276 = arith.muli %add3A_274, %mul3A_275 : i32
        %mul3A_277 = arith.constant 16 : i32
        %mul3A_278 = arith.muli %add3A_274, %mul3A_277 : i32
        %dma_start3A_279 = tpu.memref_slice %arg7[%mul3A_276] : memref<256xi32, #tpu.memory_space<vmem>> -> memref<16xi32, #tpu.memory_space<vmem>>
        %dma_start3A_280 = arith.constant 0 : i32
        %dma_start3A_281 = arith.constant 0 : i32
        %dma_start3A_282 = tpu.memref_slice %arg4[%dma_start3A_280, %dma_start3A_281] : memref<50257x768xf32, #tpu.memory_space<hbm>> -> memref<50257x768xf32, #tpu.memory_space<hbm>>
        tpu.enqueue_indirect_dma source(%dma_start3A_282 : memref<50257x768xf32, #tpu.memory_space<hbm>>) target(%arg15 : memref<16x768xf32, #tpu.memory_space<vmem>>) offsets(%dma_start3A_279 : memref<16xi32, #tpu.memory_space<vmem>>) semaphore(%arg20 : memref<!tpu.dma_semaphore, #tpu.memory_space<semaphore_mem>>)
        %dma_start3A_283 = tpu.memref_slice %arg8[%mul3A_278] : memref<256xi32, #tpu.memory_space<vmem>> -> memref<16xi32, #tpu.memory_space<vmem>>
        %dma_start3A_284 = arith.constant 0 : i32
        %dma_start3A_285 = arith.constant 0 : i32
        %dma_start3A_286 = tpu.memref_slice %arg5[%dma_start3A_284, %dma_start3A_285] : memref<2048x768xf32, #tpu.memory_space<hbm>> -> memref<2048x768xf32, #tpu.memory_space<hbm>>
        tpu.enqueue_indirect_dma source(%dma_start3A_286 : memref<2048x768xf32, #tpu.memory_space<hbm>>) target(%arg16 : memref<16x768xf32, #tpu.memory_space<vmem>>) offsets(%dma_start3A_283 : memref<16xi32, #tpu.memory_space<vmem>>) semaphore(%arg20 : memref<!tpu.dma_semaphore, #tpu.memory_space<semaphore_mem>>)
      } else {
      }
      %dma_wait3A_128 = arith.constant 0 : i32
      %dma_wait3A_129 = arith.constant 0 : i32
      %dma_wait3A_130 = tpu.memref_slice %arg4[%dma_wait3A_128, %dma_wait3A_129] : memref<50257x768xf32, #tpu.memory_space<hbm>> -> memref<16x768xf32, #tpu.memory_space<hbm>>
      %dma_wait3A_131 = arith.constant 0 : i32
      %dma_wait3A_132 = arith.constant 0 : i32
      %dma_wait3A_133 = tpu.memref_slice %arg4[%dma_wait3A_131, %dma_wait3A_132] : memref<50257x768xf32, #tpu.memory_space<hbm>> -> memref<16x768xf32, #tpu.memory_space<hbm>>
      tpu.wait_dma2 semaphore(%arg17 : memref<!tpu.dma_semaphore, #tpu.memory_space<semaphore_mem>>) src(%dma_wait3A_133 : memref<16x768xf32, #tpu.memory_space<hbm>>) dst(%arg9 : memref<16x768xf32, #tpu.memory_space<vmem>>)
      %dma_wait3A_134 = arith.constant 0 : i32
      %dma_wait3A_135 = arith.constant 0 : i32
      %dma_wait3A_136 = tpu.memref_slice %arg4[%dma_wait3A_134, %dma_wait3A_135] : memref<50257x768xf32, #tpu.memory_space<hbm>> -> memref<16x768xf32, #tpu.memory_space<hbm>>
      %dma_wait3A_137 = arith.constant 0 : i32
      %dma_wait3A_138 = arith.constant 0 : i32
      %dma_wait3A_139 = tpu.memref_slice %arg4[%dma_wait3A_137, %dma_wait3A_138] : memref<50257x768xf32, #tpu.memory_space<hbm>> -> memref<16x768xf32, #tpu.memory_space<hbm>>
      tpu.wait_dma2 semaphore(%arg17 : memref<!tpu.dma_semaphore, #tpu.memory_space<semaphore_mem>>) src(%dma_wait3A_139 : memref<16x768xf32, #tpu.memory_space<hbm>>) dst(%arg10 : memref<16x768xf32, #tpu.memory_space<vmem>>)
      %scan3A_140 = arith.constant 0 : i32
      %scan3A_141 = arith.constant 0 : i32
      %scan3A_142 = arith.constant 16 : i32
      %scan3A_143 = arith.addi %scan3A_141, %scan3A_142 : i32
      %scan3A_144 = arith.constant 1 : i32
      scf.for %scan3A_269 = %scan3A_141 to %scan3A_143 step %scan3A_144  : i32 {
        %get3A = arith.index_cast %scan3A_269 : i32 to index
        %get3A_270 = arith.constant 0 : index
        %get3A_271 = tpu.vector_load %arg10[%get3A, %get3A_270] {strides = array<i32>} : memref<16x768xf32, #tpu.memory_space<vmem>>, vector<1x16xf32>,
        %get3A_272 = vector.shape_cast %get3A_271 : vector<1x16xf32> to vector<16xf32>
        %swap3A = arith.index_cast %scan3A_269 : i32 to index
        %swap3A_273 = arith.constant 0 : index
        %swap3A_274 = tpu.vector_load %arg9[%swap3A, %swap3A_273] {strides = array<i32>} : memref<16x768xf32, #tpu.memory_space<vmem>>, vector<1x16xf32>,
        %swap3A_275 = vector.shape_cast %swap3A_274 : vector<1x16xf32> to vector<16xf32>
        %swap3A_276 = vector.shape_cast %get3A_272 : vector<16xf32> to vector<1x16xf32>
        tpu.vector_store %arg9[%swap3A, %swap3A_273], %swap3A_276 {add = true, strides = array<i32>} : memref<16x768xf32, #tpu.memory_space<vmem>>, vector<1x16xf32>,
        %get3A_277 = arith.index_cast %scan3A_269 : i32 to index
        %get3A_278 = arith.constant 16 : index
        %get3A_279 = tpu.vector_load %arg10[%get3A_277, %get3A_278] {strides = array<i32>} : memref<16x768xf32, #tpu.memory_space<vmem>>, vector<1x16xf32>,
        %get3A_280 = vector.shape_cast %get3A_279 : vector<1x16xf32> to vector<16xf32>
        %swap3A_281 = arith.index_cast %scan3A_269 : i32 to index
        %swap3A_282 = arith.constant 16 : index
        %swap3A_283 = tpu.vector_load %arg9[%swap3A_281, %swap3A_282] {strides = array<i32>} : memref<16x768xf32, #tpu.memory_space<vmem>>, vector<1x16xf32>,
        %swap3A_284 = vector.shape_cast %swap3A_283 : vector<1x16xf32> to vector<16xf32>
        %swap3A_285 = vector.shape_cast %get3A_280 : vector<16xf32> to vector<1x16xf32>
        tpu.vector_store %arg9[%swap3A_281, %swap3A_282], %swap3A_285 {add = true, strides = array<i32>} : memref<16x768xf32, #tpu.memory_space<vmem>>, vector<1x16xf32>,
        %get3A_286 = arith.index_cast %scan3A_269 : i32 to index
        %get3A_287 = arith.constant 32 : index
        %get3A_288 = tpu.vector_load %arg10[%get3A_286, %get3A_287] {strides = array<i32>} : memref<16x768xf32, #tpu.memory_space<vmem>>, vector<1x16xf32>,
        %get3A_289 = vector.shape_cast %get3A_288 : vector<1x16xf32> to vector<16xf32>
        %swap3A_290 = arith.index_cast %scan3A_269 : i32 to index
        %swap3A_291 = arith.constant 32 : index
        %swap3A_292 = tpu.vector_load %arg9[%swap3A_290, %swap3A_291] {strides = array<i32>} : memref<16x768xf32, #tpu.memory_space<vmem>>, vector<1x16xf32>,
        %swap3A_293 = vector.shape_cast %swap3A_292 : vector<1x16xf32> to vector<16xf32>
        %swap3A_294 = vector.shape_cast %get3A_289 : vector<16xf32> to vector<1x16xf32>
        tpu.vector_store %arg9[%swap3A_290, %swap3A_291], %swap3A_294 {add = true, strides = array<i32>} : memref<16x768xf32, #tpu.memory_space<vmem>>, vector<1x16xf32>,
        %get3A_295 = arith.index_cast %scan3A_269 : i32 to index
        %get3A_296 = arith.constant 48 : index
        %get3A_297 = tpu.vector_load %arg10[%get3A_295, %get3A_296] {strides = array<i32>} : memref<16x768xf32, #tpu.memory_space<vmem>>, vector<1x16xf32>,
        %get3A_298 = vector.shape_cast %get3A_297 : vector<1x16xf32> to vector<16xf32>
        %swap3A_299 = arith.index_cast %scan3A_269 : i32 to index
        %swap3A_300 = arith.constant 48 : index
        %swap3A_301 = tpu.vector_load %arg9[%swap3A_299, %swap3A_300] {strides = array<i32>} : memref<16x768xf32, #tpu.memory_space<vmem>>, vector<1x16xf32>,
        %swap3A_302 = vector.shape_cast %swap3A_301 : vector<1x16xf32> to vector<16xf32>
        %swap3A_303 = vector.shape_cast %get3A_298 : vector<16xf32> to vector<1x16xf32>
        tpu.vector_store %arg9[%swap3A_299, %swap3A_300], %swap3A_303 {add = true, strides = array<i32>} : memref<16x768xf32, #tpu.memory_space<vmem>>, vector<1x16xf32>,
        %get3A_304 = arith.index_cast %scan3A_269 : i32 to index
        %get3A_305 = arith.constant 64 : index
        %get3A_306 = tpu.vector_load %arg10[%get3A_304, %get3A_305] {strides = array<i32>} : memref<16x768xf32, #tpu.memory_space<vmem>>, vector<1x16xf32>,
        %get3A_307 = vector.shape_cast %get3A_306 : vector<1x16xf32> to vector<16xf32>
        %swap3A_308 = arith.index_cast %scan3A_269 : i32 to index
        %swap3A_309 = arith.constant 64 : index
        %swap3A_310 = tpu.vector_load %arg9[%swap3A_308, %swap3A_309] {strides = array<i32>} : memref<16x768xf32, #tpu.memory_space<vmem>>, vector<1x16xf32>,
        %swap3A_311 = vector.shape_cast %swap3A_310 : vector<1x16xf32> to vector<16xf32>
        %swap3A_312 = vector.shape_cast %get3A_307 : vector<16xf32> to vector<1x16xf32>
        tpu.vector_store %arg9[%swap3A_308, %swap3A_309], %swap3A_312 {add = true, strides = array<i32>} : memref<16x768xf32, #tpu.memory_space<vmem>>, vector<1x16xf32>,
        %get3A_313 = arith.index_cast %scan3A_269 : i32 to index
        %get3A_314 = arith.constant 80 : index
        %get3A_315 = tpu.vector_load %arg10[%get3A_313, %get3A_314] {strides = array<i32>} : memref<16x768xf32, #tpu.memory_space<vmem>>, vector<1x16xf32>,
        %get3A_316 = vector.shape_cast %get3A_315 : vector<1x16xf32> to vector<16xf32>
        %swap3A_317 = arith.index_cast %scan3A_269 : i32 to index
        %swap3A_318 = arith.constant 80 : index
        %swap3A_319 = tpu.vector_load %arg9[%swap3A_317, %swap3A_318] {strides = array<i32>} : memref<16x768xf32, #tpu.memory_space<vmem>>, vector<1x16xf32>,
        %swap3A_320 = vector.shape_cast %swap3A_319 : vector<1x16xf32> to vector<16xf32>
        %swap3A_321 = vector.shape_cast %get3A_316 : vector<16xf32> to vector<1x16xf32>
        tpu.vector_store %arg9[%swap3A_317, %swap3A_318], %swap3A_321 {add = true, strides = array<i32>} : memref<16x768xf32, #tpu.memory_space<vmem>>, vector<1x16xf32>,
        %get3A_322 = arith.index_cast %scan3A_269 : i32 to index
        %get3A_323 = arith.constant 96 : index
        %get3A_324 = tpu.vector_load %arg10[%get3A_322, %get3A_323] {strides = array<i32>} : memref<16x768xf32, #tpu.memory_space<vmem>>, vector<1x16xf32>,
        %get3A_325 = vector.shape_cast %get3A_324 : vector<1x16xf32> to vector<16xf32>
        %swap3A_326 = arith.index_cast %scan3A_269 : i32 to index
        %swap3A_327 = arith.constant 96 : index
        %swap3A_328 = tpu.vector_load %arg9[%swap3A_326, %swap3A_327] {strides = array<i32>} : memref<16x768xf32, #tpu.memory_space<vmem>>, vector<1x16xf32>,
        %swap3A_329 = vector.shape_cast %swap3A_328 : vector<1x16xf32> to vector<16xf32>
        %swap3A_330 = vector.shape_cast %get3A_325 : vector<16xf32> to vector<1x16xf32>
        tpu.vector_store %arg9[%swap3A_326, %swap3A_327], %swap3A_330 {add = true, strides = array<i32>} : memref<16x768xf32, #tpu.memory_space<vmem>>, vector<1x16xf32>,
        %get3A_331 = arith.index_cast %scan3A_269 : i32 to index
        %get3A_332 = arith.constant 112 : index
        %get3A_333 = tpu.vector_load %arg10[%get3A_331, %get3A_332] {strides = array<i32>} : memref<16x768xf32, #tpu.memory_space<vmem>>, vector<1x16xf32>,
        %get3A_334 = vector.shape_cast %get3A_333 : vector<1x16xf32> to vector<16xf32>
        %swap3A_335 = arith.index_cast %scan3A_269 : i32 to index
        %swap3A_336 = arith.constant 112 : index
        %swap3A_337 = tpu.vector_load %arg9[%swap3A_335, %swap3A_336] {strides = array<i32>} : memref<16x768xf32, #tpu.memory_space<vmem>>, vector<1x16xf32>,
        %swap3A_338 = vector.shape_cast %swap3A_337 : vector<1x16xf32> to vector<16xf32>
        %swap3A_339 = vector.shape_cast %get3A_334 : vector<16xf32> to vector<1x16xf32>
        tpu.vector_store %arg9[%swap3A_335, %swap3A_336], %swap3A_339 {add = true, strides = array<i32>} : memref<16x768xf32, #tpu.memory_space<vmem>>, vector<1x16xf32>,
        %get3A_340 = arith.index_cast %scan3A_269 : i32 to index
        %get3A_341 = arith.constant 128 : index
        %get3A_342 = tpu.vector_load %arg10[%get3A_340, %get3A_341] {strides = array<i32>} : memref<16x768xf32, #tpu.memory_space<vmem>>, vector<1x16xf32>,
        %get3A_343 = vector.shape_cast %get3A_342 : vector<1x16xf32> to vector<16xf32>
        %swap3A_344 = arith.index_cast %scan3A_269 : i32 to index
        %swap3A_345 = arith.constant 128 : index
        %swap3A_346 = tpu.vector_load %arg9[%swap3A_344, %swap3A_345] {strides = array<i32>} : memref<16x768xf32, #tpu.memory_space<vmem>>, vector<1x16xf32>,
        %swap3A_347 = vector.shape_cast %swap3A_346 : vector<1x16xf32> to vector<16xf32>
        %swap3A_348 = vector.shape_cast %get3A_343 : vector<16xf32> to vector<1x16xf32>
        tpu.vector_store %arg9[%swap3A_344, %swap3A_345], %swap3A_348 {add = true, strides = array<i32>} : memref<16x768xf32, #tpu.memory_space<vmem>>, vector<1x16xf32>,
        %get3A_349 = arith.index_cast %scan3A_269 : i32 to index
        %get3A_350 = arith.constant 144 : index
        %get3A_351 = tpu.vector_load %arg10[%get3A_349, %get3A_350] {strides = array<i32>} : memref<16x768xf32, #tpu.memory_space<vmem>>, vector<1x16xf32>,
        %get3A_352 = vector.shape_cast %get3A_351 : vector<1x16xf32> to vector<16xf32>
        %swap3A_353 = arith.index_cast %scan3A_269 : i32 to index
        %swap3A_354 = arith.constant 144 : index
        %swap3A_355 = tpu.vector_load %arg9[%swap3A_353, %swap3A_354] {strides = array<i32>} : memref<16x768xf32, #tpu.memory_space<vmem>>, vector<1x16xf32>,
        %swap3A_356 = vector.shape_cast %swap3A_355 : vector<1x16xf32> to vector<16xf32>
        %swap3A_357 = vector.shape_cast %get3A_352 : vector<16xf32> to vector<1x16xf32>
        tpu.vector_store %arg9[%swap3A_353, %swap3A_354], %swap3A_357 {add = true, strides = array<i32>} : memref<16x768xf32, #tpu.memory_space<vmem>>, vector<1x16xf32>,
        %get3A_358 = arith.index_cast %scan3A_269 : i32 to index
        %get3A_359 = arith.constant 160 : index
        %get3A_360 = tpu.vector_load %arg10[%get3A_358, %get3A_359] {strides = array<i32>} : memref<16x768xf32, #tpu.memory_space<vmem>>, vector<1x16xf32>,
        %get3A_361 = vector.shape_cast %get3A_360 : vector<1x16xf32> to vector<16xf32>
        %swap3A_362 = arith.index_cast %scan3A_269 : i32 to index
        %swap3A_363 = arith.constant 160 : index
        %swap3A_364 = tpu.vector_load %arg9[%swap3A_362, %swap3A_363] {strides = array<i32>} : memref<16x768xf32, #tpu.memory_space<vmem>>, vector<1x16xf32>,
        %swap3A_365 = vector.shape_cast %swap3A_364 : vector<1x16xf32> to vector<16xf32>
        %swap3A_366 = vector.shape_cast %get3A_361 : vector<16xf32> to vector<1x16xf32>
        tpu.vector_store %arg9[%swap3A_362, %swap3A_363], %swap3A_366 {add = true, strides = array<i32>} : memref<16x768xf32, #tpu.memory_space<vmem>>, vector<1x16xf32>,
        %get3A_367 = arith.index_cast %scan3A_269 : i32 to index
        %get3A_368 = arith.constant 176 : index
        %get3A_369 = tpu.vector_load %arg10[%get3A_367, %get3A_368] {strides = array<i32>} : memref<16x768xf32, #tpu.memory_space<vmem>>, vector<1x16xf32>,
        %get3A_370 = vector.shape_cast %get3A_369 : vector<1x16xf32> to vector<16xf32>
        %swap3A_371 = arith.index_cast %scan3A_269 : i32 to index
        %swap3A_372 = arith.constant 176 : index
        %swap3A_373 = tpu.vector_load %arg9[%swap3A_371, %swap3A_372] {strides = array<i32>} : memref<16x768xf32, #tpu.memory_space<vmem>>, vector<1x16xf32>,
        %swap3A_374 = vector.shape_cast %swap3A_373 : vector<1x16xf32> to vector<16xf32>
        %swap3A_375 = vector.shape_cast %get3A_370 : vector<16xf32> to vector<1x16xf32>
        tpu.vector_store %arg9[%swap3A_371, %swap3A_372], %swap3A_375 {add = true, strides = array<i32>} : memref<16x768xf32, #tpu.memory_space<vmem>>, vector<1x16xf32>,
        %get3A_376 = arith.index_cast %scan3A_269 : i32 to index
        %get3A_377 = arith.constant 192 : index
        %get3A_378 = tpu.vector_load %arg10[%get3A_376, %get3A_377] {strides = array<i32>} : memref<16x768xf32, #tpu.memory_space<vmem>>, vector<1x16xf32>,
        %get3A_379 = vector.shape_cast %get3A_378 : vector<1x16xf32> to vector<16xf32>
        %swap3A_380 = arith.index_cast %scan3A_269 : i32 to index
        %swap3A_381 = arith.constant 192 : index
        %swap3A_382 = tpu.vector_load %arg9[%swap3A_380, %swap3A_381] {strides = array<i32>} : memref<16x768xf32, #tpu.memory_space<vmem>>, vector<1x16xf32>,
        %swap3A_383 = vector.shape_cast %swap3A_382 : vector<1x16xf32> to vector<16xf32>
        %swap3A_384 = vector.shape_cast %get3A_379 : vector<16xf32> to vector<1x16xf32>
        tpu.vector_store %arg9[%swap3A_380, %swap3A_381], %swap3A_384 {add = true, strides = array<i32>} : memref<16x768xf32, #tpu.memory_space<vmem>>, vector<1x16xf32>,
        %get3A_385 = arith.index_cast %scan3A_269 : i32 to index
        %get3A_386 = arith.constant 208 : index
        %get3A_387 = tpu.vector_load %arg10[%get3A_385, %get3A_386] {strides = array<i32>} : memref<16x768xf32, #tpu.memory_space<vmem>>, vector<1x16xf32>,
        %get3A_388 = vector.shape_cast %get3A_387 : vector<1x16xf32> to vector<16xf32>
        %swap3A_389 = arith.index_cast %scan3A_269 : i32 to index
        %swap3A_390 = arith.constant 208 : index
        %swap3A_391 = tpu.vector_load %arg9[%swap3A_389, %swap3A_390] {strides = array<i32>} : memref<16x768xf32, #tpu.memory_space<vmem>>, vector<1x16xf32>,
        %swap3A_392 = vector.shape_cast %swap3A_391 : vector<1x16xf32> to vector<16xf32>
        %swap3A_393 = vector.shape_cast %get3A_388 : vector<16xf32> to vector<1x16xf32>
        tpu.vector_store %arg9[%swap3A_389, %swap3A_390], %swap3A_393 {add = true, strides = array<i32>} : memref<16x768xf32, #tpu.memory_space<vmem>>, vector<1x16xf32>,
        %get3A_394 = arith.index_cast %scan3A_269 : i32 to index
        %get3A_395 = arith.constant 224 : index
        %get3A_396 = tpu.vector_load %arg10[%get3A_394, %get3A_395] {strides = array<i32>} : memref<16x768xf32, #tpu.memory_space<vmem>>, vector<1x16xf32>,
        %get3A_397 = vector.shape_cast %get3A_396 : vector<1x16xf32> to vector<16xf32>
        %swap3A_398 = arith.index_cast %scan3A_269 : i32 to index
        %swap3A_399 = arith.constant 224 : index
        %swap3A_400 = tpu.vector_load %arg9[%swap3A_398, %swap3A_399] {strides = array<i32>} : memref<16x768xf32, #tpu.memory_space<vmem>>, vector<1x16xf32>,
        %swap3A_401 = vector.shape_cast %swap3A_400 : vector<1x16xf32> to vector<16xf32>
        %swap3A_402 = vector.shape_cast %get3A_397 : vector<16xf32> to vector<1x16xf32>
        tpu.vector_store %arg9[%swap3A_398, %swap3A_399], %swap3A_402 {add = true, strides = array<i32>} : memref<16x768xf32, #tpu.memory_space<vmem>>, vector<1x16xf32>,
        %get3A_403 = arith.index_cast %scan3A_269 : i32 to index
        %get3A_404 = arith.constant 240 : index
        %get3A_405 = tpu.vector_load %arg10[%get3A_403, %get3A_404] {strides = array<i32>} : memref<16x768xf32, #tpu.memory_space<vmem>>, vector<1x16xf32>,
        %get3A_406 = vector.shape_cast %get3A_405 : vector<1x16xf32> to vector<16xf32>
        %swap3A_407 = arith.index_cast %scan3A_269 : i32 to index
        %swap3A_408 = arith.constant 240 : index
        %swap3A_409 = tpu.vector_load %arg9[%swap3A_407, %swap3A_408] {strides = array<i32>} : memref<16x768xf32, #tpu.memory_space<vmem>>, vector<1x16xf32>,
        %swap3A_410 = vector.shape_cast %swap3A_409 : vector<1x16xf32> to vector<16xf32>
        %swap3A_411 = vector.shape_cast %get3A_406 : vector<16xf32> to vector<1x16xf32>
        tpu.vector_store %arg9[%swap3A_407, %swap3A_408], %swap3A_411 {add = true, strides = array<i32>} : memref<16x768xf32, #tpu.memory_space<vmem>>, vector<1x16xf32>,
        %get3A_412 = arith.index_cast %scan3A_269 : i32 to index
        %get3A_413 = arith.constant 256 : index
        %get3A_414 = tpu.vector_load %arg10[%get3A_412, %get3A_413] {strides = array<i32>} : memref<16x768xf32, #tpu.memory_space<vmem>>, vector<1x16xf32>,
        %get3A_415 = vector.shape_cast %get3A_414 : vector<1x16xf32> to vector<16xf32>
        %swap3A_416 = arith.index_cast %scan3A_269 : i32 to index
        %swap3A_417 = arith.constant 256 : index
        %swap3A_418 = tpu.vector_load %arg9[%swap3A_416, %swap3A_417] {strides = array<i32>} : memref<16x768xf32, #tpu.memory_space<vmem>>, vector<1x16xf32>,
        %swap3A_419 = vector.shape_cast %swap3A_418 : vector<1x16xf32> to vector<16xf32>
        %swap3A_420 = vector.shape_cast %get3A_415 : vector<16xf32> to vector<1x16xf32>
        tpu.vector_store %arg9[%swap3A_416, %swap3A_417], %swap3A_420 {add = true, strides = array<i32>} : memref<16x768xf32, #tpu.memory_space<vmem>>, vector<1x16xf32>,
        %get3A_421 = arith.index_cast %scan3A_269 : i32 to index
        %get3A_422 = arith.constant 272 : index
        %get3A_423 = tpu.vector_load %arg10[%get3A_421, %get3A_422] {strides = array<i32>} : memref<16x768xf32, #tpu.memory_space<vmem>>, vector<1x16xf32>,
        %get3A_424 = vector.shape_cast %get3A_423 : vector<1x16xf32> to vector<16xf32>
        %swap3A_425 = arith.index_cast %scan3A_269 : i32 to index
        %swap3A_426 = arith.constant 272 : index
        %swap3A_427 = tpu.vector_load %arg9[%swap3A_425, %swap3A_426] {strides = array<i32>} : memref<16x768xf32, #tpu.memory_space<vmem>>, vector<1x16xf32>,
        %swap3A_428 = vector.shape_cast %swap3A_427 : vector<1x16xf32> to vector<16xf32>
        %swap3A_429 = vector.shape_cast %get3A_424 : vector<16xf32> to vector<1x16xf32>
        tpu.vector_store %arg9[%swap3A_425, %swap3A_426], %swap3A_429 {add = true, strides = array<i32>} : memref<16x768xf32, #tpu.memory_space<vmem>>, vector<1x16xf32>,
        %get3A_430 = arith.index_cast %scan3A_269 : i32 to index
        %get3A_431 = arith.constant 288 : index
        %get3A_432 = tpu.vector_load %arg10[%get3A_430, %get3A_431] {strides = array<i32>} : memref<16x768xf32, #tpu.memory_space<vmem>>, vector<1x16xf32>,
        %get3A_433 = vector.shape_cast %get3A_432 : vector<1x16xf32> to vector<16xf32>
        %swap3A_434 = arith.index_cast %scan3A_269 : i32 to index
        %swap3A_435 = arith.constant 288 : index
        %swap3A_436 = tpu.vector_load %arg9[%swap3A_434, %swap3A_435] {strides = array<i32>} : memref<16x768xf32, #tpu.memory_space<vmem>>, vector<1x16xf32>,
        %swap3A_437 = vector.shape_cast %swap3A_436 : vector<1x16xf32> to vector<16xf32>
        %swap3A_438 = vector.shape_cast %get3A_433 : vector<16xf32> to vector<1x16xf32>
        tpu.vector_store %arg9[%swap3A_434, %swap3A_435], %swap3A_438 {add = true, strides = array<i32>} : memref<16x768xf32, #tpu.memory_space<vmem>>, vector<1x16xf32>,
        %get3A_439 = arith.index_cast %scan3A_269 : i32 to index
        %get3A_440 = arith.constant 304 : index
        %get3A_441 = tpu.vector_load %arg10[%get3A_439, %get3A_440] {strides = array<i32>} : memref<16x768xf32, #tpu.memory_space<vmem>>, vector<1x16xf32>,
        %get3A_442 = vector.shape_cast %get3A_441 : vector<1x16xf32> to vector<16xf32>
        %swap3A_443 = arith.index_cast %scan3A_269 : i32 to index
        %swap3A_444 = arith.constant 304 : index
        %swap3A_445 = tpu.vector_load %arg9[%swap3A_443, %swap3A_444] {strides = array<i32>} : memref<16x768xf32, #tpu.memory_space<vmem>>, vector<1x16xf32>,
        %swap3A_446 = vector.shape_cast %swap3A_445 : vector<1x16xf32> to vector<16xf32>
        %swap3A_447 = vector.shape_cast %get3A_442 : vector<16xf32> to vector<1x16xf32>
        tpu.vector_store %arg9[%swap3A_443, %swap3A_444], %swap3A_447 {add = true, strides = array<i32>} : memref<16x768xf32, #tpu.memory_space<vmem>>, vector<1x16xf32>,
        %get3A_448 = arith.index_cast %scan3A_269 : i32 to index
        %get3A_449 = arith.constant 320 : index
        %get3A_450 = tpu.vector_load %arg10[%get3A_448, %get3A_449] {strides = array<i32>} : memref<16x768xf32, #tpu.memory_space<vmem>>, vector<1x16xf32>,
        %get3A_451 = vector.shape_cast %get3A_450 : vector<1x16xf32> to vector<16xf32>
        %swap3A_452 = arith.index_cast %scan3A_269 : i32 to index
        %swap3A_453 = arith.constant 320 : index
        %swap3A_454 = tpu.vector_load %arg9[%swap3A_452, %swap3A_453] {strides = array<i32>} : memref<16x768xf32, #tpu.memory_space<vmem>>, vector<1x16xf32>,
        %swap3A_455 = vector.shape_cast %swap3A_454 : vector<1x16xf32> to vector<16xf32>
        %swap3A_456 = vector.shape_cast %get3A_451 : vector<16xf32> to vector<1x16xf32>
        tpu.vector_store %arg9[%swap3A_452, %swap3A_453], %swap3A_456 {add = true, strides = array<i32>} : memref<16x768xf32, #tpu.memory_space<vmem>>, vector<1x16xf32>,
        %get3A_457 = arith.index_cast %scan3A_269 : i32 to index
        %get3A_458 = arith.constant 336 : index
        %get3A_459 = tpu.vector_load %arg10[%get3A_457, %get3A_458] {strides = array<i32>} : memref<16x768xf32, #tpu.memory_space<vmem>>, vector<1x16xf32>,
        %get3A_460 = vector.shape_cast %get3A_459 : vector<1x16xf32> to vector<16xf32>
        %swap3A_461 = arith.index_cast %scan3A_269 : i32 to index
        %swap3A_462 = arith.constant 336 : index
        %swap3A_463 = tpu.vector_load %arg9[%swap3A_461, %swap3A_462] {strides = array<i32>} : memref<16x768xf32, #tpu.memory_space<vmem>>, vector<1x16xf32>,
        %swap3A_464 = vector.shape_cast %swap3A_463 : vector<1x16xf32> to vector<16xf32>
        %swap3A_465 = vector.shape_cast %get3A_460 : vector<16xf32> to vector<1x16xf32>
        tpu.vector_store %arg9[%swap3A_461, %swap3A_462], %swap3A_465 {add = true, strides = array<i32>} : memref<16x768xf32, #tpu.memory_space<vmem>>, vector<1x16xf32>,
        %get3A_466 = arith.index_cast %scan3A_269 : i32 to index
        %get3A_467 = arith.constant 352 : index
        %get3A_468 = tpu.vector_load %arg10[%get3A_466, %get3A_467] {strides = array<i32>} : memref<16x768xf32, #tpu.memory_space<vmem>>, vector<1x16xf32>,
        %get3A_469 = vector.shape_cast %get3A_468 : vector<1x16xf32> to vector<16xf32>
        %swap3A_470 = arith.index_cast %scan3A_269 : i32 to index
        %swap3A_471 = arith.constant 352 : index
        %swap3A_472 = tpu.vector_load %arg9[%swap3A_470, %swap3A_471] {strides = array<i32>} : memref<16x768xf32, #tpu.memory_space<vmem>>, vector<1x16xf32>,
        %swap3A_473 = vector.shape_cast %swap3A_472 : vector<1x16xf32> to vector<16xf32>
        %swap3A_474 = vector.shape_cast %get3A_469 : vector<16xf32> to vector<1x16xf32>
        tpu.vector_store %arg9[%swap3A_470, %swap3A_471], %swap3A_474 {add = true, strides = array<i32>} : memref<16x768xf32, #tpu.memory_space<vmem>>, vector<1x16xf32>,
        %get3A_475 = arith.index_cast %scan3A_269 : i32 to index
        %get3A_476 = arith.constant 368 : index
        %get3A_477 = tpu.vector_load %arg10[%get3A_475, %get3A_476] {strides = array<i32>} : memref<16x768xf32, #tpu.memory_space<vmem>>, vector<1x16xf32>,
        %get3A_478 = vector.shape_cast %get3A_477 : vector<1x16xf32> to vector<16xf32>
        %swap3A_479 = arith.index_cast %scan3A_269 : i32 to index
        %swap3A_480 = arith.constant 368 : index
        %swap3A_481 = tpu.vector_load %arg9[%swap3A_479, %swap3A_480] {strides = array<i32>} : memref<16x768xf32, #tpu.memory_space<vmem>>, vector<1x16xf32>,
        %swap3A_482 = vector.shape_cast %swap3A_481 : vector<1x16xf32> to vector<16xf32>
        %swap3A_483 = vector.shape_cast %get3A_478 : vector<16xf32> to vector<1x16xf32>
        tpu.vector_store %arg9[%swap3A_479, %swap3A_480], %swap3A_483 {add = true, strides = array<i32>} : memref<16x768xf32, #tpu.memory_space<vmem>>, vector<1x16xf32>,
        %get3A_484 = arith.index_cast %scan3A_269 : i32 to index
        %get3A_485 = arith.constant 384 : index
        %get3A_486 = tpu.vector_load %arg10[%get3A_484, %get3A_485] {strides = array<i32>} : memref<16x768xf32, #tpu.memory_space<vmem>>, vector<1x16xf32>,
        %get3A_487 = vector.shape_cast %get3A_486 : vector<1x16xf32> to vector<16xf32>
        %swap3A_488 = arith.index_cast %scan3A_269 : i32 to index
        %swap3A_489 = arith.constant 384 : index
        %swap3A_490 = tpu.vector_load %arg9[%swap3A_488, %swap3A_489] {strides = array<i32>} : memref<16x768xf32, #tpu.memory_space<vmem>>, vector<1x16xf32>,
        %swap3A_491 = vector.shape_cast %swap3A_490 : vector<1x16xf32> to vector<16xf32>
        %swap3A_492 = vector.shape_cast %get3A_487 : vector<16xf32> to vector<1x16xf32>
        tpu.vector_store %arg9[%swap3A_488, %swap3A_489], %swap3A_492 {add = true, strides = array<i32>} : memref<16x768xf32, #tpu.memory_space<vmem>>, vector<1x16xf32>,
        %get3A_493 = arith.index_cast %scan3A_269 : i32 to index
        %get3A_494 = arith.constant 400 : index
        %get3A_495 = tpu.vector_load %arg10[%get3A_493, %get3A_494] {strides = array<i32>} : memref<16x768xf32, #tpu.memory_space<vmem>>, vector<1x16xf32>,
        %get3A_496 = vector.shape_cast %get3A_495 : vector<1x16xf32> to vector<16xf32>
        %swap3A_497 = arith.index_cast %scan3A_269 : i32 to index
        %swap3A_498 = arith.constant 400 : index
        %swap3A_499 = tpu.vector_load %arg9[%swap3A_497, %swap3A_498] {strides = array<i32>} : memref<16x768xf32, #tpu.memory_space<vmem>>, vector<1x16xf32>,
        %swap3A_500 = vector.shape_cast %swap3A_499 : vector<1x16xf32> to vector<16xf32>
        %swap3A_501 = vector.shape_cast %get3A_496 : vector<16xf32> to vector<1x16xf32>
        tpu.vector_store %arg9[%swap3A_497, %swap3A_498], %swap3A_501 {add = true, strides = array<i32>} : memref<16x768xf32, #tpu.memory_space<vmem>>, vector<1x16xf32>,
        %get3A_502 = arith.index_cast %scan3A_269 : i32 to index
        %get3A_503 = arith.constant 416 : index
        %get3A_504 = tpu.vector_load %arg10[%get3A_502, %get3A_503] {strides = array<i32>} : memref<16x768xf32, #tpu.memory_space<vmem>>, vector<1x16xf32>,
        %get3A_505 = vector.shape_cast %get3A_504 : vector<1x16xf32> to vector<16xf32>
        %swap3A_506 = arith.index_cast %scan3A_269 : i32 to index
        %swap3A_507 = arith.constant 416 : index
        %swap3A_508 = tpu.vector_load %arg9[%swap3A_506, %swap3A_507] {strides = array<i32>} : memref<16x768xf32, #tpu.memory_space<vmem>>, vector<1x16xf32>,
        %swap3A_509 = vector.shape_cast %swap3A_508 : vector<1x16xf32> to vector<16xf32>
        %swap3A_510 = vector.shape_cast %get3A_505 : vector<16xf32> to vector<1x16xf32>
        tpu.vector_store %arg9[%swap3A_506, %swap3A_507], %swap3A_510 {add = true, strides = array<i32>} : memref<16x768xf32, #tpu.memory_space<vmem>>, vector<1x16xf32>,
        %get3A_511 = arith.index_cast %scan3A_269 : i32 to index
        %get3A_512 = arith.constant 432 : index
        %get3A_513 = tpu.vector_load %arg10[%get3A_511, %get3A_512] {strides = array<i32>} : memref<16x768xf32, #tpu.memory_space<vmem>>, vector<1x16xf32>,
        %get3A_514 = vector.shape_cast %get3A_513 : vector<1x16xf32> to vector<16xf32>
        %swap3A_515 = arith.index_cast %scan3A_269 : i32 to index
        %swap3A_516 = arith.constant 432 : index
        %swap3A_517 = tpu.vector_load %arg9[%swap3A_515, %swap3A_516] {strides = array<i32>} : memref<16x768xf32, #tpu.memory_space<vmem>>, vector<1x16xf32>,
        %swap3A_518 = vector.shape_cast %swap3A_517 : vector<1x16xf32> to vector<16xf32>
        %swap3A_519 = vector.shape_cast %get3A_514 : vector<16xf32> to vector<1x16xf32>
        tpu.vector_store %arg9[%swap3A_515, %swap3A_516], %swap3A_519 {add = true, strides = array<i32>} : memref<16x768xf32, #tpu.memory_space<vmem>>, vector<1x16xf32>,
        %get3A_520 = arith.index_cast %scan3A_269 : i32 to index
        %get3A_521 = arith.constant 448 : index
        %get3A_522 = tpu.vector_load %arg10[%get3A_520, %get3A_521] {strides = array<i32>} : memref<16x768xf32, #tpu.memory_space<vmem>>, vector<1x16xf32>,
        %get3A_523 = vector.shape_cast %get3A_522 : vector<1x16xf32> to vector<16xf32>
        %swap3A_524 = arith.index_cast %scan3A_269 : i32 to index
        %swap3A_525 = arith.constant 448 : index
        %swap3A_526 = tpu.vector_load %arg9[%swap3A_524, %swap3A_525] {strides = array<i32>} : memref<16x768xf32, #tpu.memory_space<vmem>>, vector<1x16xf32>,
        %swap3A_527 = vector.shape_cast %swap3A_526 : vector<1x16xf32> to vector<16xf32>
        %swap3A_528 = vector.shape_cast %get3A_523 : vector<16xf32> to vector<1x16xf32>
        tpu.vector_store %arg9[%swap3A_524, %swap3A_525], %swap3A_528 {add = true, strides = array<i32>} : memref<16x768xf32, #tpu.memory_space<vmem>>, vector<1x16xf32>,
        %get3A_529 = arith.index_cast %scan3A_269 : i32 to index
        %get3A_530 = arith.constant 464 : index
        %get3A_531 = tpu.vector_load %arg10[%get3A_529, %get3A_530] {strides = array<i32>} : memref<16x768xf32, #tpu.memory_space<vmem>>, vector<1x16xf32>,
        %get3A_532 = vector.shape_cast %get3A_531 : vector<1x16xf32> to vector<16xf32>
        %swap3A_533 = arith.index_cast %scan3A_269 : i32 to index
        %swap3A_534 = arith.constant 464 : index
        %swap3A_535 = tpu.vector_load %arg9[%swap3A_533, %swap3A_534] {strides = array<i32>} : memref<16x768xf32, #tpu.memory_space<vmem>>, vector<1x16xf32>,
        %swap3A_536 = vector.shape_cast %swap3A_535 : vector<1x16xf32> to vector<16xf32>
        %swap3A_537 = vector.shape_cast %get3A_532 : vector<16xf32> to vector<1x16xf32>
        tpu.vector_store %arg9[%swap3A_533, %swap3A_534], %swap3A_537 {add = true, strides = array<i32>} : memref<16x768xf32, #tpu.memory_space<vmem>>, vector<1x16xf32>,
        %get3A_538 = arith.index_cast %scan3A_269 : i32 to index
        %get3A_539 = arith.constant 480 : index
        %get3A_540 = tpu.vector_load %arg10[%get3A_538, %get3A_539] {strides = array<i32>} : memref<16x768xf32, #tpu.memory_space<vmem>>, vector<1x16xf32>,
        %get3A_541 = vector.shape_cast %get3A_540 : vector<1x16xf32> to vector<16xf32>
        %swap3A_542 = arith.index_cast %scan3A_269 : i32 to index
        %swap3A_543 = arith.constant 480 : index
        %swap3A_544 = tpu.vector_load %arg9[%swap3A_542, %swap3A_543] {strides = array<i32>} : memref<16x768xf32, #tpu.memory_space<vmem>>, vector<1x16xf32>,
        %swap3A_545 = vector.shape_cast %swap3A_544 : vector<1x16xf32> to vector<16xf32>
        %swap3A_546 = vector.shape_cast %get3A_541 : vector<16xf32> to vector<1x16xf32>
        tpu.vector_store %arg9[%swap3A_542, %swap3A_543], %swap3A_546 {add = true, strides = array<i32>} : memref<16x768xf32, #tpu.memory_space<vmem>>, vector<1x16xf32>,
        %get3A_547 = arith.index_cast %scan3A_269 : i32 to index
        %get3A_548 = arith.constant 496 : index
        %get3A_549 = tpu.vector_load %arg10[%get3A_547, %get3A_548] {strides = array<i32>} : memref<16x768xf32, #tpu.memory_space<vmem>>, vector<1x16xf32>,
        %get3A_550 = vector.shape_cast %get3A_549 : vector<1x16xf32> to vector<16xf32>
        %swap3A_551 = arith.index_cast %scan3A_269 : i32 to index
        %swap3A_552 = arith.constant 496 : index
        %swap3A_553 = tpu.vector_load %arg9[%swap3A_551, %swap3A_552] {strides = array<i32>} : memref<16x768xf32, #tpu.memory_space<vmem>>, vector<1x16xf32>,
        %swap3A_554 = vector.shape_cast %swap3A_553 : vector<1x16xf32> to vector<16xf32>
        %swap3A_555 = vector.shape_cast %get3A_550 : vector<16xf32> to vector<1x16xf32>
        tpu.vector_store %arg9[%swap3A_551, %swap3A_552], %swap3A_555 {add = true, strides = array<i32>} : memref<16x768xf32, #tpu.memory_space<vmem>>, vector<1x16xf32>,
        %get3A_556 = arith.index_cast %scan3A_269 : i32 to index
        %get3A_557 = arith.constant 512 : index
        %get3A_558 = tpu.vector_load %arg10[%get3A_556, %get3A_557] {strides = array<i32>} : memref<16x768xf32, #tpu.memory_space<vmem>>, vector<1x16xf32>,
        %get3A_559 = vector.shape_cast %get3A_558 : vector<1x16xf32> to vector<16xf32>
        %swap3A_560 = arith.index_cast %scan3A_269 : i32 to index
        %swap3A_561 = arith.constant 512 : index
        %swap3A_562 = tpu.vector_load %arg9[%swap3A_560, %swap3A_561] {strides = array<i32>} : memref<16x768xf32, #tpu.memory_space<vmem>>, vector<1x16xf32>,
        %swap3A_563 = vector.shape_cast %swap3A_562 : vector<1x16xf32> to vector<16xf32>
        %swap3A_564 = vector.shape_cast %get3A_559 : vector<16xf32> to vector<1x16xf32>
        tpu.vector_store %arg9[%swap3A_560, %swap3A_561], %swap3A_564 {add = true, strides = array<i32>} : memref<16x768xf32, #tpu.memory_space<vmem>>, vector<1x16xf32>,
        %get3A_565 = arith.index_cast %scan3A_269 : i32 to index
        %get3A_566 = arith.constant 528 : index
        %get3A_567 = tpu.vector_load %arg10[%get3A_565, %get3A_566] {strides = array<i32>} : memref<16x768xf32, #tpu.memory_space<vmem>>, vector<1x16xf32>,
        %get3A_568 = vector.shape_cast %get3A_567 : vector<1x16xf32> to vector<16xf32>
        %swap3A_569 = arith.index_cast %scan3A_269 : i32 to index
        %swap3A_570 = arith.constant 528 : index
        %swap3A_571 = tpu.vector_load %arg9[%swap3A_569, %swap3A_570] {strides = array<i32>} : memref<16x768xf32, #tpu.memory_space<vmem>>, vector<1x16xf32>,
        %swap3A_572 = vector.shape_cast %swap3A_571 : vector<1x16xf32> to vector<16xf32>
        %swap3A_573 = vector.shape_cast %get3A_568 : vector<16xf32> to vector<1x16xf32>
        tpu.vector_store %arg9[%swap3A_569, %swap3A_570], %swap3A_573 {add = true, strides = array<i32>} : memref<16x768xf32, #tpu.memory_space<vmem>>, vector<1x16xf32>,
        %get3A_574 = arith.index_cast %scan3A_269 : i32 to index
        %get3A_575 = arith.constant 544 : index
        %get3A_576 = tpu.vector_load %arg10[%get3A_574, %get3A_575] {strides = array<i32>} : memref<16x768xf32, #tpu.memory_space<vmem>>, vector<1x16xf32>,
        %get3A_577 = vector.shape_cast %get3A_576 : vector<1x16xf32> to vector<16xf32>
        %swap3A_578 = arith.index_cast %scan3A_269 : i32 to index
        %swap3A_579 = arith.constant 544 : index
        %swap3A_580 = tpu.vector_load %arg9[%swap3A_578, %swap3A_579] {strides = array<i32>} : memref<16x768xf32, #tpu.memory_space<vmem>>, vector<1x16xf32>,
        %swap3A_581 = vector.shape_cast %swap3A_580 : vector<1x16xf32> to vector<16xf32>
        %swap3A_582 = vector.shape_cast %get3A_577 : vector<16xf32> to vector<1x16xf32>
        tpu.vector_store %arg9[%swap3A_578, %swap3A_579], %swap3A_582 {add = true, strides = array<i32>} : memref<16x768xf32, #tpu.memory_space<vmem>>, vector<1x16xf32>,
        %get3A_583 = arith.index_cast %scan3A_269 : i32 to index
        %get3A_584 = arith.constant 560 : index
        %get3A_585 = tpu.vector_load %arg10[%get3A_583, %get3A_584] {strides = array<i32>} : memref<16x768xf32, #tpu.memory_space<vmem>>, vector<1x16xf32>,
        %get3A_586 = vector.shape_cast %get3A_585 : vector<1x16xf32> to vector<16xf32>
        %swap3A_587 = arith.index_cast %scan3A_269 : i32 to index
        %swap3A_588 = arith.constant 560 : index
        %swap3A_589 = tpu.vector_load %arg9[%swap3A_587, %swap3A_588] {strides = array<i32>} : memref<16x768xf32, #tpu.memory_space<vmem>>, vector<1x16xf32>,
        %swap3A_590 = vector.shape_cast %swap3A_589 : vector<1x16xf32> to vector<16xf32>
        %swap3A_591 = vector.shape_cast %get3A_586 : vector<16xf32> to vector<1x16xf32>
        tpu.vector_store %arg9[%swap3A_587, %swap3A_588], %swap3A_591 {add = true, strides = array<i32>} : memref<16x768xf32, #tpu.memory_space<vmem>>, vector<1x16xf32>,
        %get3A_592 = arith.index_cast %scan3A_269 : i32 to index
        %get3A_593 = arith.constant 576 : index
        %get3A_594 = tpu.vector_load %arg10[%get3A_592, %get3A_593] {strides = array<i32>} : memref<16x768xf32, #tpu.memory_space<vmem>>, vector<1x16xf32>,
        %get3A_595 = vector.shape_cast %get3A_594 : vector<1x16xf32> to vector<16xf32>
        %swap3A_596 = arith.index_cast %scan3A_269 : i32 to index
        %swap3A_597 = arith.constant 576 : index
        %swap3A_598 = tpu.vector_load %arg9[%swap3A_596, %swap3A_597] {strides = array<i32>} : memref<16x768xf32, #tpu.memory_space<vmem>>, vector<1x16xf32>,
        %swap3A_599 = vector.shape_cast %swap3A_598 : vector<1x16xf32> to vector<16xf32>
        %swap3A_600 = vector.shape_cast %get3A_595 : vector<16xf32> to vector<1x16xf32>
        tpu.vector_store %arg9[%swap3A_596, %swap3A_597], %swap3A_600 {add = true, strides = array<i32>} : memref<16x768xf32, #tpu.memory_space<vmem>>, vector<1x16xf32>,
        %get3A_601 = arith.index_cast %scan3A_269 : i32 to index
        %get3A_602 = arith.constant 592 : index
        %get3A_603 = tpu.vector_load %arg10[%get3A_601, %get3A_602] {strides = array<i32>} : memref<16x768xf32, #tpu.memory_space<vmem>>, vector<1x16xf32>,
        %get3A_604 = vector.shape_cast %get3A_603 : vector<1x16xf32> to vector<16xf32>
        %swap3A_605 = arith.index_cast %scan3A_269 : i32 to index
        %swap3A_606 = arith.constant 592 : index
        %swap3A_607 = tpu.vector_load %arg9[%swap3A_605, %swap3A_606] {strides = array<i32>} : memref<16x768xf32, #tpu.memory_space<vmem>>, vector<1x16xf32>,
        %swap3A_608 = vector.shape_cast %swap3A_607 : vector<1x16xf32> to vector<16xf32>
        %swap3A_609 = vector.shape_cast %get3A_604 : vector<16xf32> to vector<1x16xf32>
        tpu.vector_store %arg9[%swap3A_605, %swap3A_606], %swap3A_609 {add = true, strides = array<i32>} : memref<16x768xf32, #tpu.memory_space<vmem>>, vector<1x16xf32>,
        %get3A_610 = arith.index_cast %scan3A_269 : i32 to index
        %get3A_611 = arith.constant 608 : index
        %get3A_612 = tpu.vector_load %arg10[%get3A_610, %get3A_611] {strides = array<i32>} : memref<16x768xf32, #tpu.memory_space<vmem>>, vector<1x16xf32>,
        %get3A_613 = vector.shape_cast %get3A_612 : vector<1x16xf32> to vector<16xf32>
        %swap3A_614 = arith.index_cast %scan3A_269 : i32 to index
        %swap3A_615 = arith.constant 608 : index
        %swap3A_616 = tpu.vector_load %arg9[%swap3A_614, %swap3A_615] {strides = array<i32>} : memref<16x768xf32, #tpu.memory_space<vmem>>, vector<1x16xf32>,
        %swap3A_617 = vector.shape_cast %swap3A_616 : vector<1x16xf32> to vector<16xf32>
        %swap3A_618 = vector.shape_cast %get3A_613 : vector<16xf32> to vector<1x16xf32>
        tpu.vector_store %arg9[%swap3A_614, %swap3A_615], %swap3A_618 {add = true, strides = array<i32>} : memref<16x768xf32, #tpu.memory_space<vmem>>, vector<1x16xf32>,
        %get3A_619 = arith.index_cast %scan3A_269 : i32 to index
        %get3A_620 = arith.constant 624 : index
        %get3A_621 = tpu.vector_load %arg10[%get3A_619, %get3A_620] {strides = array<i32>} : memref<16x768xf32, #tpu.memory_space<vmem>>, vector<1x16xf32>,
        %get3A_622 = vector.shape_cast %get3A_621 : vector<1x16xf32> to vector<16xf32>
        %swap3A_623 = arith.index_cast %scan3A_269 : i32 to index
        %swap3A_624 = arith.constant 624 : index
        %swap3A_625 = tpu.vector_load %arg9[%swap3A_623, %swap3A_624] {strides = array<i32>} : memref<16x768xf32, #tpu.memory_space<vmem>>, vector<1x16xf32>,
        %swap3A_626 = vector.shape_cast %swap3A_625 : vector<1x16xf32> to vector<16xf32>
        %swap3A_627 = vector.shape_cast %get3A_622 : vector<16xf32> to vector<1x16xf32>
        tpu.vector_store %arg9[%swap3A_623, %swap3A_624], %swap3A_627 {add = true, strides = array<i32>} : memref<16x768xf32, #tpu.memory_space<vmem>>, vector<1x16xf32>,
        %get3A_628 = arith.index_cast %scan3A_269 : i32 to index
        %get3A_629 = arith.constant 640 : index
        %get3A_630 = tpu.vector_load %arg10[%get3A_628, %get3A_629] {strides = array<i32>} : memref<16x768xf32, #tpu.memory_space<vmem>>, vector<1x16xf32>,
        %get3A_631 = vector.shape_cast %get3A_630 : vector<1x16xf32> to vector<16xf32>
        %swap3A_632 = arith.index_cast %scan3A_269 : i32 to index
        %swap3A_633 = arith.constant 640 : index
        %swap3A_634 = tpu.vector_load %arg9[%swap3A_632, %swap3A_633] {strides = array<i32>} : memref<16x768xf32, #tpu.memory_space<vmem>>, vector<1x16xf32>,
        %swap3A_635 = vector.shape_cast %swap3A_634 : vector<1x16xf32> to vector<16xf32>
        %swap3A_636 = vector.shape_cast %get3A_631 : vector<16xf32> to vector<1x16xf32>
        tpu.vector_store %arg9[%swap3A_632, %swap3A_633], %swap3A_636 {add = true, strides = array<i32>} : memref<16x768xf32, #tpu.memory_space<vmem>>, vector<1x16xf32>,
        %get3A_637 = arith.index_cast %scan3A_269 : i32 to index
        %get3A_638 = arith.constant 656 : index
        %get3A_639 = tpu.vector_load %arg10[%get3A_637, %get3A_638] {strides = array<i32>} : memref<16x768xf32, #tpu.memory_space<vmem>>, vector<1x16xf32>,
        %get3A_640 = vector.shape_cast %get3A_639 : vector<1x16xf32> to vector<16xf32>
        %swap3A_641 = arith.index_cast %scan3A_269 : i32 to index
        %swap3A_642 = arith.constant 656 : index
        %swap3A_643 = tpu.vector_load %arg9[%swap3A_641, %swap3A_642] {strides = array<i32>} : memref<16x768xf32, #tpu.memory_space<vmem>>, vector<1x16xf32>,
        %swap3A_644 = vector.shape_cast %swap3A_643 : vector<1x16xf32> to vector<16xf32>
        %swap3A_645 = vector.shape_cast %get3A_640 : vector<16xf32> to vector<1x16xf32>
        tpu.vector_store %arg9[%swap3A_641, %swap3A_642], %swap3A_645 {add = true, strides = array<i32>} : memref<16x768xf32, #tpu.memory_space<vmem>>, vector<1x16xf32>,
        %get3A_646 = arith.index_cast %scan3A_269 : i32 to index
        %get3A_647 = arith.constant 672 : index
        %get3A_648 = tpu.vector_load %arg10[%get3A_646, %get3A_647] {strides = array<i32>} : memref<16x768xf32, #tpu.memory_space<vmem>>, vector<1x16xf32>,
        %get3A_649 = vector.shape_cast %get3A_648 : vector<1x16xf32> to vector<16xf32>
        %swap3A_650 = arith.index_cast %scan3A_269 : i32 to index
        %swap3A_651 = arith.constant 672 : index
        %swap3A_652 = tpu.vector_load %arg9[%swap3A_650, %swap3A_651] {strides = array<i32>} : memref<16x768xf32, #tpu.memory_space<vmem>>, vector<1x16xf32>,
        %swap3A_653 = vector.shape_cast %swap3A_652 : vector<1x16xf32> to vector<16xf32>
        %swap3A_654 = vector.shape_cast %get3A_649 : vector<16xf32> to vector<1x16xf32>
        tpu.vector_store %arg9[%swap3A_650, %swap3A_651], %swap3A_654 {add = true, strides = array<i32>} : memref<16x768xf32, #tpu.memory_space<vmem>>, vector<1x16xf32>,
        %get3A_655 = arith.index_cast %scan3A_269 : i32 to index
        %get3A_656 = arith.constant 688 : index
        %get3A_657 = tpu.vector_load %arg10[%get3A_655, %get3A_656] {strides = array<i32>} : memref<16x768xf32, #tpu.memory_space<vmem>>, vector<1x16xf32>,
        %get3A_658 = vector.shape_cast %get3A_657 : vector<1x16xf32> to vector<16xf32>
        %swap3A_659 = arith.index_cast %scan3A_269 : i32 to index
        %swap3A_660 = arith.constant 688 : index
        %swap3A_661 = tpu.vector_load %arg9[%swap3A_659, %swap3A_660] {strides = array<i32>} : memref<16x768xf32, #tpu.memory_space<vmem>>, vector<1x16xf32>,
        %swap3A_662 = vector.shape_cast %swap3A_661 : vector<1x16xf32> to vector<16xf32>
        %swap3A_663 = vector.shape_cast %get3A_658 : vector<16xf32> to vector<1x16xf32>
        tpu.vector_store %arg9[%swap3A_659, %swap3A_660], %swap3A_663 {add = true, strides = array<i32>} : memref<16x768xf32, #tpu.memory_space<vmem>>, vector<1x16xf32>,
        %get3A_664 = arith.index_cast %scan3A_269 : i32 to index
        %get3A_665 = arith.constant 704 : index
        %get3A_666 = tpu.vector_load %arg10[%get3A_664, %get3A_665] {strides = array<i32>} : memref<16x768xf32, #tpu.memory_space<vmem>>, vector<1x16xf32>,
        %get3A_667 = vector.shape_cast %get3A_666 : vector<1x16xf32> to vector<16xf32>
        %swap3A_668 = arith.index_cast %scan3A_269 : i32 to index
        %swap3A_669 = arith.constant 704 : index
        %swap3A_670 = tpu.vector_load %arg9[%swap3A_668, %swap3A_669] {strides = array<i32>} : memref<16x768xf32, #tpu.memory_space<vmem>>, vector<1x16xf32>,
        %swap3A_671 = vector.shape_cast %swap3A_670 : vector<1x16xf32> to vector<16xf32>
        %swap3A_672 = vector.shape_cast %get3A_667 : vector<16xf32> to vector<1x16xf32>
        tpu.vector_store %arg9[%swap3A_668, %swap3A_669], %swap3A_672 {add = true, strides = array<i32>} : memref<16x768xf32, #tpu.memory_space<vmem>>, vector<1x16xf32>,
        %get3A_673 = arith.index_cast %scan3A_269 : i32 to index
        %get3A_674 = arith.constant 720 : index
        %get3A_675 = tpu.vector_load %arg10[%get3A_673, %get3A_674] {strides = array<i32>} : memref<16x768xf32, #tpu.memory_space<vmem>>, vector<1x16xf32>,
        %get3A_676 = vector.shape_cast %get3A_675 : vector<1x16xf32> to vector<16xf32>
        %swap3A_677 = arith.index_cast %scan3A_269 : i32 to index
        %swap3A_678 = arith.constant 720 : index
        %swap3A_679 = tpu.vector_load %arg9[%swap3A_677, %swap3A_678] {strides = array<i32>} : memref<16x768xf32, #tpu.memory_space<vmem>>, vector<1x16xf32>,
        %swap3A_680 = vector.shape_cast %swap3A_679 : vector<1x16xf32> to vector<16xf32>
        %swap3A_681 = vector.shape_cast %get3A_676 : vector<16xf32> to vector<1x16xf32>
        tpu.vector_store %arg9[%swap3A_677, %swap3A_678], %swap3A_681 {add = true, strides = array<i32>} : memref<16x768xf32, #tpu.memory_space<vmem>>, vector<1x16xf32>,
        %get3A_682 = arith.index_cast %scan3A_269 : i32 to index
        %get3A_683 = arith.constant 736 : index
        %get3A_684 = tpu.vector_load %arg10[%get3A_682, %get3A_683] {strides = array<i32>} : memref<16x768xf32, #tpu.memory_space<vmem>>, vector<1x16xf32>,
        %get3A_685 = vector.shape_cast %get3A_684 : vector<1x16xf32> to vector<16xf32>
        %swap3A_686 = arith.index_cast %scan3A_269 : i32 to index
        %swap3A_687 = arith.constant 736 : index
        %swap3A_688 = tpu.vector_load %arg9[%swap3A_686, %swap3A_687] {strides = array<i32>} : memref<16x768xf32, #tpu.memory_space<vmem>>, vector<1x16xf32>,
        %swap3A_689 = vector.shape_cast %swap3A_688 : vector<1x16xf32> to vector<16xf32>
        %swap3A_690 = vector.shape_cast %get3A_685 : vector<16xf32> to vector<1x16xf32>
        tpu.vector_store %arg9[%swap3A_686, %swap3A_687], %swap3A_690 {add = true, strides = array<i32>} : memref<16x768xf32, #tpu.memory_space<vmem>>, vector<1x16xf32>,
        %get3A_691 = arith.index_cast %scan3A_269 : i32 to index
        %get3A_692 = arith.constant 752 : index
        %get3A_693 = tpu.vector_load %arg10[%get3A_691, %get3A_692] {strides = array<i32>} : memref<16x768xf32, #tpu.memory_space<vmem>>, vector<1x16xf32>,
        %get3A_694 = vector.shape_cast %get3A_693 : vector<1x16xf32> to vector<16xf32>
        %swap3A_695 = arith.index_cast %scan3A_269 : i32 to index
        %swap3A_696 = arith.constant 752 : index
        %swap3A_697 = tpu.vector_load %arg9[%swap3A_695, %swap3A_696] {strides = array<i32>} : memref<16x768xf32, #tpu.memory_space<vmem>>, vector<1x16xf32>,
        %swap3A_698 = vector.shape_cast %swap3A_697 : vector<1x16xf32> to vector<16xf32>
        %swap3A_699 = vector.shape_cast %get3A_694 : vector<16xf32> to vector<1x16xf32>
        tpu.vector_store %arg9[%swap3A_695, %swap3A_696], %swap3A_699 {add = true, strides = array<i32>} : memref<16x768xf32, #tpu.memory_space<vmem>>, vector<1x16xf32>,
      }
      %scan3A_145 = arith.constant 16 : i32
      %mul3A_146 = arith.constant 16 : i32
      %mul3A_147 = arith.muli %add3A_122, %mul3A_146 : i32
      %add3A_148 = arith.addi %mul3A_32, %mul3A_147 : i32
      %dma_start3A_149 = arith.constant 0 : i32
      %dma_start3A_150 = tpu.memref_slice %arg6[%select_n3A, %add3A_148, %dma_start3A_149] : memref<4x2048x768xf32, #tpu.memory_space<hbm>> -> memref<1x16x768xf32, #tpu.memory_space<hbm>>
      %dma_start3A_151 = tpu.memref_squeeze %dma_start3A_150 : memref<1x16x768xf32, #tpu.memory_space<hbm>> -> memref<16x768xf32, #tpu.memory_space<hbm>>
      %dma_start3A_152 = arith.constant 0 : i32
      %dma_start3A_153 = tpu.memref_slice %arg6[%select_n3A, %add3A_148, %dma_start3A_152] : memref<4x2048x768xf32, #tpu.memory_space<hbm>> -> memref<1x16x768xf32, #tpu.memory_space<hbm>>
      %dma_start3A_154 = tpu.memref_squeeze %dma_start3A_153 : memref<1x16x768xf32, #tpu.memory_space<hbm>> -> memref<16x768xf32, #tpu.memory_space<hbm>>
      tpu.enqueue_dma source(%arg9 : memref<16x768xf32, #tpu.memory_space<vmem>>) target(%dma_start3A_154 : memref<16x768xf32, #tpu.memory_space<hbm>>) target_semaphore(%arg21 : memref<!tpu.dma_semaphore, #tpu.memory_space<semaphore_mem>>)
      %mul3A_155 = arith.constant 4 : i32
      %mul3A_156 = arith.muli %mul3A_155, %scan3A_118 : i32
      %add3A_157 = arith.constant 1 : i32
      %add3A_158 = arith.addi %mul3A_156, %add3A_157 : i32
      %add3A_159 = arith.constant 3 : i32
      %add3A_160 = arith.addi %add3A_158, %add3A_159 : i32
      %lt3A_161 = arith.constant 16 : i32
      %lt3A_162 = arith.cmpi slt, %add3A_160, %lt3A_161 : i32
      %convert_element_type3A_163 = arith.extui %lt3A_162 : i1 to i32
      %cond3A_164 = arith.constant 0 : i32
      %cond3A_165 = arith.cmpi ne, %convert_element_type3A_163, %cond3A_164 : i32
      scf.if %cond3A_165 {
        %ge3A = arith.constant 1 : i32
        %ge3A_269 = arith.cmpi sge, %add3A_158, %ge3A : i32
        %convert_element_type3A_270 = arith.extui %ge3A_269 : i1 to i32
        %cond3A_271 = arith.constant 0 : i32
        %cond3A_272 = arith.cmpi ne, %convert_element_type3A_270, %cond3A_271 : i32
        scf.if %cond3A_272 {
          %dma_wait3A_287 = arith.constant 0 : i32
          %dma_wait3A_288 = arith.constant 0 : i32
          %dma_wait3A_289 = arith.constant 0 : i32
          %dma_wait3A_290 = tpu.memref_slice %arg6[%dma_wait3A_287, %dma_wait3A_288, %dma_wait3A_289] : memref<4x2048x768xf32, #tpu.memory_space<hbm>> -> memref<1x16x768xf32, #tpu.memory_space<hbm>>
          %dma_wait3A_291 = tpu.memref_squeeze %dma_wait3A_290 : memref<1x16x768xf32, #tpu.memory_space<hbm>> -> memref<16x768xf32, #tpu.memory_space<hbm>>
          %dma_wait3A_292 = arith.constant 0 : i32
          %dma_wait3A_293 = arith.constant 0 : i32
          %dma_wait3A_294 = tpu.memref_slice %arg6[%dma_wait3A_287, %dma_wait3A_292, %dma_wait3A_293] : memref<4x2048x768xf32, #tpu.memory_space<hbm>> -> memref<1x16x768xf32, #tpu.memory_space<hbm>>
          %dma_wait3A_295 = tpu.memref_squeeze %dma_wait3A_294 : memref<1x16x768xf32, #tpu.memory_space<hbm>> -> memref<16x768xf32, #tpu.memory_space<hbm>>
          tpu.wait_dma2 semaphore(%arg21 : memref<!tpu.dma_semaphore, #tpu.memory_space<semaphore_mem>>) src(%arg9 : memref<16x768xf32, #tpu.memory_space<vmem>>) dst(%dma_wait3A_295 : memref<16x768xf32, #tpu.memory_space<hbm>>)
        } else {
        }
        %add3A_273 = arith.constant 3 : i32
        %add3A_274 = arith.addi %add3A_158, %add3A_273 : i32
        %mul3A_275 = arith.constant 16 : i32
        %mul3A_276 = arith.muli %add3A_274, %mul3A_275 : i32
        %mul3A_277 = arith.constant 16 : i32
        %mul3A_278 = arith.muli %add3A_274, %mul3A_277 : i32
        %dma_start3A_279 = tpu.memref_slice %arg7[%mul3A_276] : memref<256xi32, #tpu.memory_space<vmem>> -> memref<16xi32, #tpu.memory_space<vmem>>
        %dma_start3A_280 = arith.constant 0 : i32
        %dma_start3A_281 = arith.constant 0 : i32
        %dma_start3A_282 = tpu.memref_slice %arg4[%dma_start3A_280, %dma_start3A_281] : memref<50257x768xf32, #tpu.memory_space<hbm>> -> memref<50257x768xf32, #tpu.memory_space<hbm>>
        tpu.enqueue_indirect_dma source(%dma_start3A_282 : memref<50257x768xf32, #tpu.memory_space<hbm>>) target(%arg9 : memref<16x768xf32, #tpu.memory_space<vmem>>) offsets(%dma_start3A_279 : memref<16xi32, #tpu.memory_space<vmem>>) semaphore(%arg17 : memref<!tpu.dma_semaphore, #tpu.memory_space<semaphore_mem>>)
        %dma_start3A_283 = tpu.memref_slice %arg8[%mul3A_278] : memref<256xi32, #tpu.memory_space<vmem>> -> memref<16xi32, #tpu.memory_space<vmem>>
        %dma_start3A_284 = arith.constant 0 : i32
        %dma_start3A_285 = arith.constant 0 : i32
        %dma_start3A_286 = tpu.memref_slice %arg5[%dma_start3A_284, %dma_start3A_285] : memref<2048x768xf32, #tpu.memory_space<hbm>> -> memref<2048x768xf32, #tpu.memory_space<hbm>>
        tpu.enqueue_indirect_dma source(%dma_start3A_286 : memref<2048x768xf32, #tpu.memory_space<hbm>>) target(%arg10 : memref<16x768xf32, #tpu.memory_space<vmem>>) offsets(%dma_start3A_283 : memref<16xi32, #tpu.memory_space<vmem>>) semaphore(%arg17 : memref<!tpu.dma_semaphore, #tpu.memory_space<semaphore_mem>>)
      } else {
      }
      %dma_wait3A_166 = arith.constant 0 : i32
      %dma_wait3A_167 = arith.constant 0 : i32
      %dma_wait3A_168 = tpu.memref_slice %arg4[%dma_wait3A_166, %dma_wait3A_167] : memref<50257x768xf32, #tpu.memory_space<hbm>> -> memref<16x768xf32, #tpu.memory_space<hbm>>
      %dma_wait3A_169 = arith.constant 0 : i32
      %dma_wait3A_170 = arith.constant 0 : i32
      %dma_wait3A_171 = tpu.memref_slice %arg4[%dma_wait3A_169, %dma_wait3A_170] : memref<50257x768xf32, #tpu.memory_space<hbm>> -> memref<16x768xf32, #tpu.memory_space<hbm>>
      tpu.wait_dma2 semaphore(%arg18 : memref<!tpu.dma_semaphore, #tpu.memory_space<semaphore_mem>>) src(%dma_wait3A_171 : memref<16x768xf32, #tpu.memory_space<hbm>>) dst(%arg11 : memref<16x768xf32, #tpu.memory_space<vmem>>)
      %dma_wait3A_172 = arith.constant 0 : i32
      %dma_wait3A_173 = arith.constant 0 : i32
      %dma_wait3A_174 = tpu.memref_slice %arg4[%dma_wait3A_172, %dma_wait3A_173] : memref<50257x768xf32, #tpu.memory_space<hbm>> -> memref<16x768xf32, #tpu.memory_space<hbm>>
      %dma_wait3A_175 = arith.constant 0 : i32
      %dma_wait3A_176 = arith.constant 0 : i32
      %dma_wait3A_177 = tpu.memref_slice %arg4[%dma_wait3A_175, %dma_wait3A_176] : memref<50257x768xf32, #tpu.memory_space<hbm>> -> memref<16x768xf32, #tpu.memory_space<hbm>>
      tpu.wait_dma2 semaphore(%arg18 : memref<!tpu.dma_semaphore, #tpu.memory_space<semaphore_mem>>) src(%dma_wait3A_177 : memref<16x768xf32, #tpu.memory_space<hbm>>) dst(%arg12 : memref<16x768xf32, #tpu.memory_space<vmem>>)
      %scan3A_178 = arith.constant 0 : i32
      %scan3A_179 = arith.constant 0 : i32
      %scan3A_180 = arith.constant 16 : i32
      %scan3A_181 = arith.addi %scan3A_179, %scan3A_180 : i32
      %scan3A_182 = arith.constant 1 : i32
      scf.for %scan3A_269 = %scan3A_179 to %scan3A_181 step %scan3A_182  : i32 {
        %get3A = arith.index_cast %scan3A_269 : i32 to index
        %get3A_270 = arith.constant 0 : index
        %get3A_271 = tpu.vector_load %arg12[%get3A, %get3A_270] {strides = array<i32>} : memref<16x768xf32, #tpu.memory_space<vmem>>, vector<1x16xf32>,
        %get3A_272 = vector.shape_cast %get3A_271 : vector<1x16xf32> to vector<16xf32>
        %swap3A = arith.index_cast %scan3A_269 : i32 to index
        %swap3A_273 = arith.constant 0 : index
        %swap3A_274 = tpu.vector_load %arg11[%swap3A, %swap3A_273] {strides = array<i32>} : memref<16x768xf32, #tpu.memory_space<vmem>>, vector<1x16xf32>,
        %swap3A_275 = vector.shape_cast %swap3A_274 : vector<1x16xf32> to vector<16xf32>
        %swap3A_276 = vector.shape_cast %get3A_272 : vector<16xf32> to vector<1x16xf32>
        tpu.vector_store %arg11[%swap3A, %swap3A_273], %swap3A_276 {add = true, strides = array<i32>} : memref<16x768xf32, #tpu.memory_space<vmem>>, vector<1x16xf32>,
        %get3A_277 = arith.index_cast %scan3A_269 : i32 to index
        %get3A_278 = arith.constant 16 : index
        %get3A_279 = tpu.vector_load %arg12[%get3A_277, %get3A_278] {strides = array<i32>} : memref<16x768xf32, #tpu.memory_space<vmem>>, vector<1x16xf32>,
        %get3A_280 = vector.shape_cast %get3A_279 : vector<1x16xf32> to vector<16xf32>
        %swap3A_281 = arith.index_cast %scan3A_269 : i32 to index
        %swap3A_282 = arith.constant 16 : index
        %swap3A_283 = tpu.vector_load %arg11[%swap3A_281, %swap3A_282] {strides = array<i32>} : memref<16x768xf32, #tpu.memory_space<vmem>>, vector<1x16xf32>,
        %swap3A_284 = vector.shape_cast %swap3A_283 : vector<1x16xf32> to vector<16xf32>
        %swap3A_285 = vector.shape_cast %get3A_280 : vector<16xf32> to vector<1x16xf32>
        tpu.vector_store %arg11[%swap3A_281, %swap3A_282], %swap3A_285 {add = true, strides = array<i32>} : memref<16x768xf32, #tpu.memory_space<vmem>>, vector<1x16xf32>,
        %get3A_286 = arith.index_cast %scan3A_269 : i32 to index
        %get3A_287 = arith.constant 32 : index
        %get3A_288 = tpu.vector_load %arg12[%get3A_286, %get3A_287] {strides = array<i32>} : memref<16x768xf32, #tpu.memory_space<vmem>>, vector<1x16xf32>,
        %get3A_289 = vector.shape_cast %get3A_288 : vector<1x16xf32> to vector<16xf32>
        %swap3A_290 = arith.index_cast %scan3A_269 : i32 to index
        %swap3A_291 = arith.constant 32 : index
        %swap3A_292 = tpu.vector_load %arg11[%swap3A_290, %swap3A_291] {strides = array<i32>} : memref<16x768xf32, #tpu.memory_space<vmem>>, vector<1x16xf32>,
        %swap3A_293 = vector.shape_cast %swap3A_292 : vector<1x16xf32> to vector<16xf32>
        %swap3A_294 = vector.shape_cast %get3A_289 : vector<16xf32> to vector<1x16xf32>
        tpu.vector_store %arg11[%swap3A_290, %swap3A_291], %swap3A_294 {add = true, strides = array<i32>} : memref<16x768xf32, #tpu.memory_space<vmem>>, vector<1x16xf32>,
        %get3A_295 = arith.index_cast %scan3A_269 : i32 to index
        %get3A_296 = arith.constant 48 : index
        %get3A_297 = tpu.vector_load %arg12[%get3A_295, %get3A_296] {strides = array<i32>} : memref<16x768xf32, #tpu.memory_space<vmem>>, vector<1x16xf32>,
        %get3A_298 = vector.shape_cast %get3A_297 : vector<1x16xf32> to vector<16xf32>
        %swap3A_299 = arith.index_cast %scan3A_269 : i32 to index
        %swap3A_300 = arith.constant 48 : index
        %swap3A_301 = tpu.vector_load %arg11[%swap3A_299, %swap3A_300] {strides = array<i32>} : memref<16x768xf32, #tpu.memory_space<vmem>>, vector<1x16xf32>,
        %swap3A_302 = vector.shape_cast %swap3A_301 : vector<1x16xf32> to vector<16xf32>
        %swap3A_303 = vector.shape_cast %get3A_298 : vector<16xf32> to vector<1x16xf32>
        tpu.vector_store %arg11[%swap3A_299, %swap3A_300], %swap3A_303 {add = true, strides = array<i32>} : memref<16x768xf32, #tpu.memory_space<vmem>>, vector<1x16xf32>,
        %get3A_304 = arith.index_cast %scan3A_269 : i32 to index
        %get3A_305 = arith.constant 64 : index
        %get3A_306 = tpu.vector_load %arg12[%get3A_304, %get3A_305] {strides = array<i32>} : memref<16x768xf32, #tpu.memory_space<vmem>>, vector<1x16xf32>,
        %get3A_307 = vector.shape_cast %get3A_306 : vector<1x16xf32> to vector<16xf32>
        %swap3A_308 = arith.index_cast %scan3A_269 : i32 to index
        %swap3A_309 = arith.constant 64 : index
        %swap3A_310 = tpu.vector_load %arg11[%swap3A_308, %swap3A_309] {strides = array<i32>} : memref<16x768xf32, #tpu.memory_space<vmem>>, vector<1x16xf32>,
        %swap3A_311 = vector.shape_cast %swap3A_310 : vector<1x16xf32> to vector<16xf32>
        %swap3A_312 = vector.shape_cast %get3A_307 : vector<16xf32> to vector<1x16xf32>
        tpu.vector_store %arg11[%swap3A_308, %swap3A_309], %swap3A_312 {add = true, strides = array<i32>} : memref<16x768xf32, #tpu.memory_space<vmem>>, vector<1x16xf32>,
        %get3A_313 = arith.index_cast %scan3A_269 : i32 to index
        %get3A_314 = arith.constant 80 : index
        %get3A_315 = tpu.vector_load %arg12[%get3A_313, %get3A_314] {strides = array<i32>} : memref<16x768xf32, #tpu.memory_space<vmem>>, vector<1x16xf32>,
        %get3A_316 = vector.shape_cast %get3A_315 : vector<1x16xf32> to vector<16xf32>
        %swap3A_317 = arith.index_cast %scan3A_269 : i32 to index
        %swap3A_318 = arith.constant 80 : index
        %swap3A_319 = tpu.vector_load %arg11[%swap3A_317, %swap3A_318] {strides = array<i32>} : memref<16x768xf32, #tpu.memory_space<vmem>>, vector<1x16xf32>,
        %swap3A_320 = vector.shape_cast %swap3A_319 : vector<1x16xf32> to vector<16xf32>
        %swap3A_321 = vector.shape_cast %get3A_316 : vector<16xf32> to vector<1x16xf32>
        tpu.vector_store %arg11[%swap3A_317, %swap3A_318], %swap3A_321 {add = true, strides = array<i32>} : memref<16x768xf32, #tpu.memory_space<vmem>>, vector<1x16xf32>,
        %get3A_322 = arith.index_cast %scan3A_269 : i32 to index
        %get3A_323 = arith.constant 96 : index
        %get3A_324 = tpu.vector_load %arg12[%get3A_322, %get3A_323] {strides = array<i32>} : memref<16x768xf32, #tpu.memory_space<vmem>>, vector<1x16xf32>,
        %get3A_325 = vector.shape_cast %get3A_324 : vector<1x16xf32> to vector<16xf32>
        %swap3A_326 = arith.index_cast %scan3A_269 : i32 to index
        %swap3A_327 = arith.constant 96 : index
        %swap3A_328 = tpu.vector_load %arg11[%swap3A_326, %swap3A_327] {strides = array<i32>} : memref<16x768xf32, #tpu.memory_space<vmem>>, vector<1x16xf32>,
        %swap3A_329 = vector.shape_cast %swap3A_328 : vector<1x16xf32> to vector<16xf32>
        %swap3A_330 = vector.shape_cast %get3A_325 : vector<16xf32> to vector<1x16xf32>
        tpu.vector_store %arg11[%swap3A_326, %swap3A_327], %swap3A_330 {add = true, strides = array<i32>} : memref<16x768xf32, #tpu.memory_space<vmem>>, vector<1x16xf32>,
        %get3A_331 = arith.index_cast %scan3A_269 : i32 to index
        %get3A_332 = arith.constant 112 : index
        %get3A_333 = tpu.vector_load %arg12[%get3A_331, %get3A_332] {strides = array<i32>} : memref<16x768xf32, #tpu.memory_space<vmem>>, vector<1x16xf32>,
        %get3A_334 = vector.shape_cast %get3A_333 : vector<1x16xf32> to vector<16xf32>
        %swap3A_335 = arith.index_cast %scan3A_269 : i32 to index
        %swap3A_336 = arith.constant 112 : index
        %swap3A_337 = tpu.vector_load %arg11[%swap3A_335, %swap3A_336] {strides = array<i32>} : memref<16x768xf32, #tpu.memory_space<vmem>>, vector<1x16xf32>,
        %swap3A_338 = vector.shape_cast %swap3A_337 : vector<1x16xf32> to vector<16xf32>
        %swap3A_339 = vector.shape_cast %get3A_334 : vector<16xf32> to vector<1x16xf32>
        tpu.vector_store %arg11[%swap3A_335, %swap3A_336], %swap3A_339 {add = true, strides = array<i32>} : memref<16x768xf32, #tpu.memory_space<vmem>>, vector<1x16xf32>,
        %get3A_340 = arith.index_cast %scan3A_269 : i32 to index
        %get3A_341 = arith.constant 128 : index
        %get3A_342 = tpu.vector_load %arg12[%get3A_340, %get3A_341] {strides = array<i32>} : memref<16x768xf32, #tpu.memory_space<vmem>>, vector<1x16xf32>,
        %get3A_343 = vector.shape_cast %get3A_342 : vector<1x16xf32> to vector<16xf32>
        %swap3A_344 = arith.index_cast %scan3A_269 : i32 to index
        %swap3A_345 = arith.constant 128 : index
        %swap3A_346 = tpu.vector_load %arg11[%swap3A_344, %swap3A_345] {strides = array<i32>} : memref<16x768xf32, #tpu.memory_space<vmem>>, vector<1x16xf32>,
        %swap3A_347 = vector.shape_cast %swap3A_346 : vector<1x16xf32> to vector<16xf32>
        %swap3A_348 = vector.shape_cast %get3A_343 : vector<16xf32> to vector<1x16xf32>
        tpu.vector_store %arg11[%swap3A_344, %swap3A_345], %swap3A_348 {add = true, strides = array<i32>} : memref<16x768xf32, #tpu.memory_space<vmem>>, vector<1x16xf32>,
        %get3A_349 = arith.index_cast %scan3A_269 : i32 to index
        %get3A_350 = arith.constant 144 : index
        %get3A_351 = tpu.vector_load %arg12[%get3A_349, %get3A_350] {strides = array<i32>} : memref<16x768xf32, #tpu.memory_space<vmem>>, vector<1x16xf32>,
        %get3A_352 = vector.shape_cast %get3A_351 : vector<1x16xf32> to vector<16xf32>
        %swap3A_353 = arith.index_cast %scan3A_269 : i32 to index
        %swap3A_354 = arith.constant 144 : index
        %swap3A_355 = tpu.vector_load %arg11[%swap3A_353, %swap3A_354] {strides = array<i32>} : memref<16x768xf32, #tpu.memory_space<vmem>>, vector<1x16xf32>,
        %swap3A_356 = vector.shape_cast %swap3A_355 : vector<1x16xf32> to vector<16xf32>
        %swap3A_357 = vector.shape_cast %get3A_352 : vector<16xf32> to vector<1x16xf32>
        tpu.vector_store %arg11[%swap3A_353, %swap3A_354], %swap3A_357 {add = true, strides = array<i32>} : memref<16x768xf32, #tpu.memory_space<vmem>>, vector<1x16xf32>,
        %get3A_358 = arith.index_cast %scan3A_269 : i32 to index
        %get3A_359 = arith.constant 160 : index
        %get3A_360 = tpu.vector_load %arg12[%get3A_358, %get3A_359] {strides = array<i32>} : memref<16x768xf32, #tpu.memory_space<vmem>>, vector<1x16xf32>,
        %get3A_361 = vector.shape_cast %get3A_360 : vector<1x16xf32> to vector<16xf32>
        %swap3A_362 = arith.index_cast %scan3A_269 : i32 to index
        %swap3A_363 = arith.constant 160 : index
        %swap3A_364 = tpu.vector_load %arg11[%swap3A_362, %swap3A_363] {strides = array<i32>} : memref<16x768xf32, #tpu.memory_space<vmem>>, vector<1x16xf32>,
        %swap3A_365 = vector.shape_cast %swap3A_364 : vector<1x16xf32> to vector<16xf32>
        %swap3A_366 = vector.shape_cast %get3A_361 : vector<16xf32> to vector<1x16xf32>
        tpu.vector_store %arg11[%swap3A_362, %swap3A_363], %swap3A_366 {add = true, strides = array<i32>} : memref<16x768xf32, #tpu.memory_space<vmem>>, vector<1x16xf32>,
        %get3A_367 = arith.index_cast %scan3A_269 : i32 to index
        %get3A_368 = arith.constant 176 : index
        %get3A_369 = tpu.vector_load %arg12[%get3A_367, %get3A_368] {strides = array<i32>} : memref<16x768xf32, #tpu.memory_space<vmem>>, vector<1x16xf32>,
        %get3A_370 = vector.shape_cast %get3A_369 : vector<1x16xf32> to vector<16xf32>
        %swap3A_371 = arith.index_cast %scan3A_269 : i32 to index
        %swap3A_372 = arith.constant 176 : index
        %swap3A_373 = tpu.vector_load %arg11[%swap3A_371, %swap3A_372] {strides = array<i32>} : memref<16x768xf32, #tpu.memory_space<vmem>>, vector<1x16xf32>,
        %swap3A_374 = vector.shape_cast %swap3A_373 : vector<1x16xf32> to vector<16xf32>
        %swap3A_375 = vector.shape_cast %get3A_370 : vector<16xf32> to vector<1x16xf32>
        tpu.vector_store %arg11[%swap3A_371, %swap3A_372], %swap3A_375 {add = true, strides = array<i32>} : memref<16x768xf32, #tpu.memory_space<vmem>>, vector<1x16xf32>,
        %get3A_376 = arith.index_cast %scan3A_269 : i32 to index
        %get3A_377 = arith.constant 192 : index
        %get3A_378 = tpu.vector_load %arg12[%get3A_376, %get3A_377] {strides = array<i32>} : memref<16x768xf32, #tpu.memory_space<vmem>>, vector<1x16xf32>,
        %get3A_379 = vector.shape_cast %get3A_378 : vector<1x16xf32> to vector<16xf32>
        %swap3A_380 = arith.index_cast %scan3A_269 : i32 to index
        %swap3A_381 = arith.constant 192 : index
        %swap3A_382 = tpu.vector_load %arg11[%swap3A_380, %swap3A_381] {strides = array<i32>} : memref<16x768xf32, #tpu.memory_space<vmem>>, vector<1x16xf32>,
        %swap3A_383 = vector.shape_cast %swap3A_382 : vector<1x16xf32> to vector<16xf32>
        %swap3A_384 = vector.shape_cast %get3A_379 : vector<16xf32> to vector<1x16xf32>
        tpu.vector_store %arg11[%swap3A_380, %swap3A_381], %swap3A_384 {add = true, strides = array<i32>} : memref<16x768xf32, #tpu.memory_space<vmem>>, vector<1x16xf32>,
        %get3A_385 = arith.index_cast %scan3A_269 : i32 to index
        %get3A_386 = arith.constant 208 : index
        %get3A_387 = tpu.vector_load %arg12[%get3A_385, %get3A_386] {strides = array<i32>} : memref<16x768xf32, #tpu.memory_space<vmem>>, vector<1x16xf32>,
        %get3A_388 = vector.shape_cast %get3A_387 : vector<1x16xf32> to vector<16xf32>
        %swap3A_389 = arith.index_cast %scan3A_269 : i32 to index
        %swap3A_390 = arith.constant 208 : index
        %swap3A_391 = tpu.vector_load %arg11[%swap3A_389, %swap3A_390] {strides = array<i32>} : memref<16x768xf32, #tpu.memory_space<vmem>>, vector<1x16xf32>,
        %swap3A_392 = vector.shape_cast %swap3A_391 : vector<1x16xf32> to vector<16xf32>
        %swap3A_393 = vector.shape_cast %get3A_388 : vector<16xf32> to vector<1x16xf32>
        tpu.vector_store %arg11[%swap3A_389, %swap3A_390], %swap3A_393 {add = true, strides = array<i32>} : memref<16x768xf32, #tpu.memory_space<vmem>>, vector<1x16xf32>,
        %get3A_394 = arith.index_cast %scan3A_269 : i32 to index
        %get3A_395 = arith.constant 224 : index
        %get3A_396 = tpu.vector_load %arg12[%get3A_394, %get3A_395] {strides = array<i32>} : memref<16x768xf32, #tpu.memory_space<vmem>>, vector<1x16xf32>,
        %get3A_397 = vector.shape_cast %get3A_396 : vector<1x16xf32> to vector<16xf32>
        %swap3A_398 = arith.index_cast %scan3A_269 : i32 to index
        %swap3A_399 = arith.constant 224 : index
        %swap3A_400 = tpu.vector_load %arg11[%swap3A_398, %swap3A_399] {strides = array<i32>} : memref<16x768xf32, #tpu.memory_space<vmem>>, vector<1x16xf32>,
        %swap3A_401 = vector.shape_cast %swap3A_400 : vector<1x16xf32> to vector<16xf32>
        %swap3A_402 = vector.shape_cast %get3A_397 : vector<16xf32> to vector<1x16xf32>
        tpu.vector_store %arg11[%swap3A_398, %swap3A_399], %swap3A_402 {add = true, strides = array<i32>} : memref<16x768xf32, #tpu.memory_space<vmem>>, vector<1x16xf32>,
        %get3A_403 = arith.index_cast %scan3A_269 : i32 to index
        %get3A_404 = arith.constant 240 : index
        %get3A_405 = tpu.vector_load %arg12[%get3A_403, %get3A_404] {strides = array<i32>} : memref<16x768xf32, #tpu.memory_space<vmem>>, vector<1x16xf32>,
        %get3A_406 = vector.shape_cast %get3A_405 : vector<1x16xf32> to vector<16xf32>
        %swap3A_407 = arith.index_cast %scan3A_269 : i32 to index
        %swap3A_408 = arith.constant 240 : index
        %swap3A_409 = tpu.vector_load %arg11[%swap3A_407, %swap3A_408] {strides = array<i32>} : memref<16x768xf32, #tpu.memory_space<vmem>>, vector<1x16xf32>,
        %swap3A_410 = vector.shape_cast %swap3A_409 : vector<1x16xf32> to vector<16xf32>
        %swap3A_411 = vector.shape_cast %get3A_406 : vector<16xf32> to vector<1x16xf32>
        tpu.vector_store %arg11[%swap3A_407, %swap3A_408], %swap3A_411 {add = true, strides = array<i32>} : memref<16x768xf32, #tpu.memory_space<vmem>>, vector<1x16xf32>,
        %get3A_412 = arith.index_cast %scan3A_269 : i32 to index
        %get3A_413 = arith.constant 256 : index
        %get3A_414 = tpu.vector_load %arg12[%get3A_412, %get3A_413] {strides = array<i32>} : memref<16x768xf32, #tpu.memory_space<vmem>>, vector<1x16xf32>,
        %get3A_415 = vector.shape_cast %get3A_414 : vector<1x16xf32> to vector<16xf32>
        %swap3A_416 = arith.index_cast %scan3A_269 : i32 to index
        %swap3A_417 = arith.constant 256 : index
        %swap3A_418 = tpu.vector_load %arg11[%swap3A_416, %swap3A_417] {strides = array<i32>} : memref<16x768xf32, #tpu.memory_space<vmem>>, vector<1x16xf32>,
        %swap3A_419 = vector.shape_cast %swap3A_418 : vector<1x16xf32> to vector<16xf32>
        %swap3A_420 = vector.shape_cast %get3A_415 : vector<16xf32> to vector<1x16xf32>
        tpu.vector_store %arg11[%swap3A_416, %swap3A_417], %swap3A_420 {add = true, strides = array<i32>} : memref<16x768xf32, #tpu.memory_space<vmem>>, vector<1x16xf32>,
        %get3A_421 = arith.index_cast %scan3A_269 : i32 to index
        %get3A_422 = arith.constant 272 : index
        %get3A_423 = tpu.vector_load %arg12[%get3A_421, %get3A_422] {strides = array<i32>} : memref<16x768xf32, #tpu.memory_space<vmem>>, vector<1x16xf32>,
        %get3A_424 = vector.shape_cast %get3A_423 : vector<1x16xf32> to vector<16xf32>
        %swap3A_425 = arith.index_cast %scan3A_269 : i32 to index
        %swap3A_426 = arith.constant 272 : index
        %swap3A_427 = tpu.vector_load %arg11[%swap3A_425, %swap3A_426] {strides = array<i32>} : memref<16x768xf32, #tpu.memory_space<vmem>>, vector<1x16xf32>,
        %swap3A_428 = vector.shape_cast %swap3A_427 : vector<1x16xf32> to vector<16xf32>
        %swap3A_429 = vector.shape_cast %get3A_424 : vector<16xf32> to vector<1x16xf32>
        tpu.vector_store %arg11[%swap3A_425, %swap3A_426], %swap3A_429 {add = true, strides = array<i32>} : memref<16x768xf32, #tpu.memory_space<vmem>>, vector<1x16xf32>,
        %get3A_430 = arith.index_cast %scan3A_269 : i32 to index
        %get3A_431 = arith.constant 288 : index
        %get3A_432 = tpu.vector_load %arg12[%get3A_430, %get3A_431] {strides = array<i32>} : memref<16x768xf32, #tpu.memory_space<vmem>>, vector<1x16xf32>,
        %get3A_433 = vector.shape_cast %get3A_432 : vector<1x16xf32> to vector<16xf32>
        %swap3A_434 = arith.index_cast %scan3A_269 : i32 to index
        %swap3A_435 = arith.constant 288 : index
        %swap3A_436 = tpu.vector_load %arg11[%swap3A_434, %swap3A_435] {strides = array<i32>} : memref<16x768xf32, #tpu.memory_space<vmem>>, vector<1x16xf32>,
        %swap3A_437 = vector.shape_cast %swap3A_436 : vector<1x16xf32> to vector<16xf32>
        %swap3A_438 = vector.shape_cast %get3A_433 : vector<16xf32> to vector<1x16xf32>
        tpu.vector_store %arg11[%swap3A_434, %swap3A_435], %swap3A_438 {add = true, strides = array<i32>} : memref<16x768xf32, #tpu.memory_space<vmem>>, vector<1x16xf32>,
        %get3A_439 = arith.index_cast %scan3A_269 : i32 to index
        %get3A_440 = arith.constant 304 : index
        %get3A_441 = tpu.vector_load %arg12[%get3A_439, %get3A_440] {strides = array<i32>} : memref<16x768xf32, #tpu.memory_space<vmem>>, vector<1x16xf32>,
        %get3A_442 = vector.shape_cast %get3A_441 : vector<1x16xf32> to vector<16xf32>
        %swap3A_443 = arith.index_cast %scan3A_269 : i32 to index
        %swap3A_444 = arith.constant 304 : index
        %swap3A_445 = tpu.vector_load %arg11[%swap3A_443, %swap3A_444] {strides = array<i32>} : memref<16x768xf32, #tpu.memory_space<vmem>>, vector<1x16xf32>,
        %swap3A_446 = vector.shape_cast %swap3A_445 : vector<1x16xf32> to vector<16xf32>
        %swap3A_447 = vector.shape_cast %get3A_442 : vector<16xf32> to vector<1x16xf32>
        tpu.vector_store %arg11[%swap3A_443, %swap3A_444], %swap3A_447 {add = true, strides = array<i32>} : memref<16x768xf32, #tpu.memory_space<vmem>>, vector<1x16xf32>,
        %get3A_448 = arith.index_cast %scan3A_269 : i32 to index
        %get3A_449 = arith.constant 320 : index
        %get3A_450 = tpu.vector_load %arg12[%get3A_448, %get3A_449] {strides = array<i32>} : memref<16x768xf32, #tpu.memory_space<vmem>>, vector<1x16xf32>,
        %get3A_451 = vector.shape_cast %get3A_450 : vector<1x16xf32> to vector<16xf32>
        %swap3A_452 = arith.index_cast %scan3A_269 : i32 to index
        %swap3A_453 = arith.constant 320 : index
        %swap3A_454 = tpu.vector_load %arg11[%swap3A_452, %swap3A_453] {strides = array<i32>} : memref<16x768xf32, #tpu.memory_space<vmem>>, vector<1x16xf32>,
        %swap3A_455 = vector.shape_cast %swap3A_454 : vector<1x16xf32> to vector<16xf32>
        %swap3A_456 = vector.shape_cast %get3A_451 : vector<16xf32> to vector<1x16xf32>
        tpu.vector_store %arg11[%swap3A_452, %swap3A_453], %swap3A_456 {add = true, strides = array<i32>} : memref<16x768xf32, #tpu.memory_space<vmem>>, vector<1x16xf32>,
        %get3A_457 = arith.index_cast %scan3A_269 : i32 to index
        %get3A_458 = arith.constant 336 : index
        %get3A_459 = tpu.vector_load %arg12[%get3A_457, %get3A_458] {strides = array<i32>} : memref<16x768xf32, #tpu.memory_space<vmem>>, vector<1x16xf32>,
        %get3A_460 = vector.shape_cast %get3A_459 : vector<1x16xf32> to vector<16xf32>
        %swap3A_461 = arith.index_cast %scan3A_269 : i32 to index
        %swap3A_462 = arith.constant 336 : index
        %swap3A_463 = tpu.vector_load %arg11[%swap3A_461, %swap3A_462] {strides = array<i32>} : memref<16x768xf32, #tpu.memory_space<vmem>>, vector<1x16xf32>,
        %swap3A_464 = vector.shape_cast %swap3A_463 : vector<1x16xf32> to vector<16xf32>
        %swap3A_465 = vector.shape_cast %get3A_460 : vector<16xf32> to vector<1x16xf32>
        tpu.vector_store %arg11[%swap3A_461, %swap3A_462], %swap3A_465 {add = true, strides = array<i32>} : memref<16x768xf32, #tpu.memory_space<vmem>>, vector<1x16xf32>,
        %get3A_466 = arith.index_cast %scan3A_269 : i32 to index
        %get3A_467 = arith.constant 352 : index
        %get3A_468 = tpu.vector_load %arg12[%get3A_466, %get3A_467] {strides = array<i32>} : memref<16x768xf32, #tpu.memory_space<vmem>>, vector<1x16xf32>,
        %get3A_469 = vector.shape_cast %get3A_468 : vector<1x16xf32> to vector<16xf32>
        %swap3A_470 = arith.index_cast %scan3A_269 : i32 to index
        %swap3A_471 = arith.constant 352 : index
        %swap3A_472 = tpu.vector_load %arg11[%swap3A_470, %swap3A_471] {strides = array<i32>} : memref<16x768xf32, #tpu.memory_space<vmem>>, vector<1x16xf32>,
        %swap3A_473 = vector.shape_cast %swap3A_472 : vector<1x16xf32> to vector<16xf32>
        %swap3A_474 = vector.shape_cast %get3A_469 : vector<16xf32> to vector<1x16xf32>
        tpu.vector_store %arg11[%swap3A_470, %swap3A_471], %swap3A_474 {add = true, strides = array<i32>} : memref<16x768xf32, #tpu.memory_space<vmem>>, vector<1x16xf32>,
        %get3A_475 = arith.index_cast %scan3A_269 : i32 to index
        %get3A_476 = arith.constant 368 : index
        %get3A_477 = tpu.vector_load %arg12[%get3A_475, %get3A_476] {strides = array<i32>} : memref<16x768xf32, #tpu.memory_space<vmem>>, vector<1x16xf32>,
        %get3A_478 = vector.shape_cast %get3A_477 : vector<1x16xf32> to vector<16xf32>
        %swap3A_479 = arith.index_cast %scan3A_269 : i32 to index
        %swap3A_480 = arith.constant 368 : index
        %swap3A_481 = tpu.vector_load %arg11[%swap3A_479, %swap3A_480] {strides = array<i32>} : memref<16x768xf32, #tpu.memory_space<vmem>>, vector<1x16xf32>,
        %swap3A_482 = vector.shape_cast %swap3A_481 : vector<1x16xf32> to vector<16xf32>
        %swap3A_483 = vector.shape_cast %get3A_478 : vector<16xf32> to vector<1x16xf32>
        tpu.vector_store %arg11[%swap3A_479, %swap3A_480], %swap3A_483 {add = true, strides = array<i32>} : memref<16x768xf32, #tpu.memory_space<vmem>>, vector<1x16xf32>,
        %get3A_484 = arith.index_cast %scan3A_269 : i32 to index
        %get3A_485 = arith.constant 384 : index
        %get3A_486 = tpu.vector_load %arg12[%get3A_484, %get3A_485] {strides = array<i32>} : memref<16x768xf32, #tpu.memory_space<vmem>>, vector<1x16xf32>,
        %get3A_487 = vector.shape_cast %get3A_486 : vector<1x16xf32> to vector<16xf32>
        %swap3A_488 = arith.index_cast %scan3A_269 : i32 to index
        %swap3A_489 = arith.constant 384 : index
        %swap3A_490 = tpu.vector_load %arg11[%swap3A_488, %swap3A_489] {strides = array<i32>} : memref<16x768xf32, #tpu.memory_space<vmem>>, vector<1x16xf32>,
        %swap3A_491 = vector.shape_cast %swap3A_490 : vector<1x16xf32> to vector<16xf32>
        %swap3A_492 = vector.shape_cast %get3A_487 : vector<16xf32> to vector<1x16xf32>
        tpu.vector_store %arg11[%swap3A_488, %swap3A_489], %swap3A_492 {add = true, strides = array<i32>} : memref<16x768xf32, #tpu.memory_space<vmem>>, vector<1x16xf32>,
        %get3A_493 = arith.index_cast %scan3A_269 : i32 to index
        %get3A_494 = arith.constant 400 : index
        %get3A_495 = tpu.vector_load %arg12[%get3A_493, %get3A_494] {strides = array<i32>} : memref<16x768xf32, #tpu.memory_space<vmem>>, vector<1x16xf32>,
        %get3A_496 = vector.shape_cast %get3A_495 : vector<1x16xf32> to vector<16xf32>
        %swap3A_497 = arith.index_cast %scan3A_269 : i32 to index
        %swap3A_498 = arith.constant 400 : index
        %swap3A_499 = tpu.vector_load %arg11[%swap3A_497, %swap3A_498] {strides = array<i32>} : memref<16x768xf32, #tpu.memory_space<vmem>>, vector<1x16xf32>,
        %swap3A_500 = vector.shape_cast %swap3A_499 : vector<1x16xf32> to vector<16xf32>
        %swap3A_501 = vector.shape_cast %get3A_496 : vector<16xf32> to vector<1x16xf32>
        tpu.vector_store %arg11[%swap3A_497, %swap3A_498], %swap3A_501 {add = true, strides = array<i32>} : memref<16x768xf32, #tpu.memory_space<vmem>>, vector<1x16xf32>,
        %get3A_502 = arith.index_cast %scan3A_269 : i32 to index
        %get3A_503 = arith.constant 416 : index
        %get3A_504 = tpu.vector_load %arg12[%get3A_502, %get3A_503] {strides = array<i32>} : memref<16x768xf32, #tpu.memory_space<vmem>>, vector<1x16xf32>,
        %get3A_505 = vector.shape_cast %get3A_504 : vector<1x16xf32> to vector<16xf32>
        %swap3A_506 = arith.index_cast %scan3A_269 : i32 to index
        %swap3A_507 = arith.constant 416 : index
        %swap3A_508 = tpu.vector_load %arg11[%swap3A_506, %swap3A_507] {strides = array<i32>} : memref<16x768xf32, #tpu.memory_space<vmem>>, vector<1x16xf32>,
        %swap3A_509 = vector.shape_cast %swap3A_508 : vector<1x16xf32> to vector<16xf32>
        %swap3A_510 = vector.shape_cast %get3A_505 : vector<16xf32> to vector<1x16xf32>
        tpu.vector_store %arg11[%swap3A_506, %swap3A_507], %swap3A_510 {add = true, strides = array<i32>} : memref<16x768xf32, #tpu.memory_space<vmem>>, vector<1x16xf32>,
        %get3A_511 = arith.index_cast %scan3A_269 : i32 to index
        %get3A_512 = arith.constant 432 : index
        %get3A_513 = tpu.vector_load %arg12[%get3A_511, %get3A_512] {strides = array<i32>} : memref<16x768xf32, #tpu.memory_space<vmem>>, vector<1x16xf32>,
        %get3A_514 = vector.shape_cast %get3A_513 : vector<1x16xf32> to vector<16xf32>
        %swap3A_515 = arith.index_cast %scan3A_269 : i32 to index
        %swap3A_516 = arith.constant 432 : index
        %swap3A_517 = tpu.vector_load %arg11[%swap3A_515, %swap3A_516] {strides = array<i32>} : memref<16x768xf32, #tpu.memory_space<vmem>>, vector<1x16xf32>,
        %swap3A_518 = vector.shape_cast %swap3A_517 : vector<1x16xf32> to vector<16xf32>
        %swap3A_519 = vector.shape_cast %get3A_514 : vector<16xf32> to vector<1x16xf32>
        tpu.vector_store %arg11[%swap3A_515, %swap3A_516], %swap3A_519 {add = true, strides = array<i32>} : memref<16x768xf32, #tpu.memory_space<vmem>>, vector<1x16xf32>,
        %get3A_520 = arith.index_cast %scan3A_269 : i32 to index
        %get3A_521 = arith.constant 448 : index
        %get3A_522 = tpu.vector_load %arg12[%get3A_520, %get3A_521] {strides = array<i32>} : memref<16x768xf32, #tpu.memory_space<vmem>>, vector<1x16xf32>,
        %get3A_523 = vector.shape_cast %get3A_522 : vector<1x16xf32> to vector<16xf32>
        %swap3A_524 = arith.index_cast %scan3A_269 : i32 to index
        %swap3A_525 = arith.constant 448 : index
        %swap3A_526 = tpu.vector_load %arg11[%swap3A_524, %swap3A_525] {strides = array<i32>} : memref<16x768xf32, #tpu.memory_space<vmem>>, vector<1x16xf32>,
        %swap3A_527 = vector.shape_cast %swap3A_526 : vector<1x16xf32> to vector<16xf32>
        %swap3A_528 = vector.shape_cast %get3A_523 : vector<16xf32> to vector<1x16xf32>
        tpu.vector_store %arg11[%swap3A_524, %swap3A_525], %swap3A_528 {add = true, strides = array<i32>} : memref<16x768xf32, #tpu.memory_space<vmem>>, vector<1x16xf32>,
        %get3A_529 = arith.index_cast %scan3A_269 : i32 to index
        %get3A_530 = arith.constant 464 : index
        %get3A_531 = tpu.vector_load %arg12[%get3A_529, %get3A_530] {strides = array<i32>} : memref<16x768xf32, #tpu.memory_space<vmem>>, vector<1x16xf32>,
        %get3A_532 = vector.shape_cast %get3A_531 : vector<1x16xf32> to vector<16xf32>
        %swap3A_533 = arith.index_cast %scan3A_269 : i32 to index
        %swap3A_534 = arith.constant 464 : index
        %swap3A_535 = tpu.vector_load %arg11[%swap3A_533, %swap3A_534] {strides = array<i32>} : memref<16x768xf32, #tpu.memory_space<vmem>>, vector<1x16xf32>,
        %swap3A_536 = vector.shape_cast %swap3A_535 : vector<1x16xf32> to vector<16xf32>
        %swap3A_537 = vector.shape_cast %get3A_532 : vector<16xf32> to vector<1x16xf32>
        tpu.vector_store %arg11[%swap3A_533, %swap3A_534], %swap3A_537 {add = true, strides = array<i32>} : memref<16x768xf32, #tpu.memory_space<vmem>>, vector<1x16xf32>,
        %get3A_538 = arith.index_cast %scan3A_269 : i32 to index
        %get3A_539 = arith.constant 480 : index
        %get3A_540 = tpu.vector_load %arg12[%get3A_538, %get3A_539] {strides = array<i32>} : memref<16x768xf32, #tpu.memory_space<vmem>>, vector<1x16xf32>,
        %get3A_541 = vector.shape_cast %get3A_540 : vector<1x16xf32> to vector<16xf32>
        %swap3A_542 = arith.index_cast %scan3A_269 : i32 to index
        %swap3A_543 = arith.constant 480 : index
        %swap3A_544 = tpu.vector_load %arg11[%swap3A_542, %swap3A_543] {strides = array<i32>} : memref<16x768xf32, #tpu.memory_space<vmem>>, vector<1x16xf32>,
        %swap3A_545 = vector.shape_cast %swap3A_544 : vector<1x16xf32> to vector<16xf32>
        %swap3A_546 = vector.shape_cast %get3A_541 : vector<16xf32> to vector<1x16xf32>
        tpu.vector_store %arg11[%swap3A_542, %swap3A_543], %swap3A_546 {add = true, strides = array<i32>} : memref<16x768xf32, #tpu.memory_space<vmem>>, vector<1x16xf32>,
        %get3A_547 = arith.index_cast %scan3A_269 : i32 to index
        %get3A_548 = arith.constant 496 : index
        %get3A_549 = tpu.vector_load %arg12[%get3A_547, %get3A_548] {strides = array<i32>} : memref<16x768xf32, #tpu.memory_space<vmem>>, vector<1x16xf32>,
        %get3A_550 = vector.shape_cast %get3A_549 : vector<1x16xf32> to vector<16xf32>
        %swap3A_551 = arith.index_cast %scan3A_269 : i32 to index
        %swap3A_552 = arith.constant 496 : index
        %swap3A_553 = tpu.vector_load %arg11[%swap3A_551, %swap3A_552] {strides = array<i32>} : memref<16x768xf32, #tpu.memory_space<vmem>>, vector<1x16xf32>,
        %swap3A_554 = vector.shape_cast %swap3A_553 : vector<1x16xf32> to vector<16xf32>
        %swap3A_555 = vector.shape_cast %get3A_550 : vector<16xf32> to vector<1x16xf32>
        tpu.vector_store %arg11[%swap3A_551, %swap3A_552], %swap3A_555 {add = true, strides = array<i32>} : memref<16x768xf32, #tpu.memory_space<vmem>>, vector<1x16xf32>,
        %get3A_556 = arith.index_cast %scan3A_269 : i32 to index
        %get3A_557 = arith.constant 512 : index
        %get3A_558 = tpu.vector_load %arg12[%get3A_556, %get3A_557] {strides = array<i32>} : memref<16x768xf32, #tpu.memory_space<vmem>>, vector<1x16xf32>,
        %get3A_559 = vector.shape_cast %get3A_558 : vector<1x16xf32> to vector<16xf32>
        %swap3A_560 = arith.index_cast %scan3A_269 : i32 to index
        %swap3A_561 = arith.constant 512 : index
        %swap3A_562 = tpu.vector_load %arg11[%swap3A_560, %swap3A_561] {strides = array<i32>} : memref<16x768xf32, #tpu.memory_space<vmem>>, vector<1x16xf32>,
        %swap3A_563 = vector.shape_cast %swap3A_562 : vector<1x16xf32> to vector<16xf32>
        %swap3A_564 = vector.shape_cast %get3A_559 : vector<16xf32> to vector<1x16xf32>
        tpu.vector_store %arg11[%swap3A_560, %swap3A_561], %swap3A_564 {add = true, strides = array<i32>} : memref<16x768xf32, #tpu.memory_space<vmem>>, vector<1x16xf32>,
        %get3A_565 = arith.index_cast %scan3A_269 : i32 to index
        %get3A_566 = arith.constant 528 : index
        %get3A_567 = tpu.vector_load %arg12[%get3A_565, %get3A_566] {strides = array<i32>} : memref<16x768xf32, #tpu.memory_space<vmem>>, vector<1x16xf32>,
        %get3A_568 = vector.shape_cast %get3A_567 : vector<1x16xf32> to vector<16xf32>
        %swap3A_569 = arith.index_cast %scan3A_269 : i32 to index
        %swap3A_570 = arith.constant 528 : index
        %swap3A_571 = tpu.vector_load %arg11[%swap3A_569, %swap3A_570] {strides = array<i32>} : memref<16x768xf32, #tpu.memory_space<vmem>>, vector<1x16xf32>,
        %swap3A_572 = vector.shape_cast %swap3A_571 : vector<1x16xf32> to vector<16xf32>
        %swap3A_573 = vector.shape_cast %get3A_568 : vector<16xf32> to vector<1x16xf32>
        tpu.vector_store %arg11[%swap3A_569, %swap3A_570], %swap3A_573 {add = true, strides = array<i32>} : memref<16x768xf32, #tpu.memory_space<vmem>>, vector<1x16xf32>,
        %get3A_574 = arith.index_cast %scan3A_269 : i32 to index
        %get3A_575 = arith.constant 544 : index
        %get3A_576 = tpu.vector_load %arg12[%get3A_574, %get3A_575] {strides = array<i32>} : memref<16x768xf32, #tpu.memory_space<vmem>>, vector<1x16xf32>,
        %get3A_577 = vector.shape_cast %get3A_576 : vector<1x16xf32> to vector<16xf32>
        %swap3A_578 = arith.index_cast %scan3A_269 : i32 to index
        %swap3A_579 = arith.constant 544 : index
        %swap3A_580 = tpu.vector_load %arg11[%swap3A_578, %swap3A_579] {strides = array<i32>} : memref<16x768xf32, #tpu.memory_space<vmem>>, vector<1x16xf32>,
        %swap3A_581 = vector.shape_cast %swap3A_580 : vector<1x16xf32> to vector<16xf32>
        %swap3A_582 = vector.shape_cast %get3A_577 : vector<16xf32> to vector<1x16xf32>
        tpu.vector_store %arg11[%swap3A_578, %swap3A_579], %swap3A_582 {add = true, strides = array<i32>} : memref<16x768xf32, #tpu.memory_space<vmem>>, vector<1x16xf32>,
        %get3A_583 = arith.index_cast %scan3A_269 : i32 to index
        %get3A_584 = arith.constant 560 : index
        %get3A_585 = tpu.vector_load %arg12[%get3A_583, %get3A_584] {strides = array<i32>} : memref<16x768xf32, #tpu.memory_space<vmem>>, vector<1x16xf32>,
        %get3A_586 = vector.shape_cast %get3A_585 : vector<1x16xf32> to vector<16xf32>
        %swap3A_587 = arith.index_cast %scan3A_269 : i32 to index
        %swap3A_588 = arith.constant 560 : index
        %swap3A_589 = tpu.vector_load %arg11[%swap3A_587, %swap3A_588] {strides = array<i32>} : memref<16x768xf32, #tpu.memory_space<vmem>>, vector<1x16xf32>,
        %swap3A_590 = vector.shape_cast %swap3A_589 : vector<1x16xf32> to vector<16xf32>
        %swap3A_591 = vector.shape_cast %get3A_586 : vector<16xf32> to vector<1x16xf32>
        tpu.vector_store %arg11[%swap3A_587, %swap3A_588], %swap3A_591 {add = true, strides = array<i32>} : memref<16x768xf32, #tpu.memory_space<vmem>>, vector<1x16xf32>,
        %get3A_592 = arith.index_cast %scan3A_269 : i32 to index
        %get3A_593 = arith.constant 576 : index
        %get3A_594 = tpu.vector_load %arg12[%get3A_592, %get3A_593] {strides = array<i32>} : memref<16x768xf32, #tpu.memory_space<vmem>>, vector<1x16xf32>,
        %get3A_595 = vector.shape_cast %get3A_594 : vector<1x16xf32> to vector<16xf32>
        %swap3A_596 = arith.index_cast %scan3A_269 : i32 to index
        %swap3A_597 = arith.constant 576 : index
        %swap3A_598 = tpu.vector_load %arg11[%swap3A_596, %swap3A_597] {strides = array<i32>} : memref<16x768xf32, #tpu.memory_space<vmem>>, vector<1x16xf32>,
        %swap3A_599 = vector.shape_cast %swap3A_598 : vector<1x16xf32> to vector<16xf32>
        %swap3A_600 = vector.shape_cast %get3A_595 : vector<16xf32> to vector<1x16xf32>
        tpu.vector_store %arg11[%swap3A_596, %swap3A_597], %swap3A_600 {add = true, strides = array<i32>} : memref<16x768xf32, #tpu.memory_space<vmem>>, vector<1x16xf32>,
        %get3A_601 = arith.index_cast %scan3A_269 : i32 to index
        %get3A_602 = arith.constant 592 : index
        %get3A_603 = tpu.vector_load %arg12[%get3A_601, %get3A_602] {strides = array<i32>} : memref<16x768xf32, #tpu.memory_space<vmem>>, vector<1x16xf32>,
        %get3A_604 = vector.shape_cast %get3A_603 : vector<1x16xf32> to vector<16xf32>
        %swap3A_605 = arith.index_cast %scan3A_269 : i32 to index
        %swap3A_606 = arith.constant 592 : index
        %swap3A_607 = tpu.vector_load %arg11[%swap3A_605, %swap3A_606] {strides = array<i32>} : memref<16x768xf32, #tpu.memory_space<vmem>>, vector<1x16xf32>,
        %swap3A_608 = vector.shape_cast %swap3A_607 : vector<1x16xf32> to vector<16xf32>
        %swap3A_609 = vector.shape_cast %get3A_604 : vector<16xf32> to vector<1x16xf32>
        tpu.vector_store %arg11[%swap3A_605, %swap3A_606], %swap3A_609 {add = true, strides = array<i32>} : memref<16x768xf32, #tpu.memory_space<vmem>>, vector<1x16xf32>,
        %get3A_610 = arith.index_cast %scan3A_269 : i32 to index
        %get3A_611 = arith.constant 608 : index
        %get3A_612 = tpu.vector_load %arg12[%get3A_610, %get3A_611] {strides = array<i32>} : memref<16x768xf32, #tpu.memory_space<vmem>>, vector<1x16xf32>,
        %get3A_613 = vector.shape_cast %get3A_612 : vector<1x16xf32> to vector<16xf32>
        %swap3A_614 = arith.index_cast %scan3A_269 : i32 to index
        %swap3A_615 = arith.constant 608 : index
        %swap3A_616 = tpu.vector_load %arg11[%swap3A_614, %swap3A_615] {strides = array<i32>} : memref<16x768xf32, #tpu.memory_space<vmem>>, vector<1x16xf32>,
        %swap3A_617 = vector.shape_cast %swap3A_616 : vector<1x16xf32> to vector<16xf32>
        %swap3A_618 = vector.shape_cast %get3A_613 : vector<16xf32> to vector<1x16xf32>
        tpu.vector_store %arg11[%swap3A_614, %swap3A_615], %swap3A_618 {add = true, strides = array<i32>} : memref<16x768xf32, #tpu.memory_space<vmem>>, vector<1x16xf32>,
        %get3A_619 = arith.index_cast %scan3A_269 : i32 to index
        %get3A_620 = arith.constant 624 : index
        %get3A_621 = tpu.vector_load %arg12[%get3A_619, %get3A_620] {strides = array<i32>} : memref<16x768xf32, #tpu.memory_space<vmem>>, vector<1x16xf32>,
        %get3A_622 = vector.shape_cast %get3A_621 : vector<1x16xf32> to vector<16xf32>
        %swap3A_623 = arith.index_cast %scan3A_269 : i32 to index
        %swap3A_624 = arith.constant 624 : index
        %swap3A_625 = tpu.vector_load %arg11[%swap3A_623, %swap3A_624] {strides = array<i32>} : memref<16x768xf32, #tpu.memory_space<vmem>>, vector<1x16xf32>,
        %swap3A_626 = vector.shape_cast %swap3A_625 : vector<1x16xf32> to vector<16xf32>
        %swap3A_627 = vector.shape_cast %get3A_622 : vector<16xf32> to vector<1x16xf32>
        tpu.vector_store %arg11[%swap3A_623, %swap3A_624], %swap3A_627 {add = true, strides = array<i32>} : memref<16x768xf32, #tpu.memory_space<vmem>>, vector<1x16xf32>,
        %get3A_628 = arith.index_cast %scan3A_269 : i32 to index
        %get3A_629 = arith.constant 640 : index
        %get3A_630 = tpu.vector_load %arg12[%get3A_628, %get3A_629] {strides = array<i32>} : memref<16x768xf32, #tpu.memory_space<vmem>>, vector<1x16xf32>,
        %get3A_631 = vector.shape_cast %get3A_630 : vector<1x16xf32> to vector<16xf32>
        %swap3A_632 = arith.index_cast %scan3A_269 : i32 to index
        %swap3A_633 = arith.constant 640 : index
        %swap3A_634 = tpu.vector_load %arg11[%swap3A_632, %swap3A_633] {strides = array<i32>} : memref<16x768xf32, #tpu.memory_space<vmem>>, vector<1x16xf32>,
        %swap3A_635 = vector.shape_cast %swap3A_634 : vector<1x16xf32> to vector<16xf32>
        %swap3A_636 = vector.shape_cast %get3A_631 : vector<16xf32> to vector<1x16xf32>
        tpu.vector_store %arg11[%swap3A_632, %swap3A_633], %swap3A_636 {add = true, strides = array<i32>} : memref<16x768xf32, #tpu.memory_space<vmem>>, vector<1x16xf32>,
        %get3A_637 = arith.index_cast %scan3A_269 : i32 to index
        %get3A_638 = arith.constant 656 : index
        %get3A_639 = tpu.vector_load %arg12[%get3A_637, %get3A_638] {strides = array<i32>} : memref<16x768xf32, #tpu.memory_space<vmem>>, vector<1x16xf32>,
        %get3A_640 = vector.shape_cast %get3A_639 : vector<1x16xf32> to vector<16xf32>
        %swap3A_641 = arith.index_cast %scan3A_269 : i32 to index
        %swap3A_642 = arith.constant 656 : index
        %swap3A_643 = tpu.vector_load %arg11[%swap3A_641, %swap3A_642] {strides = array<i32>} : memref<16x768xf32, #tpu.memory_space<vmem>>, vector<1x16xf32>,
        %swap3A_644 = vector.shape_cast %swap3A_643 : vector<1x16xf32> to vector<16xf32>
        %swap3A_645 = vector.shape_cast %get3A_640 : vector<16xf32> to vector<1x16xf32>
        tpu.vector_store %arg11[%swap3A_641, %swap3A_642], %swap3A_645 {add = true, strides = array<i32>} : memref<16x768xf32, #tpu.memory_space<vmem>>, vector<1x16xf32>,
        %get3A_646 = arith.index_cast %scan3A_269 : i32 to index
        %get3A_647 = arith.constant 672 : index
        %get3A_648 = tpu.vector_load %arg12[%get3A_646, %get3A_647] {strides = array<i32>} : memref<16x768xf32, #tpu.memory_space<vmem>>, vector<1x16xf32>,
        %get3A_649 = vector.shape_cast %get3A_648 : vector<1x16xf32> to vector<16xf32>
        %swap3A_650 = arith.index_cast %scan3A_269 : i32 to index
        %swap3A_651 = arith.constant 672 : index
        %swap3A_652 = tpu.vector_load %arg11[%swap3A_650, %swap3A_651] {strides = array<i32>} : memref<16x768xf32, #tpu.memory_space<vmem>>, vector<1x16xf32>,
        %swap3A_653 = vector.shape_cast %swap3A_652 : vector<1x16xf32> to vector<16xf32>
        %swap3A_654 = vector.shape_cast %get3A_649 : vector<16xf32> to vector<1x16xf32>
        tpu.vector_store %arg11[%swap3A_650, %swap3A_651], %swap3A_654 {add = true, strides = array<i32>} : memref<16x768xf32, #tpu.memory_space<vmem>>, vector<1x16xf32>,
        %get3A_655 = arith.index_cast %scan3A_269 : i32 to index
        %get3A_656 = arith.constant 688 : index
        %get3A_657 = tpu.vector_load %arg12[%get3A_655, %get3A_656] {strides = array<i32>} : memref<16x768xf32, #tpu.memory_space<vmem>>, vector<1x16xf32>,
        %get3A_658 = vector.shape_cast %get3A_657 : vector<1x16xf32> to vector<16xf32>
        %swap3A_659 = arith.index_cast %scan3A_269 : i32 to index
        %swap3A_660 = arith.constant 688 : index
        %swap3A_661 = tpu.vector_load %arg11[%swap3A_659, %swap3A_660] {strides = array<i32>} : memref<16x768xf32, #tpu.memory_space<vmem>>, vector<1x16xf32>,
        %swap3A_662 = vector.shape_cast %swap3A_661 : vector<1x16xf32> to vector<16xf32>
        %swap3A_663 = vector.shape_cast %get3A_658 : vector<16xf32> to vector<1x16xf32>
        tpu.vector_store %arg11[%swap3A_659, %swap3A_660], %swap3A_663 {add = true, strides = array<i32>} : memref<16x768xf32, #tpu.memory_space<vmem>>, vector<1x16xf32>,
        %get3A_664 = arith.index_cast %scan3A_269 : i32 to index
        %get3A_665 = arith.constant 704 : index
        %get3A_666 = tpu.vector_load %arg12[%get3A_664, %get3A_665] {strides = array<i32>} : memref<16x768xf32, #tpu.memory_space<vmem>>, vector<1x16xf32>,
        %get3A_667 = vector.shape_cast %get3A_666 : vector<1x16xf32> to vector<16xf32>
        %swap3A_668 = arith.index_cast %scan3A_269 : i32 to index
        %swap3A_669 = arith.constant 704 : index
        %swap3A_670 = tpu.vector_load %arg11[%swap3A_668, %swap3A_669] {strides = array<i32>} : memref<16x768xf32, #tpu.memory_space<vmem>>, vector<1x16xf32>,
        %swap3A_671 = vector.shape_cast %swap3A_670 : vector<1x16xf32> to vector<16xf32>
        %swap3A_672 = vector.shape_cast %get3A_667 : vector<16xf32> to vector<1x16xf32>
        tpu.vector_store %arg11[%swap3A_668, %swap3A_669], %swap3A_672 {add = true, strides = array<i32>} : memref<16x768xf32, #tpu.memory_space<vmem>>, vector<1x16xf32>,
        %get3A_673 = arith.index_cast %scan3A_269 : i32 to index
        %get3A_674 = arith.constant 720 : index
        %get3A_675 = tpu.vector_load %arg12[%get3A_673, %get3A_674] {strides = array<i32>} : memref<16x768xf32, #tpu.memory_space<vmem>>, vector<1x16xf32>,
        %get3A_676 = vector.shape_cast %get3A_675 : vector<1x16xf32> to vector<16xf32>
        %swap3A_677 = arith.index_cast %scan3A_269 : i32 to index
        %swap3A_678 = arith.constant 720 : index
        %swap3A_679 = tpu.vector_load %arg11[%swap3A_677, %swap3A_678] {strides = array<i32>} : memref<16x768xf32, #tpu.memory_space<vmem>>, vector<1x16xf32>,
        %swap3A_680 = vector.shape_cast %swap3A_679 : vector<1x16xf32> to vector<16xf32>
        %swap3A_681 = vector.shape_cast %get3A_676 : vector<16xf32> to vector<1x16xf32>
        tpu.vector_store %arg11[%swap3A_677, %swap3A_678], %swap3A_681 {add = true, strides = array<i32>} : memref<16x768xf32, #tpu.memory_space<vmem>>, vector<1x16xf32>,
        %get3A_682 = arith.index_cast %scan3A_269 : i32 to index
        %get3A_683 = arith.constant 736 : index
        %get3A_684 = tpu.vector_load %arg12[%get3A_682, %get3A_683] {strides = array<i32>} : memref<16x768xf32, #tpu.memory_space<vmem>>, vector<1x16xf32>,
        %get3A_685 = vector.shape_cast %get3A_684 : vector<1x16xf32> to vector<16xf32>
        %swap3A_686 = arith.index_cast %scan3A_269 : i32 to index
        %swap3A_687 = arith.constant 736 : index
        %swap3A_688 = tpu.vector_load %arg11[%swap3A_686, %swap3A_687] {strides = array<i32>} : memref<16x768xf32, #tpu.memory_space<vmem>>, vector<1x16xf32>,
        %swap3A_689 = vector.shape_cast %swap3A_688 : vector<1x16xf32> to vector<16xf32>
        %swap3A_690 = vector.shape_cast %get3A_685 : vector<16xf32> to vector<1x16xf32>
        tpu.vector_store %arg11[%swap3A_686, %swap3A_687], %swap3A_690 {add = true, strides = array<i32>} : memref<16x768xf32, #tpu.memory_space<vmem>>, vector<1x16xf32>,
        %get3A_691 = arith.index_cast %scan3A_269 : i32 to index
        %get3A_692 = arith.constant 752 : index
        %get3A_693 = tpu.vector_load %arg12[%get3A_691, %get3A_692] {strides = array<i32>} : memref<16x768xf32, #tpu.memory_space<vmem>>, vector<1x16xf32>,
        %get3A_694 = vector.shape_cast %get3A_693 : vector<1x16xf32> to vector<16xf32>
        %swap3A_695 = arith.index_cast %scan3A_269 : i32 to index
        %swap3A_696 = arith.constant 752 : index
        %swap3A_697 = tpu.vector_load %arg11[%swap3A_695, %swap3A_696] {strides = array<i32>} : memref<16x768xf32, #tpu.memory_space<vmem>>, vector<1x16xf32>,
        %swap3A_698 = vector.shape_cast %swap3A_697 : vector<1x16xf32> to vector<16xf32>
        %swap3A_699 = vector.shape_cast %get3A_694 : vector<16xf32> to vector<1x16xf32>
        tpu.vector_store %arg11[%swap3A_695, %swap3A_696], %swap3A_699 {add = true, strides = array<i32>} : memref<16x768xf32, #tpu.memory_space<vmem>>, vector<1x16xf32>,
      }
      %scan3A_183 = arith.constant 16 : i32
      %mul3A_184 = arith.constant 16 : i32
      %mul3A_185 = arith.muli %add3A_158, %mul3A_184 : i32
      %add3A_186 = arith.addi %mul3A_32, %mul3A_185 : i32
      %dma_start3A_187 = arith.constant 0 : i32
      %dma_start3A_188 = tpu.memref_slice %arg6[%select_n3A, %add3A_186, %dma_start3A_187] : memref<4x2048x768xf32, #tpu.memory_space<hbm>> -> memref<1x16x768xf32, #tpu.memory_space<hbm>>
      %dma_start3A_189 = tpu.memref_squeeze %dma_start3A_188 : memref<1x16x768xf32, #tpu.memory_space<hbm>> -> memref<16x768xf32, #tpu.memory_space<hbm>>
      %dma_start3A_190 = arith.constant 0 : i32
      %dma_start3A_191 = tpu.memref_slice %arg6[%select_n3A, %add3A_186, %dma_start3A_190] : memref<4x2048x768xf32, #tpu.memory_space<hbm>> -> memref<1x16x768xf32, #tpu.memory_space<hbm>>
      %dma_start3A_192 = tpu.memref_squeeze %dma_start3A_191 : memref<1x16x768xf32, #tpu.memory_space<hbm>> -> memref<16x768xf32, #tpu.memory_space<hbm>>
      tpu.enqueue_dma source(%arg11 : memref<16x768xf32, #tpu.memory_space<vmem>>) target(%dma_start3A_192 : memref<16x768xf32, #tpu.memory_space<hbm>>) target_semaphore(%arg22 : memref<!tpu.dma_semaphore, #tpu.memory_space<semaphore_mem>>)
      %mul3A_193 = arith.constant 4 : i32
      %mul3A_194 = arith.muli %mul3A_193, %scan3A_118 : i32
      %add3A_195 = arith.constant 2 : i32
      %add3A_196 = arith.addi %mul3A_194, %add3A_195 : i32
      %add3A_197 = arith.constant 3 : i32
      %add3A_198 = arith.addi %add3A_196, %add3A_197 : i32
      %lt3A_199 = arith.constant 16 : i32
      %lt3A_200 = arith.cmpi slt, %add3A_198, %lt3A_199 : i32
      %convert_element_type3A_201 = arith.extui %lt3A_200 : i1 to i32
      %cond3A_202 = arith.constant 0 : i32
      %cond3A_203 = arith.cmpi ne, %convert_element_type3A_201, %cond3A_202 : i32
      scf.if %cond3A_203 {
        %ge3A = arith.constant 1 : i32
        %ge3A_269 = arith.cmpi sge, %add3A_196, %ge3A : i32
        %convert_element_type3A_270 = arith.extui %ge3A_269 : i1 to i32
        %cond3A_271 = arith.constant 0 : i32
        %cond3A_272 = arith.cmpi ne, %convert_element_type3A_270, %cond3A_271 : i32
        scf.if %cond3A_272 {
          %dma_wait3A_287 = arith.constant 0 : i32
          %dma_wait3A_288 = arith.constant 0 : i32
          %dma_wait3A_289 = arith.constant 0 : i32
          %dma_wait3A_290 = tpu.memref_slice %arg6[%dma_wait3A_287, %dma_wait3A_288, %dma_wait3A_289] : memref<4x2048x768xf32, #tpu.memory_space<hbm>> -> memref<1x16x768xf32, #tpu.memory_space<hbm>>
          %dma_wait3A_291 = tpu.memref_squeeze %dma_wait3A_290 : memref<1x16x768xf32, #tpu.memory_space<hbm>> -> memref<16x768xf32, #tpu.memory_space<hbm>>
          %dma_wait3A_292 = arith.constant 0 : i32
          %dma_wait3A_293 = arith.constant 0 : i32
          %dma_wait3A_294 = tpu.memref_slice %arg6[%dma_wait3A_287, %dma_wait3A_292, %dma_wait3A_293] : memref<4x2048x768xf32, #tpu.memory_space<hbm>> -> memref<1x16x768xf32, #tpu.memory_space<hbm>>
          %dma_wait3A_295 = tpu.memref_squeeze %dma_wait3A_294 : memref<1x16x768xf32, #tpu.memory_space<hbm>> -> memref<16x768xf32, #tpu.memory_space<hbm>>
          tpu.wait_dma2 semaphore(%arg22 : memref<!tpu.dma_semaphore, #tpu.memory_space<semaphore_mem>>) src(%arg11 : memref<16x768xf32, #tpu.memory_space<vmem>>) dst(%dma_wait3A_295 : memref<16x768xf32, #tpu.memory_space<hbm>>)
        } else {
        }
        %add3A_273 = arith.constant 3 : i32
        %add3A_274 = arith.addi %add3A_196, %add3A_273 : i32
        %mul3A_275 = arith.constant 16 : i32
        %mul3A_276 = arith.muli %add3A_274, %mul3A_275 : i32
        %mul3A_277 = arith.constant 16 : i32
        %mul3A_278 = arith.muli %add3A_274, %mul3A_277 : i32
        %dma_start3A_279 = tpu.memref_slice %arg7[%mul3A_276] : memref<256xi32, #tpu.memory_space<vmem>> -> memref<16xi32, #tpu.memory_space<vmem>>
        %dma_start3A_280 = arith.constant 0 : i32
        %dma_start3A_281 = arith.constant 0 : i32
        %dma_start3A_282 = tpu.memref_slice %arg4[%dma_start3A_280, %dma_start3A_281] : memref<50257x768xf32, #tpu.memory_space<hbm>> -> memref<50257x768xf32, #tpu.memory_space<hbm>>
        tpu.enqueue_indirect_dma source(%dma_start3A_282 : memref<50257x768xf32, #tpu.memory_space<hbm>>) target(%arg11 : memref<16x768xf32, #tpu.memory_space<vmem>>) offsets(%dma_start3A_279 : memref<16xi32, #tpu.memory_space<vmem>>) semaphore(%arg18 : memref<!tpu.dma_semaphore, #tpu.memory_space<semaphore_mem>>)
        %dma_start3A_283 = tpu.memref_slice %arg8[%mul3A_278] : memref<256xi32, #tpu.memory_space<vmem>> -> memref<16xi32, #tpu.memory_space<vmem>>
        %dma_start3A_284 = arith.constant 0 : i32
        %dma_start3A_285 = arith.constant 0 : i32
        %dma_start3A_286 = tpu.memref_slice %arg5[%dma_start3A_284, %dma_start3A_285] : memref<2048x768xf32, #tpu.memory_space<hbm>> -> memref<2048x768xf32, #tpu.memory_space<hbm>>
        tpu.enqueue_indirect_dma source(%dma_start3A_286 : memref<2048x768xf32, #tpu.memory_space<hbm>>) target(%arg12 : memref<16x768xf32, #tpu.memory_space<vmem>>) offsets(%dma_start3A_283 : memref<16xi32, #tpu.memory_space<vmem>>) semaphore(%arg18 : memref<!tpu.dma_semaphore, #tpu.memory_space<semaphore_mem>>)
      } else {
      }
      %dma_wait3A_204 = arith.constant 0 : i32
      %dma_wait3A_205 = arith.constant 0 : i32
      %dma_wait3A_206 = tpu.memref_slice %arg4[%dma_wait3A_204, %dma_wait3A_205] : memref<50257x768xf32, #tpu.memory_space<hbm>> -> memref<16x768xf32, #tpu.memory_space<hbm>>
      %dma_wait3A_207 = arith.constant 0 : i32
      %dma_wait3A_208 = arith.constant 0 : i32
      %dma_wait3A_209 = tpu.memref_slice %arg4[%dma_wait3A_207, %dma_wait3A_208] : memref<50257x768xf32, #tpu.memory_space<hbm>> -> memref<16x768xf32, #tpu.memory_space<hbm>>
      tpu.wait_dma2 semaphore(%arg19 : memref<!tpu.dma_semaphore, #tpu.memory_space<semaphore_mem>>) src(%dma_wait3A_209 : memref<16x768xf32, #tpu.memory_space<hbm>>) dst(%arg13 : memref<16x768xf32, #tpu.memory_space<vmem>>)
      %dma_wait3A_210 = arith.constant 0 : i32
      %dma_wait3A_211 = arith.constant 0 : i32
      %dma_wait3A_212 = tpu.memref_slice %arg4[%dma_wait3A_210, %dma_wait3A_211] : memref<50257x768xf32, #tpu.memory_space<hbm>> -> memref<16x768xf32, #tpu.memory_space<hbm>>
      %dma_wait3A_213 = arith.constant 0 : i32
      %dma_wait3A_214 = arith.constant 0 : i32
      %dma_wait3A_215 = tpu.memref_slice %arg4[%dma_wait3A_213, %dma_wait3A_214] : memref<50257x768xf32, #tpu.memory_space<hbm>> -> memref<16x768xf32, #tpu.memory_space<hbm>>
      tpu.wait_dma2 semaphore(%arg19 : memref<!tpu.dma_semaphore, #tpu.memory_space<semaphore_mem>>) src(%dma_wait3A_215 : memref<16x768xf32, #tpu.memory_space<hbm>>) dst(%arg14 : memref<16x768xf32, #tpu.memory_space<vmem>>)
      %scan3A_216 = arith.constant 0 : i32
      %scan3A_217 = arith.constant 0 : i32
      %scan3A_218 = arith.constant 16 : i32
      %scan3A_219 = arith.addi %scan3A_217, %scan3A_218 : i32
      %scan3A_220 = arith.constant 1 : i32
      scf.for %scan3A_269 = %scan3A_217 to %scan3A_219 step %scan3A_220  : i32 {
        %get3A = arith.index_cast %scan3A_269 : i32 to index
        %get3A_270 = arith.constant 0 : index
        %get3A_271 = tpu.vector_load %arg14[%get3A, %get3A_270] {strides = array<i32>} : memref<16x768xf32, #tpu.memory_space<vmem>>, vector<1x16xf32>,
        %get3A_272 = vector.shape_cast %get3A_271 : vector<1x16xf32> to vector<16xf32>
        %swap3A = arith.index_cast %scan3A_269 : i32 to index
        %swap3A_273 = arith.constant 0 : index
        %swap3A_274 = tpu.vector_load %arg13[%swap3A, %swap3A_273] {strides = array<i32>} : memref<16x768xf32, #tpu.memory_space<vmem>>, vector<1x16xf32>,
        %swap3A_275 = vector.shape_cast %swap3A_274 : vector<1x16xf32> to vector<16xf32>
        %swap3A_276 = vector.shape_cast %get3A_272 : vector<16xf32> to vector<1x16xf32>
        tpu.vector_store %arg13[%swap3A, %swap3A_273], %swap3A_276 {add = true, strides = array<i32>} : memref<16x768xf32, #tpu.memory_space<vmem>>, vector<1x16xf32>,
        %get3A_277 = arith.index_cast %scan3A_269 : i32 to index
        %get3A_278 = arith.constant 16 : index
        %get3A_279 = tpu.vector_load %arg14[%get3A_277, %get3A_278] {strides = array<i32>} : memref<16x768xf32, #tpu.memory_space<vmem>>, vector<1x16xf32>,
        %get3A_280 = vector.shape_cast %get3A_279 : vector<1x16xf32> to vector<16xf32>
        %swap3A_281 = arith.index_cast %scan3A_269 : i32 to index
        %swap3A_282 = arith.constant 16 : index
        %swap3A_283 = tpu.vector_load %arg13[%swap3A_281, %swap3A_282] {strides = array<i32>} : memref<16x768xf32, #tpu.memory_space<vmem>>, vector<1x16xf32>,
        %swap3A_284 = vector.shape_cast %swap3A_283 : vector<1x16xf32> to vector<16xf32>
        %swap3A_285 = vector.shape_cast %get3A_280 : vector<16xf32> to vector<1x16xf32>
        tpu.vector_store %arg13[%swap3A_281, %swap3A_282], %swap3A_285 {add = true, strides = array<i32>} : memref<16x768xf32, #tpu.memory_space<vmem>>, vector<1x16xf32>,
        %get3A_286 = arith.index_cast %scan3A_269 : i32 to index
        %get3A_287 = arith.constant 32 : index
        %get3A_288 = tpu.vector_load %arg14[%get3A_286, %get3A_287] {strides = array<i32>} : memref<16x768xf32, #tpu.memory_space<vmem>>, vector<1x16xf32>,
        %get3A_289 = vector.shape_cast %get3A_288 : vector<1x16xf32> to vector<16xf32>
        %swap3A_290 = arith.index_cast %scan3A_269 : i32 to index
        %swap3A_291 = arith.constant 32 : index
        %swap3A_292 = tpu.vector_load %arg13[%swap3A_290, %swap3A_291] {strides = array<i32>} : memref<16x768xf32, #tpu.memory_space<vmem>>, vector<1x16xf32>,
        %swap3A_293 = vector.shape_cast %swap3A_292 : vector<1x16xf32> to vector<16xf32>
        %swap3A_294 = vector.shape_cast %get3A_289 : vector<16xf32> to vector<1x16xf32>
        tpu.vector_store %arg13[%swap3A_290, %swap3A_291], %swap3A_294 {add = true, strides = array<i32>} : memref<16x768xf32, #tpu.memory_space<vmem>>, vector<1x16xf32>,
        %get3A_295 = arith.index_cast %scan3A_269 : i32 to index
        %get3A_296 = arith.constant 48 : index
        %get3A_297 = tpu.vector_load %arg14[%get3A_295, %get3A_296] {strides = array<i32>} : memref<16x768xf32, #tpu.memory_space<vmem>>, vector<1x16xf32>,
        %get3A_298 = vector.shape_cast %get3A_297 : vector<1x16xf32> to vector<16xf32>
        %swap3A_299 = arith.index_cast %scan3A_269 : i32 to index
        %swap3A_300 = arith.constant 48 : index
        %swap3A_301 = tpu.vector_load %arg13[%swap3A_299, %swap3A_300] {strides = array<i32>} : memref<16x768xf32, #tpu.memory_space<vmem>>, vector<1x16xf32>,
        %swap3A_302 = vector.shape_cast %swap3A_301 : vector<1x16xf32> to vector<16xf32>
        %swap3A_303 = vector.shape_cast %get3A_298 : vector<16xf32> to vector<1x16xf32>
        tpu.vector_store %arg13[%swap3A_299, %swap3A_300], %swap3A_303 {add = true, strides = array<i32>} : memref<16x768xf32, #tpu.memory_space<vmem>>, vector<1x16xf32>,
        %get3A_304 = arith.index_cast %scan3A_269 : i32 to index
        %get3A_305 = arith.constant 64 : index
        %get3A_306 = tpu.vector_load %arg14[%get3A_304, %get3A_305] {strides = array<i32>} : memref<16x768xf32, #tpu.memory_space<vmem>>, vector<1x16xf32>,
        %get3A_307 = vector.shape_cast %get3A_306 : vector<1x16xf32> to vector<16xf32>
        %swap3A_308 = arith.index_cast %scan3A_269 : i32 to index
        %swap3A_309 = arith.constant 64 : index
        %swap3A_310 = tpu.vector_load %arg13[%swap3A_308, %swap3A_309] {strides = array<i32>} : memref<16x768xf32, #tpu.memory_space<vmem>>, vector<1x16xf32>,
        %swap3A_311 = vector.shape_cast %swap3A_310 : vector<1x16xf32> to vector<16xf32>
        %swap3A_312 = vector.shape_cast %get3A_307 : vector<16xf32> to vector<1x16xf32>
        tpu.vector_store %arg13[%swap3A_308, %swap3A_309], %swap3A_312 {add = true, strides = array<i32>} : memref<16x768xf32, #tpu.memory_space<vmem>>, vector<1x16xf32>,
        %get3A_313 = arith.index_cast %scan3A_269 : i32 to index
        %get3A_314 = arith.constant 80 : index
        %get3A_315 = tpu.vector_load %arg14[%get3A_313, %get3A_314] {strides = array<i32>} : memref<16x768xf32, #tpu.memory_space<vmem>>, vector<1x16xf32>,
        %get3A_316 = vector.shape_cast %get3A_315 : vector<1x16xf32> to vector<16xf32>
        %swap3A_317 = arith.index_cast %scan3A_269 : i32 to index
        %swap3A_318 = arith.constant 80 : index
        %swap3A_319 = tpu.vector_load %arg13[%swap3A_317, %swap3A_318] {strides = array<i32>} : memref<16x768xf32, #tpu.memory_space<vmem>>, vector<1x16xf32>,
        %swap3A_320 = vector.shape_cast %swap3A_319 : vector<1x16xf32> to vector<16xf32>
        %swap3A_321 = vector.shape_cast %get3A_316 : vector<16xf32> to vector<1x16xf32>
        tpu.vector_store %arg13[%swap3A_317, %swap3A_318], %swap3A_321 {add = true, strides = array<i32>} : memref<16x768xf32, #tpu.memory_space<vmem>>, vector<1x16xf32>,
        %get3A_322 = arith.index_cast %scan3A_269 : i32 to index
        %get3A_323 = arith.constant 96 : index
        %get3A_324 = tpu.vector_load %arg14[%get3A_322, %get3A_323] {strides = array<i32>} : memref<16x768xf32, #tpu.memory_space<vmem>>, vector<1x16xf32>,
        %get3A_325 = vector.shape_cast %get3A_324 : vector<1x16xf32> to vector<16xf32>
        %swap3A_326 = arith.index_cast %scan3A_269 : i32 to index
        %swap3A_327 = arith.constant 96 : index
        %swap3A_328 = tpu.vector_load %arg13[%swap3A_326, %swap3A_327] {strides = array<i32>} : memref<16x768xf32, #tpu.memory_space<vmem>>, vector<1x16xf32>,
        %swap3A_329 = vector.shape_cast %swap3A_328 : vector<1x16xf32> to vector<16xf32>
        %swap3A_330 = vector.shape_cast %get3A_325 : vector<16xf32> to vector<1x16xf32>
        tpu.vector_store %arg13[%swap3A_326, %swap3A_327], %swap3A_330 {add = true, strides = array<i32>} : memref<16x768xf32, #tpu.memory_space<vmem>>, vector<1x16xf32>,
        %get3A_331 = arith.index_cast %scan3A_269 : i32 to index
        %get3A_332 = arith.constant 112 : index
        %get3A_333 = tpu.vector_load %arg14[%get3A_331, %get3A_332] {strides = array<i32>} : memref<16x768xf32, #tpu.memory_space<vmem>>, vector<1x16xf32>,
        %get3A_334 = vector.shape_cast %get3A_333 : vector<1x16xf32> to vector<16xf32>
        %swap3A_335 = arith.index_cast %scan3A_269 : i32 to index
        %swap3A_336 = arith.constant 112 : index
        %swap3A_337 = tpu.vector_load %arg13[%swap3A_335, %swap3A_336] {strides = array<i32>} : memref<16x768xf32, #tpu.memory_space<vmem>>, vector<1x16xf32>,
        %swap3A_338 = vector.shape_cast %swap3A_337 : vector<1x16xf32> to vector<16xf32>
        %swap3A_339 = vector.shape_cast %get3A_334 : vector<16xf32> to vector<1x16xf32>
        tpu.vector_store %arg13[%swap3A_335, %swap3A_336], %swap3A_339 {add = true, strides = array<i32>} : memref<16x768xf32, #tpu.memory_space<vmem>>, vector<1x16xf32>,
        %get3A_340 = arith.index_cast %scan3A_269 : i32 to index
        %get3A_341 = arith.constant 128 : index
        %get3A_342 = tpu.vector_load %arg14[%get3A_340, %get3A_341] {strides = array<i32>} : memref<16x768xf32, #tpu.memory_space<vmem>>, vector<1x16xf32>,
        %get3A_343 = vector.shape_cast %get3A_342 : vector<1x16xf32> to vector<16xf32>
        %swap3A_344 = arith.index_cast %scan3A_269 : i32 to index
        %swap3A_345 = arith.constant 128 : index
        %swap3A_346 = tpu.vector_load %arg13[%swap3A_344, %swap3A_345] {strides = array<i32>} : memref<16x768xf32, #tpu.memory_space<vmem>>, vector<1x16xf32>,
        %swap3A_347 = vector.shape_cast %swap3A_346 : vector<1x16xf32> to vector<16xf32>
        %swap3A_348 = vector.shape_cast %get3A_343 : vector<16xf32> to vector<1x16xf32>
        tpu.vector_store %arg13[%swap3A_344, %swap3A_345], %swap3A_348 {add = true, strides = array<i32>} : memref<16x768xf32, #tpu.memory_space<vmem>>, vector<1x16xf32>,
        %get3A_349 = arith.index_cast %scan3A_269 : i32 to index
        %get3A_350 = arith.constant 144 : index
        %get3A_351 = tpu.vector_load %arg14[%get3A_349, %get3A_350] {strides = array<i32>} : memref<16x768xf32, #tpu.memory_space<vmem>>, vector<1x16xf32>,
        %get3A_352 = vector.shape_cast %get3A_351 : vector<1x16xf32> to vector<16xf32>
        %swap3A_353 = arith.index_cast %scan3A_269 : i32 to index
        %swap3A_354 = arith.constant 144 : index
        %swap3A_355 = tpu.vector_load %arg13[%swap3A_353, %swap3A_354] {strides = array<i32>} : memref<16x768xf32, #tpu.memory_space<vmem>>, vector<1x16xf32>,
        %swap3A_356 = vector.shape_cast %swap3A_355 : vector<1x16xf32> to vector<16xf32>
        %swap3A_357 = vector.shape_cast %get3A_352 : vector<16xf32> to vector<1x16xf32>
        tpu.vector_store %arg13[%swap3A_353, %swap3A_354], %swap3A_357 {add = true, strides = array<i32>} : memref<16x768xf32, #tpu.memory_space<vmem>>, vector<1x16xf32>,
        %get3A_358 = arith.index_cast %scan3A_269 : i32 to index
        %get3A_359 = arith.constant 160 : index
        %get3A_360 = tpu.vector_load %arg14[%get3A_358, %get3A_359] {strides = array<i32>} : memref<16x768xf32, #tpu.memory_space<vmem>>, vector<1x16xf32>,
        %get3A_361 = vector.shape_cast %get3A_360 : vector<1x16xf32> to vector<16xf32>
        %swap3A_362 = arith.index_cast %scan3A_269 : i32 to index
        %swap3A_363 = arith.constant 160 : index
        %swap3A_364 = tpu.vector_load %arg13[%swap3A_362, %swap3A_363] {strides = array<i32>} : memref<16x768xf32, #tpu.memory_space<vmem>>, vector<1x16xf32>,
        %swap3A_365 = vector.shape_cast %swap3A_364 : vector<1x16xf32> to vector<16xf32>
        %swap3A_366 = vector.shape_cast %get3A_361 : vector<16xf32> to vector<1x16xf32>
        tpu.vector_store %arg13[%swap3A_362, %swap3A_363], %swap3A_366 {add = true, strides = array<i32>} : memref<16x768xf32, #tpu.memory_space<vmem>>, vector<1x16xf32>,
        %get3A_367 = arith.index_cast %scan3A_269 : i32 to index
        %get3A_368 = arith.constant 176 : index
        %get3A_369 = tpu.vector_load %arg14[%get3A_367, %get3A_368] {strides = array<i32>} : memref<16x768xf32, #tpu.memory_space<vmem>>, vector<1x16xf32>,
        %get3A_370 = vector.shape_cast %get3A_369 : vector<1x16xf32> to vector<16xf32>
        %swap3A_371 = arith.index_cast %scan3A_269 : i32 to index
        %swap3A_372 = arith.constant 176 : index
        %swap3A_373 = tpu.vector_load %arg13[%swap3A_371, %swap3A_372] {strides = array<i32>} : memref<16x768xf32, #tpu.memory_space<vmem>>, vector<1x16xf32>,
        %swap3A_374 = vector.shape_cast %swap3A_373 : vector<1x16xf32> to vector<16xf32>
        %swap3A_375 = vector.shape_cast %get3A_370 : vector<16xf32> to vector<1x16xf32>
        tpu.vector_store %arg13[%swap3A_371, %swap3A_372], %swap3A_375 {add = true, strides = array<i32>} : memref<16x768xf32, #tpu.memory_space<vmem>>, vector<1x16xf32>,
        %get3A_376 = arith.index_cast %scan3A_269 : i32 to index
        %get3A_377 = arith.constant 192 : index
        %get3A_378 = tpu.vector_load %arg14[%get3A_376, %get3A_377] {strides = array<i32>} : memref<16x768xf32, #tpu.memory_space<vmem>>, vector<1x16xf32>,
        %get3A_379 = vector.shape_cast %get3A_378 : vector<1x16xf32> to vector<16xf32>
        %swap3A_380 = arith.index_cast %scan3A_269 : i32 to index
        %swap3A_381 = arith.constant 192 : index
        %swap3A_382 = tpu.vector_load %arg13[%swap3A_380, %swap3A_381] {strides = array<i32>} : memref<16x768xf32, #tpu.memory_space<vmem>>, vector<1x16xf32>,
        %swap3A_383 = vector.shape_cast %swap3A_382 : vector<1x16xf32> to vector<16xf32>
        %swap3A_384 = vector.shape_cast %get3A_379 : vector<16xf32> to vector<1x16xf32>
        tpu.vector_store %arg13[%swap3A_380, %swap3A_381], %swap3A_384 {add = true, strides = array<i32>} : memref<16x768xf32, #tpu.memory_space<vmem>>, vector<1x16xf32>,
        %get3A_385 = arith.index_cast %scan3A_269 : i32 to index
        %get3A_386 = arith.constant 208 : index
        %get3A_387 = tpu.vector_load %arg14[%get3A_385, %get3A_386] {strides = array<i32>} : memref<16x768xf32, #tpu.memory_space<vmem>>, vector<1x16xf32>,
        %get3A_388 = vector.shape_cast %get3A_387 : vector<1x16xf32> to vector<16xf32>
        %swap3A_389 = arith.index_cast %scan3A_269 : i32 to index
        %swap3A_390 = arith.constant 208 : index
        %swap3A_391 = tpu.vector_load %arg13[%swap3A_389, %swap3A_390] {strides = array<i32>} : memref<16x768xf32, #tpu.memory_space<vmem>>, vector<1x16xf32>,
        %swap3A_392 = vector.shape_cast %swap3A_391 : vector<1x16xf32> to vector<16xf32>
        %swap3A_393 = vector.shape_cast %get3A_388 : vector<16xf32> to vector<1x16xf32>
        tpu.vector_store %arg13[%swap3A_389, %swap3A_390], %swap3A_393 {add = true, strides = array<i32>} : memref<16x768xf32, #tpu.memory_space<vmem>>, vector<1x16xf32>,
        %get3A_394 = arith.index_cast %scan3A_269 : i32 to index
        %get3A_395 = arith.constant 224 : index
        %get3A_396 = tpu.vector_load %arg14[%get3A_394, %get3A_395] {strides = array<i32>} : memref<16x768xf32, #tpu.memory_space<vmem>>, vector<1x16xf32>,
        %get3A_397 = vector.shape_cast %get3A_396 : vector<1x16xf32> to vector<16xf32>
        %swap3A_398 = arith.index_cast %scan3A_269 : i32 to index
        %swap3A_399 = arith.constant 224 : index
        %swap3A_400 = tpu.vector_load %arg13[%swap3A_398, %swap3A_399] {strides = array<i32>} : memref<16x768xf32, #tpu.memory_space<vmem>>, vector<1x16xf32>,
        %swap3A_401 = vector.shape_cast %swap3A_400 : vector<1x16xf32> to vector<16xf32>
        %swap3A_402 = vector.shape_cast %get3A_397 : vector<16xf32> to vector<1x16xf32>
        tpu.vector_store %arg13[%swap3A_398, %swap3A_399], %swap3A_402 {add = true, strides = array<i32>} : memref<16x768xf32, #tpu.memory_space<vmem>>, vector<1x16xf32>,
        %get3A_403 = arith.index_cast %scan3A_269 : i32 to index
        %get3A_404 = arith.constant 240 : index
        %get3A_405 = tpu.vector_load %arg14[%get3A_403, %get3A_404] {strides = array<i32>} : memref<16x768xf32, #tpu.memory_space<vmem>>, vector<1x16xf32>,
        %get3A_406 = vector.shape_cast %get3A_405 : vector<1x16xf32> to vector<16xf32>
        %swap3A_407 = arith.index_cast %scan3A_269 : i32 to index
        %swap3A_408 = arith.constant 240 : index
        %swap3A_409 = tpu.vector_load %arg13[%swap3A_407, %swap3A_408] {strides = array<i32>} : memref<16x768xf32, #tpu.memory_space<vmem>>, vector<1x16xf32>,
        %swap3A_410 = vector.shape_cast %swap3A_409 : vector<1x16xf32> to vector<16xf32>
        %swap3A_411 = vector.shape_cast %get3A_406 : vector<16xf32> to vector<1x16xf32>
        tpu.vector_store %arg13[%swap3A_407, %swap3A_408], %swap3A_411 {add = true, strides = array<i32>} : memref<16x768xf32, #tpu.memory_space<vmem>>, vector<1x16xf32>,
        %get3A_412 = arith.index_cast %scan3A_269 : i32 to index
        %get3A_413 = arith.constant 256 : index
        %get3A_414 = tpu.vector_load %arg14[%get3A_412, %get3A_413] {strides = array<i32>} : memref<16x768xf32, #tpu.memory_space<vmem>>, vector<1x16xf32>,
        %get3A_415 = vector.shape_cast %get3A_414 : vector<1x16xf32> to vector<16xf32>
        %swap3A_416 = arith.index_cast %scan3A_269 : i32 to index
        %swap3A_417 = arith.constant 256 : index
        %swap3A_418 = tpu.vector_load %arg13[%swap3A_416, %swap3A_417] {strides = array<i32>} : memref<16x768xf32, #tpu.memory_space<vmem>>, vector<1x16xf32>,
        %swap3A_419 = vector.shape_cast %swap3A_418 : vector<1x16xf32> to vector<16xf32>
        %swap3A_420 = vector.shape_cast %get3A_415 : vector<16xf32> to vector<1x16xf32>
        tpu.vector_store %arg13[%swap3A_416, %swap3A_417], %swap3A_420 {add = true, strides = array<i32>} : memref<16x768xf32, #tpu.memory_space<vmem>>, vector<1x16xf32>,
        %get3A_421 = arith.index_cast %scan3A_269 : i32 to index
        %get3A_422 = arith.constant 272 : index
        %get3A_423 = tpu.vector_load %arg14[%get3A_421, %get3A_422] {strides = array<i32>} : memref<16x768xf32, #tpu.memory_space<vmem>>, vector<1x16xf32>,
        %get3A_424 = vector.shape_cast %get3A_423 : vector<1x16xf32> to vector<16xf32>
        %swap3A_425 = arith.index_cast %scan3A_269 : i32 to index
        %swap3A_426 = arith.constant 272 : index
        %swap3A_427 = tpu.vector_load %arg13[%swap3A_425, %swap3A_426] {strides = array<i32>} : memref<16x768xf32, #tpu.memory_space<vmem>>, vector<1x16xf32>,
        %swap3A_428 = vector.shape_cast %swap3A_427 : vector<1x16xf32> to vector<16xf32>
        %swap3A_429 = vector.shape_cast %get3A_424 : vector<16xf32> to vector<1x16xf32>
        tpu.vector_store %arg13[%swap3A_425, %swap3A_426], %swap3A_429 {add = true, strides = array<i32>} : memref<16x768xf32, #tpu.memory_space<vmem>>, vector<1x16xf32>,
        %get3A_430 = arith.index_cast %scan3A_269 : i32 to index
        %get3A_431 = arith.constant 288 : index
        %get3A_432 = tpu.vector_load %arg14[%get3A_430, %get3A_431] {strides = array<i32>} : memref<16x768xf32, #tpu.memory_space<vmem>>, vector<1x16xf32>,
        %get3A_433 = vector.shape_cast %get3A_432 : vector<1x16xf32> to vector<16xf32>
        %swap3A_434 = arith.index_cast %scan3A_269 : i32 to index
        %swap3A_435 = arith.constant 288 : index
        %swap3A_436 = tpu.vector_load %arg13[%swap3A_434, %swap3A_435] {strides = array<i32>} : memref<16x768xf32, #tpu.memory_space<vmem>>, vector<1x16xf32>,
        %swap3A_437 = vector.shape_cast %swap3A_436 : vector<1x16xf32> to vector<16xf32>
        %swap3A_438 = vector.shape_cast %get3A_433 : vector<16xf32> to vector<1x16xf32>
        tpu.vector_store %arg13[%swap3A_434, %swap3A_435], %swap3A_438 {add = true, strides = array<i32>} : memref<16x768xf32, #tpu.memory_space<vmem>>, vector<1x16xf32>,
        %get3A_439 = arith.index_cast %scan3A_269 : i32 to index
        %get3A_440 = arith.constant 304 : index
        %get3A_441 = tpu.vector_load %arg14[%get3A_439, %get3A_440] {strides = array<i32>} : memref<16x768xf32, #tpu.memory_space<vmem>>, vector<1x16xf32>,
        %get3A_442 = vector.shape_cast %get3A_441 : vector<1x16xf32> to vector<16xf32>
        %swap3A_443 = arith.index_cast %scan3A_269 : i32 to index
        %swap3A_444 = arith.constant 304 : index
        %swap3A_445 = tpu.vector_load %arg13[%swap3A_443, %swap3A_444] {strides = array<i32>} : memref<16x768xf32, #tpu.memory_space<vmem>>, vector<1x16xf32>,
        %swap3A_446 = vector.shape_cast %swap3A_445 : vector<1x16xf32> to vector<16xf32>
        %swap3A_447 = vector.shape_cast %get3A_442 : vector<16xf32> to vector<1x16xf32>
        tpu.vector_store %arg13[%swap3A_443, %swap3A_444], %swap3A_447 {add = true, strides = array<i32>} : memref<16x768xf32, #tpu.memory_space<vmem>>, vector<1x16xf32>,
        %get3A_448 = arith.index_cast %scan3A_269 : i32 to index
        %get3A_449 = arith.constant 320 : index
        %get3A_450 = tpu.vector_load %arg14[%get3A_448, %get3A_449] {strides = array<i32>} : memref<16x768xf32, #tpu.memory_space<vmem>>, vector<1x16xf32>,
        %get3A_451 = vector.shape_cast %get3A_450 : vector<1x16xf32> to vector<16xf32>
        %swap3A_452 = arith.index_cast %scan3A_269 : i32 to index
        %swap3A_453 = arith.constant 320 : index
        %swap3A_454 = tpu.vector_load %arg13[%swap3A_452, %swap3A_453] {strides = array<i32>} : memref<16x768xf32, #tpu.memory_space<vmem>>, vector<1x16xf32>,
        %swap3A_455 = vector.shape_cast %swap3A_454 : vector<1x16xf32> to vector<16xf32>
        %swap3A_456 = vector.shape_cast %get3A_451 : vector<16xf32> to vector<1x16xf32>
        tpu.vector_store %arg13[%swap3A_452, %swap3A_453], %swap3A_456 {add = true, strides = array<i32>} : memref<16x768xf32, #tpu.memory_space<vmem>>, vector<1x16xf32>,
        %get3A_457 = arith.index_cast %scan3A_269 : i32 to index
        %get3A_458 = arith.constant 336 : index
        %get3A_459 = tpu.vector_load %arg14[%get3A_457, %get3A_458] {strides = array<i32>} : memref<16x768xf32, #tpu.memory_space<vmem>>, vector<1x16xf32>,
        %get3A_460 = vector.shape_cast %get3A_459 : vector<1x16xf32> to vector<16xf32>
        %swap3A_461 = arith.index_cast %scan3A_269 : i32 to index
        %swap3A_462 = arith.constant 336 : index
        %swap3A_463 = tpu.vector_load %arg13[%swap3A_461, %swap3A_462] {strides = array<i32>} : memref<16x768xf32, #tpu.memory_space<vmem>>, vector<1x16xf32>,
        %swap3A_464 = vector.shape_cast %swap3A_463 : vector<1x16xf32> to vector<16xf32>
        %swap3A_465 = vector.shape_cast %get3A_460 : vector<16xf32> to vector<1x16xf32>
        tpu.vector_store %arg13[%swap3A_461, %swap3A_462], %swap3A_465 {add = true, strides = array<i32>} : memref<16x768xf32, #tpu.memory_space<vmem>>, vector<1x16xf32>,
        %get3A_466 = arith.index_cast %scan3A_269 : i32 to index
        %get3A_467 = arith.constant 352 : index
        %get3A_468 = tpu.vector_load %arg14[%get3A_466, %get3A_467] {strides = array<i32>} : memref<16x768xf32, #tpu.memory_space<vmem>>, vector<1x16xf32>,
        %get3A_469 = vector.shape_cast %get3A_468 : vector<1x16xf32> to vector<16xf32>
        %swap3A_470 = arith.index_cast %scan3A_269 : i32 to index
        %swap3A_471 = arith.constant 352 : index
        %swap3A_472 = tpu.vector_load %arg13[%swap3A_470, %swap3A_471] {strides = array<i32>} : memref<16x768xf32, #tpu.memory_space<vmem>>, vector<1x16xf32>,
        %swap3A_473 = vector.shape_cast %swap3A_472 : vector<1x16xf32> to vector<16xf32>
        %swap3A_474 = vector.shape_cast %get3A_469 : vector<16xf32> to vector<1x16xf32>
        tpu.vector_store %arg13[%swap3A_470, %swap3A_471], %swap3A_474 {add = true, strides = array<i32>} : memref<16x768xf32, #tpu.memory_space<vmem>>, vector<1x16xf32>,
        %get3A_475 = arith.index_cast %scan3A_269 : i32 to index
        %get3A_476 = arith.constant 368 : index
        %get3A_477 = tpu.vector_load %arg14[%get3A_475, %get3A_476] {strides = array<i32>} : memref<16x768xf32, #tpu.memory_space<vmem>>, vector<1x16xf32>,
        %get3A_478 = vector.shape_cast %get3A_477 : vector<1x16xf32> to vector<16xf32>
        %swap3A_479 = arith.index_cast %scan3A_269 : i32 to index
        %swap3A_480 = arith.constant 368 : index
        %swap3A_481 = tpu.vector_load %arg13[%swap3A_479, %swap3A_480] {strides = array<i32>} : memref<16x768xf32, #tpu.memory_space<vmem>>, vector<1x16xf32>,
        %swap3A_482 = vector.shape_cast %swap3A_481 : vector<1x16xf32> to vector<16xf32>
        %swap3A_483 = vector.shape_cast %get3A_478 : vector<16xf32> to vector<1x16xf32>
        tpu.vector_store %arg13[%swap3A_479, %swap3A_480], %swap3A_483 {add = true, strides = array<i32>} : memref<16x768xf32, #tpu.memory_space<vmem>>, vector<1x16xf32>,
        %get3A_484 = arith.index_cast %scan3A_269 : i32 to index
        %get3A_485 = arith.constant 384 : index
        %get3A_486 = tpu.vector_load %arg14[%get3A_484, %get3A_485] {strides = array<i32>} : memref<16x768xf32, #tpu.memory_space<vmem>>, vector<1x16xf32>,
        %get3A_487 = vector.shape_cast %get3A_486 : vector<1x16xf32> to vector<16xf32>
        %swap3A_488 = arith.index_cast %scan3A_269 : i32 to index
        %swap3A_489 = arith.constant 384 : index
        %swap3A_490 = tpu.vector_load %arg13[%swap3A_488, %swap3A_489] {strides = array<i32>} : memref<16x768xf32, #tpu.memory_space<vmem>>, vector<1x16xf32>,
        %swap3A_491 = vector.shape_cast %swap3A_490 : vector<1x16xf32> to vector<16xf32>
        %swap3A_492 = vector.shape_cast %get3A_487 : vector<16xf32> to vector<1x16xf32>
        tpu.vector_store %arg13[%swap3A_488, %swap3A_489], %swap3A_492 {add = true, strides = array<i32>} : memref<16x768xf32, #tpu.memory_space<vmem>>, vector<1x16xf32>,
        %get3A_493 = arith.index_cast %scan3A_269 : i32 to index
        %get3A_494 = arith.constant 400 : index
        %get3A_495 = tpu.vector_load %arg14[%get3A_493, %get3A_494] {strides = array<i32>} : memref<16x768xf32, #tpu.memory_space<vmem>>, vector<1x16xf32>,
        %get3A_496 = vector.shape_cast %get3A_495 : vector<1x16xf32> to vector<16xf32>
        %swap3A_497 = arith.index_cast %scan3A_269 : i32 to index
        %swap3A_498 = arith.constant 400 : index
        %swap3A_499 = tpu.vector_load %arg13[%swap3A_497, %swap3A_498] {strides = array<i32>} : memref<16x768xf32, #tpu.memory_space<vmem>>, vector<1x16xf32>,
        %swap3A_500 = vector.shape_cast %swap3A_499 : vector<1x16xf32> to vector<16xf32>
        %swap3A_501 = vector.shape_cast %get3A_496 : vector<16xf32> to vector<1x16xf32>
        tpu.vector_store %arg13[%swap3A_497, %swap3A_498], %swap3A_501 {add = true, strides = array<i32>} : memref<16x768xf32, #tpu.memory_space<vmem>>, vector<1x16xf32>,
        %get3A_502 = arith.index_cast %scan3A_269 : i32 to index
        %get3A_503 = arith.constant 416 : index
        %get3A_504 = tpu.vector_load %arg14[%get3A_502, %get3A_503] {strides = array<i32>} : memref<16x768xf32, #tpu.memory_space<vmem>>, vector<1x16xf32>,
        %get3A_505 = vector.shape_cast %get3A_504 : vector<1x16xf32> to vector<16xf32>
        %swap3A_506 = arith.index_cast %scan3A_269 : i32 to index
        %swap3A_507 = arith.constant 416 : index
        %swap3A_508 = tpu.vector_load %arg13[%swap3A_506, %swap3A_507] {strides = array<i32>} : memref<16x768xf32, #tpu.memory_space<vmem>>, vector<1x16xf32>,
        %swap3A_509 = vector.shape_cast %swap3A_508 : vector<1x16xf32> to vector<16xf32>
        %swap3A_510 = vector.shape_cast %get3A_505 : vector<16xf32> to vector<1x16xf32>
        tpu.vector_store %arg13[%swap3A_506, %swap3A_507], %swap3A_510 {add = true, strides = array<i32>} : memref<16x768xf32, #tpu.memory_space<vmem>>, vector<1x16xf32>,
        %get3A_511 = arith.index_cast %scan3A_269 : i32 to index
        %get3A_512 = arith.constant 432 : index
        %get3A_513 = tpu.vector_load %arg14[%get3A_511, %get3A_512] {strides = array<i32>} : memref<16x768xf32, #tpu.memory_space<vmem>>, vector<1x16xf32>,
        %get3A_514 = vector.shape_cast %get3A_513 : vector<1x16xf32> to vector<16xf32>
        %swap3A_515 = arith.index_cast %scan3A_269 : i32 to index
        %swap3A_516 = arith.constant 432 : index
        %swap3A_517 = tpu.vector_load %arg13[%swap3A_515, %swap3A_516] {strides = array<i32>} : memref<16x768xf32, #tpu.memory_space<vmem>>, vector<1x16xf32>,
        %swap3A_518 = vector.shape_cast %swap3A_517 : vector<1x16xf32> to vector<16xf32>
        %swap3A_519 = vector.shape_cast %get3A_514 : vector<16xf32> to vector<1x16xf32>
        tpu.vector_store %arg13[%swap3A_515, %swap3A_516], %swap3A_519 {add = true, strides = array<i32>} : memref<16x768xf32, #tpu.memory_space<vmem>>, vector<1x16xf32>,
        %get3A_520 = arith.index_cast %scan3A_269 : i32 to index
        %get3A_521 = arith.constant 448 : index
        %get3A_522 = tpu.vector_load %arg14[%get3A_520, %get3A_521] {strides = array<i32>} : memref<16x768xf32, #tpu.memory_space<vmem>>, vector<1x16xf32>,
        %get3A_523 = vector.shape_cast %get3A_522 : vector<1x16xf32> to vector<16xf32>
        %swap3A_524 = arith.index_cast %scan3A_269 : i32 to index
        %swap3A_525 = arith.constant 448 : index
        %swap3A_526 = tpu.vector_load %arg13[%swap3A_524, %swap3A_525] {strides = array<i32>} : memref<16x768xf32, #tpu.memory_space<vmem>>, vector<1x16xf32>,
        %swap3A_527 = vector.shape_cast %swap3A_526 : vector<1x16xf32> to vector<16xf32>
        %swap3A_528 = vector.shape_cast %get3A_523 : vector<16xf32> to vector<1x16xf32>
        tpu.vector_store %arg13[%swap3A_524, %swap3A_525], %swap3A_528 {add = true, strides = array<i32>} : memref<16x768xf32, #tpu.memory_space<vmem>>, vector<1x16xf32>,
        %get3A_529 = arith.index_cast %scan3A_269 : i32 to index
        %get3A_530 = arith.constant 464 : index
        %get3A_531 = tpu.vector_load %arg14[%get3A_529, %get3A_530] {strides = array<i32>} : memref<16x768xf32, #tpu.memory_space<vmem>>, vector<1x16xf32>,
        %get3A_532 = vector.shape_cast %get3A_531 : vector<1x16xf32> to vector<16xf32>
        %swap3A_533 = arith.index_cast %scan3A_269 : i32 to index
        %swap3A_534 = arith.constant 464 : index
        %swap3A_535 = tpu.vector_load %arg13[%swap3A_533, %swap3A_534] {strides = array<i32>} : memref<16x768xf32, #tpu.memory_space<vmem>>, vector<1x16xf32>,
        %swap3A_536 = vector.shape_cast %swap3A_535 : vector<1x16xf32> to vector<16xf32>
        %swap3A_537 = vector.shape_cast %get3A_532 : vector<16xf32> to vector<1x16xf32>
        tpu.vector_store %arg13[%swap3A_533, %swap3A_534], %swap3A_537 {add = true, strides = array<i32>} : memref<16x768xf32, #tpu.memory_space<vmem>>, vector<1x16xf32>,
        %get3A_538 = arith.index_cast %scan3A_269 : i32 to index
        %get3A_539 = arith.constant 480 : index
        %get3A_540 = tpu.vector_load %arg14[%get3A_538, %get3A_539] {strides = array<i32>} : memref<16x768xf32, #tpu.memory_space<vmem>>, vector<1x16xf32>,
        %get3A_541 = vector.shape_cast %get3A_540 : vector<1x16xf32> to vector<16xf32>
        %swap3A_542 = arith.index_cast %scan3A_269 : i32 to index
        %swap3A_543 = arith.constant 480 : index
        %swap3A_544 = tpu.vector_load %arg13[%swap3A_542, %swap3A_543] {strides = array<i32>} : memref<16x768xf32, #tpu.memory_space<vmem>>, vector<1x16xf32>,
        %swap3A_545 = vector.shape_cast %swap3A_544 : vector<1x16xf32> to vector<16xf32>
        %swap3A_546 = vector.shape_cast %get3A_541 : vector<16xf32> to vector<1x16xf32>
        tpu.vector_store %arg13[%swap3A_542, %swap3A_543], %swap3A_546 {add = true, strides = array<i32>} : memref<16x768xf32, #tpu.memory_space<vmem>>, vector<1x16xf32>,
        %get3A_547 = arith.index_cast %scan3A_269 : i32 to index
        %get3A_548 = arith.constant 496 : index
        %get3A_549 = tpu.vector_load %arg14[%get3A_547, %get3A_548] {strides = array<i32>} : memref<16x768xf32, #tpu.memory_space<vmem>>, vector<1x16xf32>,
        %get3A_550 = vector.shape_cast %get3A_549 : vector<1x16xf32> to vector<16xf32>
        %swap3A_551 = arith.index_cast %scan3A_269 : i32 to index
        %swap3A_552 = arith.constant 496 : index
        %swap3A_553 = tpu.vector_load %arg13[%swap3A_551, %swap3A_552] {strides = array<i32>} : memref<16x768xf32, #tpu.memory_space<vmem>>, vector<1x16xf32>,
        %swap3A_554 = vector.shape_cast %swap3A_553 : vector<1x16xf32> to vector<16xf32>
        %swap3A_555 = vector.shape_cast %get3A_550 : vector<16xf32> to vector<1x16xf32>
        tpu.vector_store %arg13[%swap3A_551, %swap3A_552], %swap3A_555 {add = true, strides = array<i32>} : memref<16x768xf32, #tpu.memory_space<vmem>>, vector<1x16xf32>,
        %get3A_556 = arith.index_cast %scan3A_269 : i32 to index
        %get3A_557 = arith.constant 512 : index
        %get3A_558 = tpu.vector_load %arg14[%get3A_556, %get3A_557] {strides = array<i32>} : memref<16x768xf32, #tpu.memory_space<vmem>>, vector<1x16xf32>,
        %get3A_559 = vector.shape_cast %get3A_558 : vector<1x16xf32> to vector<16xf32>
        %swap3A_560 = arith.index_cast %scan3A_269 : i32 to index
        %swap3A_561 = arith.constant 512 : index
        %swap3A_562 = tpu.vector_load %arg13[%swap3A_560, %swap3A_561] {strides = array<i32>} : memref<16x768xf32, #tpu.memory_space<vmem>>, vector<1x16xf32>,
        %swap3A_563 = vector.shape_cast %swap3A_562 : vector<1x16xf32> to vector<16xf32>
        %swap3A_564 = vector.shape_cast %get3A_559 : vector<16xf32> to vector<1x16xf32>
        tpu.vector_store %arg13[%swap3A_560, %swap3A_561], %swap3A_564 {add = true, strides = array<i32>} : memref<16x768xf32, #tpu.memory_space<vmem>>, vector<1x16xf32>,
        %get3A_565 = arith.index_cast %scan3A_269 : i32 to index
        %get3A_566 = arith.constant 528 : index
        %get3A_567 = tpu.vector_load %arg14[%get3A_565, %get3A_566] {strides = array<i32>} : memref<16x768xf32, #tpu.memory_space<vmem>>, vector<1x16xf32>,
        %get3A_568 = vector.shape_cast %get3A_567 : vector<1x16xf32> to vector<16xf32>
        %swap3A_569 = arith.index_cast %scan3A_269 : i32 to index
        %swap3A_570 = arith.constant 528 : index
        %swap3A_571 = tpu.vector_load %arg13[%swap3A_569, %swap3A_570] {strides = array<i32>} : memref<16x768xf32, #tpu.memory_space<vmem>>, vector<1x16xf32>,
        %swap3A_572 = vector.shape_cast %swap3A_571 : vector<1x16xf32> to vector<16xf32>
        %swap3A_573 = vector.shape_cast %get3A_568 : vector<16xf32> to vector<1x16xf32>
        tpu.vector_store %arg13[%swap3A_569, %swap3A_570], %swap3A_573 {add = true, strides = array<i32>} : memref<16x768xf32, #tpu.memory_space<vmem>>, vector<1x16xf32>,
        %get3A_574 = arith.index_cast %scan3A_269 : i32 to index
        %get3A_575 = arith.constant 544 : index
        %get3A_576 = tpu.vector_load %arg14[%get3A_574, %get3A_575] {strides = array<i32>} : memref<16x768xf32, #tpu.memory_space<vmem>>, vector<1x16xf32>,
        %get3A_577 = vector.shape_cast %get3A_576 : vector<1x16xf32> to vector<16xf32>
        %swap3A_578 = arith.index_cast %scan3A_269 : i32 to index
        %swap3A_579 = arith.constant 544 : index
        %swap3A_580 = tpu.vector_load %arg13[%swap3A_578, %swap3A_579] {strides = array<i32>} : memref<16x768xf32, #tpu.memory_space<vmem>>, vector<1x16xf32>,
        %swap3A_581 = vector.shape_cast %swap3A_580 : vector<1x16xf32> to vector<16xf32>
        %swap3A_582 = vector.shape_cast %get3A_577 : vector<16xf32> to vector<1x16xf32>
        tpu.vector_store %arg13[%swap3A_578, %swap3A_579], %swap3A_582 {add = true, strides = array<i32>} : memref<16x768xf32, #tpu.memory_space<vmem>>, vector<1x16xf32>,
        %get3A_583 = arith.index_cast %scan3A_269 : i32 to index
        %get3A_584 = arith.constant 560 : index
        %get3A_585 = tpu.vector_load %arg14[%get3A_583, %get3A_584] {strides = array<i32>} : memref<16x768xf32, #tpu.memory_space<vmem>>, vector<1x16xf32>,
        %get3A_586 = vector.shape_cast %get3A_585 : vector<1x16xf32> to vector<16xf32>
        %swap3A_587 = arith.index_cast %scan3A_269 : i32 to index
        %swap3A_588 = arith.constant 560 : index
        %swap3A_589 = tpu.vector_load %arg13[%swap3A_587, %swap3A_588] {strides = array<i32>} : memref<16x768xf32, #tpu.memory_space<vmem>>, vector<1x16xf32>,
        %swap3A_590 = vector.shape_cast %swap3A_589 : vector<1x16xf32> to vector<16xf32>
        %swap3A_591 = vector.shape_cast %get3A_586 : vector<16xf32> to vector<1x16xf32>
        tpu.vector_store %arg13[%swap3A_587, %swap3A_588], %swap3A_591 {add = true, strides = array<i32>} : memref<16x768xf32, #tpu.memory_space<vmem>>, vector<1x16xf32>,
        %get3A_592 = arith.index_cast %scan3A_269 : i32 to index
        %get3A_593 = arith.constant 576 : index
        %get3A_594 = tpu.vector_load %arg14[%get3A_592, %get3A_593] {strides = array<i32>} : memref<16x768xf32, #tpu.memory_space<vmem>>, vector<1x16xf32>,
        %get3A_595 = vector.shape_cast %get3A_594 : vector<1x16xf32> to vector<16xf32>
        %swap3A_596 = arith.index_cast %scan3A_269 : i32 to index
        %swap3A_597 = arith.constant 576 : index
        %swap3A_598 = tpu.vector_load %arg13[%swap3A_596, %swap3A_597] {strides = array<i32>} : memref<16x768xf32, #tpu.memory_space<vmem>>, vector<1x16xf32>,
        %swap3A_599 = vector.shape_cast %swap3A_598 : vector<1x16xf32> to vector<16xf32>
        %swap3A_600 = vector.shape_cast %get3A_595 : vector<16xf32> to vector<1x16xf32>
        tpu.vector_store %arg13[%swap3A_596, %swap3A_597], %swap3A_600 {add = true, strides = array<i32>} : memref<16x768xf32, #tpu.memory_space<vmem>>, vector<1x16xf32>,
        %get3A_601 = arith.index_cast %scan3A_269 : i32 to index
        %get3A_602 = arith.constant 592 : index
        %get3A_603 = tpu.vector_load %arg14[%get3A_601, %get3A_602] {strides = array<i32>} : memref<16x768xf32, #tpu.memory_space<vmem>>, vector<1x16xf32>,
        %get3A_604 = vector.shape_cast %get3A_603 : vector<1x16xf32> to vector<16xf32>
        %swap3A_605 = arith.index_cast %scan3A_269 : i32 to index
        %swap3A_606 = arith.constant 592 : index
        %swap3A_607 = tpu.vector_load %arg13[%swap3A_605, %swap3A_606] {strides = array<i32>} : memref<16x768xf32, #tpu.memory_space<vmem>>, vector<1x16xf32>,
        %swap3A_608 = vector.shape_cast %swap3A_607 : vector<1x16xf32> to vector<16xf32>
        %swap3A_609 = vector.shape_cast %get3A_604 : vector<16xf32> to vector<1x16xf32>
        tpu.vector_store %arg13[%swap3A_605, %swap3A_606], %swap3A_609 {add = true, strides = array<i32>} : memref<16x768xf32, #tpu.memory_space<vmem>>, vector<1x16xf32>,
        %get3A_610 = arith.index_cast %scan3A_269 : i32 to index
        %get3A_611 = arith.constant 608 : index
        %get3A_612 = tpu.vector_load %arg14[%get3A_610, %get3A_611] {strides = array<i32>} : memref<16x768xf32, #tpu.memory_space<vmem>>, vector<1x16xf32>,
        %get3A_613 = vector.shape_cast %get3A_612 : vector<1x16xf32> to vector<16xf32>
        %swap3A_614 = arith.index_cast %scan3A_269 : i32 to index
        %swap3A_615 = arith.constant 608 : index
        %swap3A_616 = tpu.vector_load %arg13[%swap3A_614, %swap3A_615] {strides = array<i32>} : memref<16x768xf32, #tpu.memory_space<vmem>>, vector<1x16xf32>,
        %swap3A_617 = vector.shape_cast %swap3A_616 : vector<1x16xf32> to vector<16xf32>
        %swap3A_618 = vector.shape_cast %get3A_613 : vector<16xf32> to vector<1x16xf32>
        tpu.vector_store %arg13[%swap3A_614, %swap3A_615], %swap3A_618 {add = true, strides = array<i32>} : memref<16x768xf32, #tpu.memory_space<vmem>>, vector<1x16xf32>,
        %get3A_619 = arith.index_cast %scan3A_269 : i32 to index
        %get3A_620 = arith.constant 624 : index
        %get3A_621 = tpu.vector_load %arg14[%get3A_619, %get3A_620] {strides = array<i32>} : memref<16x768xf32, #tpu.memory_space<vmem>>, vector<1x16xf32>,
        %get3A_622 = vector.shape_cast %get3A_621 : vector<1x16xf32> to vector<16xf32>
        %swap3A_623 = arith.index_cast %scan3A_269 : i32 to index
        %swap3A_624 = arith.constant 624 : index
        %swap3A_625 = tpu.vector_load %arg13[%swap3A_623, %swap3A_624] {strides = array<i32>} : memref<16x768xf32, #tpu.memory_space<vmem>>, vector<1x16xf32>,
        %swap3A_626 = vector.shape_cast %swap3A_625 : vector<1x16xf32> to vector<16xf32>
        %swap3A_627 = vector.shape_cast %get3A_622 : vector<16xf32> to vector<1x16xf32>
        tpu.vector_store %arg13[%swap3A_623, %swap3A_624], %swap3A_627 {add = true, strides = array<i32>} : memref<16x768xf32, #tpu.memory_space<vmem>>, vector<1x16xf32>,
        %get3A_628 = arith.index_cast %scan3A_269 : i32 to index
        %get3A_629 = arith.constant 640 : index
        %get3A_630 = tpu.vector_load %arg14[%get3A_628, %get3A_629] {strides = array<i32>} : memref<16x768xf32, #tpu.memory_space<vmem>>, vector<1x16xf32>,
        %get3A_631 = vector.shape_cast %get3A_630 : vector<1x16xf32> to vector<16xf32>
        %swap3A_632 = arith.index_cast %scan3A_269 : i32 to index
        %swap3A_633 = arith.constant 640 : index
        %swap3A_634 = tpu.vector_load %arg13[%swap3A_632, %swap3A_633] {strides = array<i32>} : memref<16x768xf32, #tpu.memory_space<vmem>>, vector<1x16xf32>,
        %swap3A_635 = vector.shape_cast %swap3A_634 : vector<1x16xf32> to vector<16xf32>
        %swap3A_636 = vector.shape_cast %get3A_631 : vector<16xf32> to vector<1x16xf32>
        tpu.vector_store %arg13[%swap3A_632, %swap3A_633], %swap3A_636 {add = true, strides = array<i32>} : memref<16x768xf32, #tpu.memory_space<vmem>>, vector<1x16xf32>,
        %get3A_637 = arith.index_cast %scan3A_269 : i32 to index
        %get3A_638 = arith.constant 656 : index
        %get3A_639 = tpu.vector_load %arg14[%get3A_637, %get3A_638] {strides = array<i32>} : memref<16x768xf32, #tpu.memory_space<vmem>>, vector<1x16xf32>,
        %get3A_640 = vector.shape_cast %get3A_639 : vector<1x16xf32> to vector<16xf32>
        %swap3A_641 = arith.index_cast %scan3A_269 : i32 to index
        %swap3A_642 = arith.constant 656 : index
        %swap3A_643 = tpu.vector_load %arg13[%swap3A_641, %swap3A_642] {strides = array<i32>} : memref<16x768xf32, #tpu.memory_space<vmem>>, vector<1x16xf32>,
        %swap3A_644 = vector.shape_cast %swap3A_643 : vector<1x16xf32> to vector<16xf32>
        %swap3A_645 = vector.shape_cast %get3A_640 : vector<16xf32> to vector<1x16xf32>
        tpu.vector_store %arg13[%swap3A_641, %swap3A_642], %swap3A_645 {add = true, strides = array<i32>} : memref<16x768xf32, #tpu.memory_space<vmem>>, vector<1x16xf32>,
        %get3A_646 = arith.index_cast %scan3A_269 : i32 to index
        %get3A_647 = arith.constant 672 : index
        %get3A_648 = tpu.vector_load %arg14[%get3A_646, %get3A_647] {strides = array<i32>} : memref<16x768xf32, #tpu.memory_space<vmem>>, vector<1x16xf32>,
        %get3A_649 = vector.shape_cast %get3A_648 : vector<1x16xf32> to vector<16xf32>
        %swap3A_650 = arith.index_cast %scan3A_269 : i32 to index
        %swap3A_651 = arith.constant 672 : index
        %swap3A_652 = tpu.vector_load %arg13[%swap3A_650, %swap3A_651] {strides = array<i32>} : memref<16x768xf32, #tpu.memory_space<vmem>>, vector<1x16xf32>,
        %swap3A_653 = vector.shape_cast %swap3A_652 : vector<1x16xf32> to vector<16xf32>
        %swap3A_654 = vector.shape_cast %get3A_649 : vector<16xf32> to vector<1x16xf32>
        tpu.vector_store %arg13[%swap3A_650, %swap3A_651], %swap3A_654 {add = true, strides = array<i32>} : memref<16x768xf32, #tpu.memory_space<vmem>>, vector<1x16xf32>,
        %get3A_655 = arith.index_cast %scan3A_269 : i32 to index
        %get3A_656 = arith.constant 688 : index
        %get3A_657 = tpu.vector_load %arg14[%get3A_655, %get3A_656] {strides = array<i32>} : memref<16x768xf32, #tpu.memory_space<vmem>>, vector<1x16xf32>,
        %get3A_658 = vector.shape_cast %get3A_657 : vector<1x16xf32> to vector<16xf32>
        %swap3A_659 = arith.index_cast %scan3A_269 : i32 to index
        %swap3A_660 = arith.constant 688 : index
        %swap3A_661 = tpu.vector_load %arg13[%swap3A_659, %swap3A_660] {strides = array<i32>} : memref<16x768xf32, #tpu.memory_space<vmem>>, vector<1x16xf32>,
        %swap3A_662 = vector.shape_cast %swap3A_661 : vector<1x16xf32> to vector<16xf32>
        %swap3A_663 = vector.shape_cast %get3A_658 : vector<16xf32> to vector<1x16xf32>
        tpu.vector_store %arg13[%swap3A_659, %swap3A_660], %swap3A_663 {add = true, strides = array<i32>} : memref<16x768xf32, #tpu.memory_space<vmem>>, vector<1x16xf32>,
        %get3A_664 = arith.index_cast %scan3A_269 : i32 to index
        %get3A_665 = arith.constant 704 : index
        %get3A_666 = tpu.vector_load %arg14[%get3A_664, %get3A_665] {strides = array<i32>} : memref<16x768xf32, #tpu.memory_space<vmem>>, vector<1x16xf32>,
        %get3A_667 = vector.shape_cast %get3A_666 : vector<1x16xf32> to vector<16xf32>
        %swap3A_668 = arith.index_cast %scan3A_269 : i32 to index
        %swap3A_669 = arith.constant 704 : index
        %swap3A_670 = tpu.vector_load %arg13[%swap3A_668, %swap3A_669] {strides = array<i32>} : memref<16x768xf32, #tpu.memory_space<vmem>>, vector<1x16xf32>,
        %swap3A_671 = vector.shape_cast %swap3A_670 : vector<1x16xf32> to vector<16xf32>
        %swap3A_672 = vector.shape_cast %get3A_667 : vector<16xf32> to vector<1x16xf32>
        tpu.vector_store %arg13[%swap3A_668, %swap3A_669], %swap3A_672 {add = true, strides = array<i32>} : memref<16x768xf32, #tpu.memory_space<vmem>>, vector<1x16xf32>,
        %get3A_673 = arith.index_cast %scan3A_269 : i32 to index
        %get3A_674 = arith.constant 720 : index
        %get3A_675 = tpu.vector_load %arg14[%get3A_673, %get3A_674] {strides = array<i32>} : memref<16x768xf32, #tpu.memory_space<vmem>>, vector<1x16xf32>,
        %get3A_676 = vector.shape_cast %get3A_675 : vector<1x16xf32> to vector<16xf32>
        %swap3A_677 = arith.index_cast %scan3A_269 : i32 to index
        %swap3A_678 = arith.constant 720 : index
        %swap3A_679 = tpu.vector_load %arg13[%swap3A_677, %swap3A_678] {strides = array<i32>} : memref<16x768xf32, #tpu.memory_space<vmem>>, vector<1x16xf32>,
        %swap3A_680 = vector.shape_cast %swap3A_679 : vector<1x16xf32> to vector<16xf32>
        %swap3A_681 = vector.shape_cast %get3A_676 : vector<16xf32> to vector<1x16xf32>
        tpu.vector_store %arg13[%swap3A_677, %swap3A_678], %swap3A_681 {add = true, strides = array<i32>} : memref<16x768xf32, #tpu.memory_space<vmem>>, vector<1x16xf32>,
        %get3A_682 = arith.index_cast %scan3A_269 : i32 to index
        %get3A_683 = arith.constant 736 : index
        %get3A_684 = tpu.vector_load %arg14[%get3A_682, %get3A_683] {strides = array<i32>} : memref<16x768xf32, #tpu.memory_space<vmem>>, vector<1x16xf32>,
        %get3A_685 = vector.shape_cast %get3A_684 : vector<1x16xf32> to vector<16xf32>
        %swap3A_686 = arith.index_cast %scan3A_269 : i32 to index
        %swap3A_687 = arith.constant 736 : index
        %swap3A_688 = tpu.vector_load %arg13[%swap3A_686, %swap3A_687] {strides = array<i32>} : memref<16x768xf32, #tpu.memory_space<vmem>>, vector<1x16xf32>,
        %swap3A_689 = vector.shape_cast %swap3A_688 : vector<1x16xf32> to vector<16xf32>
        %swap3A_690 = vector.shape_cast %get3A_685 : vector<16xf32> to vector<1x16xf32>
        tpu.vector_store %arg13[%swap3A_686, %swap3A_687], %swap3A_690 {add = true, strides = array<i32>} : memref<16x768xf32, #tpu.memory_space<vmem>>, vector<1x16xf32>,
        %get3A_691 = arith.index_cast %scan3A_269 : i32 to index
        %get3A_692 = arith.constant 752 : index
        %get3A_693 = tpu.vector_load %arg14[%get3A_691, %get3A_692] {strides = array<i32>} : memref<16x768xf32, #tpu.memory_space<vmem>>, vector<1x16xf32>,
        %get3A_694 = vector.shape_cast %get3A_693 : vector<1x16xf32> to vector<16xf32>
        %swap3A_695 = arith.index_cast %scan3A_269 : i32 to index
        %swap3A_696 = arith.constant 752 : index
        %swap3A_697 = tpu.vector_load %arg13[%swap3A_695, %swap3A_696] {strides = array<i32>} : memref<16x768xf32, #tpu.memory_space<vmem>>, vector<1x16xf32>,
        %swap3A_698 = vector.shape_cast %swap3A_697 : vector<1x16xf32> to vector<16xf32>
        %swap3A_699 = vector.shape_cast %get3A_694 : vector<16xf32> to vector<1x16xf32>
        tpu.vector_store %arg13[%swap3A_695, %swap3A_696], %swap3A_699 {add = true, strides = array<i32>} : memref<16x768xf32, #tpu.memory_space<vmem>>, vector<1x16xf32>,
      }
      %scan3A_221 = arith.constant 16 : i32
      %mul3A_222 = arith.constant 16 : i32
      %mul3A_223 = arith.muli %add3A_196, %mul3A_222 : i32
      %add3A_224 = arith.addi %mul3A_32, %mul3A_223 : i32
      %dma_start3A_225 = arith.constant 0 : i32
      %dma_start3A_226 = tpu.memref_slice %arg6[%select_n3A, %add3A_224, %dma_start3A_225] : memref<4x2048x768xf32, #tpu.memory_space<hbm>> -> memref<1x16x768xf32, #tpu.memory_space<hbm>>
      %dma_start3A_227 = tpu.memref_squeeze %dma_start3A_226 : memref<1x16x768xf32, #tpu.memory_space<hbm>> -> memref<16x768xf32, #tpu.memory_space<hbm>>
      %dma_start3A_228 = arith.constant 0 : i32
      %dma_start3A_229 = tpu.memref_slice %arg6[%select_n3A, %add3A_224, %dma_start3A_228] : memref<4x2048x768xf32, #tpu.memory_space<hbm>> -> memref<1x16x768xf32, #tpu.memory_space<hbm>>
      %dma_start3A_230 = tpu.memref_squeeze %dma_start3A_229 : memref<1x16x768xf32, #tpu.memory_space<hbm>> -> memref<16x768xf32, #tpu.memory_space<hbm>>
      tpu.enqueue_dma source(%arg13 : memref<16x768xf32, #tpu.memory_space<vmem>>) target(%dma_start3A_230 : memref<16x768xf32, #tpu.memory_space<hbm>>) target_semaphore(%arg23 : memref<!tpu.dma_semaphore, #tpu.memory_space<semaphore_mem>>)
      %mul3A_231 = arith.constant 4 : i32
      %mul3A_232 = arith.muli %mul3A_231, %scan3A_118 : i32
      %add3A_233 = arith.constant 3 : i32
      %add3A_234 = arith.addi %mul3A_232, %add3A_233 : i32
      %add3A_235 = arith.constant 3 : i32
      %add3A_236 = arith.addi %add3A_234, %add3A_235 : i32
      %lt3A_237 = arith.constant 16 : i32
      %lt3A_238 = arith.cmpi slt, %add3A_236, %lt3A_237 : i32
      %convert_element_type3A_239 = arith.extui %lt3A_238 : i1 to i32
      %cond3A_240 = arith.constant 0 : i32
      %cond3A_241 = arith.cmpi ne, %convert_element_type3A_239, %cond3A_240 : i32
      scf.if %cond3A_241 {
        %ge3A = arith.constant 1 : i32
        %ge3A_269 = arith.cmpi sge, %add3A_234, %ge3A : i32
        %convert_element_type3A_270 = arith.extui %ge3A_269 : i1 to i32
        %cond3A_271 = arith.constant 0 : i32
        %cond3A_272 = arith.cmpi ne, %convert_element_type3A_270, %cond3A_271 : i32
        scf.if %cond3A_272 {
          %dma_wait3A_287 = arith.constant 0 : i32
          %dma_wait3A_288 = arith.constant 0 : i32
          %dma_wait3A_289 = arith.constant 0 : i32
          %dma_wait3A_290 = tpu.memref_slice %arg6[%dma_wait3A_287, %dma_wait3A_288, %dma_wait3A_289] : memref<4x2048x768xf32, #tpu.memory_space<hbm>> -> memref<1x16x768xf32, #tpu.memory_space<hbm>>
          %dma_wait3A_291 = tpu.memref_squeeze %dma_wait3A_290 : memref<1x16x768xf32, #tpu.memory_space<hbm>> -> memref<16x768xf32, #tpu.memory_space<hbm>>
          %dma_wait3A_292 = arith.constant 0 : i32
          %dma_wait3A_293 = arith.constant 0 : i32
          %dma_wait3A_294 = tpu.memref_slice %arg6[%dma_wait3A_287, %dma_wait3A_292, %dma_wait3A_293] : memref<4x2048x768xf32, #tpu.memory_space<hbm>> -> memref<1x16x768xf32, #tpu.memory_space<hbm>>
          %dma_wait3A_295 = tpu.memref_squeeze %dma_wait3A_294 : memref<1x16x768xf32, #tpu.memory_space<hbm>> -> memref<16x768xf32, #tpu.memory_space<hbm>>
          tpu.wait_dma2 semaphore(%arg23 : memref<!tpu.dma_semaphore, #tpu.memory_space<semaphore_mem>>) src(%arg13 : memref<16x768xf32, #tpu.memory_space<vmem>>) dst(%dma_wait3A_295 : memref<16x768xf32, #tpu.memory_space<hbm>>)
        } else {
        }
        %add3A_273 = arith.constant 3 : i32
        %add3A_274 = arith.addi %add3A_234, %add3A_273 : i32
        %mul3A_275 = arith.constant 16 : i32
        %mul3A_276 = arith.muli %add3A_274, %mul3A_275 : i32
        %mul3A_277 = arith.constant 16 : i32
        %mul3A_278 = arith.muli %add3A_274, %mul3A_277 : i32
        %dma_start3A_279 = tpu.memref_slice %arg7[%mul3A_276] : memref<256xi32, #tpu.memory_space<vmem>> -> memref<16xi32, #tpu.memory_space<vmem>>
        %dma_start3A_280 = arith.constant 0 : i32
        %dma_start3A_281 = arith.constant 0 : i32
        %dma_start3A_282 = tpu.memref_slice %arg4[%dma_start3A_280, %dma_start3A_281] : memref<50257x768xf32, #tpu.memory_space<hbm>> -> memref<50257x768xf32, #tpu.memory_space<hbm>>
        tpu.enqueue_indirect_dma source(%dma_start3A_282 : memref<50257x768xf32, #tpu.memory_space<hbm>>) target(%arg13 : memref<16x768xf32, #tpu.memory_space<vmem>>) offsets(%dma_start3A_279 : memref<16xi32, #tpu.memory_space<vmem>>) semaphore(%arg19 : memref<!tpu.dma_semaphore, #tpu.memory_space<semaphore_mem>>)
        %dma_start3A_283 = tpu.memref_slice %arg8[%mul3A_278] : memref<256xi32, #tpu.memory_space<vmem>> -> memref<16xi32, #tpu.memory_space<vmem>>
        %dma_start3A_284 = arith.constant 0 : i32
        %dma_start3A_285 = arith.constant 0 : i32
        %dma_start3A_286 = tpu.memref_slice %arg5[%dma_start3A_284, %dma_start3A_285] : memref<2048x768xf32, #tpu.memory_space<hbm>> -> memref<2048x768xf32, #tpu.memory_space<hbm>>
        tpu.enqueue_indirect_dma source(%dma_start3A_286 : memref<2048x768xf32, #tpu.memory_space<hbm>>) target(%arg14 : memref<16x768xf32, #tpu.memory_space<vmem>>) offsets(%dma_start3A_283 : memref<16xi32, #tpu.memory_space<vmem>>) semaphore(%arg19 : memref<!tpu.dma_semaphore, #tpu.memory_space<semaphore_mem>>)
      } else {
      }
      %dma_wait3A_242 = arith.constant 0 : i32
      %dma_wait3A_243 = arith.constant 0 : i32
      %dma_wait3A_244 = tpu.memref_slice %arg4[%dma_wait3A_242, %dma_wait3A_243] : memref<50257x768xf32, #tpu.memory_space<hbm>> -> memref<16x768xf32, #tpu.memory_space<hbm>>
      %dma_wait3A_245 = arith.constant 0 : i32
      %dma_wait3A_246 = arith.constant 0 : i32
      %dma_wait3A_247 = tpu.memref_slice %arg4[%dma_wait3A_245, %dma_wait3A_246] : memref<50257x768xf32, #tpu.memory_space<hbm>> -> memref<16x768xf32, #tpu.memory_space<hbm>>
      tpu.wait_dma2 semaphore(%arg20 : memref<!tpu.dma_semaphore, #tpu.memory_space<semaphore_mem>>) src(%dma_wait3A_247 : memref<16x768xf32, #tpu.memory_space<hbm>>) dst(%arg15 : memref<16x768xf32, #tpu.memory_space<vmem>>)
      %dma_wait3A_248 = arith.constant 0 : i32
      %dma_wait3A_249 = arith.constant 0 : i32
      %dma_wait3A_250 = tpu.memref_slice %arg4[%dma_wait3A_248, %dma_wait3A_249] : memref<50257x768xf32, #tpu.memory_space<hbm>> -> memref<16x768xf32, #tpu.memory_space<hbm>>
      %dma_wait3A_251 = arith.constant 0 : i32
      %dma_wait3A_252 = arith.constant 0 : i32
      %dma_wait3A_253 = tpu.memref_slice %arg4[%dma_wait3A_251, %dma_wait3A_252] : memref<50257x768xf32, #tpu.memory_space<hbm>> -> memref<16x768xf32, #tpu.memory_space<hbm>>
      tpu.wait_dma2 semaphore(%arg20 : memref<!tpu.dma_semaphore, #tpu.memory_space<semaphore_mem>>) src(%dma_wait3A_253 : memref<16x768xf32, #tpu.memory_space<hbm>>) dst(%arg16 : memref<16x768xf32, #tpu.memory_space<vmem>>)
      %scan3A_254 = arith.constant 0 : i32
      %scan3A_255 = arith.constant 0 : i32
      %scan3A_256 = arith.constant 16 : i32
      %scan3A_257 = arith.addi %scan3A_255, %scan3A_256 : i32
      %scan3A_258 = arith.constant 1 : i32
      scf.for %scan3A_269 = %scan3A_255 to %scan3A_257 step %scan3A_258  : i32 {
        %get3A = arith.index_cast %scan3A_269 : i32 to index
        %get3A_270 = arith.constant 0 : index
        %get3A_271 = tpu.vector_load %arg16[%get3A, %get3A_270] {strides = array<i32>} : memref<16x768xf32, #tpu.memory_space<vmem>>, vector<1x16xf32>,
        %get3A_272 = vector.shape_cast %get3A_271 : vector<1x16xf32> to vector<16xf32>
        %swap3A = arith.index_cast %scan3A_269 : i32 to index
        %swap3A_273 = arith.constant 0 : index
        %swap3A_274 = tpu.vector_load %arg15[%swap3A, %swap3A_273] {strides = array<i32>} : memref<16x768xf32, #tpu.memory_space<vmem>>, vector<1x16xf32>,
        %swap3A_275 = vector.shape_cast %swap3A_274 : vector<1x16xf32> to vector<16xf32>
        %swap3A_276 = vector.shape_cast %get3A_272 : vector<16xf32> to vector<1x16xf32>
        tpu.vector_store %arg15[%swap3A, %swap3A_273], %swap3A_276 {add = true, strides = array<i32>} : memref<16x768xf32, #tpu.memory_space<vmem>>, vector<1x16xf32>,
        %get3A_277 = arith.index_cast %scan3A_269 : i32 to index
        %get3A_278 = arith.constant 16 : index
        %get3A_279 = tpu.vector_load %arg16[%get3A_277, %get3A_278] {strides = array<i32>} : memref<16x768xf32, #tpu.memory_space<vmem>>, vector<1x16xf32>,
        %get3A_280 = vector.shape_cast %get3A_279 : vector<1x16xf32> to vector<16xf32>
        %swap3A_281 = arith.index_cast %scan3A_269 : i32 to index
        %swap3A_282 = arith.constant 16 : index
        %swap3A_283 = tpu.vector_load %arg15[%swap3A_281, %swap3A_282] {strides = array<i32>} : memref<16x768xf32, #tpu.memory_space<vmem>>, vector<1x16xf32>,
        %swap3A_284 = vector.shape_cast %swap3A_283 : vector<1x16xf32> to vector<16xf32>
        %swap3A_285 = vector.shape_cast %get3A_280 : vector<16xf32> to vector<1x16xf32>
        tpu.vector_store %arg15[%swap3A_281, %swap3A_282], %swap3A_285 {add = true, strides = array<i32>} : memref<16x768xf32, #tpu.memory_space<vmem>>, vector<1x16xf32>,
        %get3A_286 = arith.index_cast %scan3A_269 : i32 to index
        %get3A_287 = arith.constant 32 : index
        %get3A_288 = tpu.vector_load %arg16[%get3A_286, %get3A_287] {strides = array<i32>} : memref<16x768xf32, #tpu.memory_space<vmem>>, vector<1x16xf32>,
        %get3A_289 = vector.shape_cast %get3A_288 : vector<1x16xf32> to vector<16xf32>
        %swap3A_290 = arith.index_cast %scan3A_269 : i32 to index
        %swap3A_291 = arith.constant 32 : index
        %swap3A_292 = tpu.vector_load %arg15[%swap3A_290, %swap3A_291] {strides = array<i32>} : memref<16x768xf32, #tpu.memory_space<vmem>>, vector<1x16xf32>,
        %swap3A_293 = vector.shape_cast %swap3A_292 : vector<1x16xf32> to vector<16xf32>
        %swap3A_294 = vector.shape_cast %get3A_289 : vector<16xf32> to vector<1x16xf32>
        tpu.vector_store %arg15[%swap3A_290, %swap3A_291], %swap3A_294 {add = true, strides = array<i32>} : memref<16x768xf32, #tpu.memory_space<vmem>>, vector<1x16xf32>,
        %get3A_295 = arith.index_cast %scan3A_269 : i32 to index
        %get3A_296 = arith.constant 48 : index
        %get3A_297 = tpu.vector_load %arg16[%get3A_295, %get3A_296] {strides = array<i32>} : memref<16x768xf32, #tpu.memory_space<vmem>>, vector<1x16xf32>,
        %get3A_298 = vector.shape_cast %get3A_297 : vector<1x16xf32> to vector<16xf32>
        %swap3A_299 = arith.index_cast %scan3A_269 : i32 to index
        %swap3A_300 = arith.constant 48 : index
        %swap3A_301 = tpu.vector_load %arg15[%swap3A_299, %swap3A_300] {strides = array<i32>} : memref<16x768xf32, #tpu.memory_space<vmem>>, vector<1x16xf32>,
        %swap3A_302 = vector.shape_cast %swap3A_301 : vector<1x16xf32> to vector<16xf32>
        %swap3A_303 = vector.shape_cast %get3A_298 : vector<16xf32> to vector<1x16xf32>
        tpu.vector_store %arg15[%swap3A_299, %swap3A_300], %swap3A_303 {add = true, strides = array<i32>} : memref<16x768xf32, #tpu.memory_space<vmem>>, vector<1x16xf32>,
        %get3A_304 = arith.index_cast %scan3A_269 : i32 to index
        %get3A_305 = arith.constant 64 : index
        %get3A_306 = tpu.vector_load %arg16[%get3A_304, %get3A_305] {strides = array<i32>} : memref<16x768xf32, #tpu.memory_space<vmem>>, vector<1x16xf32>,
        %get3A_307 = vector.shape_cast %get3A_306 : vector<1x16xf32> to vector<16xf32>
        %swap3A_308 = arith.index_cast %scan3A_269 : i32 to index
        %swap3A_309 = arith.constant 64 : index
        %swap3A_310 = tpu.vector_load %arg15[%swap3A_308, %swap3A_309] {strides = array<i32>} : memref<16x768xf32, #tpu.memory_space<vmem>>, vector<1x16xf32>,
        %swap3A_311 = vector.shape_cast %swap3A_310 : vector<1x16xf32> to vector<16xf32>
        %swap3A_312 = vector.shape_cast %get3A_307 : vector<16xf32> to vector<1x16xf32>
        tpu.vector_store %arg15[%swap3A_308, %swap3A_309], %swap3A_312 {add = true, strides = array<i32>} : memref<16x768xf32, #tpu.memory_space<vmem>>, vector<1x16xf32>,
        %get3A_313 = arith.index_cast %scan3A_269 : i32 to index
        %get3A_314 = arith.constant 80 : index
        %get3A_315 = tpu.vector_load %arg16[%get3A_313, %get3A_314] {strides = array<i32>} : memref<16x768xf32, #tpu.memory_space<vmem>>, vector<1x16xf32>,
        %get3A_316 = vector.shape_cast %get3A_315 : vector<1x16xf32> to vector<16xf32>
        %swap3A_317 = arith.index_cast %scan3A_269 : i32 to index
        %swap3A_318 = arith.constant 80 : index
        %swap3A_319 = tpu.vector_load %arg15[%swap3A_317, %swap3A_318] {strides = array<i32>} : memref<16x768xf32, #tpu.memory_space<vmem>>, vector<1x16xf32>,
        %swap3A_320 = vector.shape_cast %swap3A_319 : vector<1x16xf32> to vector<16xf32>
        %swap3A_321 = vector.shape_cast %get3A_316 : vector<16xf32> to vector<1x16xf32>
        tpu.vector_store %arg15[%swap3A_317, %swap3A_318], %swap3A_321 {add = true, strides = array<i32>} : memref<16x768xf32, #tpu.memory_space<vmem>>, vector<1x16xf32>,
        %get3A_322 = arith.index_cast %scan3A_269 : i32 to index
        %get3A_323 = arith.constant 96 : index
        %get3A_324 = tpu.vector_load %arg16[%get3A_322, %get3A_323] {strides = array<i32>} : memref<16x768xf32, #tpu.memory_space<vmem>>, vector<1x16xf32>,
        %get3A_325 = vector.shape_cast %get3A_324 : vector<1x16xf32> to vector<16xf32>
        %swap3A_326 = arith.index_cast %scan3A_269 : i32 to index
        %swap3A_327 = arith.constant 96 : index
        %swap3A_328 = tpu.vector_load %arg15[%swap3A_326, %swap3A_327] {strides = array<i32>} : memref<16x768xf32, #tpu.memory_space<vmem>>, vector<1x16xf32>,
        %swap3A_329 = vector.shape_cast %swap3A_328 : vector<1x16xf32> to vector<16xf32>
        %swap3A_330 = vector.shape_cast %get3A_325 : vector<16xf32> to vector<1x16xf32>
        tpu.vector_store %arg15[%swap3A_326, %swap3A_327], %swap3A_330 {add = true, strides = array<i32>} : memref<16x768xf32, #tpu.memory_space<vmem>>, vector<1x16xf32>,
        %get3A_331 = arith.index_cast %scan3A_269 : i32 to index
        %get3A_332 = arith.constant 112 : index
        %get3A_333 = tpu.vector_load %arg16[%get3A_331, %get3A_332] {strides = array<i32>} : memref<16x768xf32, #tpu.memory_space<vmem>>, vector<1x16xf32>,
        %get3A_334 = vector.shape_cast %get3A_333 : vector<1x16xf32> to vector<16xf32>
        %swap3A_335 = arith.index_cast %scan3A_269 : i32 to index
        %swap3A_336 = arith.constant 112 : index
        %swap3A_337 = tpu.vector_load %arg15[%swap3A_335, %swap3A_336] {strides = array<i32>} : memref<16x768xf32, #tpu.memory_space<vmem>>, vector<1x16xf32>,
        %swap3A_338 = vector.shape_cast %swap3A_337 : vector<1x16xf32> to vector<16xf32>
        %swap3A_339 = vector.shape_cast %get3A_334 : vector<16xf32> to vector<1x16xf32>
        tpu.vector_store %arg15[%swap3A_335, %swap3A_336], %swap3A_339 {add = true, strides = array<i32>} : memref<16x768xf32, #tpu.memory_space<vmem>>, vector<1x16xf32>,
        %get3A_340 = arith.index_cast %scan3A_269 : i32 to index
        %get3A_341 = arith.constant 128 : index
        %get3A_342 = tpu.vector_load %arg16[%get3A_340, %get3A_341] {strides = array<i32>} : memref<16x768xf32, #tpu.memory_space<vmem>>, vector<1x16xf32>,
        %get3A_343 = vector.shape_cast %get3A_342 : vector<1x16xf32> to vector<16xf32>
        %swap3A_344 = arith.index_cast %scan3A_269 : i32 to index
        %swap3A_345 = arith.constant 128 : index
        %swap3A_346 = tpu.vector_load %arg15[%swap3A_344, %swap3A_345] {strides = array<i32>} : memref<16x768xf32, #tpu.memory_space<vmem>>, vector<1x16xf32>,
        %swap3A_347 = vector.shape_cast %swap3A_346 : vector<1x16xf32> to vector<16xf32>
        %swap3A_348 = vector.shape_cast %get3A_343 : vector<16xf32> to vector<1x16xf32>
        tpu.vector_store %arg15[%swap3A_344, %swap3A_345], %swap3A_348 {add = true, strides = array<i32>} : memref<16x768xf32, #tpu.memory_space<vmem>>, vector<1x16xf32>,
        %get3A_349 = arith.index_cast %scan3A_269 : i32 to index
        %get3A_350 = arith.constant 144 : index
        %get3A_351 = tpu.vector_load %arg16[%get3A_349, %get3A_350] {strides = array<i32>} : memref<16x768xf32, #tpu.memory_space<vmem>>, vector<1x16xf32>,
        %get3A_352 = vector.shape_cast %get3A_351 : vector<1x16xf32> to vector<16xf32>
        %swap3A_353 = arith.index_cast %scan3A_269 : i32 to index
        %swap3A_354 = arith.constant 144 : index
        %swap3A_355 = tpu.vector_load %arg15[%swap3A_353, %swap3A_354] {strides = array<i32>} : memref<16x768xf32, #tpu.memory_space<vmem>>, vector<1x16xf32>,
        %swap3A_356 = vector.shape_cast %swap3A_355 : vector<1x16xf32> to vector<16xf32>
        %swap3A_357 = vector.shape_cast %get3A_352 : vector<16xf32> to vector<1x16xf32>
        tpu.vector_store %arg15[%swap3A_353, %swap3A_354], %swap3A_357 {add = true, strides = array<i32>} : memref<16x768xf32, #tpu.memory_space<vmem>>, vector<1x16xf32>,
        %get3A_358 = arith.index_cast %scan3A_269 : i32 to index
        %get3A_359 = arith.constant 160 : index
        %get3A_360 = tpu.vector_load %arg16[%get3A_358, %get3A_359] {strides = array<i32>} : memref<16x768xf32, #tpu.memory_space<vmem>>, vector<1x16xf32>,
        %get3A_361 = vector.shape_cast %get3A_360 : vector<1x16xf32> to vector<16xf32>
        %swap3A_362 = arith.index_cast %scan3A_269 : i32 to index
        %swap3A_363 = arith.constant 160 : index
        %swap3A_364 = tpu.vector_load %arg15[%swap3A_362, %swap3A_363] {strides = array<i32>} : memref<16x768xf32, #tpu.memory_space<vmem>>, vector<1x16xf32>,
        %swap3A_365 = vector.shape_cast %swap3A_364 : vector<1x16xf32> to vector<16xf32>
        %swap3A_366 = vector.shape_cast %get3A_361 : vector<16xf32> to vector<1x16xf32>
        tpu.vector_store %arg15[%swap3A_362, %swap3A_363], %swap3A_366 {add = true, strides = array<i32>} : memref<16x768xf32, #tpu.memory_space<vmem>>, vector<1x16xf32>,
        %get3A_367 = arith.index_cast %scan3A_269 : i32 to index
        %get3A_368 = arith.constant 176 : index
        %get3A_369 = tpu.vector_load %arg16[%get3A_367, %get3A_368] {strides = array<i32>} : memref<16x768xf32, #tpu.memory_space<vmem>>, vector<1x16xf32>,
        %get3A_370 = vector.shape_cast %get3A_369 : vector<1x16xf32> to vector<16xf32>
        %swap3A_371 = arith.index_cast %scan3A_269 : i32 to index
        %swap3A_372 = arith.constant 176 : index
        %swap3A_373 = tpu.vector_load %arg15[%swap3A_371, %swap3A_372] {strides = array<i32>} : memref<16x768xf32, #tpu.memory_space<vmem>>, vector<1x16xf32>,
        %swap3A_374 = vector.shape_cast %swap3A_373 : vector<1x16xf32> to vector<16xf32>
        %swap3A_375 = vector.shape_cast %get3A_370 : vector<16xf32> to vector<1x16xf32>
        tpu.vector_store %arg15[%swap3A_371, %swap3A_372], %swap3A_375 {add = true, strides = array<i32>} : memref<16x768xf32, #tpu.memory_space<vmem>>, vector<1x16xf32>,
        %get3A_376 = arith.index_cast %scan3A_269 : i32 to index
        %get3A_377 = arith.constant 192 : index
        %get3A_378 = tpu.vector_load %arg16[%get3A_376, %get3A_377] {strides = array<i32>} : memref<16x768xf32, #tpu.memory_space<vmem>>, vector<1x16xf32>,
        %get3A_379 = vector.shape_cast %get3A_378 : vector<1x16xf32> to vector<16xf32>
        %swap3A_380 = arith.index_cast %scan3A_269 : i32 to index
        %swap3A_381 = arith.constant 192 : index
        %swap3A_382 = tpu.vector_load %arg15[%swap3A_380, %swap3A_381] {strides = array<i32>} : memref<16x768xf32, #tpu.memory_space<vmem>>, vector<1x16xf32>,
        %swap3A_383 = vector.shape_cast %swap3A_382 : vector<1x16xf32> to vector<16xf32>
        %swap3A_384 = vector.shape_cast %get3A_379 : vector<16xf32> to vector<1x16xf32>
        tpu.vector_store %arg15[%swap3A_380, %swap3A_381], %swap3A_384 {add = true, strides = array<i32>} : memref<16x768xf32, #tpu.memory_space<vmem>>, vector<1x16xf32>,
        %get3A_385 = arith.index_cast %scan3A_269 : i32 to index
        %get3A_386 = arith.constant 208 : index
        %get3A_387 = tpu.vector_load %arg16[%get3A_385, %get3A_386] {strides = array<i32>} : memref<16x768xf32, #tpu.memory_space<vmem>>, vector<1x16xf32>,
        %get3A_388 = vector.shape_cast %get3A_387 : vector<1x16xf32> to vector<16xf32>
        %swap3A_389 = arith.index_cast %scan3A_269 : i32 to index
        %swap3A_390 = arith.constant 208 : index
        %swap3A_391 = tpu.vector_load %arg15[%swap3A_389, %swap3A_390] {strides = array<i32>} : memref<16x768xf32, #tpu.memory_space<vmem>>, vector<1x16xf32>,
        %swap3A_392 = vector.shape_cast %swap3A_391 : vector<1x16xf32> to vector<16xf32>
        %swap3A_393 = vector.shape_cast %get3A_388 : vector<16xf32> to vector<1x16xf32>
        tpu.vector_store %arg15[%swap3A_389, %swap3A_390], %swap3A_393 {add = true, strides = array<i32>} : memref<16x768xf32, #tpu.memory_space<vmem>>, vector<1x16xf32>,
        %get3A_394 = arith.index_cast %scan3A_269 : i32 to index
        %get3A_395 = arith.constant 224 : index
        %get3A_396 = tpu.vector_load %arg16[%get3A_394, %get3A_395] {strides = array<i32>} : memref<16x768xf32, #tpu.memory_space<vmem>>, vector<1x16xf32>,
        %get3A_397 = vector.shape_cast %get3A_396 : vector<1x16xf32> to vector<16xf32>
        %swap3A_398 = arith.index_cast %scan3A_269 : i32 to index
        %swap3A_399 = arith.constant 224 : index
        %swap3A_400 = tpu.vector_load %arg15[%swap3A_398, %swap3A_399] {strides = array<i32>} : memref<16x768xf32, #tpu.memory_space<vmem>>, vector<1x16xf32>,
        %swap3A_401 = vector.shape_cast %swap3A_400 : vector<1x16xf32> to vector<16xf32>
        %swap3A_402 = vector.shape_cast %get3A_397 : vector<16xf32> to vector<1x16xf32>
        tpu.vector_store %arg15[%swap3A_398, %swap3A_399], %swap3A_402 {add = true, strides = array<i32>} : memref<16x768xf32, #tpu.memory_space<vmem>>, vector<1x16xf32>,
        %get3A_403 = arith.index_cast %scan3A_269 : i32 to index
        %get3A_404 = arith.constant 240 : index
        %get3A_405 = tpu.vector_load %arg16[%get3A_403, %get3A_404] {strides = array<i32>} : memref<16x768xf32, #tpu.memory_space<vmem>>, vector<1x16xf32>,
        %get3A_406 = vector.shape_cast %get3A_405 : vector<1x16xf32> to vector<16xf32>
        %swap3A_407 = arith.index_cast %scan3A_269 : i32 to index
        %swap3A_408 = arith.constant 240 : index
        %swap3A_409 = tpu.vector_load %arg15[%swap3A_407, %swap3A_408] {strides = array<i32>} : memref<16x768xf32, #tpu.memory_space<vmem>>, vector<1x16xf32>,
        %swap3A_410 = vector.shape_cast %swap3A_409 : vector<1x16xf32> to vector<16xf32>
        %swap3A_411 = vector.shape_cast %get3A_406 : vector<16xf32> to vector<1x16xf32>
        tpu.vector_store %arg15[%swap3A_407, %swap3A_408], %swap3A_411 {add = true, strides = array<i32>} : memref<16x768xf32, #tpu.memory_space<vmem>>, vector<1x16xf32>,
        %get3A_412 = arith.index_cast %scan3A_269 : i32 to index
        %get3A_413 = arith.constant 256 : index
        %get3A_414 = tpu.vector_load %arg16[%get3A_412, %get3A_413] {strides = array<i32>} : memref<16x768xf32, #tpu.memory_space<vmem>>, vector<1x16xf32>,
        %get3A_415 = vector.shape_cast %get3A_414 : vector<1x16xf32> to vector<16xf32>
        %swap3A_416 = arith.index_cast %scan3A_269 : i32 to index
        %swap3A_417 = arith.constant 256 : index
        %swap3A_418 = tpu.vector_load %arg15[%swap3A_416, %swap3A_417] {strides = array<i32>} : memref<16x768xf32, #tpu.memory_space<vmem>>, vector<1x16xf32>,
        %swap3A_419 = vector.shape_cast %swap3A_418 : vector<1x16xf32> to vector<16xf32>
        %swap3A_420 = vector.shape_cast %get3A_415 : vector<16xf32> to vector<1x16xf32>
        tpu.vector_store %arg15[%swap3A_416, %swap3A_417], %swap3A_420 {add = true, strides = array<i32>} : memref<16x768xf32, #tpu.memory_space<vmem>>, vector<1x16xf32>,
        %get3A_421 = arith.index_cast %scan3A_269 : i32 to index
        %get3A_422 = arith.constant 272 : index
        %get3A_423 = tpu.vector_load %arg16[%get3A_421, %get3A_422] {strides = array<i32>} : memref<16x768xf32, #tpu.memory_space<vmem>>, vector<1x16xf32>,
        %get3A_424 = vector.shape_cast %get3A_423 : vector<1x16xf32> to vector<16xf32>
        %swap3A_425 = arith.index_cast %scan3A_269 : i32 to index
        %swap3A_426 = arith.constant 272 : index
        %swap3A_427 = tpu.vector_load %arg15[%swap3A_425, %swap3A_426] {strides = array<i32>} : memref<16x768xf32, #tpu.memory_space<vmem>>, vector<1x16xf32>,
        %swap3A_428 = vector.shape_cast %swap3A_427 : vector<1x16xf32> to vector<16xf32>
        %swap3A_429 = vector.shape_cast %get3A_424 : vector<16xf32> to vector<1x16xf32>
        tpu.vector_store %arg15[%swap3A_425, %swap3A_426], %swap3A_429 {add = true, strides = array<i32>} : memref<16x768xf32, #tpu.memory_space<vmem>>, vector<1x16xf32>,
        %get3A_430 = arith.index_cast %scan3A_269 : i32 to index
        %get3A_431 = arith.constant 288 : index
        %get3A_432 = tpu.vector_load %arg16[%get3A_430, %get3A_431] {strides = array<i32>} : memref<16x768xf32, #tpu.memory_space<vmem>>, vector<1x16xf32>,
        %get3A_433 = vector.shape_cast %get3A_432 : vector<1x16xf32> to vector<16xf32>
        %swap3A_434 = arith.index_cast %scan3A_269 : i32 to index
        %swap3A_435 = arith.constant 288 : index
        %swap3A_436 = tpu.vector_load %arg15[%swap3A_434, %swap3A_435] {strides = array<i32>} : memref<16x768xf32, #tpu.memory_space<vmem>>, vector<1x16xf32>,
        %swap3A_437 = vector.shape_cast %swap3A_436 : vector<1x16xf32> to vector<16xf32>
        %swap3A_438 = vector.shape_cast %get3A_433 : vector<16xf32> to vector<1x16xf32>
        tpu.vector_store %arg15[%swap3A_434, %swap3A_435], %swap3A_438 {add = true, strides = array<i32>} : memref<16x768xf32, #tpu.memory_space<vmem>>, vector<1x16xf32>,
        %get3A_439 = arith.index_cast %scan3A_269 : i32 to index
        %get3A_440 = arith.constant 304 : index
        %get3A_441 = tpu.vector_load %arg16[%get3A_439, %get3A_440] {strides = array<i32>} : memref<16x768xf32, #tpu.memory_space<vmem>>, vector<1x16xf32>,
        %get3A_442 = vector.shape_cast %get3A_441 : vector<1x16xf32> to vector<16xf32>
        %swap3A_443 = arith.index_cast %scan3A_269 : i32 to index
        %swap3A_444 = arith.constant 304 : index
        %swap3A_445 = tpu.vector_load %arg15[%swap3A_443, %swap3A_444] {strides = array<i32>} : memref<16x768xf32, #tpu.memory_space<vmem>>, vector<1x16xf32>,
        %swap3A_446 = vector.shape_cast %swap3A_445 : vector<1x16xf32> to vector<16xf32>
        %swap3A_447 = vector.shape_cast %get3A_442 : vector<16xf32> to vector<1x16xf32>
        tpu.vector_store %arg15[%swap3A_443, %swap3A_444], %swap3A_447 {add = true, strides = array<i32>} : memref<16x768xf32, #tpu.memory_space<vmem>>, vector<1x16xf32>,
        %get3A_448 = arith.index_cast %scan3A_269 : i32 to index
        %get3A_449 = arith.constant 320 : index
        %get3A_450 = tpu.vector_load %arg16[%get3A_448, %get3A_449] {strides = array<i32>} : memref<16x768xf32, #tpu.memory_space<vmem>>, vector<1x16xf32>,
        %get3A_451 = vector.shape_cast %get3A_450 : vector<1x16xf32> to vector<16xf32>
        %swap3A_452 = arith.index_cast %scan3A_269 : i32 to index
        %swap3A_453 = arith.constant 320 : index
        %swap3A_454 = tpu.vector_load %arg15[%swap3A_452, %swap3A_453] {strides = array<i32>} : memref<16x768xf32, #tpu.memory_space<vmem>>, vector<1x16xf32>,
        %swap3A_455 = vector.shape_cast %swap3A_454 : vector<1x16xf32> to vector<16xf32>
        %swap3A_456 = vector.shape_cast %get3A_451 : vector<16xf32> to vector<1x16xf32>
        tpu.vector_store %arg15[%swap3A_452, %swap3A_453], %swap3A_456 {add = true, strides = array<i32>} : memref<16x768xf32, #tpu.memory_space<vmem>>, vector<1x16xf32>,
        %get3A_457 = arith.index_cast %scan3A_269 : i32 to index
        %get3A_458 = arith.constant 336 : index
        %get3A_459 = tpu.vector_load %arg16[%get3A_457, %get3A_458] {strides = array<i32>} : memref<16x768xf32, #tpu.memory_space<vmem>>, vector<1x16xf32>,
        %get3A_460 = vector.shape_cast %get3A_459 : vector<1x16xf32> to vector<16xf32>
        %swap3A_461 = arith.index_cast %scan3A_269 : i32 to index
        %swap3A_462 = arith.constant 336 : index
        %swap3A_463 = tpu.vector_load %arg15[%swap3A_461, %swap3A_462] {strides = array<i32>} : memref<16x768xf32, #tpu.memory_space<vmem>>, vector<1x16xf32>,
        %swap3A_464 = vector.shape_cast %swap3A_463 : vector<1x16xf32> to vector<16xf32>
        %swap3A_465 = vector.shape_cast %get3A_460 : vector<16xf32> to vector<1x16xf32>
        tpu.vector_store %arg15[%swap3A_461, %swap3A_462], %swap3A_465 {add = true, strides = array<i32>} : memref<16x768xf32, #tpu.memory_space<vmem>>, vector<1x16xf32>,
        %get3A_466 = arith.index_cast %scan3A_269 : i32 to index
        %get3A_467 = arith.constant 352 : index
        %get3A_468 = tpu.vector_load %arg16[%get3A_466, %get3A_467] {strides = array<i32>} : memref<16x768xf32, #tpu.memory_space<vmem>>, vector<1x16xf32>,
        %get3A_469 = vector.shape_cast %get3A_468 : vector<1x16xf32> to vector<16xf32>
        %swap3A_470 = arith.index_cast %scan3A_269 : i32 to index
        %swap3A_471 = arith.constant 352 : index
        %swap3A_472 = tpu.vector_load %arg15[%swap3A_470, %swap3A_471] {strides = array<i32>} : memref<16x768xf32, #tpu.memory_space<vmem>>, vector<1x16xf32>,
        %swap3A_473 = vector.shape_cast %swap3A_472 : vector<1x16xf32> to vector<16xf32>
        %swap3A_474 = vector.shape_cast %get3A_469 : vector<16xf32> to vector<1x16xf32>
        tpu.vector_store %arg15[%swap3A_470, %swap3A_471], %swap3A_474 {add = true, strides = array<i32>} : memref<16x768xf32, #tpu.memory_space<vmem>>, vector<1x16xf32>,
        %get3A_475 = arith.index_cast %scan3A_269 : i32 to index
        %get3A_476 = arith.constant 368 : index
        %get3A_477 = tpu.vector_load %arg16[%get3A_475, %get3A_476] {strides = array<i32>} : memref<16x768xf32, #tpu.memory_space<vmem>>, vector<1x16xf32>,
        %get3A_478 = vector.shape_cast %get3A_477 : vector<1x16xf32> to vector<16xf32>
        %swap3A_479 = arith.index_cast %scan3A_269 : i32 to index
        %swap3A_480 = arith.constant 368 : index
        %swap3A_481 = tpu.vector_load %arg15[%swap3A_479, %swap3A_480] {strides = array<i32>} : memref<16x768xf32, #tpu.memory_space<vmem>>, vector<1x16xf32>,
        %swap3A_482 = vector.shape_cast %swap3A_481 : vector<1x16xf32> to vector<16xf32>
        %swap3A_483 = vector.shape_cast %get3A_478 : vector<16xf32> to vector<1x16xf32>
        tpu.vector_store %arg15[%swap3A_479, %swap3A_480], %swap3A_483 {add = true, strides = array<i32>} : memref<16x768xf32, #tpu.memory_space<vmem>>, vector<1x16xf32>,
        %get3A_484 = arith.index_cast %scan3A_269 : i32 to index
        %get3A_485 = arith.constant 384 : index
        %get3A_486 = tpu.vector_load %arg16[%get3A_484, %get3A_485] {strides = array<i32>} : memref<16x768xf32, #tpu.memory_space<vmem>>, vector<1x16xf32>,
        %get3A_487 = vector.shape_cast %get3A_486 : vector<1x16xf32> to vector<16xf32>
        %swap3A_488 = arith.index_cast %scan3A_269 : i32 to index
        %swap3A_489 = arith.constant 384 : index
        %swap3A_490 = tpu.vector_load %arg15[%swap3A_488, %swap3A_489] {strides = array<i32>} : memref<16x768xf32, #tpu.memory_space<vmem>>, vector<1x16xf32>,
        %swap3A_491 = vector.shape_cast %swap3A_490 : vector<1x16xf32> to vector<16xf32>
        %swap3A_492 = vector.shape_cast %get3A_487 : vector<16xf32> to vector<1x16xf32>
        tpu.vector_store %arg15[%swap3A_488, %swap3A_489], %swap3A_492 {add = true, strides = array<i32>} : memref<16x768xf32, #tpu.memory_space<vmem>>, vector<1x16xf32>,
        %get3A_493 = arith.index_cast %scan3A_269 : i32 to index
        %get3A_494 = arith.constant 400 : index
        %get3A_495 = tpu.vector_load %arg16[%get3A_493, %get3A_494] {strides = array<i32>} : memref<16x768xf32, #tpu.memory_space<vmem>>, vector<1x16xf32>,
        %get3A_496 = vector.shape_cast %get3A_495 : vector<1x16xf32> to vector<16xf32>
        %swap3A_497 = arith.index_cast %scan3A_269 : i32 to index
        %swap3A_498 = arith.constant 400 : index
        %swap3A_499 = tpu.vector_load %arg15[%swap3A_497, %swap3A_498] {strides = array<i32>} : memref<16x768xf32, #tpu.memory_space<vmem>>, vector<1x16xf32>,
        %swap3A_500 = vector.shape_cast %swap3A_499 : vector<1x16xf32> to vector<16xf32>
        %swap3A_501 = vector.shape_cast %get3A_496 : vector<16xf32> to vector<1x16xf32>
        tpu.vector_store %arg15[%swap3A_497, %swap3A_498], %swap3A_501 {add = true, strides = array<i32>} : memref<16x768xf32, #tpu.memory_space<vmem>>, vector<1x16xf32>,
        %get3A_502 = arith.index_cast %scan3A_269 : i32 to index
        %get3A_503 = arith.constant 416 : index
        %get3A_504 = tpu.vector_load %arg16[%get3A_502, %get3A_503] {strides = array<i32>} : memref<16x768xf32, #tpu.memory_space<vmem>>, vector<1x16xf32>,
        %get3A_505 = vector.shape_cast %get3A_504 : vector<1x16xf32> to vector<16xf32>
        %swap3A_506 = arith.index_cast %scan3A_269 : i32 to index
        %swap3A_507 = arith.constant 416 : index
        %swap3A_508 = tpu.vector_load %arg15[%swap3A_506, %swap3A_507] {strides = array<i32>} : memref<16x768xf32, #tpu.memory_space<vmem>>, vector<1x16xf32>,
        %swap3A_509 = vector.shape_cast %swap3A_508 : vector<1x16xf32> to vector<16xf32>
        %swap3A_510 = vector.shape_cast %get3A_505 : vector<16xf32> to vector<1x16xf32>
        tpu.vector_store %arg15[%swap3A_506, %swap3A_507], %swap3A_510 {add = true, strides = array<i32>} : memref<16x768xf32, #tpu.memory_space<vmem>>, vector<1x16xf32>,
        %get3A_511 = arith.index_cast %scan3A_269 : i32 to index
        %get3A_512 = arith.constant 432 : index
        %get3A_513 = tpu.vector_load %arg16[%get3A_511, %get3A_512] {strides = array<i32>} : memref<16x768xf32, #tpu.memory_space<vmem>>, vector<1x16xf32>,
        %get3A_514 = vector.shape_cast %get3A_513 : vector<1x16xf32> to vector<16xf32>
        %swap3A_515 = arith.index_cast %scan3A_269 : i32 to index
        %swap3A_516 = arith.constant 432 : index
        %swap3A_517 = tpu.vector_load %arg15[%swap3A_515, %swap3A_516] {strides = array<i32>} : memref<16x768xf32, #tpu.memory_space<vmem>>, vector<1x16xf32>,
        %swap3A_518 = vector.shape_cast %swap3A_517 : vector<1x16xf32> to vector<16xf32>
        %swap3A_519 = vector.shape_cast %get3A_514 : vector<16xf32> to vector<1x16xf32>
        tpu.vector_store %arg15[%swap3A_515, %swap3A_516], %swap3A_519 {add = true, strides = array<i32>} : memref<16x768xf32, #tpu.memory_space<vmem>>, vector<1x16xf32>,
        %get3A_520 = arith.index_cast %scan3A_269 : i32 to index
        %get3A_521 = arith.constant 448 : index
        %get3A_522 = tpu.vector_load %arg16[%get3A_520, %get3A_521] {strides = array<i32>} : memref<16x768xf32, #tpu.memory_space<vmem>>, vector<1x16xf32>,
        %get3A_523 = vector.shape_cast %get3A_522 : vector<1x16xf32> to vector<16xf32>
        %swap3A_524 = arith.index_cast %scan3A_269 : i32 to index
        %swap3A_525 = arith.constant 448 : index
        %swap3A_526 = tpu.vector_load %arg15[%swap3A_524, %swap3A_525] {strides = array<i32>} : memref<16x768xf32, #tpu.memory_space<vmem>>, vector<1x16xf32>,
        %swap3A_527 = vector.shape_cast %swap3A_526 : vector<1x16xf32> to vector<16xf32>
        %swap3A_528 = vector.shape_cast %get3A_523 : vector<16xf32> to vector<1x16xf32>
        tpu.vector_store %arg15[%swap3A_524, %swap3A_525], %swap3A_528 {add = true, strides = array<i32>} : memref<16x768xf32, #tpu.memory_space<vmem>>, vector<1x16xf32>,
        %get3A_529 = arith.index_cast %scan3A_269 : i32 to index
        %get3A_530 = arith.constant 464 : index
        %get3A_531 = tpu.vector_load %arg16[%get3A_529, %get3A_530] {strides = array<i32>} : memref<16x768xf32, #tpu.memory_space<vmem>>, vector<1x16xf32>,
        %get3A_532 = vector.shape_cast %get3A_531 : vector<1x16xf32> to vector<16xf32>
        %swap3A_533 = arith.index_cast %scan3A_269 : i32 to index
        %swap3A_534 = arith.constant 464 : index
        %swap3A_535 = tpu.vector_load %arg15[%swap3A_533, %swap3A_534] {strides = array<i32>} : memref<16x768xf32, #tpu.memory_space<vmem>>, vector<1x16xf32>,
        %swap3A_536 = vector.shape_cast %swap3A_535 : vector<1x16xf32> to vector<16xf32>
        %swap3A_537 = vector.shape_cast %get3A_532 : vector<16xf32> to vector<1x16xf32>
        tpu.vector_store %arg15[%swap3A_533, %swap3A_534], %swap3A_537 {add = true, strides = array<i32>} : memref<16x768xf32, #tpu.memory_space<vmem>>, vector<1x16xf32>,
        %get3A_538 = arith.index_cast %scan3A_269 : i32 to index
        %get3A_539 = arith.constant 480 : index
        %get3A_540 = tpu.vector_load %arg16[%get3A_538, %get3A_539] {strides = array<i32>} : memref<16x768xf32, #tpu.memory_space<vmem>>, vector<1x16xf32>,
        %get3A_541 = vector.shape_cast %get3A_540 : vector<1x16xf32> to vector<16xf32>
        %swap3A_542 = arith.index_cast %scan3A_269 : i32 to index
        %swap3A_543 = arith.constant 480 : index
        %swap3A_544 = tpu.vector_load %arg15[%swap3A_542, %swap3A_543] {strides = array<i32>} : memref<16x768xf32, #tpu.memory_space<vmem>>, vector<1x16xf32>,
        %swap3A_545 = vector.shape_cast %swap3A_544 : vector<1x16xf32> to vector<16xf32>
        %swap3A_546 = vector.shape_cast %get3A_541 : vector<16xf32> to vector<1x16xf32>
        tpu.vector_store %arg15[%swap3A_542, %swap3A_543], %swap3A_546 {add = true, strides = array<i32>} : memref<16x768xf32, #tpu.memory_space<vmem>>, vector<1x16xf32>,
        %get3A_547 = arith.index_cast %scan3A_269 : i32 to index
        %get3A_548 = arith.constant 496 : index
        %get3A_549 = tpu.vector_load %arg16[%get3A_547, %get3A_548] {strides = array<i32>} : memref<16x768xf32, #tpu.memory_space<vmem>>, vector<1x16xf32>,
        %get3A_550 = vector.shape_cast %get3A_549 : vector<1x16xf32> to vector<16xf32>
        %swap3A_551 = arith.index_cast %scan3A_269 : i32 to index
        %swap3A_552 = arith.constant 496 : index
        %swap3A_553 = tpu.vector_load %arg15[%swap3A_551, %swap3A_552] {strides = array<i32>} : memref<16x768xf32, #tpu.memory_space<vmem>>, vector<1x16xf32>,
        %swap3A_554 = vector.shape_cast %swap3A_553 : vector<1x16xf32> to vector<16xf32>
        %swap3A_555 = vector.shape_cast %get3A_550 : vector<16xf32> to vector<1x16xf32>
        tpu.vector_store %arg15[%swap3A_551, %swap3A_552], %swap3A_555 {add = true, strides = array<i32>} : memref<16x768xf32, #tpu.memory_space<vmem>>, vector<1x16xf32>,
        %get3A_556 = arith.index_cast %scan3A_269 : i32 to index
        %get3A_557 = arith.constant 512 : index
        %get3A_558 = tpu.vector_load %arg16[%get3A_556, %get3A_557] {strides = array<i32>} : memref<16x768xf32, #tpu.memory_space<vmem>>, vector<1x16xf32>,
        %get3A_559 = vector.shape_cast %get3A_558 : vector<1x16xf32> to vector<16xf32>
        %swap3A_560 = arith.index_cast %scan3A_269 : i32 to index
        %swap3A_561 = arith.constant 512 : index
        %swap3A_562 = tpu.vector_load %arg15[%swap3A_560, %swap3A_561] {strides = array<i32>} : memref<16x768xf32, #tpu.memory_space<vmem>>, vector<1x16xf32>,
        %swap3A_563 = vector.shape_cast %swap3A_562 : vector<1x16xf32> to vector<16xf32>
        %swap3A_564 = vector.shape_cast %get3A_559 : vector<16xf32> to vector<1x16xf32>
        tpu.vector_store %arg15[%swap3A_560, %swap3A_561], %swap3A_564 {add = true, strides = array<i32>} : memref<16x768xf32, #tpu.memory_space<vmem>>, vector<1x16xf32>,
        %get3A_565 = arith.index_cast %scan3A_269 : i32 to index
        %get3A_566 = arith.constant 528 : index
        %get3A_567 = tpu.vector_load %arg16[%get3A_565, %get3A_566] {strides = array<i32>} : memref<16x768xf32, #tpu.memory_space<vmem>>, vector<1x16xf32>,
        %get3A_568 = vector.shape_cast %get3A_567 : vector<1x16xf32> to vector<16xf32>
        %swap3A_569 = arith.index_cast %scan3A_269 : i32 to index
        %swap3A_570 = arith.constant 528 : index
        %swap3A_571 = tpu.vector_load %arg15[%swap3A_569, %swap3A_570] {strides = array<i32>} : memref<16x768xf32, #tpu.memory_space<vmem>>, vector<1x16xf32>,
        %swap3A_572 = vector.shape_cast %swap3A_571 : vector<1x16xf32> to vector<16xf32>
        %swap3A_573 = vector.shape_cast %get3A_568 : vector<16xf32> to vector<1x16xf32>
        tpu.vector_store %arg15[%swap3A_569, %swap3A_570], %swap3A_573 {add = true, strides = array<i32>} : memref<16x768xf32, #tpu.memory_space<vmem>>, vector<1x16xf32>,
        %get3A_574 = arith.index_cast %scan3A_269 : i32 to index
        %get3A_575 = arith.constant 544 : index
        %get3A_576 = tpu.vector_load %arg16[%get3A_574, %get3A_575] {strides = array<i32>} : memref<16x768xf32, #tpu.memory_space<vmem>>, vector<1x16xf32>,
        %get3A_577 = vector.shape_cast %get3A_576 : vector<1x16xf32> to vector<16xf32>
        %swap3A_578 = arith.index_cast %scan3A_269 : i32 to index
        %swap3A_579 = arith.constant 544 : index
        %swap3A_580 = tpu.vector_load %arg15[%swap3A_578, %swap3A_579] {strides = array<i32>} : memref<16x768xf32, #tpu.memory_space<vmem>>, vector<1x16xf32>,
        %swap3A_581 = vector.shape_cast %swap3A_580 : vector<1x16xf32> to vector<16xf32>
        %swap3A_582 = vector.shape_cast %get3A_577 : vector<16xf32> to vector<1x16xf32>
        tpu.vector_store %arg15[%swap3A_578, %swap3A_579], %swap3A_582 {add = true, strides = array<i32>} : memref<16x768xf32, #tpu.memory_space<vmem>>, vector<1x16xf32>,
        %get3A_583 = arith.index_cast %scan3A_269 : i32 to index
        %get3A_584 = arith.constant 560 : index
        %get3A_585 = tpu.vector_load %arg16[%get3A_583, %get3A_584] {strides = array<i32>} : memref<16x768xf32, #tpu.memory_space<vmem>>, vector<1x16xf32>,
        %get3A_586 = vector.shape_cast %get3A_585 : vector<1x16xf32> to vector<16xf32>
        %swap3A_587 = arith.index_cast %scan3A_269 : i32 to index
        %swap3A_588 = arith.constant 560 : index
        %swap3A_589 = tpu.vector_load %arg15[%swap3A_587, %swap3A_588] {strides = array<i32>} : memref<16x768xf32, #tpu.memory_space<vmem>>, vector<1x16xf32>,
        %swap3A_590 = vector.shape_cast %swap3A_589 : vector<1x16xf32> to vector<16xf32>
        %swap3A_591 = vector.shape_cast %get3A_586 : vector<16xf32> to vector<1x16xf32>
        tpu.vector_store %arg15[%swap3A_587, %swap3A_588], %swap3A_591 {add = true, strides = array<i32>} : memref<16x768xf32, #tpu.memory_space<vmem>>, vector<1x16xf32>,
        %get3A_592 = arith.index_cast %scan3A_269 : i32 to index
        %get3A_593 = arith.constant 576 : index
        %get3A_594 = tpu.vector_load %arg16[%get3A_592, %get3A_593] {strides = array<i32>} : memref<16x768xf32, #tpu.memory_space<vmem>>, vector<1x16xf32>,
        %get3A_595 = vector.shape_cast %get3A_594 : vector<1x16xf32> to vector<16xf32>
        %swap3A_596 = arith.index_cast %scan3A_269 : i32 to index
        %swap3A_597 = arith.constant 576 : index
        %swap3A_598 = tpu.vector_load %arg15[%swap3A_596, %swap3A_597] {strides = array<i32>} : memref<16x768xf32, #tpu.memory_space<vmem>>, vector<1x16xf32>,
        %swap3A_599 = vector.shape_cast %swap3A_598 : vector<1x16xf32> to vector<16xf32>
        %swap3A_600 = vector.shape_cast %get3A_595 : vector<16xf32> to vector<1x16xf32>
        tpu.vector_store %arg15[%swap3A_596, %swap3A_597], %swap3A_600 {add = true, strides = array<i32>} : memref<16x768xf32, #tpu.memory_space<vmem>>, vector<1x16xf32>,
        %get3A_601 = arith.index_cast %scan3A_269 : i32 to index
        %get3A_602 = arith.constant 592 : index
        %get3A_603 = tpu.vector_load %arg16[%get3A_601, %get3A_602] {strides = array<i32>} : memref<16x768xf32, #tpu.memory_space<vmem>>, vector<1x16xf32>,
        %get3A_604 = vector.shape_cast %get3A_603 : vector<1x16xf32> to vector<16xf32>
        %swap3A_605 = arith.index_cast %scan3A_269 : i32 to index
        %swap3A_606 = arith.constant 592 : index
        %swap3A_607 = tpu.vector_load %arg15[%swap3A_605, %swap3A_606] {strides = array<i32>} : memref<16x768xf32, #tpu.memory_space<vmem>>, vector<1x16xf32>,
        %swap3A_608 = vector.shape_cast %swap3A_607 : vector<1x16xf32> to vector<16xf32>
        %swap3A_609 = vector.shape_cast %get3A_604 : vector<16xf32> to vector<1x16xf32>
        tpu.vector_store %arg15[%swap3A_605, %swap3A_606], %swap3A_609 {add = true, strides = array<i32>} : memref<16x768xf32, #tpu.memory_space<vmem>>, vector<1x16xf32>,
        %get3A_610 = arith.index_cast %scan3A_269 : i32 to index
        %get3A_611 = arith.constant 608 : index
        %get3A_612 = tpu.vector_load %arg16[%get3A_610, %get3A_611] {strides = array<i32>} : memref<16x768xf32, #tpu.memory_space<vmem>>, vector<1x16xf32>,
        %get3A_613 = vector.shape_cast %get3A_612 : vector<1x16xf32> to vector<16xf32>
        %swap3A_614 = arith.index_cast %scan3A_269 : i32 to index
        %swap3A_615 = arith.constant 608 : index
        %swap3A_616 = tpu.vector_load %arg15[%swap3A_614, %swap3A_615] {strides = array<i32>} : memref<16x768xf32, #tpu.memory_space<vmem>>, vector<1x16xf32>,
        %swap3A_617 = vector.shape_cast %swap3A_616 : vector<1x16xf32> to vector<16xf32>
        %swap3A_618 = vector.shape_cast %get3A_613 : vector<16xf32> to vector<1x16xf32>
        tpu.vector_store %arg15[%swap3A_614, %swap3A_615], %swap3A_618 {add = true, strides = array<i32>} : memref<16x768xf32, #tpu.memory_space<vmem>>, vector<1x16xf32>,
        %get3A_619 = arith.index_cast %scan3A_269 : i32 to index
        %get3A_620 = arith.constant 624 : index
        %get3A_621 = tpu.vector_load %arg16[%get3A_619, %get3A_620] {strides = array<i32>} : memref<16x768xf32, #tpu.memory_space<vmem>>, vector<1x16xf32>,
        %get3A_622 = vector.shape_cast %get3A_621 : vector<1x16xf32> to vector<16xf32>
        %swap3A_623 = arith.index_cast %scan3A_269 : i32 to index
        %swap3A_624 = arith.constant 624 : index
        %swap3A_625 = tpu.vector_load %arg15[%swap3A_623, %swap3A_624] {strides = array<i32>} : memref<16x768xf32, #tpu.memory_space<vmem>>, vector<1x16xf32>,
        %swap3A_626 = vector.shape_cast %swap3A_625 : vector<1x16xf32> to vector<16xf32>
        %swap3A_627 = vector.shape_cast %get3A_622 : vector<16xf32> to vector<1x16xf32>
        tpu.vector_store %arg15[%swap3A_623, %swap3A_624], %swap3A_627 {add = true, strides = array<i32>} : memref<16x768xf32, #tpu.memory_space<vmem>>, vector<1x16xf32>,
        %get3A_628 = arith.index_cast %scan3A_269 : i32 to index
        %get3A_629 = arith.constant 640 : index
        %get3A_630 = tpu.vector_load %arg16[%get3A_628, %get3A_629] {strides = array<i32>} : memref<16x768xf32, #tpu.memory_space<vmem>>, vector<1x16xf32>,
        %get3A_631 = vector.shape_cast %get3A_630 : vector<1x16xf32> to vector<16xf32>
        %swap3A_632 = arith.index_cast %scan3A_269 : i32 to index
        %swap3A_633 = arith.constant 640 : index
        %swap3A_634 = tpu.vector_load %arg15[%swap3A_632, %swap3A_633] {strides = array<i32>} : memref<16x768xf32, #tpu.memory_space<vmem>>, vector<1x16xf32>,
        %swap3A_635 = vector.shape_cast %swap3A_634 : vector<1x16xf32> to vector<16xf32>
        %swap3A_636 = vector.shape_cast %get3A_631 : vector<16xf32> to vector<1x16xf32>
        tpu.vector_store %arg15[%swap3A_632, %swap3A_633], %swap3A_636 {add = true, strides = array<i32>} : memref<16x768xf32, #tpu.memory_space<vmem>>, vector<1x16xf32>,
        %get3A_637 = arith.index_cast %scan3A_269 : i32 to index
        %get3A_638 = arith.constant 656 : index
        %get3A_639 = tpu.vector_load %arg16[%get3A_637, %get3A_638] {strides = array<i32>} : memref<16x768xf32, #tpu.memory_space<vmem>>, vector<1x16xf32>,
        %get3A_640 = vector.shape_cast %get3A_639 : vector<1x16xf32> to vector<16xf32>
        %swap3A_641 = arith.index_cast %scan3A_269 : i32 to index
        %swap3A_642 = arith.constant 656 : index
        %swap3A_643 = tpu.vector_load %arg15[%swap3A_641, %swap3A_642] {strides = array<i32>} : memref<16x768xf32, #tpu.memory_space<vmem>>, vector<1x16xf32>,
        %swap3A_644 = vector.shape_cast %swap3A_643 : vector<1x16xf32> to vector<16xf32>
        %swap3A_645 = vector.shape_cast %get3A_640 : vector<16xf32> to vector<1x16xf32>
        tpu.vector_store %arg15[%swap3A_641, %swap3A_642], %swap3A_645 {add = true, strides = array<i32>} : memref<16x768xf32, #tpu.memory_space<vmem>>, vector<1x16xf32>,
        %get3A_646 = arith.index_cast %scan3A_269 : i32 to index
        %get3A_647 = arith.constant 672 : index
        %get3A_648 = tpu.vector_load %arg16[%get3A_646, %get3A_647] {strides = array<i32>} : memref<16x768xf32, #tpu.memory_space<vmem>>, vector<1x16xf32>,
        %get3A_649 = vector.shape_cast %get3A_648 : vector<1x16xf32> to vector<16xf32>
        %swap3A_650 = arith.index_cast %scan3A_269 : i32 to index
        %swap3A_651 = arith.constant 672 : index
        %swap3A_652 = tpu.vector_load %arg15[%swap3A_650, %swap3A_651] {strides = array<i32>} : memref<16x768xf32, #tpu.memory_space<vmem>>, vector<1x16xf32>,
        %swap3A_653 = vector.shape_cast %swap3A_652 : vector<1x16xf32> to vector<16xf32>
        %swap3A_654 = vector.shape_cast %get3A_649 : vector<16xf32> to vector<1x16xf32>
        tpu.vector_store %arg15[%swap3A_650, %swap3A_651], %swap3A_654 {add = true, strides = array<i32>} : memref<16x768xf32, #tpu.memory_space<vmem>>, vector<1x16xf32>,
        %get3A_655 = arith.index_cast %scan3A_269 : i32 to index
        %get3A_656 = arith.constant 688 : index
        %get3A_657 = tpu.vector_load %arg16[%get3A_655, %get3A_656] {strides = array<i32>} : memref<16x768xf32, #tpu.memory_space<vmem>>, vector<1x16xf32>,
        %get3A_658 = vector.shape_cast %get3A_657 : vector<1x16xf32> to vector<16xf32>
        %swap3A_659 = arith.index_cast %scan3A_269 : i32 to index
        %swap3A_660 = arith.constant 688 : index
        %swap3A_661 = tpu.vector_load %arg15[%swap3A_659, %swap3A_660] {strides = array<i32>} : memref<16x768xf32, #tpu.memory_space<vmem>>, vector<1x16xf32>,
        %swap3A_662 = vector.shape_cast %swap3A_661 : vector<1x16xf32> to vector<16xf32>
        %swap3A_663 = vector.shape_cast %get3A_658 : vector<16xf32> to vector<1x16xf32>
        tpu.vector_store %arg15[%swap3A_659, %swap3A_660], %swap3A_663 {add = true, strides = array<i32>} : memref<16x768xf32, #tpu.memory_space<vmem>>, vector<1x16xf32>,
        %get3A_664 = arith.index_cast %scan3A_269 : i32 to index
        %get3A_665 = arith.constant 704 : index
        %get3A_666 = tpu.vector_load %arg16[%get3A_664, %get3A_665] {strides = array<i32>} : memref<16x768xf32, #tpu.memory_space<vmem>>, vector<1x16xf32>,
        %get3A_667 = vector.shape_cast %get3A_666 : vector<1x16xf32> to vector<16xf32>
        %swap3A_668 = arith.index_cast %scan3A_269 : i32 to index
        %swap3A_669 = arith.constant 704 : index
        %swap3A_670 = tpu.vector_load %arg15[%swap3A_668, %swap3A_669] {strides = array<i32>} : memref<16x768xf32, #tpu.memory_space<vmem>>, vector<1x16xf32>,
        %swap3A_671 = vector.shape_cast %swap3A_670 : vector<1x16xf32> to vector<16xf32>
        %swap3A_672 = vector.shape_cast %get3A_667 : vector<16xf32> to vector<1x16xf32>
        tpu.vector_store %arg15[%swap3A_668, %swap3A_669], %swap3A_672 {add = true, strides = array<i32>} : memref<16x768xf32, #tpu.memory_space<vmem>>, vector<1x16xf32>,
        %get3A_673 = arith.index_cast %scan3A_269 : i32 to index
        %get3A_674 = arith.constant 720 : index
        %get3A_675 = tpu.vector_load %arg16[%get3A_673, %get3A_674] {strides = array<i32>} : memref<16x768xf32, #tpu.memory_space<vmem>>, vector<1x16xf32>,
        %get3A_676 = vector.shape_cast %get3A_675 : vector<1x16xf32> to vector<16xf32>
        %swap3A_677 = arith.index_cast %scan3A_269 : i32 to index
        %swap3A_678 = arith.constant 720 : index
        %swap3A_679 = tpu.vector_load %arg15[%swap3A_677, %swap3A_678] {strides = array<i32>} : memref<16x768xf32, #tpu.memory_space<vmem>>, vector<1x16xf32>,
        %swap3A_680 = vector.shape_cast %swap3A_679 : vector<1x16xf32> to vector<16xf32>
        %swap3A_681 = vector.shape_cast %get3A_676 : vector<16xf32> to vector<1x16xf32>
        tpu.vector_store %arg15[%swap3A_677, %swap3A_678], %swap3A_681 {add = true, strides = array<i32>} : memref<16x768xf32, #tpu.memory_space<vmem>>, vector<1x16xf32>,
        %get3A_682 = arith.index_cast %scan3A_269 : i32 to index
        %get3A_683 = arith.constant 736 : index
        %get3A_684 = tpu.vector_load %arg16[%get3A_682, %get3A_683] {strides = array<i32>} : memref<16x768xf32, #tpu.memory_space<vmem>>, vector<1x16xf32>,
        %get3A_685 = vector.shape_cast %get3A_684 : vector<1x16xf32> to vector<16xf32>
        %swap3A_686 = arith.index_cast %scan3A_269 : i32 to index
        %swap3A_687 = arith.constant 736 : index
        %swap3A_688 = tpu.vector_load %arg15[%swap3A_686, %swap3A_687] {strides = array<i32>} : memref<16x768xf32, #tpu.memory_space<vmem>>, vector<1x16xf32>,
        %swap3A_689 = vector.shape_cast %swap3A_688 : vector<1x16xf32> to vector<16xf32>
        %swap3A_690 = vector.shape_cast %get3A_685 : vector<16xf32> to vector<1x16xf32>
        tpu.vector_store %arg15[%swap3A_686, %swap3A_687], %swap3A_690 {add = true, strides = array<i32>} : memref<16x768xf32, #tpu.memory_space<vmem>>, vector<1x16xf32>,
        %get3A_691 = arith.index_cast %scan3A_269 : i32 to index
        %get3A_692 = arith.constant 752 : index
        %get3A_693 = tpu.vector_load %arg16[%get3A_691, %get3A_692] {strides = array<i32>} : memref<16x768xf32, #tpu.memory_space<vmem>>, vector<1x16xf32>,
        %get3A_694 = vector.shape_cast %get3A_693 : vector<1x16xf32> to vector<16xf32>
        %swap3A_695 = arith.index_cast %scan3A_269 : i32 to index
        %swap3A_696 = arith.constant 752 : index
        %swap3A_697 = tpu.vector_load %arg15[%swap3A_695, %swap3A_696] {strides = array<i32>} : memref<16x768xf32, #tpu.memory_space<vmem>>, vector<1x16xf32>,
        %swap3A_698 = vector.shape_cast %swap3A_697 : vector<1x16xf32> to vector<16xf32>
        %swap3A_699 = vector.shape_cast %get3A_694 : vector<16xf32> to vector<1x16xf32>
        tpu.vector_store %arg15[%swap3A_695, %swap3A_696], %swap3A_699 {add = true, strides = array<i32>} : memref<16x768xf32, #tpu.memory_space<vmem>>, vector<1x16xf32>,
      }
      %scan3A_259 = arith.constant 16 : i32
      %mul3A_260 = arith.constant 16 : i32
      %mul3A_261 = arith.muli %add3A_234, %mul3A_260 : i32
      %add3A_262 = arith.addi %mul3A_32, %mul3A_261 : i32
      %dma_start3A_263 = arith.constant 0 : i32
      %dma_start3A_264 = tpu.memref_slice %arg6[%select_n3A, %add3A_262, %dma_start3A_263] : memref<4x2048x768xf32, #tpu.memory_space<hbm>> -> memref<1x16x768xf32, #tpu.memory_space<hbm>>
      %dma_start3A_265 = tpu.memref_squeeze %dma_start3A_264 : memref<1x16x768xf32, #tpu.memory_space<hbm>> -> memref<16x768xf32, #tpu.memory_space<hbm>>
      %dma_start3A_266 = arith.constant 0 : i32
      %dma_start3A_267 = tpu.memref_slice %arg6[%select_n3A, %add3A_262, %dma_start3A_266] : memref<4x2048x768xf32, #tpu.memory_space<hbm>> -> memref<1x16x768xf32, #tpu.memory_space<hbm>>
      %dma_start3A_268 = tpu.memref_squeeze %dma_start3A_267 : memref<1x16x768xf32, #tpu.memory_space<hbm>> -> memref<16x768xf32, #tpu.memory_space<hbm>>
      tpu.enqueue_dma source(%arg15 : memref<16x768xf32, #tpu.memory_space<vmem>>) target(%dma_start3A_268 : memref<16x768xf32, #tpu.memory_space<hbm>>) target_semaphore(%arg24 : memref<!tpu.dma_semaphore, #tpu.memory_space<semaphore_mem>>)
    }
    %scan3A_81 = arith.constant 4 : i32
    %dma_wait3A_82 = arith.constant 0 : i32
    %dma_wait3A_83 = arith.constant 0 : i32
    %dma_wait3A_84 = arith.constant 0 : i32
    %dma_wait3A_85 = tpu.memref_slice %arg6[%dma_wait3A_82, %dma_wait3A_83, %dma_wait3A_84] : memref<4x2048x768xf32, #tpu.memory_space<hbm>> -> memref<1x16x768xf32, #tpu.memory_space<hbm>>
    %dma_wait3A_86 = tpu.memref_squeeze %dma_wait3A_85 : memref<1x16x768xf32, #tpu.memory_space<hbm>> -> memref<16x768xf32, #tpu.memory_space<hbm>>
    %dma_wait3A_87 = arith.constant 0 : i32
    %dma_wait3A_88 = arith.constant 0 : i32
    %dma_wait3A_89 = tpu.memref_slice %arg6[%dma_wait3A_82, %dma_wait3A_87, %dma_wait3A_88] : memref<4x2048x768xf32, #tpu.memory_space<hbm>> -> memref<1x16x768xf32, #tpu.memory_space<hbm>>
    %dma_wait3A_90 = tpu.memref_squeeze %dma_wait3A_89 : memref<1x16x768xf32, #tpu.memory_space<hbm>> -> memref<16x768xf32, #tpu.memory_space<hbm>>
    tpu.wait_dma2 semaphore(%arg21 : memref<!tpu.dma_semaphore, #tpu.memory_space<semaphore_mem>>) src(%arg9 : memref<16x768xf32, #tpu.memory_space<vmem>>) dst(%dma_wait3A_90 : memref<16x768xf32, #tpu.memory_space<hbm>>)
    %dma_wait3A_91 = arith.constant 0 : i32
    %dma_wait3A_92 = arith.constant 0 : i32
    %dma_wait3A_93 = arith.constant 0 : i32
    %dma_wait3A_94 = tpu.memref_slice %arg6[%dma_wait3A_91, %dma_wait3A_92, %dma_wait3A_93] : memref<4x2048x768xf32, #tpu.memory_space<hbm>> -> memref<1x16x768xf32, #tpu.memory_space<hbm>>
    %dma_wait3A_95 = tpu.memref_squeeze %dma_wait3A_94 : memref<1x16x768xf32, #tpu.memory_space<hbm>> -> memref<16x768xf32, #tpu.memory_space<hbm>>
    %dma_wait3A_96 = arith.constant 0 : i32
    %dma_wait3A_97 = arith.constant 0 : i32
    %dma_wait3A_98 = tpu.memref_slice %arg6[%dma_wait3A_91, %dma_wait3A_96, %dma_wait3A_97] : memref<4x2048x768xf32, #tpu.memory_space<hbm>> -> memref<1x16x768xf32, #tpu.memory_space<hbm>>
    %dma_wait3A_99 = tpu.memref_squeeze %dma_wait3A_98 : memref<1x16x768xf32, #tpu.memory_space<hbm>> -> memref<16x768xf32, #tpu.memory_space<hbm>>
    tpu.wait_dma2 semaphore(%arg22 : memref<!tpu.dma_semaphore, #tpu.memory_space<semaphore_mem>>) src(%arg11 : memref<16x768xf32, #tpu.memory_space<vmem>>) dst(%dma_wait3A_99 : memref<16x768xf32, #tpu.memory_space<hbm>>)
    %dma_wait3A_100 = arith.constant 0 : i32
    %dma_wait3A_101 = arith.constant 0 : i32
    %dma_wait3A_102 = arith.constant 0 : i32
    %dma_wait3A_103 = tpu.memref_slice %arg6[%dma_wait3A_100, %dma_wait3A_101, %dma_wait3A_102] : memref<4x2048x768xf32, #tpu.memory_space<hbm>> -> memref<1x16x768xf32, #tpu.memory_space<hbm>>
    %dma_wait3A_104 = tpu.memref_squeeze %dma_wait3A_103 : memref<1x16x768xf32, #tpu.memory_space<hbm>> -> memref<16x768xf32, #tpu.memory_space<hbm>>
    %dma_wait3A_105 = arith.constant 0 : i32
    %dma_wait3A_106 = arith.constant 0 : i32
    %dma_wait3A_107 = tpu.memref_slice %arg6[%dma_wait3A_100, %dma_wait3A_105, %dma_wait3A_106] : memref<4x2048x768xf32, #tpu.memory_space<hbm>> -> memref<1x16x768xf32, #tpu.memory_space<hbm>>
    %dma_wait3A_108 = tpu.memref_squeeze %dma_wait3A_107 : memref<1x16x768xf32, #tpu.memory_space<hbm>> -> memref<16x768xf32, #tpu.memory_space<hbm>>
    tpu.wait_dma2 semaphore(%arg23 : memref<!tpu.dma_semaphore, #tpu.memory_space<semaphore_mem>>) src(%arg13 : memref<16x768xf32, #tpu.memory_space<vmem>>) dst(%dma_wait3A_108 : memref<16x768xf32, #tpu.memory_space<hbm>>)
    %dma_wait3A_109 = arith.constant 0 : i32
    %dma_wait3A_110 = arith.constant 0 : i32
    %dma_wait3A_111 = arith.constant 0 : i32
    %dma_wait3A_112 = tpu.memref_slice %arg6[%dma_wait3A_109, %dma_wait3A_110, %dma_wait3A_111] : memref<4x2048x768xf32, #tpu.memory_space<hbm>> -> memref<1x16x768xf32, #tpu.memory_space<hbm>>
    %dma_wait3A_113 = tpu.memref_squeeze %dma_wait3A_112 : memref<1x16x768xf32, #tpu.memory_space<hbm>> -> memref<16x768xf32, #tpu.memory_space<hbm>>
    %dma_wait3A_114 = arith.constant 0 : i32
    %dma_wait3A_115 = arith.constant 0 : i32
    %dma_wait3A_116 = tpu.memref_slice %arg6[%dma_wait3A_109, %dma_wait3A_114, %dma_wait3A_115] : memref<4x2048x768xf32, #tpu.memory_space<hbm>> -> memref<1x16x768xf32, #tpu.memory_space<hbm>>
    %dma_wait3A_117 = tpu.memref_squeeze %dma_wait3A_116 : memref<1x16x768xf32, #tpu.memory_space<hbm>> -> memref<16x768xf32, #tpu.memory_space<hbm>>
    tpu.wait_dma2 semaphore(%arg24 : memref<!tpu.dma_semaphore, #tpu.memory_space<semaphore_mem>>) src(%arg15 : memref<16x768xf32, #tpu.memory_space<vmem>>) dst(%dma_wait3A_117 : memref<16x768xf32, #tpu.memory_space<hbm>>)
    return
  }
}

</mosaic_0001>

<sc_bundles>
// kernel: kernel.3.cloned.1.call-start
scs
__scs_entry_jumppad:
0x0: {  	(pc) =	sbr.rel $0x88, $3  }
0x1: {  	(tag) =	ssettag $0x0;
	lr =	simm.s32 $0x1  }
0x2: {  	[smem:$0x3F9D] =	sst lr;
	_ =	strace $0xD0000000  }
0x3: {  	_ = 	snop  }
0x4: {  	_ = 	snop  }
0x5: {  	_ = 	snop  }
0x6: {  	_ = 	snop  }
0x7: {  	_ = 	snop  }
__scs_overlays_trampoline_lowered:
0x8: {  	[smem:$0x3FAC] =	sst s0  }
0x9: {  	[smem:$0x3FAD] =	sst s1  }
0xa: {  	[smem:$0x3FAE] =	sst s2  }
0xb: {  	[smem:$0x3FAF] =	sst s3  }
0xc: {  	[smem:$0x3FB0] =	sst s4  }
0xd: {  	[smem:$0x3FB1] =	sst s5  }
0xe: {  	[smem:$0x3FB2] =	sst s6  }
0xf: {  	[smem:$0x3FB3] =	sst s7  }
0x10: {  	[smem:$0x3FB4] =	sst s8  }
0x11: {  	[smem:$0x3FB5] =	sst s9;
	s0 =	simm.s32 @!p0 $0x0  }
0x12: {  	s1 =	sld [smem:$0x3F9B];
	s0 =	simm.s32 @p0 $0x1  }
0x13: {  	[smem:$0x3FB6] =	sst s0;
	s0 =	simm.s32 @!p1 $0x0  }
0x14: {  	s2 =	sld [smem:$0x3F9A];
	s0 =	simm.s32 @p1 $0x1  }
0x15: {  	[smem:$0x3FB7] =	sst s0;
	s0 =	simm.s32 @!p2 $0x0  }
0x16: {  	s3 =	sld [smem:$0x3FDB];
	s0 =	simm.s32 @p2 $0x1  }
0x17: {  	s4 =	simm.s32 $0x1BF5;
	[smem:$0x3FB9] =	sst s0  }
0x18: {  	s0 =	sld [smem:$0x3F9C];
	_ =	swait.ge [sflag:s4], $0x0  }
0x19: {  	s7 =	sld [smem:$0x3F9D]  }
0x1a: {  	s8 =	sadd.s32 $0xFFFFE003, lr  }
0x1b: {  	s9 =	sadd.s32 $0xFFFFFEF7, lr;
	s5 =	simm.s32 $0xFFFFFFFF;
	p2 =	slt.u32 s8, $0xFFFFF086  }
0x1c: {  	p1 =	slt.u32 s9, $0xF7A;
	s5 =	simm.s32 @!p2 $0x0  }
0x1d: {  	s5 =	simm.s32 @p1 $0x1;
	p0 =	seq.s32 s7, s2  }
0x1e: {  	s7 =	smul.u32 @!p0 $0xF7A, s2;
	p2 =	seq.s32 @!p0 s5, $0x0  }
0x1f: {  	s9 =	smul.u32 $0xF7A, s1;
	s8 =	simm.s32 @!p0 $0x1BF5;
	p2 =	por !p2, p0  }
0x20: {  	[sflag:s8] =	ssyncset.s32 @!p0 $0xFFFFF086;
	s6 =	sadd.s32 @!p0 s3, s7;
	s7 =	simm.s32 @!p0 $0x108  }
0x21: {  	s3 =	sadd.s32 s3, s9;
	s6 =	sadd.s32 @!p0 $0x88, s6;
	s7 =	simm.s32 @p2 $0x1082  }
0x22: {  	[simem:s7], [sflag:s8] =	dma.local @!p0 [hbm:s6], $0xF7A  }
0x23: {  	s9 =	sor.u32 $0xD0000000, s2;
	s6 =	simm.s32 $0x108;
	_ =	swait.ge @!p0 [sflag:s8], $0x0  }
0x24: {  	s3 =	sadd.s32 $0x88, s3;
	s6 =	simm.s32 @!p1 $0x1082;
	[sflag:s4] =	ssyncset.s32 $0xFFFFF086  }
0x25: {  	[simem:s6], [sflag:s4] =	dma.local [hbm:s3], $0xF7A  }
0x26: {  	[smem:$0x3F9D] =	sst s1;
	(tag) =	ssettag s2;
	_ =	strace s9  }
0x27: {  	s1 =	sld [smem:$0x3FAD]  }
0x28: {  	s2 =	sld [smem:$0x3FAE]  }
0x29: {  	s4 =	sld [smem:$0x3FB0]  }
0x2a: {  	p0 =	seq.s32 s5, $0x0;
	s5 =	sld [smem:$0x3FB1]  }
0x2b: {  	s6 =	sld [smem:$0x3FB2]  }
0x2c: {  	s7 =	sld [smem:$0x3FB3]  }
0x2d: {  	s3 =	simm.s32 $0x108;
	s8 =	sld [smem:$0x3FB4]  }
0x2e: {  	s3 =	simm.s32 @!p0 $0x1082;
	s9 =	sld [smem:$0x3FB5]  }
0x2f: {  	lr =	sadd.s32 s0, s3;
	s0 =	sld [smem:$0x3FAC]  }
0x30: {  	s3 =	sld [smem:$0x3FAF]  }
0x31: {  	[smem:$0x3FB8] =	sst s10  }
0x32: {  	s10 =	sld [smem:$0x3FB6];
	_ =	sdelay $0x3  }
0x33: {  	p0 =	seq.s32 s10, $0x1;
	s10 =	sld [smem:$0x3FB8];
	_ =	sdelay $0x3  }
0x34: {  	[smem:$0x3FB8] =	sst s10  }
0x35: {  	s10 =	sld [smem:$0x3FB7];
	_ =	sdelay $0x3  }
0x36: {  	p1 =	seq.s32 s10, $0x1;
	s10 =	sld [smem:$0x3FB8];
	_ =	sdelay $0x3  }
0x37: {  	[smem:$0x3FB8] =	sst s10  }
0x38: {  	s10 =	sld [smem:$0x3FB9]  }
0x39: {  	_ = 	snop;
	(pc) =	sbr.ind lr, $3  }
0x3a: {  	_ = 	snop  }
0x3b: {  	_ = 	snop  }
0x3c: {  	p2 =	seq.s32 s10, $0x1;
	s10 =	sld [smem:$0x3FB8]  }
0x3d: {  	_ =	shalt  }
0x3e: {  	_ =	shalt  }
0x3f: {  	_ =	shalt  }
0x40: {  	_ =	shalt  }
0x41: {  	_ =	shalt  }
0x42: {  	_ =	shalt  }
0x43: {  	_ =	shalt  }
0x44: {  	_ =	shalt  }
0x45: {  	_ =	shalt  }
0x46: {  	_ =	shalt  }
0x47: {  	_ =	shalt  }
0x48: {  	_ =	shalt  }
0x49: {  	_ =	shalt  }
0x4a: {  	_ =	shalt  }
0x4b: {  	_ =	shalt  }
0x4c: {  	_ =	shalt  }
0x4d: {  	_ =	shalt  }
0x4e: {  	_ =	shalt  }
0x4f: {  	_ =	shalt  }
0x50: {  	_ =	shalt  }
0x51: {  	_ =	shalt  }
0x52: {  	_ =	shalt  }
0x53: {  	_ =	shalt  }
0x54: {  	_ =	shalt  }
0x55: {  	_ =	shalt  }
0x56: {  	_ =	shalt  }
0x57: {  	_ =	shalt  }
0x58: {  	_ =	shalt  }
0x59: {  	_ =	shalt  }
0x5a: {  	_ =	shalt  }
0x5b: {  	_ =	shalt  }
0x5c: {  	_ =	shalt  }
0x5d: {  	_ =	shalt  }
0x5e: {  	_ =	shalt  }
0x5f: {  	_ =	shalt  }
0x60: {  	_ =	shalt  }
0x61: {  	_ =	shalt  }
0x62: {  	_ =	shalt  }
0x63: {  	_ =	shalt  }
0x64: {  	_ =	shalt  }
0x65: {  	_ =	shalt  }
0x66: {  	_ =	shalt  }
0x67: {  	_ =	shalt  }
0x68: {  	_ =	shalt  }
0x69: {  	_ =	shalt  }
0x6a: {  	_ =	shalt  }
0x6b: {  	_ =	shalt  }
0x6c: {  	_ =	shalt  }
0x6d: {  	_ =	shalt  }
0x6e: {  	_ =	shalt  }
0x6f: {  	_ =	shalt  }
0x70: {  	_ =	shalt  }
0x71: {  	_ =	shalt  }
0x72: {  	_ =	shalt  }
0x73: {  	_ =	shalt  }
0x74: {  	_ =	shalt  }
0x75: {  	_ =	shalt  }
0x76: {  	_ =	shalt  }
0x77: {  	_ =	shalt  }
0x78: {  	_ =	shalt  }
0x79: {  	_ =	shalt  }
0x7a: {  	_ =	shalt  }
0x7b: {  	_ =	shalt  }
0x7c: {  	_ =	shalt  }
0x7d: {  	_ =	shalt  }
0x7e: {  	_ =	shalt  }
0x7f: {  	_ =	shalt  }
0x80: {  	_ =	shalt  }
0x81: {  	_ =	shalt  }
0x82: {  	_ =	shalt  }
0x83: {  	_ =	shalt  }
0x84: {  	_ =	shalt  }
0x85: {  	_ =	shalt  }
0x86: {  	_ =	shalt  }
0x87: {  	_ =	shalt  }
.Lfunc_end0:
.L_simem_size_0:
called_computation_lowered:
.L_overlay_start_0:
0x88: {  	s2 =	sld [smem:$0x3FD9]  }
0x89: {  	s3 =	sld [smem:$0x3FFE];
	_ =	sdelay $0x1  }
0x8a: {  	s1 =	srdreg.scid  }
0x8b: {  	s0 =	sand.u32 $0x1, s1  }
0x8c: {  	s18 =	sshll.u32 s0, $0xA;
	s2 =	sadd.s32 s3, s2  }
0x8d: {  	s2 =	sadd.s32 s2, s18  }
0x8e: {  	[smem:$0x3FC4] =	sst s2  }
0x8f: {  	_ = 	snop  }
0x90: {  	s2 =	sld [smem:$0x3FC9]  }
0x91: {  	s19 =	sld [smem:$0x3FC8]  }
0x92: {  	s4 =	sld [smem:$0x3FC7]  }
0x93: {  	s5 =	sld [smem:$0x3FC6]  }
0x94: {  	s6 =	sld [smem:$0x3FD0];
	(tm) =	ssettm $0x1  }
0x95: {  	s7 =	sld [smem:$0x3FFB];
	_ =	sdelay $0x3  }
0x96: {  	_ =	strace s7  }
0x97: {  	s7 =	sld [smem:$0x3FFC];
	_ =	sdelay $0x3  }
0x98: {  	_ =	strace s7  }
0x99: {  	s7 =	sld [smem:$0x3FFD];
	_ =	sdelay $0x3  }
0x9a: {  	_ =	strace s7  }
0x9b: {  	_ =	strace $0x8FFFFFFF  }
0x9c: {  	s20 =	sld [smem:$0x3FDB];
	_ =	sdelay $0x1  }
0x9d: {  	s8 =	simm.s32 $_scs_section_size  }
0x9e: {  	s9 =	simm.s32 $_size__tile_overlayer_lowered;
	s10 =	simm.s32 $_tile_overlayer_lowered  }
0x9f: {  	s23 =	simm.s32 $0x1BFF;
	s22 =	sshll.u32 s10, $0x1;
	s7 =	sadd.s32 s8, s20  }
0xa0: {  	s11 =	simm.s32 $0x0;
	s21 =	sshll.u32 s9, $0x1;
	s9 =	sadd.s32 s22, s7  }
0xa1: {  	[timem:s11], [sflag:s23] =	dma.local [hbm:s9], s21  }
0xa2: {  	_ =	swait.ge [sflag:s23], s21  }
0xa3: {  	s8 =	ssub.s32 $0x0, s21;
	[sflag:s23] =	ssyncset.done $0x0  }
0xa4: {  	[sflag:s23] =	ssyncadd.s32 s8;
	_ =	sdelay $0x1  }
0xa5: {  	s24 =	simm.s32 $0x1B8B  }
0xa6: {  	_ =	swait.ge [sflag:s24], $0x1  }
0xa7: {  	[sflag:s24] =	ssyncset.done $0x0  }
0xa8: {  	s25 =	simm.s32 $0x1B8E;
	[sflag:s24] =	ssyncadd.s32 $0xFFFFFFFF  }
0xa9: {  	s26 =	simm.s32 $execute0_lowered;
	[smem:$0x3FD2] =	sst s25  }
0xaa: {  	s8 =	sshll.u32 s26, $0x1;
	_ =	strace $0x80000046;
	[dreg:$0x1] =	wrdreg $0xFFFFFFFF  }
0xab: {  	s28 =	simm.s32 $_size_execute0_lowered;
	s7 =	sadd.s32 s7, s8;
	[dreg:$0x0] =	wrdreg $0x0  }
0xac: {  	s8 =	sshll.u32 s28, $0x1;
	[dreg:$0x2] =	wrdreg s7  }
0xad: {  	[dreg:$0x3] =	wrdreg s8  }
0xae: {  	[dreg:$0x4] =	wrdreg $0xC0  }
0xaf: {  	_ =	task [dreg:s11], $0x5FFFF  }
0xb0: {  	[dreg:$0x1] =	wrdreg $0xFFFFFFFF  }
0xb1: {  	[dreg:$0x0] =	wrdreg $0x60  }
0xb2: {  	[dreg:$0x2] =	wrdreg s2  }
0xb3: {  	[dreg:$0x3] =	wrdreg s19  }
0xb4: {  	[dreg:$0x4] =	wrdreg s4  }
0xb5: {  	[dreg:$0x5] =	wrdreg s5  }
0xb6: {  	[dreg:$0x6] =	wrdreg s6  }
0xb7: {  	[dreg:$0x7] =	wrdreg $0x9  }
0xb8: {  	_ =	task.clear_ibuf [dreg:s11], $0x8FFFF;
	_ =	strace $0x90000046  }
0xb9: {  	s29 =	simm.s32 $0x9;
	_ =	strace $0x80000048  }
0xba: {  	_ =	swait.ge [sflag:s29], $0x1  }
0xbb: {  	[sflag:s29] =	ssyncadd.s32 $0xFFFFFFFF  }
0xbc: {  	_ =	strace $0x90000048  }
0xbd: {  	_ =	sfence  }
0xbe: {  	s30 =	sld [smem:$0x0];
	_ =	sdelay $0x2  }
0xbf: {  	s31 =	sshll.u32 s1, $0xD;
	s1 =	sshrl.u32 s1, $0x2  }
0xc0: {  	s3 =	sand.u32 $0x4000, s31;
	s1 =	sadd.s32 s1, s30  }
0xc1: {  	s0 =	sor.u32 s3, s0;
	s1 =	sshll.u32 s1, $0x11  }
0xc2: {  	s0 =	sor.u32 s1, s0  }
0xc3: {  	s0 =	sadd.s32 $0x8F2B, s0  }
0xc4: {  	[sflag:s0] =	ssyncadd.remote.s32 $0x1  }
0xc5: {  	_ =	sfence.sel $0xFFFF  }
0xc6: {  	[dreg:$0x0] =	wrdreg $0xFFFFFFFF;
	(pc) =	sbr.abs _section_cstart, $3  }
0xc7: {  	[dreg:$0x1] =	wrdreg $0xFFFFFFFF  }
0xc8: {  	_ =	task.clear_ibuf [dreg:s11], $0x2FFFF;
	_ =	strace $0x9FFFFFFF  }
0xc9: {  	(tm) =	ssettm $0x7FFFFFFF  }
tec
execute0_lowered:
.L_overlay_start_1:
0x0: {  	(tag) =	ssettag $0x1  }
0x1: {  	s0 =	rddreg [dreg:$0x0]  }
0x2: {  	s1 =	rddreg [dreg:$0x1]  }
0x3: {  	s2 =	rddreg [dreg:$0x2]  }
0x4: {  	s3 =	rddreg [dreg:$0x3]  }
0x5: {  	s4 =	rddreg [dreg:$0x4];
	s9 =	stileid.u32;
	s5 =	simm.s32 $0x0  }
0x6: {  	s6 =	srdreg.scid;
	s17 =	simm.s32 $0x200;
	s19 =	simm.s32 $0x1  }
0x7: {  	s20 =	simm.s32 $0x2;
	s18 =	simm.s32 $0x12200;
	s30 =	simm.s32 $0x16A00  }
0x8: {  	s31 =	simm.s32 $0x17200;
	s16 =	simm.s32 $0x17A00;
	s22 =	simm.s32 $0x0  }
0x9: {  	s7 =	sshll.u32 s9, $0x1;
	[smem:$0x7FF] =	sst s5;
	s6 =	sand.u32 $0x1, s6  }
0xa: {  	s11 =	sshrl.u32 s9, $0x2;
	s9 =	sadd.s32 $0x100, s2;
	s12 =	sadd.s32 $0x100, s3  }
0xb: {  	s13 =	sadd.s32 $0x200, s3;
	s7 =	sand.u32 $0x6, s7;
	s8 =	ssub.s32 $0x2, s6  }
0xc: {  	s10 =	sshll.u32 s11, $0x4;
	s11 =	smul.u32 $0x180000, s11;
	s6 =	sor.u32 s6, s7  }
0xd: {  	_ =	strace $0x80000047;
	s24 =	sshrl.u32 s8, $0x1;
	s25 =	sshll.u32 s6, $0x7  }
0xe: {  	s7 =	ssub.s32 s8, s24;
	s6 =	sshll.u32 s6, $0x8;
	s15 =	sor.u32 $0x6000, s11  }
0xf: {  	s8 =	simm.s32 $0x4;
	s26 =	sor.u32 s10, s25;
	s29 =	smax.u32 s7, $0x1  }
0x10: {  	v2 =	vlaneseq.u32;
	s10 =	sadd.s32 $0x200, s2;
	s0 =	sadd.s32 s0, s26;
	[dreg:$0x8] =	wrdreg s29  }
0x11: {  	vm0 =	vmmov $0xffff;
	v1 =	vshrl.u32 v2, $0x3;
	s7 =	simm.s32 $0x3;
	s28 =	sadd.s32 s1, s26;
	[dreg:$0x6] =	wrdreg s0  }
0x12: {  	v0 =	vand.u32 $0x7, v2;
	v2 =	vor.u32 $0x8, v2;
	v1 =	vmul.u32 $0x8, v1;
	s1 =	simm.s32 $0x6200;
	[dreg:$0x7] =	wrdreg s28;
	s0 =	simm.s32 $0xC200  }
.LBB2_1:
0x13: {  	[dreg:$0x9] =	wrdreg s22  }
0x14: {  	s14 =	rddreg [dreg:$0x6];
	s21 =	simm.s32 $0x80  }
0x15: {  	[tilespmem:s5], [sflag:$0x1] =	stream.strided.gather [hbm4b:s14+s21], $0x100, s17, s21, $0x38;
	[tilespmem:$0x18200] =	vst v63  }
0x16: {  	s26 =	rddreg [dreg:$0x7];
	s28 =	simm.s32 $0x100  }
0x17: {  	[tilespmem:s28], [sflag:$0x2] =	stream.strided.gather [hbm4b:s26+s21], $0x100, s17, s21, $0x38;
	[tilespmem:$0x18200] =	vst v63  }
0x18: {  	_ =	swait.ge [sflag:s19], $0x100  }
0x19: {  	[sflag:s19] =	ssyncset.done $0x0  }
0x1a: {  	[sflag:s19] =	ssyncadd.s32 $0xFFFFFF00  }
0x1b: {  	_ =	swait.ge [sflag:s20], $0x100  }
0x1c: {  	[sflag:s20] =	ssyncset.done $0x0  }
0x1d: {  	[sflag:s20] =	ssyncadd.s32 $0xFFFFFF00  }
0x1e: {  	v3 =	vld [tilespmem:$0x0];
	_ =	sdelay $0x4  }
0x1f: {  	v4 =	vshrl.u32 v3, $0x3  }
0x20: {  	v4 =	vmul.u32 $0x30, v4  }
0x21: {  	v3 =	vand.u32 $0x7, v3  }
0x22: {  	v3 =	vor.u32 v3, v4  }
0x23: {  	v4 =	vperm.xlane v3, v0;
	_ =	sdelay $0x1  }
0x24: {  	v4 =	vadd.s32 v1, v4;
	_ =	sdelay $0x3  }
0x25: {  	v3 =	vperm.xlane v3, v2  }
0x26: {  	[tilespmem:s17], [sflag:$0x1] =	stream.indirect_vreg.gather [hbm4b:s2+s5], $0x80, v4, vm0, $0xb8;
	[tilespmem:$0x18200] =	vst v63  }
0x27: {  	s29 =	simm.s32 $0xA00;
	v3 =	vadd.s32 v1, v3  }
0x28: {  	[tilespmem:s29], [sflag:$0x1] =	stream.indirect_vreg.gather [hbm4b:s9+s5], $0x80, v4, vm0, $0xb8;
	[tilespmem:$0x18200] =	vst v63  }
0x29: {  	s21 =	simm.s32 $0x1200  }
0x2a: {  	[tilespmem:s21], [sflag:$0x1] =	stream.indirect_vreg.gather [hbm4b:s10+s5], $0x80, v4, vm0, $0xb8;
	[tilespmem:$0x18200] =	vst v63  }
0x2b: {  	s22 =	simm.s32 $0x1A00  }
0x2c: {  	[tilespmem:s22], [sflag:$0x1] =	stream.indirect_vreg.gather [hbm4b:s2+s5], $0x80, v3, vm0, $0xb8;
	[tilespmem:$0x18200] =	vst v63  }
0x2d: {  	s23 =	simm.s32 $0x2200  }
0x2e: {  	[tilespmem:s23], [sflag:$0x1] =	stream.indirect_vreg.gather [hbm4b:s9+s5], $0x80, v3, vm0, $0xb8;
	[tilespmem:$0x18200] =	vst v63  }
0x2f: {  	s24 =	simm.s32 $0x2A00  }
0x30: {  	[tilespmem:s24], [sflag:$0x1] =	stream.indirect_vreg.gather [hbm4b:s10+s5], $0x80, v3, vm0, $0xb8;
	[tilespmem:$0x18200] =	vst v63  }
0x31: {  	v3 =	vld [tilespmem:$0x100];
	_ =	sdelay $0x4  }
0x32: {  	v59 =	vshrl.u32 v3, $0x3  }
0x33: {  	v4 =	vmul.u32 $0x30, v59  }
0x34: {  	v3 =	vand.u32 $0x7, v3  }
0x35: {  	v3 =	vor.u32 v3, v4  }
0x36: {  	v4 =	vperm.xlane v3, v0;
	_ =	sdelay $0x1  }
0x37: {  	v4 =	vadd.s32 v1, v4;
	_ =	sdelay $0x3  }
0x38: {  	s25 =	simm.s32 $0x3200;
	v3 =	vperm.xlane v3, v2  }
0x39: {  	[tilespmem:s25], [sflag:$0x1] =	stream.indirect_vreg.gather [hbm4b:s3+s5], $0x80, v4, vm0, $0xb8;
	[tilespmem:$0x18200] =	vst v63  }
0x3a: {  	s26 =	simm.s32 $0x3A00;
	v3 =	vadd.s32 v1, v3  }
0x3b: {  	[tilespmem:s26], [sflag:$0x1] =	stream.indirect_vreg.gather [hbm4b:s12+s5], $0x80, v4, vm0, $0xb8;
	[tilespmem:$0x18200] =	vst v63  }
0x3c: {  	s28 =	simm.s32 $0x4200  }
0x3d: {  	[tilespmem:s28], [sflag:$0x1] =	stream.indirect_vreg.gather [hbm4b:s13+s5], $0x80, v4, vm0, $0xb8;
	[tilespmem:$0x18200] =	vst v63  }
0x3e: {  	s29 =	simm.s32 $0x4A00  }
0x3f: {  	[tilespmem:s29], [sflag:$0x1] =	stream.indirect_vreg.gather [hbm4b:s3+s5], $0x80, v3, vm0, $0xb8;
	[tilespmem:$0x18200] =	vst v63  }
0x40: {  	s21 =	simm.s32 $0x5200  }
0x41: {  	[tilespmem:s21], [sflag:$0x1] =	stream.indirect_vreg.gather [hbm4b:s12+s5], $0x80, v3, vm0, $0xb8;
	[tilespmem:$0x18200] =	vst v63  }
0x42: {  	s22 =	simm.s32 $0x5A00  }
0x43: {  	[tilespmem:s22], [sflag:$0x1] =	stream.indirect_vreg.gather [hbm4b:s13+s5], $0x80, v3, vm0, $0xb8;
	[tilespmem:$0x18200] =	vst v63  }
0x44: {  	v3 =	vld [tilespmem:$0x10];
	_ =	sdelay $0x4  }
0x45: {  	v60 =	vshrl.u32 v3, $0x3  }
0x46: {  	v4 =	vmul.u32 $0x30, v60  }
0x47: {  	v3 =	vand.u32 $0x7, v3  }
0x48: {  	v3 =	vor.u32 v3, v4  }
0x49: {  	v4 =	vperm.xlane v3, v0;
	_ =	sdelay $0x1  }
0x4a: {  	v4 =	vadd.s32 v1, v4;
	_ =	sdelay $0x3  }
0x4b: {  	v3 =	vperm.xlane v3, v2  }
0x4c: {  	[tilespmem:s1], [sflag:$0x2] =	stream.indirect_vreg.gather [hbm4b:s2+s5], $0x80, v4, vm0, $0xb8;
	[tilespmem:$0x18200] =	vst v63  }
0x4d: {  	s23 =	simm.s32 $0x6A00;
	v3 =	vadd.s32 v1, v3  }
0x4e: {  	[tilespmem:s23], [sflag:$0x2] =	stream.indirect_vreg.gather [hbm4b:s9+s5], $0x80, v4, vm0, $0xb8;
	[tilespmem:$0x18200] =	vst v63  }
0x4f: {  	s24 =	simm.s32 $0x7200  }
0x50: {  	[tilespmem:s24], [sflag:$0x2] =	stream.indirect_vreg.gather [hbm4b:s10+s5], $0x80, v4, vm0, $0xb8;
	[tilespmem:$0x18200] =	vst v63  }
0x51: {  	s25 =	simm.s32 $0x7A00  }
0x52: {  	[tilespmem:s25], [sflag:$0x2] =	stream.indirect_vreg.gather [hbm4b:s2+s5], $0x80, v3, vm0, $0xb8;
	[tilespmem:$0x18200] =	vst v63  }
0x53: {  	s26 =	simm.s32 $0x8200  }
0x54: {  	[tilespmem:s26], [sflag:$0x2] =	stream.indirect_vreg.gather [hbm4b:s9+s5], $0x80, v3, vm0, $0xb8;
	[tilespmem:$0x18200] =	vst v63  }
0x55: {  	s28 =	simm.s32 $0x8A00  }
0x56: {  	[tilespmem:s28], [sflag:$0x2] =	stream.indirect_vreg.gather [hbm4b:s10+s5], $0x80, v3, vm0, $0xb8;
	[tilespmem:$0x18200] =	vst v63  }
0x57: {  	v3 =	vld [tilespmem:$0x110];
	_ =	sdelay $0x4  }
0x58: {  	v61 =	vshrl.u32 v3, $0x3  }
0x59: {  	v4 =	vmul.u32 $0x30, v61  }
0x5a: {  	v3 =	vand.u32 $0x7, v3  }
0x5b: {  	v3 =	vor.u32 v3, v4  }
0x5c: {  	v4 =	vperm.xlane v3, v0;
	_ =	sdelay $0x1  }
0x5d: {  	v4 =	vadd.s32 v1, v4;
	_ =	sdelay $0x3  }
0x5e: {  	s29 =	simm.s32 $0x9200;
	v3 =	vperm.xlane v3, v2  }
0x5f: {  	[tilespmem:s29], [sflag:$0x2] =	stream.indirect_vreg.gather [hbm4b:s3+s5], $0x80, v4, vm0, $0xb8;
	[tilespmem:$0x18200] =	vst v63  }
0x60: {  	s21 =	simm.s32 $0x9A00;
	v3 =	vadd.s32 v1, v3  }
0x61: {  	[tilespmem:s21], [sflag:$0x2] =	stream.indirect_vreg.gather [hbm4b:s12+s5], $0x80, v4, vm0, $0xb8;
	[tilespmem:$0x18200] =	vst v63  }
0x62: {  	s22 =	simm.s32 $0xA200  }
0x63: {  	[tilespmem:s22], [sflag:$0x2] =	stream.indirect_vreg.gather [hbm4b:s13+s5], $0x80, v4, vm0, $0xb8;
	[tilespmem:$0x18200] =	vst v63  }
0x64: {  	s23 =	simm.s32 $0xAA00  }
0x65: {  	[tilespmem:s23], [sflag:$0x2] =	stream.indirect_vreg.gather [hbm4b:s3+s5], $0x80, v3, vm0, $0xb8;
	[tilespmem:$0x18200] =	vst v63  }
0x66: {  	s24 =	simm.s32 $0xB200  }
0x67: {  	[tilespmem:s24], [sflag:$0x2] =	stream.indirect_vreg.gather [hbm4b:s12+s5], $0x80, v3, vm0, $0xb8;
	[tilespmem:$0x18200] =	vst v63  }
0x68: {  	s25 =	simm.s32 $0xBA00  }
0x69: {  	[tilespmem:s25], [sflag:$0x2] =	stream.indirect_vreg.gather [hbm4b:s13+s5], $0x80, v3, vm0, $0xb8;
	[tilespmem:$0x18200] =	vst v63  }
0x6a: {  	v3 =	vld [tilespmem:$0x20];
	_ =	sdelay $0x4  }
0x6b: {  	v62 =	vshrl.u32 v3, $0x3  }
0x6c: {  	v4 =	vmul.u32 $0x30, v62  }
0x6d: {  	v3 =	vand.u32 $0x7, v3  }
0x6e: {  	v3 =	vor.u32 v3, v4  }
0x6f: {  	v4 =	vperm.xlane v3, v0;
	_ =	sdelay $0x1  }
0x70: {  	v4 =	vadd.s32 v1, v4;
	_ =	sdelay $0x3  }
0x71: {  	v3 =	vperm.xlane v3, v2  }
0x72: {  	[tilespmem:s0], [sflag:$0x3] =	stream.indirect_vreg.gather [hbm4b:s2+s5], $0x80, v4, vm0, $0xb8;
	[tilespmem:$0x18200] =	vst v63  }
0x73: {  	s26 =	simm.s32 $0xCA00;
	v3 =	vadd.s32 v1, v3  }
0x74: {  	[tilespmem:s26], [sflag:$0x3] =	stream.indirect_vreg.gather [hbm4b:s9+s5], $0x80, v4, vm0, $0xb8;
	[tilespmem:$0x18200] =	vst v63  }
0x75: {  	s28 =	simm.s32 $0xD200  }
0x76: {  	[tilespmem:s28], [sflag:$0x3] =	stream.indirect_vreg.gather [hbm4b:s10+s5], $0x80, v4, vm0, $0xb8;
	[tilespmem:$0x18200] =	vst v63  }
0x77: {  	s29 =	simm.s32 $0xDA00  }
0x78: {  	[tilespmem:s29], [sflag:$0x3] =	stream.indirect_vreg.gather [hbm4b:s2+s5], $0x80, v3, vm0, $0xb8;
	[tilespmem:$0x18200] =	vst v63  }
0x79: {  	s21 =	simm.s32 $0xE200  }
0x7a: {  	[tilespmem:s21], [sflag:$0x3] =	stream.indirect_vreg.gather [hbm4b:s9+s5], $0x80, v3, vm0, $0xb8;
	[tilespmem:$0x18200] =	vst v63  }
0x7b: {  	s22 =	simm.s32 $0xEA00  }
0x7c: {  	[tilespmem:s22], [sflag:$0x3] =	stream.indirect_vreg.gather [hbm4b:s10+s5], $0x80, v3, vm0, $0xb8;
	[tilespmem:$0x18200] =	vst v63  }
0x7d: {  	v3 =	vld [tilespmem:$0x120];
	_ =	sdelay $0x4  }
0x7e: {  	v63 =	vshrl.u32 v3, $0x3  }
0x7f: {  	v4 =	vmul.u32 $0x30, v63  }
0x80: {  	v3 =	vand.u32 $0x7, v3  }
0x81: {  	v3 =	vor.u32 v3, v4  }
0x82: {  	v4 =	vperm.xlane v3, v0;
	_ =	sdelay $0x1  }
0x83: {  	v4 =	vadd.s32 v1, v4;
	_ =	sdelay $0x3  }
0x84: {  	s23 =	simm.s32 $0xF200;
	v3 =	vperm.xlane v3, v2  }
0x85: {  	[tilespmem:s23], [sflag:$0x3] =	stream.indirect_vreg.gather [hbm4b:s3+s5], $0x80, v4, vm0, $0xb8;
	[tilespmem:$0x18200] =	vst v63  }
0x86: {  	s24 =	simm.s32 $0xFA00;
	v3 =	vadd.s32 v1, v3  }
0x87: {  	[tilespmem:s24], [sflag:$0x3] =	stream.indirect_vreg.gather [hbm4b:s12+s5], $0x80, v4, vm0, $0xb8;
	[tilespmem:$0x18200] =	vst v63  }
0x88: {  	s25 =	simm.s32 $0x10200  }
0x89: {  	[tilespmem:s25], [sflag:$0x3] =	stream.indirect_vreg.gather [hbm4b:s13+s5], $0x80, v4, vm0, $0xb8;
	[tilespmem:$0x18200] =	vst v63  }
0x8a: {  	s26 =	simm.s32 $0x10A00  }
0x8b: {  	[tilespmem:s26], [sflag:$0x3] =	stream.indirect_vreg.gather [hbm4b:s3+s5], $0x80, v3, vm0, $0xb8;
	[tilespmem:$0x18200] =	vst v63  }
0x8c: {  	s28 =	simm.s32 $0x11200  }
0x8d: {  	[tilespmem:s28], [sflag:$0x3] =	stream.indirect_vreg.gather [hbm4b:s12+s5], $0x80, v3, vm0, $0xb8;
	[tilespmem:$0x18200] =	vst v63  }
0x8e: {  	s14 =	simm.s32 $0x0;
	s29 =	simm.s32 $0x11A00  }
0x8f: {  	[tilespmem:s29], [sflag:$0x3] =	stream.indirect_vreg.gather [hbm4b:s13+s5], $0x80, v3, vm0, $0xb8;
	[tilespmem:$0x18200] =	vst v63  }
.LBB2_2:
0x90: {  	p0 =	seq.s32 s14, $0x0  }
0x91: {  	s23 =	simm.s32 @!p0 $0x8  }
0x92: {  	_ =	swait.ge @!p0 [sflag:s23], $0x3000  }
0x93: {  	s22 =	sshll.u32 s14, $0x6;
	[sflag:s23] =	ssyncset.done @!p0 $0x0  }
0x94: {  	s21 =	sor.u32 $0x30, s22;
	[sflag:s23] =	ssyncadd.s32 @!p0 $0xFFFFD000  }
0x95: {  	v3 =	vld [tilespmem:s21+$0x0];
	_ =	sdelay $0x4  }
0x96: {  	v4 =	vshrl.u32 v3, $0x3  }
0x97: {  	v4 =	vmul.u32 $0x30, v4  }
0x98: {  	v3 =	vand.u32 $0x7, v3  }
0x99: {  	v3 =	vor.u32 v3, v4  }
0x9a: {  	v4 =	vperm.xlane v3, v0;
	_ =	sdelay $0x1  }
0x9b: {  	v4 =	vadd.s32 v1, v4;
	_ =	sdelay $0x3  }
0x9c: {  	s23 =	simm.s32 $0x0;
	v3 =	vperm.xlane v3, v2  }
0x9d: {  	[tilespmem:s18], [sflag:$0x4] =	stream.indirect_vreg.gather [hbm4b:s2+s23], $0x80, v4, vm0, $0xb8;
	[tilespmem:$0x18200] =	vst v63  }
0x9e: {  	s24 =	simm.s32 $0x12A00;
	v3 =	vadd.s32 v1, v3  }
0x9f: {  	[tilespmem:s24], [sflag:$0x4] =	stream.indirect_vreg.gather [hbm4b:s9+s23], $0x80, v4, vm0, $0xb8;
	[tilespmem:$0x18200] =	vst v63  }
0xa0: {  	s25 =	simm.s32 $0x13200  }
0xa1: {  	[tilespmem:s25], [sflag:$0x4] =	stream.indirect_vreg.gather [hbm4b:s10+s23], $0x80, v4, vm0, $0xb8;
	[tilespmem:$0x18200] =	vst v63  }
0xa2: {  	s26 =	simm.s32 $0x13A00  }
0xa3: {  	[tilespmem:s26], [sflag:$0x4] =	stream.indirect_vreg.gather [hbm4b:s2+s23], $0x80, v3, vm0, $0xb8;
	[tilespmem:$0x18200] =	vst v63  }
0xa4: {  	s28 =	simm.s32 $0x14200  }
0xa5: {  	[tilespmem:s28], [sflag:$0x4] =	stream.indirect_vreg.gather [hbm4b:s9+s23], $0x80, v3, vm0, $0xb8;
	[tilespmem:$0x18200] =	vst v63  }
0xa6: {  	s29 =	simm.s32 $0x14A00  }
0xa7: {  	[tilespmem:s29], [sflag:$0x4] =	stream.indirect_vreg.gather [hbm4b:s10+s23], $0x80, v3, vm0, $0xb8;
	[tilespmem:$0x18200] =	vst v63  }
0xa8: {  	v3 =	vld [tilespmem:s21+$0x100];
	_ =	sdelay $0x4  }
0xa9: {  	v4 =	vshrl.u32 v3, $0x3  }
0xaa: {  	v4 =	vmul.u32 $0x30, v4  }
0xab: {  	v3 =	vand.u32 $0x7, v3  }
0xac: {  	v3 =	vor.u32 v3, v4  }
0xad: {  	v4 =	vperm.xlane v3, v0;
	_ =	sdelay $0x1  }
0xae: {  	v4 =	vadd.s32 v1, v4;
	_ =	sdelay $0x3  }
0xaf: {  	s25 =	simm.s32 $0x15200;
	v3 =	vperm.xlane v3, v2  }
0xb0: {  	[tilespmem:s25], [sflag:$0x4] =	stream.indirect_vreg.gather [hbm4b:s3+s23], $0x80, v4, vm0, $0xb8;
	[tilespmem:$0x18200] =	vst v63  }
0xb1: {  	s26 =	simm.s32 $0x15A00;
	v3 =	vadd.s32 v1, v3  }
0xb2: {  	[tilespmem:s26], [sflag:$0x4] =	stream.indirect_vreg.gather [hbm4b:s12+s23], $0x80, v4, vm0, $0xb8;
	[tilespmem:$0x18200] =	vst v63  }
0xb3: {  	s28 =	simm.s32 $0x16200  }
0xb4: {  	[tilespmem:s28], [sflag:$0x4] =	stream.indirect_vreg.gather [hbm4b:s13+s23], $0x80, v4, vm0, $0xb8;
	[tilespmem:$0x18200] =	vst v63  }
0xb5: {  	_ = 	snop  }
0xb6: {  	[tilespmem:s30], [sflag:$0x4] =	stream.indirect_vreg.gather [hbm4b:s3+s23], $0x80, v3, vm0, $0xb8;
	[tilespmem:$0x18200] =	vst v63  }
0xb7: {  	_ = 	snop  }
0xb8: {  	[tilespmem:s31], [sflag:$0x4] =	stream.indirect_vreg.gather [hbm4b:s12+s23], $0x80, v3, vm0, $0xb8;
	[tilespmem:$0x18200] =	vst v63  }
0xb9: {  	_ = 	snop  }
0xba: {  	[tilespmem:s16], [sflag:$0x4] =	stream.indirect_vreg.gather [hbm4b:s13+s23], $0x80, v3, vm0, $0xb8;
	[tilespmem:$0x18200] =	vst v63  }
0xbb: {  	_ =	swait.ge [sflag:s19], $0x3000  }
0xbc: {  	[sflag:s19] =	ssyncset.done $0x0  }
0xbd: {  	s29 =	simm.s32 $0x0;
	[sflag:s19] =	ssyncadd.s32 $0xFFFFD000  }
0xbe: {  	s24 =	smul.u32 $0x1800, s29;
	_ =	swait.ge [sflag:s19], $0x3000  }
0xbf: {  	s25 =	sand.u32 $0x380, s23;
	[sflag:s19] =	ssyncset.done $0x0  }
0xc0: {  	s24 =	sor.u32 s25, s24;
	[sflag:s19] =	ssyncadd.s32 $0xFFFFD000  }
0xc1: {  	v3 =	vld [tilespmem:s24+$0x4670]  }
0xc2: {  	v6 =	vld [tilespmem:s24+$0x3200]  }
0xc3: {  	v7 =	vld [tilespmem:s24+$0x3210]  }
0xc4: {  	v8 =	vld [tilespmem:s24+$0x3220]  }
0xc5: {  	v9 =	vld [tilespmem:s24+$0x3230]  }
0xc6: {  	v10 =	vld [tilespmem:s24+$0x3240]  }
0xc7: {  	v11 =	vld [tilespmem:s24+$0x3250]  }
0xc8: {  	v12 =	vld [tilespmem:s24+$0x3260]  }
0xc9: {  	v13 =	vld [tilespmem:s24+$0x3270]  }
0xca: {  	v14 =	vld [tilespmem:s24+$0x3600]  }
0xcb: {  	v15 =	vld [tilespmem:s24+$0x3610]  }
0xcc: {  	v16 =	vld [tilespmem:s24+$0x3620]  }
0xcd: {  	v17 =	vld [tilespmem:s24+$0x3630]  }
0xce: {  	v18 =	vld [tilespmem:s24+$0x3640]  }
0xcf: {  	v19 =	vld [tilespmem:s24+$0x3650]  }
0xd0: {  	v20 =	vld [tilespmem:s24+$0x3660]  }
0xd1: {  	v21 =	vld [tilespmem:s24+$0x3670]  }
0xd2: {  	v22 =	vld [tilespmem:s24+$0x3A00]  }
0xd3: {  	v23 =	vld [tilespmem:s24+$0x3A10]  }
0xd4: {  	v24 =	vld [tilespmem:s24+$0x3A20]  }
0xd5: {  	v25 =	vld [tilespmem:s24+$0x3A30]  }
0xd6: {  	v26 =	vld [tilespmem:s24+$0x3A40]  }
0xd7: {  	v27 =	vld [tilespmem:s24+$0x3A50]  }
0xd8: {  	v28 =	vld [tilespmem:s24+$0x3A60]  }
0xd9: {  	v29 =	vld [tilespmem:s24+$0x3A70]  }
0xda: {  	v30 =	vld [tilespmem:s24+$0x3E00]  }
0xdb: {  	v31 =	vld [tilespmem:s24+$0x3E10]  }
0xdc: {  	v32 =	vld [tilespmem:s24+$0x3E20]  }
0xdd: {  	v33 =	vld [tilespmem:s24+$0x3E30]  }
0xde: {  	v34 =	vld [tilespmem:s24+$0x3E40]  }
0xdf: {  	v35 =	vld [tilespmem:s24+$0x3E50]  }
0xe0: {  	v36 =	vld [tilespmem:s24+$0x3E60]  }
0xe1: {  	v37 =	vld [tilespmem:s24+$0x3E70]  }
0xe2: {  	v38 =	vld [tilespmem:s24+$0x4200]  }
0xe3: {  	v39 =	vld [tilespmem:s24+$0x4210]  }
0xe4: {  	v40 =	vld [tilespmem:s24+$0x4220]  }
0xe5: {  	v41 =	vld [tilespmem:s24+$0x4230]  }
0xe6: {  	v42 =	vld [tilespmem:s24+$0x4240]  }
0xe7: {  	v43 =	vld [tilespmem:s24+$0x4250]  }
0xe8: {  	v44 =	vld [tilespmem:s24+$0x4260]  }
0xe9: {  	v45 =	vld [tilespmem:s24+$0x4270]  }
0xea: {  	v46 =	vld [tilespmem:s24+$0x4600]  }
0xeb: {  	v47 =	vld [tilespmem:s24+$0x4610]  }
0xec: {  	v48 =	vld [tilespmem:s24+$0x4620]  }
0xed: {  	v49 =	vld [tilespmem:s24+$0x4630]  }
0xee: {  	v5 =	vld [tilespmem:s24+$0x4640]  }
0xef: {  	v4 =	vld [tilespmem:s24+$0x4650]  }
0xf0: {  	[tilespmem:s24+$0x1670] =	vst.add.f32.msk $0xffff, v3  }
0xf1: {  	v3 =	vld [tilespmem:s24+$0x4660]  }
0xf2: {  	[tilespmem:s24+$0x200] =	vst.add.f32.msk $0xffff, v6  }
0xf3: {  	[tilespmem:s24+$0x210] =	vst.add.f32.msk $0xffff, v7  }
0xf4: {  	[tilespmem:s24+$0x220] =	vst.add.f32.msk $0xffff, v8  }
0xf5: {  	[tilespmem:s24+$0x230] =	vst.add.f32.msk $0xffff, v9  }
0xf6: {  	[tilespmem:s24+$0x240] =	vst.add.f32.msk $0xffff, v10  }
0xf7: {  	[tilespmem:s24+$0x250] =	vst.add.f32.msk $0xffff, v11  }
0xf8: {  	[tilespmem:s24+$0x260] =	vst.add.f32.msk $0xffff, v12  }
0xf9: {  	[tilespmem:s24+$0x270] =	vst.add.f32.msk $0xffff, v13  }
0xfa: {  	[tilespmem:s24+$0x600] =	vst.add.f32.msk $0xffff, v14  }
0xfb: {  	[tilespmem:s24+$0x610] =	vst.add.f32.msk $0xffff, v15  }
0xfc: {  	[tilespmem:s24+$0x620] =	vst.add.f32.msk $0xffff, v16  }
0xfd: {  	[tilespmem:s24+$0x630] =	vst.add.f32.msk $0xffff, v17  }
0xfe: {  	[tilespmem:s24+$0x640] =	vst.add.f32.msk $0xffff, v18  }
0xff: {  	[tilespmem:s24+$0x650] =	vst.add.f32.msk $0xffff, v19  }
0x100: {  	[tilespmem:s24+$0x660] =	vst.add.f32.msk $0xffff, v20  }
0x101: {  	[tilespmem:s24+$0x670] =	vst.add.f32.msk $0xffff, v21  }
0x102: {  	[tilespmem:s24+$0xA00] =	vst.add.f32.msk $0xffff, v22  }
0x103: {  	[tilespmem:s24+$0xA10] =	vst.add.f32.msk $0xffff, v23  }
0x104: {  	[tilespmem:s24+$0xA20] =	vst.add.f32.msk $0xffff, v24  }
0x105: {  	[tilespmem:s24+$0xA30] =	vst.add.f32.msk $0xffff, v25  }
0x106: {  	[tilespmem:s24+$0xA40] =	vst.add.f32.msk $0xffff, v26  }
0x107: {  	[tilespmem:s24+$0xA50] =	vst.add.f32.msk $0xffff, v27  }
0x108: {  	[tilespmem:s24+$0xA60] =	vst.add.f32.msk $0xffff, v28  }
0x109: {  	[tilespmem:s24+$0xA70] =	vst.add.f32.msk $0xffff, v29  }
0x10a: {  	[tilespmem:s24+$0xE00] =	vst.add.f32.msk $0xffff, v30  }
0x10b: {  	[tilespmem:s24+$0xE10] =	vst.add.f32.msk $0xffff, v31  }
0x10c: {  	[tilespmem:s24+$0xE20] =	vst.add.f32.msk $0xffff, v32  }
0x10d: {  	[tilespmem:s24+$0xE30] =	vst.add.f32.msk $0xffff, v33  }
0x10e: {  	[tilespmem:s24+$0xE40] =	vst.add.f32.msk $0xffff, v34  }
0x10f: {  	[tilespmem:s24+$0xE50] =	vst.add.f32.msk $0xffff, v35  }
0x110: {  	[tilespmem:s24+$0xE60] =	vst.add.f32.msk $0xffff, v36  }
0x111: {  	[tilespmem:s24+$0xE70] =	vst.add.f32.msk $0xffff, v37  }
0x112: {  	[tilespmem:s24+$0x1200] =	vst.add.f32.msk $0xffff, v38  }
0x113: {  	[tilespmem:s24+$0x1210] =	vst.add.f32.msk $0xffff, v39  }
0x114: {  	[tilespmem:s24+$0x1220] =	vst.add.f32.msk $0xffff, v40  }
0x115: {  	[tilespmem:s24+$0x1230] =	vst.add.f32.msk $0xffff, v41  }
0x116: {  	[tilespmem:s24+$0x1240] =	vst.add.f32.msk $0xffff, v42  }
0x117: {  	[tilespmem:s24+$0x1250] =	vst.add.f32.msk $0xffff, v43  }
0x118: {  	[tilespmem:s24+$0x1260] =	vst.add.f32.msk $0xffff, v44  }
0x119: {  	[tilespmem:s24+$0x1270] =	vst.add.f32.msk $0xffff, v45  }
0x11a: {  	[tilespmem:s24+$0x1600] =	vst.add.f32.msk $0xffff, v46  }
0x11b: {  	[tilespmem:s24+$0x1610] =	vst.add.f32.msk $0xffff, v47  }
0x11c: {  	[tilespmem:s24+$0x1620] =	vst.add.f32.msk $0xffff, v48  }
0x11d: {  	s25 =	simm.s32 $0x2;
	s26 =	simm.s32 $0x0;
	[tilespmem:s24+$0x1630] =	vst.add.f32.msk $0xffff, v49  }
.LBB2_3:
0x11e: {  	p0 =	sne.s32 s25, $0xF;
	s26 =	smul.u32 $0x1800, s26;
	[tilespmem:s24+$0x1640] =	vst.add.f32.msk $0xffff, v5;
	s23 =	sadd.s32 $0x80, s23  }
0x11f: {  	s28 =	sand.u32 $0x380, s23;
	[tilespmem:s24+$0x1650] =	vst.add.f32.msk $0xffff, v4  }
0x120: {  	[tilespmem:s24+$0x1660] =	vst.add.f32.msk $0xffff, v3;
	s24 =	sor.u32 s28, s26  }
0x121: {  	v3 =	vld [tilespmem:s24+$0x4670]  }
0x122: {  	v6 =	vld [tilespmem:s24+$0x3200]  }
0x123: {  	v7 =	vld [tilespmem:s24+$0x3210]  }
0x124: {  	v8 =	vld [tilespmem:s24+$0x3220]  }
0x125: {  	v9 =	vld [tilespmem:s24+$0x3230]  }
0x126: {  	[tilespmem:s24+$0x1670] =	vst.add.f32.msk $0xffff, v3  }
0x127: {  	v10 =	vld [tilespmem:s24+$0x3240]  }
0x128: {  	v11 =	vld [tilespmem:s24+$0x3250]  }
0x129: {  	v12 =	vld [tilespmem:s24+$0x3260]  }
0x12a: {  	v13 =	vld [tilespmem:s24+$0x3270]  }
0x12b: {  	v14 =	vld [tilespmem:s24+$0x3600]  }
0x12c: {  	v15 =	vld [tilespmem:s24+$0x3610]  }
0x12d: {  	v16 =	vld [tilespmem:s24+$0x3620]  }
0x12e: {  	v17 =	vld [tilespmem:s24+$0x3630]  }
0x12f: {  	v18 =	vld [tilespmem:s24+$0x3640]  }
0x130: {  	v19 =	vld [tilespmem:s24+$0x3650]  }
0x131: {  	v20 =	vld [tilespmem:s24+$0x3660]  }
0x132: {  	v21 =	vld [tilespmem:s24+$0x3670]  }
0x133: {  	v22 =	vld [tilespmem:s24+$0x3A00]  }
0x134: {  	v23 =	vld [tilespmem:s24+$0x3A10]  }
0x135: {  	v24 =	vld [tilespmem:s24+$0x3A20]  }
0x136: {  	v25 =	vld [tilespmem:s24+$0x3A30]  }
0x137: {  	v26 =	vld [tilespmem:s24+$0x3A40]  }
0x138: {  	v27 =	vld [tilespmem:s24+$0x3A50]  }
0x139: {  	v28 =	vld [tilespmem:s24+$0x3A60]  }
0x13a: {  	v29 =	vld [tilespmem:s24+$0x3A70]  }
0x13b: {  	v30 =	vld [tilespmem:s24+$0x3E00]  }
0x13c: {  	v31 =	vld [tilespmem:s24+$0x3E10]  }
0x13d: {  	v32 =	vld [tilespmem:s24+$0x3E20]  }
0x13e: {  	v33 =	vld [tilespmem:s24+$0x3E30]  }
0x13f: {  	v34 =	vld [tilespmem:s24+$0x3E40]  }
0x140: {  	v35 =	vld [tilespmem:s24+$0x3E50]  }
0x141: {  	v36 =	vld [tilespmem:s24+$0x3E60]  }
0x142: {  	v37 =	vld [tilespmem:s24+$0x3E70]  }
0x143: {  	v38 =	vld [tilespmem:s24+$0x4200]  }
0x144: {  	v39 =	vld [tilespmem:s24+$0x4210]  }
0x145: {  	v40 =	vld [tilespmem:s24+$0x4220]  }
0x146: {  	v41 =	vld [tilespmem:s24+$0x4230]  }
0x147: {  	v42 =	vld [tilespmem:s24+$0x4240]  }
0x148: {  	v43 =	vld [tilespmem:s24+$0x4250]  }
0x149: {  	v44 =	vld [tilespmem:s24+$0x4260]  }
0x14a: {  	v45 =	vld [tilespmem:s24+$0x4270]  }
0x14b: {  	v46 =	vld [tilespmem:s24+$0x4600]  }
0x14c: {  	v47 =	vld [tilespmem:s24+$0x4610]  }
0x14d: {  	v48 =	vld [tilespmem:s24+$0x4620]  }
0x14e: {  	v49 =	vld [tilespmem:s24+$0x4630]  }
0x14f: {  	v5 =	vld [tilespmem:s24+$0x4640]  }
0x150: {  	v4 =	vld [tilespmem:s24+$0x4650]  }
0x151: {  	v3 =	vld [tilespmem:s24+$0x4660]  }
0x152: {  	[tilespmem:s24+$0x200] =	vst.add.f32.msk $0xffff, v6  }
0x153: {  	[tilespmem:s24+$0x210] =	vst.add.f32.msk $0xffff, v7  }
0x154: {  	[tilespmem:s24+$0x220] =	vst.add.f32.msk $0xffff, v8  }
0x155: {  	[tilespmem:s24+$0x230] =	vst.add.f32.msk $0xffff, v9  }
0x156: {  	[tilespmem:s24+$0x240] =	vst.add.f32.msk $0xffff, v10  }
0x157: {  	[tilespmem:s24+$0x250] =	vst.add.f32.msk $0xffff, v11  }
0x158: {  	[tilespmem:s24+$0x260] =	vst.add.f32.msk $0xffff, v12  }
0x159: {  	[tilespmem:s24+$0x270] =	vst.add.f32.msk $0xffff, v13  }
0x15a: {  	[tilespmem:s24+$0x600] =	vst.add.f32.msk $0xffff, v14  }
0x15b: {  	[tilespmem:s24+$0x610] =	vst.add.f32.msk $0xffff, v15  }
0x15c: {  	[tilespmem:s24+$0x620] =	vst.add.f32.msk $0xffff, v16  }
0x15d: {  	[tilespmem:s24+$0x630] =	vst.add.f32.msk $0xffff, v17  }
0x15e: {  	[tilespmem:s24+$0x640] =	vst.add.f32.msk $0xffff, v18  }
0x15f: {  	[tilespmem:s24+$0x650] =	vst.add.f32.msk $0xffff, v19  }
0x160: {  	[tilespmem:s24+$0x660] =	vst.add.f32.msk $0xffff, v20  }
0x161: {  	[tilespmem:s24+$0x670] =	vst.add.f32.msk $0xffff, v21  }
0x162: {  	[tilespmem:s24+$0xA00] =	vst.add.f32.msk $0xffff, v22  }
0x163: {  	[tilespmem:s24+$0xA10] =	vst.add.f32.msk $0xffff, v23  }
0x164: {  	[tilespmem:s24+$0xA20] =	vst.add.f32.msk $0xffff, v24  }
0x165: {  	[tilespmem:s24+$0xA30] =	vst.add.f32.msk $0xffff, v25  }
0x166: {  	[tilespmem:s24+$0xA40] =	vst.add.f32.msk $0xffff, v26  }
0x167: {  	[tilespmem:s24+$0xA50] =	vst.add.f32.msk $0xffff, v27  }
0x168: {  	[tilespmem:s24+$0xA60] =	vst.add.f32.msk $0xffff, v28  }
0x169: {  	[tilespmem:s24+$0xA70] =	vst.add.f32.msk $0xffff, v29  }
0x16a: {  	[tilespmem:s24+$0xE00] =	vst.add.f32.msk $0xffff, v30  }
0x16b: {  	[tilespmem:s24+$0xE10] =	vst.add.f32.msk $0xffff, v31  }
0x16c: {  	[tilespmem:s24+$0xE20] =	vst.add.f32.msk $0xffff, v32  }
0x16d: {  	[tilespmem:s24+$0xE30] =	vst.add.f32.msk $0xffff, v33  }
0x16e: {  	[tilespmem:s24+$0xE40] =	vst.add.f32.msk $0xffff, v34  }
0x16f: {  	[tilespmem:s24+$0xE50] =	vst.add.f32.msk $0xffff, v35  }
0x170: {  	[tilespmem:s24+$0xE60] =	vst.add.f32.msk $0xffff, v36  }
0x171: {  	[tilespmem:s24+$0xE70] =	vst.add.f32.msk $0xffff, v37  }
0x172: {  	[tilespmem:s24+$0x1200] =	vst.add.f32.msk $0xffff, v38  }
0x173: {  	[tilespmem:s24+$0x1210] =	vst.add.f32.msk $0xffff, v39  }
0x174: {  	[tilespmem:s24+$0x1220] =	vst.add.f32.msk $0xffff, v40  }
0x175: {  	[tilespmem:s24+$0x1230] =	vst.add.f32.msk $0xffff, v41  }
0x176: {  	[tilespmem:s24+$0x1240] =	vst.add.f32.msk $0xffff, v42  }
0x177: {  	[tilespmem:s24+$0x1250] =	vst.add.f32.msk $0xffff, v43  }
0x178: {  	[tilespmem:s24+$0x1260] =	vst.add.f32.msk $0xffff, v44  }
.Ltmp0:
0x179: {  	[tilespmem:s24+$0x1270] =	vst.add.f32.msk $0xffff, v45;
	(pc) =	sbr.rel @p0 .LBB2_3-.Ltmp0, $4  }
0x17a: {  	[tilespmem:s24+$0x1600] =	vst.add.f32.msk $0xffff, v46  }
0x17b: {  	[tilespmem:s24+$0x1610] =	vst.add.f32.msk $0xffff, v47  }
0x17c: {  	[tilespmem:s24+$0x1620] =	vst.add.f32.msk $0xffff, v48  }
0x17d: {  	s26 =	sshrl.u32 s25, $0x3;
	s25 =	sadd.s32 $0x1, s25;
	[tilespmem:s24+$0x1630] =	vst.add.f32.msk $0xffff, v49  }
0x17e: {  	s25 =	smul.u32 $0x1800, s26;
	[tilespmem:s24+$0x1640] =	vst.add.f32.msk $0xffff, v5;
	s23 =	sadd.s32 $0x80, s23  }
0x17f: {  	[tilespmem:s24+$0x1650] =	vst.add.f32.msk $0xffff, v4;
	s23 =	sand.u32 $0x380, s23  }
0x180: {  	[tilespmem:s24+$0x1660] =	vst.add.f32.msk $0xffff, v3;
	s25 =	sor.u32 s23, s25  }
0x181: {  	v3 =	vld [tilespmem:s25+$0x4670]  }
0x182: {  	v4 =	vld [tilespmem:s25+$0x3200]  }
0x183: {  	v5 =	vld [tilespmem:s25+$0x3210]  }
0x184: {  	v6 =	vld [tilespmem:s25+$0x3220]  }
0x185: {  	v7 =	vld [tilespmem:s25+$0x3230]  }
0x186: {  	v8 =	vld [tilespmem:s25+$0x3250]  }
0x187: {  	v9 =	vld [tilespmem:s25+$0x3260]  }
0x188: {  	v10 =	vld [tilespmem:s25+$0x3270]  }
0x189: {  	v11 =	vld [tilespmem:s25+$0x3600]  }
0x18a: {  	v12 =	vld [tilespmem:s25+$0x3610]  }
0x18b: {  	v13 =	vld [tilespmem:s25+$0x3620]  }
0x18c: {  	v14 =	vld [tilespmem:s25+$0x3630]  }
0x18d: {  	v15 =	vld [tilespmem:s25+$0x3640]  }
0x18e: {  	v16 =	vld [tilespmem:s25+$0x3650]  }
0x18f: {  	v17 =	vld [tilespmem:s25+$0x3660]  }
0x190: {  	v18 =	vld [tilespmem:s25+$0x3670]  }
0x191: {  	v19 =	vld [tilespmem:s25+$0x3A00]  }
0x192: {  	v20 =	vld [tilespmem:s25+$0x3A10]  }
0x193: {  	v21 =	vld [tilespmem:s25+$0x3A20]  }
0x194: {  	v22 =	vld [tilespmem:s25+$0x3A30]  }
0x195: {  	v23 =	vld [tilespmem:s25+$0x3A40]  }
0x196: {  	v24 =	vld [tilespmem:s25+$0x3A50]  }
0x197: {  	v25 =	vld [tilespmem:s25+$0x3A60]  }
0x198: {  	v26 =	vld [tilespmem:s25+$0x3A70]  }
0x199: {  	v27 =	vld [tilespmem:s25+$0x3E00]  }
0x19a: {  	v28 =	vld [tilespmem:s25+$0x3E10]  }
0x19b: {  	v29 =	vld [tilespmem:s25+$0x3E20]  }
0x19c: {  	v30 =	vld [tilespmem:s25+$0x3E30]  }
0x19d: {  	v31 =	vld [tilespmem:s25+$0x3E40]  }
0x19e: {  	v32 =	vld [tilespmem:s25+$0x3E50]  }
0x19f: {  	v33 =	vld [tilespmem:s25+$0x3E60]  }
0x1a0: {  	v34 =	vld [tilespmem:s25+$0x3E70]  }
0x1a1: {  	v35 =	vld [tilespmem:s25+$0x4200]  }
0x1a2: {  	v36 =	vld [tilespmem:s25+$0x4210]  }
0x1a3: {  	v37 =	vld [tilespmem:s25+$0x4220]  }
0x1a4: {  	v38 =	vld [tilespmem:s25+$0x4230]  }
0x1a5: {  	v39 =	vld [tilespmem:s25+$0x4240]  }
0x1a6: {  	v40 =	vld [tilespmem:s25+$0x4250]  }
0x1a7: {  	v41 =	vld [tilespmem:s25+$0x4260]  }
0x1a8: {  	v42 =	vld [tilespmem:s25+$0x4270]  }
0x1a9: {  	v43 =	vld [tilespmem:s25+$0x4600]  }
0x1aa: {  	v44 =	vld [tilespmem:s25+$0x4610]  }
0x1ab: {  	v45 =	vld [tilespmem:s25+$0x4620]  }
0x1ac: {  	v46 =	vld [tilespmem:s25+$0x4630]  }
0x1ad: {  	v47 =	vld [tilespmem:s25+$0x4640]  }
0x1ae: {  	v48 =	vld [tilespmem:s25+$0x4650]  }
0x1af: {  	v49 =	vld [tilespmem:s25+$0x4660]  }
0x1b0: {  	[tilespmem:s25+$0x1670] =	vst.add.f32.msk $0xffff, v3  }
0x1b1: {  	v3 =	vld [tilespmem:s25+$0x3240]  }
0x1b2: {  	[tilespmem:s25+$0x200] =	vst.add.f32.msk $0xffff, v4  }
0x1b3: {  	[tilespmem:s25+$0x210] =	vst.add.f32.msk $0xffff, v5  }
0x1b4: {  	[tilespmem:s25+$0x220] =	vst.add.f32.msk $0xffff, v6  }
0x1b5: {  	[tilespmem:s25+$0x230] =	vst.add.f32.msk $0xffff, v7  }
0x1b6: {  	[tilespmem:s25+$0x250] =	vst.add.f32.msk $0xffff, v8  }
0x1b7: {  	[tilespmem:s25+$0x260] =	vst.add.f32.msk $0xffff, v9  }
0x1b8: {  	[tilespmem:s25+$0x270] =	vst.add.f32.msk $0xffff, v10  }
0x1b9: {  	[tilespmem:s25+$0x600] =	vst.add.f32.msk $0xffff, v11  }
0x1ba: {  	[tilespmem:s25+$0x610] =	vst.add.f32.msk $0xffff, v12  }
0x1bb: {  	[tilespmem:s25+$0x620] =	vst.add.f32.msk $0xffff, v13  }
0x1bc: {  	[tilespmem:s25+$0x630] =	vst.add.f32.msk $0xffff, v14  }
0x1bd: {  	[tilespmem:s25+$0x640] =	vst.add.f32.msk $0xffff, v15  }
0x1be: {  	[tilespmem:s25+$0x650] =	vst.add.f32.msk $0xffff, v16  }
0x1bf: {  	[tilespmem:s25+$0x660] =	vst.add.f32.msk $0xffff, v17  }
0x1c0: {  	[tilespmem:s25+$0x670] =	vst.add.f32.msk $0xffff, v18  }
0x1c1: {  	[tilespmem:s25+$0xA00] =	vst.add.f32.msk $0xffff, v19  }
0x1c2: {  	[tilespmem:s25+$0xA10] =	vst.add.f32.msk $0xffff, v20  }
0x1c3: {  	[tilespmem:s25+$0xA20] =	vst.add.f32.msk $0xffff, v21  }
0x1c4: {  	[tilespmem:s25+$0xA30] =	vst.add.f32.msk $0xffff, v22  }
0x1c5: {  	[tilespmem:s25+$0xA40] =	vst.add.f32.msk $0xffff, v23  }
0x1c6: {  	[tilespmem:s25+$0xA50] =	vst.add.f32.msk $0xffff, v24  }
0x1c7: {  	[tilespmem:s25+$0xA60] =	vst.add.f32.msk $0xffff, v25  }
0x1c8: {  	[tilespmem:s25+$0xA70] =	vst.add.f32.msk $0xffff, v26  }
0x1c9: {  	[tilespmem:s25+$0xE00] =	vst.add.f32.msk $0xffff, v27  }
0x1ca: {  	[tilespmem:s25+$0xE10] =	vst.add.f32.msk $0xffff, v28  }
0x1cb: {  	[tilespmem:s25+$0xE20] =	vst.add.f32.msk $0xffff, v29  }
0x1cc: {  	[tilespmem:s25+$0xE30] =	vst.add.f32.msk $0xffff, v30  }
0x1cd: {  	[tilespmem:s25+$0xE40] =	vst.add.f32.msk $0xffff, v31  }
0x1ce: {  	[tilespmem:s25+$0xE50] =	vst.add.f32.msk $0xffff, v32  }
0x1cf: {  	[tilespmem:s25+$0xE60] =	vst.add.f32.msk $0xffff, v33  }
0x1d0: {  	[tilespmem:s25+$0xE70] =	vst.add.f32.msk $0xffff, v34  }
0x1d1: {  	[tilespmem:s25+$0x1200] =	vst.add.f32.msk $0xffff, v35  }
0x1d2: {  	[tilespmem:s25+$0x1210] =	vst.add.f32.msk $0xffff, v36  }
0x1d3: {  	[tilespmem:s25+$0x1220] =	vst.add.f32.msk $0xffff, v37  }
0x1d4: {  	[tilespmem:s25+$0x1230] =	vst.add.f32.msk $0xffff, v38  }
0x1d5: {  	[tilespmem:s25+$0x1240] =	vst.add.f32.msk $0xffff, v39  }
0x1d6: {  	[tilespmem:s25+$0x1250] =	vst.add.f32.msk $0xffff, v40  }
0x1d7: {  	[tilespmem:s25+$0x1260] =	vst.add.f32.msk $0xffff, v41  }
0x1d8: {  	[tilespmem:s25+$0x1270] =	vst.add.f32.msk $0xffff, v42  }
0x1d9: {  	[tilespmem:s25+$0x1600] =	vst.add.f32.msk $0xffff, v43  }
0x1da: {  	s26 =	sor.u32 s6, s22;
	[tilespmem:s25+$0x1610] =	vst.add.f32.msk $0xffff, v44  }
0x1db: {  	s23 =	sshrl.u32 s26, $0x3;
	[tilespmem:s25+$0x1620] =	vst.add.f32.msk $0xffff, v45  }
0x1dc: {  	s23 =	smul.u32 $0x1800, s23;
	[tilespmem:s25+$0x1630] =	vst.add.f32.msk $0xffff, v46  }
0x1dd: {  	[tilespmem:s25+$0x1640] =	vst.add.f32.msk $0xffff, v47  }
0x1de: {  	s29 =	sadd.s32 s11, s23;
	[tilespmem:s25+$0x1650] =	vst.add.f32.msk $0xffff, v48  }
0x1df: {  	s24 =	sshrl.u32 s29, $0x3;
	[tilespmem:s25+$0x1660] =	vst.add.f32.msk $0xffff, v49  }
0x1e0: {  	p0 =	seq.s32 s14, $0x3;
	s24 =	sadd.s32 s4, s24;
	[tilespmem:s25+$0x240] =	vst.add.f32.msk $0xffff, v3  }
0x1e1: {  	[hbm4b:s24+s5] =	stream.linear.scatter [tilespmem:s17], [sflag:$0x5], $0x3000, $0x38;
	[tilespmem:$0x18200] =	vst v63  }
0x1e2: {  	s24 =	simm.s32 @!p0 $0x5  }
0x1e3: {  	_ =	swait.ge @!p0 [sflag:s24], $0x3000  }
0x1e4: {  	[sflag:s24] =	ssyncset.done @!p0 $0x0  }
0x1e5: {  	[sflag:s24] =	ssyncadd.s32 @!p0 $0xFFFFD000  }
0x1e6: {  	v3 =	vld @!p0 [tilespmem:s22+$0x40];
	_ =	sdelay $0x4  }
0x1e7: {  	v4 =	vshrl.u32 @!p0 v3, $0x3  }
0x1e8: {  	v4 =	vmul.u32 @!p0 $0x30, v4  }
0x1e9: {  	v5 =	vlaneseq.u32 @!p0;
	v3 =	vand.u32 @!p0 $0x7, v3  }
0x1ea: {  	v6 =	vshrl.u32 @!p0 v5, $0x3;
	v3 =	vor.u32 @!p0 v3, v4;
	v4 =	vand.u32 @!p0 $0x7, v5  }
0x1eb: {  	v6 =	vmul.u32 @!p0 $0x8, v6;
	v7 =	vperm.xlane @!p0 v3, v4;
	_ =	sdelay $0x1  }
0x1ec: {  	v7 =	vadd.s32 @!p0 v6, v7;
	_ =	sdelay $0x2  }
0x1ed: {  	v5 =	vor.u32 @!p0 $0x8, v5  }
0x1ee: {  	vm1 =	vmmov @!p0 $0xffff;
	s25 =	simm.s32 @!p0 $0x200;
	s24 =	simm.s32 @!p0 $0x0;
	v3 =	vperm.xlane @!p0 v3, v5  }
0x1ef: {  	[tilespmem:s25], [sflag:$0x1] =	stream.indirect_vreg.gather @!p0 [hbm4b:s2+s24], $0x80, v7, vm1, $0xb8;
	[tilespmem:$0x18200] =	vst v63  }
0x1f0: {  	v3 =	vadd.s32 @!p0 v6, v3;
	s25 =	simm.s32 @!p0 $0xA00  }
0x1f1: {  	[tilespmem:s25], [sflag:$0x1] =	stream.indirect_vreg.gather @!p0 [hbm4b:s9+s24], $0x80, v7, vm1, $0xb8;
	[tilespmem:$0x18200] =	vst v63  }
0x1f2: {  	s25 =	simm.s32 @!p0 $0x1200  }
0x1f3: {  	[tilespmem:s25], [sflag:$0x1] =	stream.indirect_vreg.gather @!p0 [hbm4b:s10+s24], $0x80, v7, vm1, $0xb8;
	[tilespmem:$0x18200] =	vst v63  }
0x1f4: {  	s25 =	simm.s32 @!p0 $0x1A00  }
0x1f5: {  	[tilespmem:s25], [sflag:$0x1] =	stream.indirect_vreg.gather @!p0 [hbm4b:s2+s24], $0x80, v3, vm1, $0xb8;
	[tilespmem:$0x18200] =	vst v63  }
0x1f6: {  	s25 =	simm.s32 @!p0 $0x2200  }
0x1f7: {  	[tilespmem:s25], [sflag:$0x1] =	stream.indirect_vreg.gather @!p0 [hbm4b:s9+s24], $0x80, v3, vm1, $0xb8;
	[tilespmem:$0x18200] =	vst v63  }
0x1f8: {  	s25 =	simm.s32 @!p0 $0x2A00  }
0x1f9: {  	[tilespmem:s25], [sflag:$0x1] =	stream.indirect_vreg.gather @!p0 [hbm4b:s10+s24], $0x80, v3, vm1, $0xb8;
	[tilespmem:$0x18200] =	vst v63  }
0x1fa: {  	v3 =	vld @!p0 [tilespmem:s22+$0x140];
	_ =	sdelay $0x4  }
0x1fb: {  	v7 =	vshrl.u32 @!p0 v3, $0x3  }
0x1fc: {  	v7 =	vmul.u32 @!p0 $0x30, v7  }
0x1fd: {  	v3 =	vand.u32 @!p0 $0x7, v3  }
0x1fe: {  	v3 =	vor.u32 @!p0 v3, v7  }
0x1ff: {  	v4 =	vperm.xlane @!p0 v3, v4;
	_ =	sdelay $0x1  }
0x200: {  	v4 =	vadd.s32 @!p0 v6, v4;
	_ =	sdelay $0x3  }
0x201: {  	s25 =	simm.s32 @!p0 $0x3200;
	v3 =	vperm.xlane @!p0 v3, v5  }
0x202: {  	[tilespmem:s25], [sflag:$0x1] =	stream.indirect_vreg.gather @!p0 [hbm4b:s3+s24], $0x80, v4, vm1, $0xb8;
	[tilespmem:$0x18200] =	vst v63  }
0x203: {  	v3 =	vadd.s32 @!p0 v6, v3;
	s25 =	simm.s32 @!p0 $0x3A00  }
0x204: {  	[tilespmem:s25], [sflag:$0x1] =	stream.indirect_vreg.gather @!p0 [hbm4b:s12+s24], $0x80, v4, vm1, $0xb8;
	[tilespmem:$0x18200] =	vst v63  }
0x205: {  	s25 =	simm.s32 @!p0 $0x4200  }
0x206: {  	[tilespmem:s25], [sflag:$0x1] =	stream.indirect_vreg.gather @!p0 [hbm4b:s13+s24], $0x80, v4, vm1, $0xb8;
	[tilespmem:$0x18200] =	vst v63  }
0x207: {  	s25 =	simm.s32 @!p0 $0x4A00  }
0x208: {  	[tilespmem:s25], [sflag:$0x1] =	stream.indirect_vreg.gather @!p0 [hbm4b:s3+s24], $0x80, v3, vm1, $0xb8;
	[tilespmem:$0x18200] =	vst v63  }
0x209: {  	s25 =	simm.s32 @!p0 $0x5200  }
0x20a: {  	[tilespmem:s25], [sflag:$0x1] =	stream.indirect_vreg.gather @!p0 [hbm4b:s12+s24], $0x80, v3, vm1, $0xb8;
	[tilespmem:$0x18200] =	vst v63  }
0x20b: {  	s25 =	simm.s32 @!p0 $0x5A00  }
0x20c: {  	[tilespmem:s25], [sflag:$0x1] =	stream.indirect_vreg.gather @!p0 [hbm4b:s13+s24], $0x80, v3, vm1, $0xb8;
	[tilespmem:$0x18200] =	vst v63  }
0x20d: {  	_ =	swait.ge [sflag:s20], $0x3000  }
0x20e: {  	[sflag:s20] =	ssyncset.done $0x0  }
0x20f: {  	s26 =	simm.s32 $0x0;
	[sflag:s20] =	ssyncadd.s32 $0xFFFFD000  }
0x210: {  	s24 =	simm.s32 $0x0;
	s25 =	smul.u32 $0x1800, s26;
	_ =	swait.ge [sflag:s20], $0x3000  }
0x211: {  	s29 =	sand.u32 $0x380, s24;
	[sflag:s20] =	ssyncset.done $0x0  }
0x212: {  	s25 =	sor.u32 s29, s25;
	[sflag:s20] =	ssyncadd.s32 $0xFFFFD000  }
0x213: {  	v3 =	vld [tilespmem:s25+$0xA670]  }
0x214: {  	v6 =	vld [tilespmem:s25+$0x9200]  }
0x215: {  	v7 =	vld [tilespmem:s25+$0x9210]  }
0x216: {  	v8 =	vld [tilespmem:s25+$0x9220]  }
0x217: {  	v9 =	vld [tilespmem:s25+$0x9230]  }
0x218: {  	v10 =	vld [tilespmem:s25+$0x9240]  }
0x219: {  	v11 =	vld [tilespmem:s25+$0x9250]  }
0x21a: {  	v12 =	vld [tilespmem:s25+$0x9260]  }
0x21b: {  	v13 =	vld [tilespmem:s25+$0x9270]  }
0x21c: {  	v14 =	vld [tilespmem:s25+$0x9600]  }
0x21d: {  	v15 =	vld [tilespmem:s25+$0x9610]  }
0x21e: {  	v16 =	vld [tilespmem:s25+$0x9620]  }
0x21f: {  	v17 =	vld [tilespmem:s25+$0x9630]  }
0x220: {  	v18 =	vld [tilespmem:s25+$0x9640]  }
0x221: {  	v19 =	vld [tilespmem:s25+$0x9650]  }
0x222: {  	v20 =	vld [tilespmem:s25+$0x9660]  }
0x223: {  	v21 =	vld [tilespmem:s25+$0x9670]  }
0x224: {  	v22 =	vld [tilespmem:s25+$0x9A00]  }
0x225: {  	v23 =	vld [tilespmem:s25+$0x9A10]  }
0x226: {  	v24 =	vld [tilespmem:s25+$0x9A20]  }
0x227: {  	v25 =	vld [tilespmem:s25+$0x9A30]  }
0x228: {  	v26 =	vld [tilespmem:s25+$0x9A40]  }
0x229: {  	v27 =	vld [tilespmem:s25+$0x9A50]  }
0x22a: {  	v28 =	vld [tilespmem:s25+$0x9A60]  }
0x22b: {  	v29 =	vld [tilespmem:s25+$0x9A70]  }
0x22c: {  	v30 =	vld [tilespmem:s25+$0x9E00]  }
0x22d: {  	v31 =	vld [tilespmem:s25+$0x9E10]  }
0x22e: {  	v32 =	vld [tilespmem:s25+$0x9E20]  }
0x22f: {  	v33 =	vld [tilespmem:s25+$0x9E30]  }
0x230: {  	v34 =	vld [tilespmem:s25+$0x9E40]  }
0x231: {  	v35 =	vld [tilespmem:s25+$0x9E50]  }
0x232: {  	v36 =	vld [tilespmem:s25+$0x9E60]  }
0x233: {  	v37 =	vld [tilespmem:s25+$0x9E70]  }
0x234: {  	v52 =	vld [tilespmem:s25+$0xA200]  }
0x235: {  	v53 =	vld [tilespmem:s25+$0xA210]  }
0x236: {  	v54 =	vld [tilespmem:s25+$0xA220]  }
0x237: {  	v55 =	vld [tilespmem:s25+$0xA230]  }
0x238: {  	v56 =	vld [tilespmem:s25+$0xA240]  }
0x239: {  	v57 =	vld [tilespmem:s25+$0xA250]  }
0x23a: {  	v58 =	vld [tilespmem:s25+$0xA260]  }
0x23b: {  	v59 =	vld [tilespmem:s25+$0xA270]  }
0x23c: {  	v60 =	vld [tilespmem:s25+$0xA600]  }
0x23d: {  	v61 =	vld [tilespmem:s25+$0xA610]  }
0x23e: {  	v62 =	vld [tilespmem:s25+$0xA620]  }
0x23f: {  	v63 =	vld [tilespmem:s25+$0xA630]  }
0x240: {  	v5 =	vld [tilespmem:s25+$0xA640]  }
0x241: {  	v4 =	vld [tilespmem:s25+$0xA650]  }
0x242: {  	[tilespmem:s25+$0x7670] =	vst.add.f32.msk $0xffff, v3  }
0x243: {  	v3 =	vld [tilespmem:s25+$0xA660]  }
0x244: {  	[tilespmem:s25+$0x6200] =	vst.add.f32.msk $0xffff, v6  }
0x245: {  	[tilespmem:s25+$0x6210] =	vst.add.f32.msk $0xffff, v7  }
0x246: {  	[tilespmem:s25+$0x6220] =	vst.add.f32.msk $0xffff, v8  }
0x247: {  	[tilespmem:s25+$0x6230] =	vst.add.f32.msk $0xffff, v9  }
0x248: {  	[tilespmem:s25+$0x6240] =	vst.add.f32.msk $0xffff, v10  }
0x249: {  	[tilespmem:s25+$0x6250] =	vst.add.f32.msk $0xffff, v11  }
0x24a: {  	[tilespmem:s25+$0x6260] =	vst.add.f32.msk $0xffff, v12  }
0x24b: {  	[tilespmem:s25+$0x6270] =	vst.add.f32.msk $0xffff, v13  }
0x24c: {  	[tilespmem:s25+$0x6600] =	vst.add.f32.msk $0xffff, v14  }
0x24d: {  	[tilespmem:s25+$0x6610] =	vst.add.f32.msk $0xffff, v15  }
0x24e: {  	[tilespmem:s25+$0x6620] =	vst.add.f32.msk $0xffff, v16  }
0x24f: {  	[tilespmem:s25+$0x6630] =	vst.add.f32.msk $0xffff, v17  }
0x250: {  	[tilespmem:s25+$0x6640] =	vst.add.f32.msk $0xffff, v18  }
0x251: {  	[tilespmem:s25+$0x6650] =	vst.add.f32.msk $0xffff, v19  }
0x252: {  	[tilespmem:s25+$0x6660] =	vst.add.f32.msk $0xffff, v20  }
0x253: {  	[tilespmem:s25+$0x6670] =	vst.add.f32.msk $0xffff, v21  }
0x254: {  	[tilespmem:s25+$0x6A00] =	vst.add.f32.msk $0xffff, v22  }
0x255: {  	[tilespmem:s25+$0x6A10] =	vst.add.f32.msk $0xffff, v23  }
0x256: {  	[tilespmem:s25+$0x6A20] =	vst.add.f32.msk $0xffff, v24  }
0x257: {  	[tilespmem:s25+$0x6A30] =	vst.add.f32.msk $0xffff, v25  }
0x258: {  	[tilespmem:s25+$0x6A40] =	vst.add.f32.msk $0xffff, v26  }
0x259: {  	[tilespmem:s25+$0x6A50] =	vst.add.f32.msk $0xffff, v27  }
0x25a: {  	[tilespmem:s25+$0x6A60] =	vst.add.f32.msk $0xffff, v28  }
0x25b: {  	[tilespmem:s25+$0x6A70] =	vst.add.f32.msk $0xffff, v29  }
0x25c: {  	[tilespmem:s25+$0x6E00] =	vst.add.f32.msk $0xffff, v30  }
0x25d: {  	[tilespmem:s25+$0x6E10] =	vst.add.f32.msk $0xffff, v31  }
0x25e: {  	[tilespmem:s25+$0x6E20] =	vst.add.f32.msk $0xffff, v32  }
0x25f: {  	[tilespmem:s25+$0x6E30] =	vst.add.f32.msk $0xffff, v33  }
0x260: {  	[tilespmem:s25+$0x6E40] =	vst.add.f32.msk $0xffff, v34  }
0x261: {  	[tilespmem:s25+$0x6E50] =	vst.add.f32.msk $0xffff, v35  }
0x262: {  	[tilespmem:s25+$0x6E60] =	vst.add.f32.msk $0xffff, v36  }
0x263: {  	[tilespmem:s25+$0x6E70] =	vst.add.f32.msk $0xffff, v37  }
0x264: {  	[tilespmem:s25+$0x7200] =	vst.add.f32.msk $0xffff, v52  }
0x265: {  	[tilespmem:s25+$0x7210] =	vst.add.f32.msk $0xffff, v53  }
0x266: {  	[tilespmem:s25+$0x7220] =	vst.add.f32.msk $0xffff, v54  }
0x267: {  	[tilespmem:s25+$0x7230] =	vst.add.f32.msk $0xffff, v55  }
0x268: {  	[tilespmem:s25+$0x7240] =	vst.add.f32.msk $0xffff, v56  }
0x269: {  	[tilespmem:s25+$0x7250] =	vst.add.f32.msk $0xffff, v57  }
0x26a: {  	[tilespmem:s25+$0x7260] =	vst.add.f32.msk $0xffff, v58  }
0x26b: {  	[tilespmem:s25+$0x7270] =	vst.add.f32.msk $0xffff, v59  }
0x26c: {  	[tilespmem:s25+$0x7600] =	vst.add.f32.msk $0xffff, v60  }
0x26d: {  	[tilespmem:s25+$0x7610] =	vst.add.f32.msk $0xffff, v61  }
0x26e: {  	[tilespmem:s25+$0x7620] =	vst.add.f32.msk $0xffff, v62  }
0x26f: {  	s28 =	simm.s32 $0x0;
	s26 =	simm.s32 $0x2;
	[tilespmem:s25+$0x7630] =	vst.add.f32.msk $0xffff, v63  }
.LBB2_5:
0x270: {  	p1 =	sne.s32 s26, $0xF;
	s28 =	smul.u32 $0x1800, s28;
	[tilespmem:s25+$0x7640] =	vst.add.f32.msk $0xffff, v5;
	s24 =	sadd.s32 $0x80, s24  }
0x271: {  	s29 =	sand.u32 $0x380, s24;
	[tilespmem:s25+$0x7650] =	vst.add.f32.msk $0xffff, v4  }
0x272: {  	[tilespmem:s25+$0x7660] =	vst.add.f32.msk $0xffff, v3;
	s25 =	sor.u32 s29, s28  }
0x273: {  	v3 =	vld [tilespmem:s25+$0xA670]  }
0x274: {  	v6 =	vld [tilespmem:s25+$0x9200]  }
0x275: {  	v7 =	vld [tilespmem:s25+$0x9210]  }
0x276: {  	v8 =	vld [tilespmem:s25+$0x9220]  }
0x277: {  	v9 =	vld [tilespmem:s25+$0x9230]  }
0x278: {  	[tilespmem:s25+$0x7670] =	vst.add.f32.msk $0xffff, v3  }
0x279: {  	v10 =	vld [tilespmem:s25+$0x9240]  }
0x27a: {  	v11 =	vld [tilespmem:s25+$0x9250]  }
0x27b: {  	v12 =	vld [tilespmem:s25+$0x9260]  }
0x27c: {  	v13 =	vld [tilespmem:s25+$0x9270]  }
0x27d: {  	v14 =	vld [tilespmem:s25+$0x9600]  }
0x27e: {  	v15 =	vld [tilespmem:s25+$0x9610]  }
0x27f: {  	v16 =	vld [tilespmem:s25+$0x9620]  }
0x280: {  	v17 =	vld [tilespmem:s25+$0x9630]  }
0x281: {  	v18 =	vld [tilespmem:s25+$0x9640]  }
0x282: {  	v19 =	vld [tilespmem:s25+$0x9650]  }
0x283: {  	v20 =	vld [tilespmem:s25+$0x9660]  }
0x284: {  	v21 =	vld [tilespmem:s25+$0x9670]  }
0x285: {  	v22 =	vld [tilespmem:s25+$0x9A00]  }
0x286: {  	v23 =	vld [tilespmem:s25+$0x9A10]  }
0x287: {  	v24 =	vld [tilespmem:s25+$0x9A20]  }
0x288: {  	v25 =	vld [tilespmem:s25+$0x9A30]  }
0x289: {  	v26 =	vld [tilespmem:s25+$0x9A40]  }
0x28a: {  	v27 =	vld [tilespmem:s25+$0x9A50]  }
0x28b: {  	v28 =	vld [tilespmem:s25+$0x9A60]  }
0x28c: {  	v29 =	vld [tilespmem:s25+$0x9A70]  }
0x28d: {  	v30 =	vld [tilespmem:s25+$0x9E00]  }
0x28e: {  	v31 =	vld [tilespmem:s25+$0x9E10]  }
0x28f: {  	v32 =	vld [tilespmem:s25+$0x9E20]  }
0x290: {  	v33 =	vld [tilespmem:s25+$0x9E30]  }
0x291: {  	v34 =	vld [tilespmem:s25+$0x9E40]  }
0x292: {  	v35 =	vld [tilespmem:s25+$0x9E50]  }
0x293: {  	v36 =	vld [tilespmem:s25+$0x9E60]  }
0x294: {  	v37 =	vld [tilespmem:s25+$0x9E70]  }
0x295: {  	v38 =	vld [tilespmem:s25+$0xA200]  }
0x296: {  	v39 =	vld [tilespmem:s25+$0xA210]  }
0x297: {  	v40 =	vld [tilespmem:s25+$0xA220]  }
0x298: {  	v41 =	vld [tilespmem:s25+$0xA230]  }
0x299: {  	v42 =	vld [tilespmem:s25+$0xA240]  }
0x29a: {  	v43 =	vld [tilespmem:s25+$0xA250]  }
0x29b: {  	v44 =	vld [tilespmem:s25+$0xA260]  }
0x29c: {  	v45 =	vld [tilespmem:s25+$0xA270]  }
0x29d: {  	v46 =	vld [tilespmem:s25+$0xA600]  }
0x29e: {  	v47 =	vld [tilespmem:s25+$0xA610]  }
0x29f: {  	v48 =	vld [tilespmem:s25+$0xA620]  }
0x2a0: {  	v49 =	vld [tilespmem:s25+$0xA630]  }
0x2a1: {  	v5 =	vld [tilespmem:s25+$0xA640]  }
0x2a2: {  	v4 =	vld [tilespmem:s25+$0xA650]  }
0x2a3: {  	v3 =	vld [tilespmem:s25+$0xA660]  }
0x2a4: {  	[tilespmem:s25+$0x6200] =	vst.add.f32.msk $0xffff, v6  }
0x2a5: {  	[tilespmem:s25+$0x6210] =	vst.add.f32.msk $0xffff, v7  }
0x2a6: {  	[tilespmem:s25+$0x6220] =	vst.add.f32.msk $0xffff, v8  }
0x2a7: {  	[tilespmem:s25+$0x6230] =	vst.add.f32.msk $0xffff, v9  }
0x2a8: {  	[tilespmem:s25+$0x6240] =	vst.add.f32.msk $0xffff, v10  }
0x2a9: {  	[tilespmem:s25+$0x6250] =	vst.add.f32.msk $0xffff, v11  }
0x2aa: {  	[tilespmem:s25+$0x6260] =	vst.add.f32.msk $0xffff, v12  }
0x2ab: {  	[tilespmem:s25+$0x6270] =	vst.add.f32.msk $0xffff, v13  }
0x2ac: {  	[tilespmem:s25+$0x6600] =	vst.add.f32.msk $0xffff, v14  }
0x2ad: {  	[tilespmem:s25+$0x6610] =	vst.add.f32.msk $0xffff, v15  }
0x2ae: {  	[tilespmem:s25+$0x6620] =	vst.add.f32.msk $0xffff, v16  }
0x2af: {  	[tilespmem:s25+$0x6630] =	vst.add.f32.msk $0xffff, v17  }
0x2b0: {  	[tilespmem:s25+$0x6640] =	vst.add.f32.msk $0xffff, v18  }
0x2b1: {  	[tilespmem:s25+$0x6650] =	vst.add.f32.msk $0xffff, v19  }
0x2b2: {  	[tilespmem:s25+$0x6660] =	vst.add.f32.msk $0xffff, v20  }
0x2b3: {  	[tilespmem:s25+$0x6670] =	vst.add.f32.msk $0xffff, v21  }
0x2b4: {  	[tilespmem:s25+$0x6A00] =	vst.add.f32.msk $0xffff, v22  }
0x2b5: {  	[tilespmem:s25+$0x6A10] =	vst.add.f32.msk $0xffff, v23  }
0x2b6: {  	[tilespmem:s25+$0x6A20] =	vst.add.f32.msk $0xffff, v24  }
0x2b7: {  	[tilespmem:s25+$0x6A30] =	vst.add.f32.msk $0xffff, v25  }
0x2b8: {  	[tilespmem:s25+$0x6A40] =	vst.add.f32.msk $0xffff, v26  }
0x2b9: {  	[tilespmem:s25+$0x6A50] =	vst.add.f32.msk $0xffff, v27  }
0x2ba: {  	[tilespmem:s25+$0x6A60] =	vst.add.f32.msk $0xffff, v28  }
0x2bb: {  	[tilespmem:s25+$0x6A70] =	vst.add.f32.msk $0xffff, v29  }
0x2bc: {  	[tilespmem:s25+$0x6E00] =	vst.add.f32.msk $0xffff, v30  }
0x2bd: {  	[tilespmem:s25+$0x6E10] =	vst.add.f32.msk $0xffff, v31  }
0x2be: {  	[tilespmem:s25+$0x6E20] =	vst.add.f32.msk $0xffff, v32  }
0x2bf: {  	[tilespmem:s25+$0x6E30] =	vst.add.f32.msk $0xffff, v33  }
0x2c0: {  	[tilespmem:s25+$0x6E40] =	vst.add.f32.msk $0xffff, v34  }
0x2c1: {  	[tilespmem:s25+$0x6E50] =	vst.add.f32.msk $0xffff, v35  }
0x2c2: {  	[tilespmem:s25+$0x6E60] =	vst.add.f32.msk $0xffff, v36  }
0x2c3: {  	[tilespmem:s25+$0x6E70] =	vst.add.f32.msk $0xffff, v37  }
0x2c4: {  	[tilespmem:s25+$0x7200] =	vst.add.f32.msk $0xffff, v38  }
0x2c5: {  	[tilespmem:s25+$0x7210] =	vst.add.f32.msk $0xffff, v39  }
0x2c6: {  	[tilespmem:s25+$0x7220] =	vst.add.f32.msk $0xffff, v40  }
0x2c7: {  	[tilespmem:s25+$0x7230] =	vst.add.f32.msk $0xffff, v41  }
0x2c8: {  	[tilespmem:s25+$0x7240] =	vst.add.f32.msk $0xffff, v42  }
0x2c9: {  	[tilespmem:s25+$0x7250] =	vst.add.f32.msk $0xffff, v43  }
0x2ca: {  	[tilespmem:s25+$0x7260] =	vst.add.f32.msk $0xffff, v44  }
.Ltmp1:
0x2cb: {  	[tilespmem:s25+$0x7270] =	vst.add.f32.msk $0xffff, v45;
	(pc) =	sbr.rel @p1 .LBB2_5-.Ltmp1, $4  }
0x2cc: {  	[tilespmem:s25+$0x7600] =	vst.add.f32.msk $0xffff, v46  }
0x2cd: {  	[tilespmem:s25+$0x7610] =	vst.add.f32.msk $0xffff, v47  }
0x2ce: {  	[tilespmem:s25+$0x7620] =	vst.add.f32.msk $0xffff, v48  }
0x2cf: {  	s28 =	sshrl.u32 s26, $0x3;
	s26 =	sadd.s32 $0x1, s26;
	[tilespmem:s25+$0x7630] =	vst.add.f32.msk $0xffff, v49  }
0x2d0: {  	s26 =	smul.u32 $0x1800, s28;
	[tilespmem:s25+$0x7640] =	vst.add.f32.msk $0xffff, v5;
	s24 =	sadd.s32 $0x80, s24  }
0x2d1: {  	[tilespmem:s25+$0x7650] =	vst.add.f32.msk $0xffff, v4;
	s24 =	sand.u32 $0x380, s24  }
0x2d2: {  	[tilespmem:s25+$0x7660] =	vst.add.f32.msk $0xffff, v3;
	s24 =	sor.u32 s24, s26  }
0x2d3: {  	v3 =	vld [tilespmem:s24+$0xA670]  }
0x2d4: {  	v4 =	vld [tilespmem:s24+$0x9200]  }
0x2d5: {  	v5 =	vld [tilespmem:s24+$0x9210]  }
0x2d6: {  	v6 =	vld [tilespmem:s24+$0x9220]  }
0x2d7: {  	v7 =	vld [tilespmem:s24+$0x9230]  }
0x2d8: {  	v8 =	vld [tilespmem:s24+$0x9250]  }
0x2d9: {  	v9 =	vld [tilespmem:s24+$0x9260]  }
0x2da: {  	v10 =	vld [tilespmem:s24+$0x9270]  }
0x2db: {  	v11 =	vld [tilespmem:s24+$0x9600]  }
0x2dc: {  	v12 =	vld [tilespmem:s24+$0x9610]  }
0x2dd: {  	v13 =	vld [tilespmem:s24+$0x9620]  }
0x2de: {  	v14 =	vld [tilespmem:s24+$0x9630]  }
0x2df: {  	v15 =	vld [tilespmem:s24+$0x9640]  }
0x2e0: {  	v16 =	vld [tilespmem:s24+$0x9650]  }
0x2e1: {  	v17 =	vld [tilespmem:s24+$0x9660]  }
0x2e2: {  	v18 =	vld [tilespmem:s24+$0x9670]  }
0x2e3: {  	v19 =	vld [tilespmem:s24+$0x9A00]  }
0x2e4: {  	v20 =	vld [tilespmem:s24+$0x9A10]  }
0x2e5: {  	v21 =	vld [tilespmem:s24+$0x9A20]  }
0x2e6: {  	v22 =	vld [tilespmem:s24+$0x9A30]  }
0x2e7: {  	v23 =	vld [tilespmem:s24+$0x9A40]  }
0x2e8: {  	v24 =	vld [tilespmem:s24+$0x9A50]  }
0x2e9: {  	v25 =	vld [tilespmem:s24+$0x9A60]  }
0x2ea: {  	v26 =	vld [tilespmem:s24+$0x9A70]  }
0x2eb: {  	v27 =	vld [tilespmem:s24+$0x9E00]  }
0x2ec: {  	v28 =	vld [tilespmem:s24+$0x9E10]  }
0x2ed: {  	v29 =	vld [tilespmem:s24+$0x9E20]  }
0x2ee: {  	v30 =	vld [tilespmem:s24+$0x9E30]  }
0x2ef: {  	v31 =	vld [tilespmem:s24+$0x9E40]  }
0x2f0: {  	v32 =	vld [tilespmem:s24+$0x9E50]  }
0x2f1: {  	v33 =	vld [tilespmem:s24+$0x9E60]  }
0x2f2: {  	v34 =	vld [tilespmem:s24+$0x9E70]  }
0x2f3: {  	v35 =	vld [tilespmem:s24+$0xA200]  }
0x2f4: {  	v36 =	vld [tilespmem:s24+$0xA210]  }
0x2f5: {  	v37 =	vld [tilespmem:s24+$0xA220]  }
0x2f6: {  	v38 =	vld [tilespmem:s24+$0xA230]  }
0x2f7: {  	v39 =	vld [tilespmem:s24+$0xA240]  }
0x2f8: {  	v40 =	vld [tilespmem:s24+$0xA250]  }
0x2f9: {  	v41 =	vld [tilespmem:s24+$0xA260]  }
0x2fa: {  	v42 =	vld [tilespmem:s24+$0xA270]  }
0x2fb: {  	v43 =	vld [tilespmem:s24+$0xA600]  }
0x2fc: {  	v44 =	vld [tilespmem:s24+$0xA610]  }
0x2fd: {  	v45 =	vld [tilespmem:s24+$0xA620]  }
0x2fe: {  	v46 =	vld [tilespmem:s24+$0xA630]  }
0x2ff: {  	v47 =	vld [tilespmem:s24+$0xA640]  }
0x300: {  	v48 =	vld [tilespmem:s24+$0xA650]  }
0x301: {  	v49 =	vld [tilespmem:s24+$0xA660]  }
0x302: {  	[tilespmem:s24+$0x7670] =	vst.add.f32.msk $0xffff, v3  }
0x303: {  	v3 =	vld [tilespmem:s24+$0x9240]  }
0x304: {  	[tilespmem:s24+$0x6200] =	vst.add.f32.msk $0xffff, v4  }
0x305: {  	[tilespmem:s24+$0x6210] =	vst.add.f32.msk $0xffff, v5  }
0x306: {  	[tilespmem:s24+$0x6220] =	vst.add.f32.msk $0xffff, v6  }
0x307: {  	[tilespmem:s24+$0x6230] =	vst.add.f32.msk $0xffff, v7  }
0x308: {  	[tilespmem:s24+$0x6250] =	vst.add.f32.msk $0xffff, v8  }
0x309: {  	[tilespmem:s24+$0x6260] =	vst.add.f32.msk $0xffff, v9  }
0x30a: {  	[tilespmem:s24+$0x6270] =	vst.add.f32.msk $0xffff, v10  }
0x30b: {  	[tilespmem:s24+$0x6600] =	vst.add.f32.msk $0xffff, v11  }
0x30c: {  	[tilespmem:s24+$0x6610] =	vst.add.f32.msk $0xffff, v12  }
0x30d: {  	[tilespmem:s24+$0x6620] =	vst.add.f32.msk $0xffff, v13  }
0x30e: {  	[tilespmem:s24+$0x6630] =	vst.add.f32.msk $0xffff, v14  }
0x30f: {  	[tilespmem:s24+$0x6640] =	vst.add.f32.msk $0xffff, v15  }
0x310: {  	[tilespmem:s24+$0x6650] =	vst.add.f32.msk $0xffff, v16  }
0x311: {  	[tilespmem:s24+$0x6660] =	vst.add.f32.msk $0xffff, v17  }
0x312: {  	[tilespmem:s24+$0x6670] =	vst.add.f32.msk $0xffff, v18  }
0x313: {  	[tilespmem:s24+$0x6A00] =	vst.add.f32.msk $0xffff, v19  }
0x314: {  	[tilespmem:s24+$0x6A10] =	vst.add.f32.msk $0xffff, v20  }
0x315: {  	[tilespmem:s24+$0x6A20] =	vst.add.f32.msk $0xffff, v21  }
0x316: {  	[tilespmem:s24+$0x6A30] =	vst.add.f32.msk $0xffff, v22  }
0x317: {  	[tilespmem:s24+$0x6A40] =	vst.add.f32.msk $0xffff, v23  }
0x318: {  	[tilespmem:s24+$0x6A50] =	vst.add.f32.msk $0xffff, v24  }
0x319: {  	[tilespmem:s24+$0x6A60] =	vst.add.f32.msk $0xffff, v25  }
0x31a: {  	[tilespmem:s24+$0x6A70] =	vst.add.f32.msk $0xffff, v26  }
0x31b: {  	[tilespmem:s24+$0x6E00] =	vst.add.f32.msk $0xffff, v27  }
0x31c: {  	[tilespmem:s24+$0x6E10] =	vst.add.f32.msk $0xffff, v28  }
0x31d: {  	[tilespmem:s24+$0x6E20] =	vst.add.f32.msk $0xffff, v29  }
0x31e: {  	[tilespmem:s24+$0x6E30] =	vst.add.f32.msk $0xffff, v30  }
0x31f: {  	[tilespmem:s24+$0x6E40] =	vst.add.f32.msk $0xffff, v31  }
0x320: {  	[tilespmem:s24+$0x6E50] =	vst.add.f32.msk $0xffff, v32  }
0x321: {  	[tilespmem:s24+$0x6E60] =	vst.add.f32.msk $0xffff, v33  }
0x322: {  	[tilespmem:s24+$0x6E70] =	vst.add.f32.msk $0xffff, v34  }
0x323: {  	[tilespmem:s24+$0x7200] =	vst.add.f32.msk $0xffff, v35  }
0x324: {  	[tilespmem:s24+$0x7210] =	vst.add.f32.msk $0xffff, v36  }
0x325: {  	[tilespmem:s24+$0x7220] =	vst.add.f32.msk $0xffff, v37  }
0x326: {  	[tilespmem:s24+$0x7230] =	vst.add.f32.msk $0xffff, v38  }
0x327: {  	[tilespmem:s24+$0x7240] =	vst.add.f32.msk $0xffff, v39  }
0x328: {  	[tilespmem:s24+$0x7250] =	vst.add.f32.msk $0xffff, v40  }
0x329: {  	[tilespmem:s24+$0x7260] =	vst.add.f32.msk $0xffff, v41  }
0x32a: {  	[tilespmem:s24+$0x7270] =	vst.add.f32.msk $0xffff, v42  }
0x32b: {  	[tilespmem:s24+$0x7600] =	vst.add.f32.msk $0xffff, v43  }
0x32c: {  	[tilespmem:s24+$0x7610] =	vst.add.f32.msk $0xffff, v44  }
0x32d: {  	[tilespmem:s24+$0x7620] =	vst.add.f32.msk $0xffff, v45  }
0x32e: {  	[tilespmem:s24+$0x7630] =	vst.add.f32.msk $0xffff, v46  }
0x32f: {  	s28 =	sadd.s32 s23, s11;
	[tilespmem:s24+$0x7640] =	vst.add.f32.msk $0xffff, v47  }
0x330: {  	s25 =	sadd.s32 $0x3000, s28;
	[tilespmem:s24+$0x7650] =	vst.add.f32.msk $0xffff, v48  }
0x331: {  	s25 =	sshrl.u32 s25, $0x3;
	[tilespmem:s24+$0x7660] =	vst.add.f32.msk $0xffff, v49  }
0x332: {  	s29 =	sadd.s32 s4, s25;
	[tilespmem:s24+$0x6240] =	vst.add.f32.msk $0xffff, v3;
	s24 =	simm.s32 @!p0 $0x6  }
0x333: {  	[hbm4b:s29+s5] =	stream.linear.scatter [tilespmem:s1], [sflag:$0x6], $0x3000, $0x38;
	[tilespmem:$0x18200] =	vst v63  }
0x334: {  	_ =	swait.ge @!p0 [sflag:s24], $0x3000  }
0x335: {  	[sflag:s24] =	ssyncset.done @!p0 $0x0  }
0x336: {  	[sflag:s24] =	ssyncadd.s32 @!p0 $0xFFFFD000  }
0x337: {  	v3 =	vld @!p0 [tilespmem:s22+$0x50];
	_ =	sdelay $0x4  }
0x338: {  	v4 =	vshrl.u32 @!p0 v3, $0x3  }
0x339: {  	v4 =	vmul.u32 @!p0 $0x30, v4  }
0x33a: {  	v5 =	vlaneseq.u32 @!p0;
	v3 =	vand.u32 @!p0 $0x7, v3  }
0x33b: {  	v6 =	vshrl.u32 @!p0 v5, $0x3;
	v3 =	vor.u32 @!p0 v3, v4;
	v4 =	vand.u32 @!p0 $0x7, v5  }
0x33c: {  	v6 =	vmul.u32 @!p0 $0x8, v6;
	v7 =	vperm.xlane @!p0 v3, v4;
	_ =	sdelay $0x1  }
0x33d: {  	v7 =	vadd.s32 @!p0 v6, v7;
	_ =	sdelay $0x2  }
0x33e: {  	v5 =	vor.u32 @!p0 $0x8, v5  }
0x33f: {  	s25 =	simm.s32 @!p0 $0x6200;
	s24 =	simm.s32 @!p0 $0x0;
	v3 =	vperm.xlane @!p0 v3, v5  }
0x340: {  	[tilespmem:s25], [sflag:$0x2] =	stream.indirect_vreg.gather @!p0 [hbm4b:s2+s24], $0x80, v7, vm1, $0xb8;
	[tilespmem:$0x18200] =	vst v63  }
0x341: {  	v3 =	vadd.s32 @!p0 v6, v3;
	s25 =	simm.s32 @!p0 $0x6A00  }
0x342: {  	[tilespmem:s25], [sflag:$0x2] =	stream.indirect_vreg.gather @!p0 [hbm4b:s9+s24], $0x80, v7, vm1, $0xb8;
	[tilespmem:$0x18200] =	vst v63  }
0x343: {  	s25 =	simm.s32 @!p0 $0x7200  }
0x344: {  	[tilespmem:s25], [sflag:$0x2] =	stream.indirect_vreg.gather @!p0 [hbm4b:s10+s24], $0x80, v7, vm1, $0xb8;
	[tilespmem:$0x18200] =	vst v63  }
0x345: {  	s25 =	simm.s32 @!p0 $0x7A00  }
0x346: {  	[tilespmem:s25], [sflag:$0x2] =	stream.indirect_vreg.gather @!p0 [hbm4b:s2+s24], $0x80, v3, vm1, $0xb8;
	[tilespmem:$0x18200] =	vst v63  }
0x347: {  	s25 =	simm.s32 @!p0 $0x8200  }
0x348: {  	[tilespmem:s25], [sflag:$0x2] =	stream.indirect_vreg.gather @!p0 [hbm4b:s9+s24], $0x80, v3, vm1, $0xb8;
	[tilespmem:$0x18200] =	vst v63  }
0x349: {  	s25 =	simm.s32 @!p0 $0x8A00  }
0x34a: {  	[tilespmem:s25], [sflag:$0x2] =	stream.indirect_vreg.gather @!p0 [hbm4b:s10+s24], $0x80, v3, vm1, $0xb8;
	[tilespmem:$0x18200] =	vst v63  }
0x34b: {  	v3 =	vld @!p0 [tilespmem:s22+$0x150];
	_ =	sdelay $0x4  }
0x34c: {  	v7 =	vshrl.u32 @!p0 v3, $0x3  }
0x34d: {  	v7 =	vmul.u32 @!p0 $0x30, v7  }
0x34e: {  	v3 =	vand.u32 @!p0 $0x7, v3  }
0x34f: {  	v3 =	vor.u32 @!p0 v3, v7  }
0x350: {  	v4 =	vperm.xlane @!p0 v3, v4;
	_ =	sdelay $0x1  }
0x351: {  	v4 =	vadd.s32 @!p0 v6, v4;
	_ =	sdelay $0x3  }
0x352: {  	s25 =	simm.s32 @!p0 $0x9200;
	v3 =	vperm.xlane @!p0 v3, v5  }
0x353: {  	[tilespmem:s25], [sflag:$0x2] =	stream.indirect_vreg.gather @!p0 [hbm4b:s3+s24], $0x80, v4, vm1, $0xb8;
	[tilespmem:$0x18200] =	vst v63  }
0x354: {  	v3 =	vadd.s32 @!p0 v6, v3;
	s25 =	simm.s32 @!p0 $0x9A00  }
0x355: {  	[tilespmem:s25], [sflag:$0x2] =	stream.indirect_vreg.gather @!p0 [hbm4b:s12+s24], $0x80, v4, vm1, $0xb8;
	[tilespmem:$0x18200] =	vst v63  }
0x356: {  	s25 =	simm.s32 @!p0 $0xA200  }
0x357: {  	[tilespmem:s25], [sflag:$0x2] =	stream.indirect_vreg.gather @!p0 [hbm4b:s13+s24], $0x80, v4, vm1, $0xb8;
	[tilespmem:$0x18200] =	vst v63  }
0x358: {  	s25 =	simm.s32 @!p0 $0xAA00  }
0x359: {  	[tilespmem:s25], [sflag:$0x2] =	stream.indirect_vreg.gather @!p0 [hbm4b:s3+s24], $0x80, v3, vm1, $0xb8;
	[tilespmem:$0x18200] =	vst v63  }
0x35a: {  	s25 =	simm.s32 @!p0 $0xB200  }
0x35b: {  	[tilespmem:s25], [sflag:$0x2] =	stream.indirect_vreg.gather @!p0 [hbm4b:s12+s24], $0x80, v3, vm1, $0xb8;
	[tilespmem:$0x18200] =	vst v63  }
0x35c: {  	s25 =	simm.s32 @!p0 $0xBA00  }
0x35d: {  	[tilespmem:s25], [sflag:$0x2] =	stream.indirect_vreg.gather @!p0 [hbm4b:s13+s24], $0x80, v3, vm1, $0xb8;
	[tilespmem:$0x18200] =	vst v63  }
0x35e: {  	_ =	swait.ge [sflag:s7], $0x3000  }
0x35f: {  	[sflag:s7] =	ssyncset.done $0x0  }
0x360: {  	[sflag:s7] =	ssyncadd.s32 $0xFFFFD000  }
0x361: {  	_ =	swait.ge [sflag:s7], $0x3000  }
0x362: {  	[sflag:s7] =	ssyncset.done $0x0  }
0x363: {  	s24 =	simm.s32 $0x0;
	s25 =	simm.s32 $0x0;
	[sflag:s7] =	ssyncadd.s32 $0xFFFFD000  }
.LBB2_7:
0x364: {  	s26 =	sshrl.u32 s25, $0x3  }
0x365: {  	s26 =	smul.u32 $0x1800, s26  }
0x366: {  	s28 =	sand.u32 $0x380, s24  }
0x367: {  	s26 =	sor.u32 s28, s26  }
0x368: {  	v3 =	vld [tilespmem:s26+$0xF200]  }
0x369: {  	v4 =	vld [tilespmem:s26+$0xF210]  }
0x36a: {  	v43 =	vld [tilespmem:s26+$0xF230]  }
0x36b: {  	v5 =	vld [tilespmem:s26+$0xF240]  }
0x36c: {  	v6 =	vld [tilespmem:s26+$0xF250]  }
0x36d: {  	v7 =	vld [tilespmem:s26+$0xF260]  }
0x36e: {  	v44 =	vld [tilespmem:s26+$0xF600]  }
0x36f: {  	v45 =	vld [tilespmem:s26+$0xF610]  }
0x370: {  	v46 =	vld [tilespmem:s26+$0xF620]  }
0x371: {  	v47 =	vld [tilespmem:s26+$0xF630]  }
0x372: {  	v48 =	vld [tilespmem:s26+$0xF650]  }
0x373: {  	v49 =	vld [tilespmem:s26+$0xF660]  }
0x374: {  	v50 =	vld [tilespmem:s26+$0xF670]  }
0x375: {  	v51 =	vld [tilespmem:s26+$0xFA00]  }
0x376: {  	v52 =	vld [tilespmem:s26+$0xFA20]  }
0x377: {  	v53 =	vld [tilespmem:s26+$0xFA30]  }
0x378: {  	v54 =	vld [tilespmem:s26+$0xFA40]  }
0x379: {  	v55 =	vld [tilespmem:s26+$0xFA50]  }
0x37a: {  	v56 =	vld [tilespmem:s26+$0xFA70]  }
0x37b: {  	v57 =	vld [tilespmem:s26+$0xFE00]  }
0x37c: {  	v58 =	vld [tilespmem:s26+$0xFE10]  }
0x37d: {  	v59 =	vld [tilespmem:s26+$0xFE20]  }
0x37e: {  	v60 =	vld [tilespmem:s26+$0xFE40]  }
0x37f: {  	v61 =	vld [tilespmem:s26+$0xFE50]  }
0x380: {  	v62 =	vld [tilespmem:s26+$0xFE60]  }
0x381: {  	v63 =	vld [tilespmem:s26+$0xFE70]  }
0x382: {  	[tilespmem:s26+$0xC200] =	vst.add.f32.msk $0xffff, v3  }
0x383: {  	[tilespmem:s26+$0xC210] =	vst.add.f32.msk $0xffff, v4  }
0x384: {  	v3 =	vld [tilespmem:s26+$0xF220]  }
0x385: {  	[tilespmem:s26+$0xC230] =	vst.add.f32.msk $0xffff, v43  }
0x386: {  	[tilespmem:s26+$0xC240] =	vst.add.f32.msk $0xffff, v5  }
0x387: {  	[tilespmem:s26+$0xC250] =	vst.add.f32.msk $0xffff, v6  }
0x388: {  	[tilespmem:s26+$0xC260] =	vst.add.f32.msk $0xffff, v7  }
0x389: {  	[tilespmem:s26+$0xC220] =	vst.add.f32.msk $0xffff, v3  }
0x38a: {  	v3 =	vld [tilespmem:s26+$0xF270]  }
0x38b: {  	[tilespmem:s26+$0xC600] =	vst.add.f32.msk $0xffff, v44  }
0x38c: {  	[tilespmem:s26+$0xC610] =	vst.add.f32.msk $0xffff, v45  }
0x38d: {  	[tilespmem:s26+$0xC620] =	vst.add.f32.msk $0xffff, v46  }
0x38e: {  	[tilespmem:s26+$0xC630] =	vst.add.f32.msk $0xffff, v47  }
0x38f: {  	[tilespmem:s26+$0xC270] =	vst.add.f32.msk $0xffff, v3  }
0x390: {  	v3 =	vld [tilespmem:s26+$0xF640]  }
0x391: {  	[tilespmem:s26+$0xC650] =	vst.add.f32.msk $0xffff, v48  }
0x392: {  	[tilespmem:s26+$0xC660] =	vst.add.f32.msk $0xffff, v49  }
0x393: {  	[tilespmem:s26+$0xC670] =	vst.add.f32.msk $0xffff, v50  }
0x394: {  	[tilespmem:s26+$0xCA00] =	vst.add.f32.msk $0xffff, v51  }
0x395: {  	[tilespmem:s26+$0xC640] =	vst.add.f32.msk $0xffff, v3  }
0x396: {  	v3 =	vld [tilespmem:s26+$0xFA10]  }
0x397: {  	[tilespmem:s26+$0xCA20] =	vst.add.f32.msk $0xffff, v52  }
0x398: {  	[tilespmem:s26+$0xCA30] =	vst.add.f32.msk $0xffff, v53  }
0x399: {  	[tilespmem:s26+$0xCA40] =	vst.add.f32.msk $0xffff, v54  }
0x39a: {  	[tilespmem:s26+$0xCA50] =	vst.add.f32.msk $0xffff, v55  }
0x39b: {  	[tilespmem:s26+$0xCA10] =	vst.add.f32.msk $0xffff, v3  }
0x39c: {  	v3 =	vld [tilespmem:s26+$0xFA60]  }
0x39d: {  	[tilespmem:s26+$0xCA70] =	vst.add.f32.msk $0xffff, v56  }
0x39e: {  	[tilespmem:s26+$0xCE00] =	vst.add.f32.msk $0xffff, v57  }
0x39f: {  	[tilespmem:s26+$0xCE10] =	vst.add.f32.msk $0xffff, v58  }
0x3a0: {  	[tilespmem:s26+$0xCE20] =	vst.add.f32.msk $0xffff, v59  }
0x3a1: {  	[tilespmem:s26+$0xCA60] =	vst.add.f32.msk $0xffff, v3  }
0x3a2: {  	v3 =	vld [tilespmem:s26+$0xFE30]  }
0x3a3: {  	[tilespmem:s26+$0xCE40] =	vst.add.f32.msk $0xffff, v60  }
0x3a4: {  	[tilespmem:s26+$0xCE50] =	vst.add.f32.msk $0xffff, v61  }
0x3a5: {  	[tilespmem:s26+$0xCE60] =	vst.add.f32.msk $0xffff, v62  }
0x3a6: {  	[tilespmem:s26+$0xCE70] =	vst.add.f32.msk $0xffff, v63  }
0x3a7: {  	s28 =	sadd.s32 $0x1000, s26;
	[tilespmem:s26+$0xCE30] =	vst.add.f32.msk $0xffff, v3  }
0x3a8: {  	v3 =	vld [tilespmem:s28+$0xF200];
	_ =	sdelay $0x4  }
0x3a9: {  	[tilespmem:s26+$0xD200] =	vst.add.f32.msk $0xffff, v3  }
0x3aa: {  	v3 =	vld [tilespmem:s28+$0xF210];
	_ =	sdelay $0x4  }
0x3ab: {  	[tilespmem:s26+$0xD210] =	vst.add.f32.msk $0xffff, v3  }
0x3ac: {  	v3 =	vld [tilespmem:s28+$0xF220];
	_ =	sdelay $0x4  }
0x3ad: {  	[tilespmem:s26+$0xD220] =	vst.add.f32.msk $0xffff, v3  }
0x3ae: {  	v3 =	vld [tilespmem:s28+$0xF230];
	_ =	sdelay $0x4  }
0x3af: {  	[tilespmem:s26+$0xD230] =	vst.add.f32.msk $0xffff, v3  }
0x3b0: {  	v3 =	vld [tilespmem:s28+$0xF240];
	_ =	sdelay $0x4  }
0x3b1: {  	[tilespmem:s26+$0xD240] =	vst.add.f32.msk $0xffff, v3  }
0x3b2: {  	v3 =	vld [tilespmem:s28+$0xF250];
	_ =	sdelay $0x4  }
0x3b3: {  	[tilespmem:s26+$0xD250] =	vst.add.f32.msk $0xffff, v3  }
0x3b4: {  	v3 =	vld [tilespmem:s28+$0xF260];
	_ =	sdelay $0x4  }
0x3b5: {  	[tilespmem:s26+$0xD260] =	vst.add.f32.msk $0xffff, v3  }
0x3b6: {  	v3 =	vld [tilespmem:s28+$0xF270];
	_ =	sdelay $0x4  }
0x3b7: {  	s29 =	sadd.s32 $0x1400, s26;
	[tilespmem:s26+$0xD270] =	vst.add.f32.msk $0xffff, v3  }
0x3b8: {  	v3 =	vld [tilespmem:s29+$0xF200];
	_ =	sdelay $0x4  }
0x3b9: {  	[tilespmem:s26+$0xD600] =	vst.add.f32.msk $0xffff, v3  }
0x3ba: {  	v3 =	vld [tilespmem:s29+$0xF210];
	_ =	sdelay $0x4  }
0x3bb: {  	[tilespmem:s26+$0xD610] =	vst.add.f32.msk $0xffff, v3  }
0x3bc: {  	v3 =	vld [tilespmem:s29+$0xF220];
	_ =	sdelay $0x4  }
0x3bd: {  	[tilespmem:s26+$0xD620] =	vst.add.f32.msk $0xffff, v3  }
0x3be: {  	v3 =	vld [tilespmem:s29+$0xF230];
	_ =	sdelay $0x4  }
0x3bf: {  	[tilespmem:s26+$0xD630] =	vst.add.f32.msk $0xffff, v3  }
0x3c0: {  	v3 =	vld [tilespmem:s29+$0xF240];
	_ =	sdelay $0x4  }
0x3c1: {  	[tilespmem:s26+$0xD640] =	vst.add.f32.msk $0xffff, v3  }
0x3c2: {  	v3 =	vld [tilespmem:s29+$0xF250];
	_ =	sdelay $0x4  }
0x3c3: {  	[tilespmem:s26+$0xD650] =	vst.add.f32.msk $0xffff, v3  }
0x3c4: {  	v3 =	vld [tilespmem:s29+$0xF260];
	_ =	sdelay $0x4  }
0x3c5: {  	[tilespmem:s26+$0xD660] =	vst.add.f32.msk $0xffff, v3  }
0x3c6: {  	p1 =	sne.s32 s25, $0xF;
	v3 =	vld [tilespmem:s29+$0xF270]  }
.Ltmp2:
0x3c7: {  	_ = 	snop;
	(pc) =	sbr.rel @p1 .LBB2_7-.Ltmp2, $2  }
0x3c8: {  	_ =	sdelay $0x2  }
0x3c9: {  	s24 =	sadd.s32 $0x80, s24;
	s25 =	sadd.s32 $0x1, s25;
	[tilespmem:s26+$0xD670] =	vst.add.f32.msk $0xffff, v3  }
0x3ca: {  	s23 =	sadd.s32 s15, s23  }
0x3cb: {  	s23 =	sshrl.u32 s23, $0x3  }
0x3cc: {  	s23 =	sadd.s32 s4, s23  }
0x3cd: {  	[hbm4b:s23+s5] =	stream.linear.scatter [tilespmem:s0], [sflag:$0x7], $0x3000, $0x38;
	[tilespmem:$0x18200] =	vst v63  }
0x3ce: {  	s23 =	simm.s32 @!p0 $0x7  }
0x3cf: {  	_ =	swait.ge @!p0 [sflag:s23], $0x3000  }
0x3d0: {  	[sflag:s23] =	ssyncset.done @!p0 $0x0  }
0x3d1: {  	[sflag:s23] =	ssyncadd.s32 @!p0 $0xFFFFD000  }
0x3d2: {  	v3 =	vld @!p0 [tilespmem:s22+$0x60];
	_ =	sdelay $0x4  }
0x3d3: {  	v4 =	vshrl.u32 @!p0 v3, $0x3  }
0x3d4: {  	v4 =	vmul.u32 @!p0 $0x30, v4  }
0x3d5: {  	v5 =	vlaneseq.u32 @!p0;
	v3 =	vand.u32 @!p0 $0x7, v3  }
0x3d6: {  	v6 =	vshrl.u32 @!p0 v5, $0x3;
	v3 =	vor.u32 @!p0 v3, v4;
	v4 =	vand.u32 @!p0 $0x7, v5  }
0x3d7: {  	v6 =	vmul.u32 @!p0 $0x8, v6;
	v7 =	vperm.xlane @!p0 v3, v4;
	_ =	sdelay $0x1  }
0x3d8: {  	v7 =	vadd.s32 @!p0 v6, v7;
	_ =	sdelay $0x2  }
0x3d9: {  	v5 =	vor.u32 @!p0 $0x8, v5  }
0x3da: {  	s24 =	simm.s32 @!p0 $0xC200;
	s23 =	simm.s32 @!p0 $0x0;
	v3 =	vperm.xlane @!p0 v3, v5  }
0x3db: {  	[tilespmem:s24], [sflag:$0x3] =	stream.indirect_vreg.gather @!p0 [hbm4b:s2+s23], $0x80, v7, vm1, $0xb8;
	[tilespmem:$0x18200] =	vst v63  }
0x3dc: {  	v3 =	vadd.s32 @!p0 v6, v3;
	s24 =	simm.s32 @!p0 $0xCA00  }
0x3dd: {  	[tilespmem:s24], [sflag:$0x3] =	stream.indirect_vreg.gather @!p0 [hbm4b:s9+s23], $0x80, v7, vm1, $0xb8;
	[tilespmem:$0x18200] =	vst v63  }
0x3de: {  	s24 =	simm.s32 @!p0 $0xD200  }
0x3df: {  	[tilespmem:s24], [sflag:$0x3] =	stream.indirect_vreg.gather @!p0 [hbm4b:s10+s23], $0x80, v7, vm1, $0xb8;
	[tilespmem:$0x18200] =	vst v63  }
0x3e0: {  	s24 =	simm.s32 @!p0 $0xDA00  }
0x3e1: {  	[tilespmem:s24], [sflag:$0x3] =	stream.indirect_vreg.gather @!p0 [hbm4b:s2+s23], $0x80, v3, vm1, $0xb8;
	[tilespmem:$0x18200] =	vst v63  }
0x3e2: {  	s24 =	simm.s32 @!p0 $0xE200  }
0x3e3: {  	[tilespmem:s24], [sflag:$0x3] =	stream.indirect_vreg.gather @!p0 [hbm4b:s9+s23], $0x80, v3, vm1, $0xb8;
	[tilespmem:$0x18200] =	vst v63  }
0x3e4: {  	s24 =	simm.s32 @!p0 $0xEA00  }
0x3e5: {  	[tilespmem:s24], [sflag:$0x3] =	stream.indirect_vreg.gather @!p0 [hbm4b:s10+s23], $0x80, v3, vm1, $0xb8;
	[tilespmem:$0x18200] =	vst v63  }
0x3e6: {  	v3 =	vld @!p0 [tilespmem:s22+$0x160];
	_ =	sdelay $0x4  }
0x3e7: {  	v7 =	vshrl.u32 @!p0 v3, $0x3  }
0x3e8: {  	v7 =	vmul.u32 @!p0 $0x30, v7  }
0x3e9: {  	v3 =	vand.u32 @!p0 $0x7, v3  }
0x3ea: {  	v3 =	vor.u32 @!p0 v3, v7  }
0x3eb: {  	v4 =	vperm.xlane @!p0 v3, v4;
	_ =	sdelay $0x1  }
0x3ec: {  	v4 =	vadd.s32 @!p0 v6, v4;
	_ =	sdelay $0x3  }
0x3ed: {  	s22 =	simm.s32 @!p0 $0xF200;
	v3 =	vperm.xlane @!p0 v3, v5  }
0x3ee: {  	[tilespmem:s22], [sflag:$0x3] =	stream.indirect_vreg.gather @!p0 [hbm4b:s3+s23], $0x80, v4, vm1, $0xb8;
	[tilespmem:$0x18200] =	vst v63  }
0x3ef: {  	v3 =	vadd.s32 @!p0 v6, v3;
	s22 =	simm.s32 @!p0 $0xFA00  }
0x3f0: {  	[tilespmem:s22], [sflag:$0x3] =	stream.indirect_vreg.gather @!p0 [hbm4b:s12+s23], $0x80, v4, vm1, $0xb8;
	[tilespmem:$0x18200] =	vst v63  }
0x3f1: {  	s22 =	simm.s32 @!p0 $0x10200  }
0x3f2: {  	[tilespmem:s22], [sflag:$0x3] =	stream.indirect_vreg.gather @!p0 [hbm4b:s13+s23], $0x80, v4, vm1, $0xb8;
	[tilespmem:$0x18200] =	vst v63  }
0x3f3: {  	s22 =	simm.s32 @!p0 $0x10A00  }
0x3f4: {  	[tilespmem:s22], [sflag:$0x3] =	stream.indirect_vreg.gather @!p0 [hbm4b:s3+s23], $0x80, v3, vm1, $0xb8;
	[tilespmem:$0x18200] =	vst v63  }
0x3f5: {  	s22 =	simm.s32 @!p0 $0x11200  }
0x3f6: {  	[tilespmem:s22], [sflag:$0x3] =	stream.indirect_vreg.gather @!p0 [hbm4b:s12+s23], $0x80, v3, vm1, $0xb8;
	[tilespmem:$0x18200] =	vst v63  }
0x3f7: {  	s22 =	simm.s32 @!p0 $0x11A00  }
0x3f8: {  	[tilespmem:s22], [sflag:$0x3] =	stream.indirect_vreg.gather @!p0 [hbm4b:s13+s23], $0x80, v3, vm1, $0xb8;
	[tilespmem:$0x18200] =	vst v63  }
0x3f9: {  	_ =	swait.ge [sflag:s8], $0x3000  }
0x3fa: {  	[sflag:s8] =	ssyncset.done $0x0  }
0x3fb: {  	s28 =	simm.s32 $0x0;
	[sflag:s8] =	ssyncadd.s32 $0xFFFFD000  }
0x3fc: {  	s22 =	simm.s32 $0x0;
	s23 =	smul.u32 $0x1800, s28;
	_ =	swait.ge [sflag:s8], $0x3000  }
0x3fd: {  	s29 =	sand.u32 $0x380, s22;
	[sflag:s8] =	ssyncset.done $0x0  }
0x3fe: {  	s23 =	sor.u32 s29, s23;
	[sflag:s8] =	ssyncadd.s32 $0xFFFFD000  }
0x3ff: {  	v3 =	vld [tilespmem:s23+$0x16670]  }
0x400: {  	v6 =	vld [tilespmem:s23+$0x15200]  }
0x401: {  	v7 =	vld [tilespmem:s23+$0x15210]  }
0x402: {  	v8 =	vld [tilespmem:s23+$0x15220]  }
0x403: {  	v9 =	vld [tilespmem:s23+$0x15230]  }
0x404: {  	v10 =	vld [tilespmem:s23+$0x15240]  }
0x405: {  	v11 =	vld [tilespmem:s23+$0x15250]  }
0x406: {  	v12 =	vld [tilespmem:s23+$0x15260]  }
0x407: {  	v13 =	vld [tilespmem:s23+$0x15270]  }
0x408: {  	v14 =	vld [tilespmem:s23+$0x15600]  }
0x409: {  	v15 =	vld [tilespmem:s23+$0x15610]  }
0x40a: {  	v16 =	vld [tilespmem:s23+$0x15620]  }
0x40b: {  	v17 =	vld [tilespmem:s23+$0x15630]  }
0x40c: {  	v18 =	vld [tilespmem:s23+$0x15640]  }
0x40d: {  	v19 =	vld [tilespmem:s23+$0x15650]  }
0x40e: {  	v20 =	vld [tilespmem:s23+$0x15660]  }
0x40f: {  	v21 =	vld [tilespmem:s23+$0x15670]  }
0x410: {  	v22 =	vld [tilespmem:s23+$0x15A00]  }
0x411: {  	v23 =	vld [tilespmem:s23+$0x15A10]  }
0x412: {  	v24 =	vld [tilespmem:s23+$0x15A20]  }
0x413: {  	v25 =	vld [tilespmem:s23+$0x15A30]  }
0x414: {  	v26 =	vld [tilespmem:s23+$0x15A40]  }
0x415: {  	v27 =	vld [tilespmem:s23+$0x15A50]  }
0x416: {  	v28 =	vld [tilespmem:s23+$0x15A60]  }
0x417: {  	v29 =	vld [tilespmem:s23+$0x15A70]  }
0x418: {  	v30 =	vld [tilespmem:s23+$0x15E00]  }
0x419: {  	v31 =	vld [tilespmem:s23+$0x15E10]  }
0x41a: {  	v32 =	vld [tilespmem:s23+$0x15E20]  }
0x41b: {  	v33 =	vld [tilespmem:s23+$0x15E30]  }
0x41c: {  	v34 =	vld [tilespmem:s23+$0x15E40]  }
0x41d: {  	v35 =	vld [tilespmem:s23+$0x15E50]  }
0x41e: {  	v36 =	vld [tilespmem:s23+$0x15E60]  }
0x41f: {  	v37 =	vld [tilespmem:s23+$0x15E70]  }
0x420: {  	v38 =	vld [tilespmem:s23+$0x16200]  }
0x421: {  	v39 =	vld [tilespmem:s23+$0x16210]  }
0x422: {  	v40 =	vld [tilespmem:s23+$0x16220]  }
0x423: {  	v41 =	vld [tilespmem:s23+$0x16230]  }
0x424: {  	v42 =	vld [tilespmem:s23+$0x16240]  }
0x425: {  	v43 =	vld [tilespmem:s23+$0x16250]  }
0x426: {  	v44 =	vld [tilespmem:s23+$0x16260]  }
0x427: {  	v45 =	vld [tilespmem:s23+$0x16270]  }
0x428: {  	v46 =	vld [tilespmem:s23+$0x16600]  }
0x429: {  	v47 =	vld [tilespmem:s23+$0x16610]  }
0x42a: {  	v48 =	vld [tilespmem:s23+$0x16620]  }
0x42b: {  	v49 =	vld [tilespmem:s23+$0x16630]  }
0x42c: {  	v5 =	vld [tilespmem:s23+$0x16640]  }
0x42d: {  	v4 =	vld [tilespmem:s23+$0x16650]  }
0x42e: {  	[tilespmem:s23+$0x13670] =	vst.add.f32.msk $0xffff, v3  }
0x42f: {  	v3 =	vld [tilespmem:s23+$0x16660]  }
0x430: {  	[tilespmem:s23+$0x12200] =	vst.add.f32.msk $0xffff, v6  }
0x431: {  	[tilespmem:s23+$0x12210] =	vst.add.f32.msk $0xffff, v7  }
0x432: {  	[tilespmem:s23+$0x12220] =	vst.add.f32.msk $0xffff, v8  }
0x433: {  	[tilespmem:s23+$0x12230] =	vst.add.f32.msk $0xffff, v9  }
0x434: {  	[tilespmem:s23+$0x12240] =	vst.add.f32.msk $0xffff, v10  }
0x435: {  	[tilespmem:s23+$0x12250] =	vst.add.f32.msk $0xffff, v11  }
0x436: {  	[tilespmem:s23+$0x12260] =	vst.add.f32.msk $0xffff, v12  }
0x437: {  	[tilespmem:s23+$0x12270] =	vst.add.f32.msk $0xffff, v13  }
0x438: {  	[tilespmem:s23+$0x12600] =	vst.add.f32.msk $0xffff, v14  }
0x439: {  	[tilespmem:s23+$0x12610] =	vst.add.f32.msk $0xffff, v15  }
0x43a: {  	[tilespmem:s23+$0x12620] =	vst.add.f32.msk $0xffff, v16  }
0x43b: {  	[tilespmem:s23+$0x12630] =	vst.add.f32.msk $0xffff, v17  }
0x43c: {  	[tilespmem:s23+$0x12640] =	vst.add.f32.msk $0xffff, v18  }
0x43d: {  	[tilespmem:s23+$0x12650] =	vst.add.f32.msk $0xffff, v19  }
0x43e: {  	[tilespmem:s23+$0x12660] =	vst.add.f32.msk $0xffff, v20  }
0x43f: {  	[tilespmem:s23+$0x12670] =	vst.add.f32.msk $0xffff, v21  }
0x440: {  	[tilespmem:s23+$0x12A00] =	vst.add.f32.msk $0xffff, v22  }
0x441: {  	[tilespmem:s23+$0x12A10] =	vst.add.f32.msk $0xffff, v23  }
0x442: {  	[tilespmem:s23+$0x12A20] =	vst.add.f32.msk $0xffff, v24  }
0x443: {  	[tilespmem:s23+$0x12A30] =	vst.add.f32.msk $0xffff, v25  }
0x444: {  	[tilespmem:s23+$0x12A40] =	vst.add.f32.msk $0xffff, v26  }
0x445: {  	[tilespmem:s23+$0x12A50] =	vst.add.f32.msk $0xffff, v27  }
0x446: {  	[tilespmem:s23+$0x12A60] =	vst.add.f32.msk $0xffff, v28  }
0x447: {  	[tilespmem:s23+$0x12A70] =	vst.add.f32.msk $0xffff, v29  }
0x448: {  	[tilespmem:s23+$0x12E00] =	vst.add.f32.msk $0xffff, v30  }
0x449: {  	[tilespmem:s23+$0x12E10] =	vst.add.f32.msk $0xffff, v31  }
0x44a: {  	[tilespmem:s23+$0x12E20] =	vst.add.f32.msk $0xffff, v32  }
0x44b: {  	[tilespmem:s23+$0x12E30] =	vst.add.f32.msk $0xffff, v33  }
0x44c: {  	[tilespmem:s23+$0x12E40] =	vst.add.f32.msk $0xffff, v34  }
0x44d: {  	[tilespmem:s23+$0x12E50] =	vst.add.f32.msk $0xffff, v35  }
0x44e: {  	[tilespmem:s23+$0x12E60] =	vst.add.f32.msk $0xffff, v36  }
0x44f: {  	[tilespmem:s23+$0x12E70] =	vst.add.f32.msk $0xffff, v37  }
0x450: {  	[tilespmem:s23+$0x13200] =	vst.add.f32.msk $0xffff, v38  }
0x451: {  	[tilespmem:s23+$0x13210] =	vst.add.f32.msk $0xffff, v39  }
0x452: {  	[tilespmem:s23+$0x13220] =	vst.add.f32.msk $0xffff, v40  }
0x453: {  	[tilespmem:s23+$0x13230] =	vst.add.f32.msk $0xffff, v41  }
0x454: {  	[tilespmem:s23+$0x13240] =	vst.add.f32.msk $0xffff, v42  }
0x455: {  	[tilespmem:s23+$0x13250] =	vst.add.f32.msk $0xffff, v43  }
0x456: {  	[tilespmem:s23+$0x13260] =	vst.add.f32.msk $0xffff, v44  }
0x457: {  	[tilespmem:s23+$0x13270] =	vst.add.f32.msk $0xffff, v45  }
0x458: {  	[tilespmem:s23+$0x13600] =	vst.add.f32.msk $0xffff, v46  }
0x459: {  	[tilespmem:s23+$0x13610] =	vst.add.f32.msk $0xffff, v47  }
0x45a: {  	[tilespmem:s23+$0x13620] =	vst.add.f32.msk $0xffff, v48  }
0x45b: {  	s25 =	simm.s32 $0x0;
	s24 =	simm.s32 $0x2;
	[tilespmem:s23+$0x13630] =	vst.add.f32.msk $0xffff, v49  }
.LBB2_9:
0x45c: {  	p0 =	sne.s32 s24, $0xF;
	s25 =	smul.u32 $0x1800, s25;
	[tilespmem:s23+$0x13640] =	vst.add.f32.msk $0xffff, v5;
	s22 =	sadd.s32 $0x80, s22  }
0x45d: {  	s26 =	sand.u32 $0x380, s22;
	[tilespmem:s23+$0x13650] =	vst.add.f32.msk $0xffff, v4  }
0x45e: {  	[tilespmem:s23+$0x13660] =	vst.add.f32.msk $0xffff, v3;
	s23 =	sor.u32 s26, s25  }
0x45f: {  	v3 =	vld [tilespmem:s23+$0x16670]  }
0x460: {  	v6 =	vld [tilespmem:s23+$0x15200]  }
0x461: {  	v7 =	vld [tilespmem:s23+$0x15210]  }
0x462: {  	v8 =	vld [tilespmem:s23+$0x15220]  }
0x463: {  	v9 =	vld [tilespmem:s23+$0x15230]  }
0x464: {  	[tilespmem:s23+$0x13670] =	vst.add.f32.msk $0xffff, v3  }
0x465: {  	v10 =	vld [tilespmem:s23+$0x15240]  }
0x466: {  	v11 =	vld [tilespmem:s23+$0x15250]  }
0x467: {  	v12 =	vld [tilespmem:s23+$0x15260]  }
0x468: {  	v13 =	vld [tilespmem:s23+$0x15270]  }
0x469: {  	v14 =	vld [tilespmem:s23+$0x15600]  }
0x46a: {  	v15 =	vld [tilespmem:s23+$0x15610]  }
0x46b: {  	v16 =	vld [tilespmem:s23+$0x15620]  }
0x46c: {  	v17 =	vld [tilespmem:s23+$0x15630]  }
0x46d: {  	v18 =	vld [tilespmem:s23+$0x15640]  }
0x46e: {  	v19 =	vld [tilespmem:s23+$0x15650]  }
0x46f: {  	v20 =	vld [tilespmem:s23+$0x15660]  }
0x470: {  	v21 =	vld [tilespmem:s23+$0x15670]  }
0x471: {  	v22 =	vld [tilespmem:s23+$0x15A00]  }
0x472: {  	v23 =	vld [tilespmem:s23+$0x15A10]  }
0x473: {  	v24 =	vld [tilespmem:s23+$0x15A20]  }
0x474: {  	v25 =	vld [tilespmem:s23+$0x15A30]  }
0x475: {  	v26 =	vld [tilespmem:s23+$0x15A40]  }
0x476: {  	v27 =	vld [tilespmem:s23+$0x15A50]  }
0x477: {  	v28 =	vld [tilespmem:s23+$0x15A60]  }
0x478: {  	v29 =	vld [tilespmem:s23+$0x15A70]  }
0x479: {  	v30 =	vld [tilespmem:s23+$0x15E00]  }
0x47a: {  	v31 =	vld [tilespmem:s23+$0x15E10]  }
0x47b: {  	v32 =	vld [tilespmem:s23+$0x15E20]  }
0x47c: {  	v33 =	vld [tilespmem:s23+$0x15E30]  }
0x47d: {  	v34 =	vld [tilespmem:s23+$0x15E40]  }
0x47e: {  	v35 =	vld [tilespmem:s23+$0x15E50]  }
0x47f: {  	v36 =	vld [tilespmem:s23+$0x15E60]  }
0x480: {  	v37 =	vld [tilespmem:s23+$0x15E70]  }
0x481: {  	v38 =	vld [tilespmem:s23+$0x16200]  }
0x482: {  	v39 =	vld [tilespmem:s23+$0x16210]  }
0x483: {  	v40 =	vld [tilespmem:s23+$0x16220]  }
0x484: {  	v41 =	vld [tilespmem:s23+$0x16230]  }
0x485: {  	v42 =	vld [tilespmem:s23+$0x16240]  }
0x486: {  	v43 =	vld [tilespmem:s23+$0x16250]  }
0x487: {  	v44 =	vld [tilespmem:s23+$0x16260]  }
0x488: {  	v45 =	vld [tilespmem:s23+$0x16270]  }
0x489: {  	v46 =	vld [tilespmem:s23+$0x16600]  }
0x48a: {  	v47 =	vld [tilespmem:s23+$0x16610]  }
0x48b: {  	v48 =	vld [tilespmem:s23+$0x16620]  }
0x48c: {  	v49 =	vld [tilespmem:s23+$0x16630]  }
0x48d: {  	v5 =	vld [tilespmem:s23+$0x16640]  }
0x48e: {  	v4 =	vld [tilespmem:s23+$0x16650]  }
0x48f: {  	v3 =	vld [tilespmem:s23+$0x16660]  }
0x490: {  	[tilespmem:s23+$0x12200] =	vst.add.f32.msk $0xffff, v6  }
0x491: {  	[tilespmem:s23+$0x12210] =	vst.add.f32.msk $0xffff, v7  }
0x492: {  	[tilespmem:s23+$0x12220] =	vst.add.f32.msk $0xffff, v8  }
0x493: {  	[tilespmem:s23+$0x12230] =	vst.add.f32.msk $0xffff, v9  }
0x494: {  	[tilespmem:s23+$0x12240] =	vst.add.f32.msk $0xffff, v10  }
0x495: {  	[tilespmem:s23+$0x12250] =	vst.add.f32.msk $0xffff, v11  }
0x496: {  	[tilespmem:s23+$0x12260] =	vst.add.f32.msk $0xffff, v12  }
0x497: {  	[tilespmem:s23+$0x12270] =	vst.add.f32.msk $0xffff, v13  }
0x498: {  	[tilespmem:s23+$0x12600] =	vst.add.f32.msk $0xffff, v14  }
0x499: {  	[tilespmem:s23+$0x12610] =	vst.add.f32.msk $0xffff, v15  }
0x49a: {  	[tilespmem:s23+$0x12620] =	vst.add.f32.msk $0xffff, v16  }
0x49b: {  	[tilespmem:s23+$0x12630] =	vst.add.f32.msk $0xffff, v17  }
0x49c: {  	[tilespmem:s23+$0x12640] =	vst.add.f32.msk $0xffff, v18  }
0x49d: {  	[tilespmem:s23+$0x12650] =	vst.add.f32.msk $0xffff, v19  }
0x49e: {  	[tilespmem:s23+$0x12660] =	vst.add.f32.msk $0xffff, v20  }
0x49f: {  	[tilespmem:s23+$0x12670] =	vst.add.f32.msk $0xffff, v21  }
0x4a0: {  	[tilespmem:s23+$0x12A00] =	vst.add.f32.msk $0xffff, v22  }
0x4a1: {  	[tilespmem:s23+$0x12A10] =	vst.add.f32.msk $0xffff, v23  }
0x4a2: {  	[tilespmem:s23+$0x12A20] =	vst.add.f32.msk $0xffff, v24  }
0x4a3: {  	[tilespmem:s23+$0x12A30] =	vst.add.f32.msk $0xffff, v25  }
0x4a4: {  	[tilespmem:s23+$0x12A40] =	vst.add.f32.msk $0xffff, v26  }
0x4a5: {  	[tilespmem:s23+$0x12A50] =	vst.add.f32.msk $0xffff, v27  }
0x4a6: {  	[tilespmem:s23+$0x12A60] =	vst.add.f32.msk $0xffff, v28  }
0x4a7: {  	[tilespmem:s23+$0x12A70] =	vst.add.f32.msk $0xffff, v29  }
0x4a8: {  	[tilespmem:s23+$0x12E00] =	vst.add.f32.msk $0xffff, v30  }
0x4a9: {  	[tilespmem:s23+$0x12E10] =	vst.add.f32.msk $0xffff, v31  }
0x4aa: {  	[tilespmem:s23+$0x12E20] =	vst.add.f32.msk $0xffff, v32  }
0x4ab: {  	[tilespmem:s23+$0x12E30] =	vst.add.f32.msk $0xffff, v33  }
0x4ac: {  	[tilespmem:s23+$0x12E40] =	vst.add.f32.msk $0xffff, v34  }
0x4ad: {  	[tilespmem:s23+$0x12E50] =	vst.add.f32.msk $0xffff, v35  }
0x4ae: {  	[tilespmem:s23+$0x12E60] =	vst.add.f32.msk $0xffff, v36  }
0x4af: {  	[tilespmem:s23+$0x12E70] =	vst.add.f32.msk $0xffff, v37  }
0x4b0: {  	[tilespmem:s23+$0x13200] =	vst.add.f32.msk $0xffff, v38  }
0x4b1: {  	[tilespmem:s23+$0x13210] =	vst.add.f32.msk $0xffff, v39  }
0x4b2: {  	[tilespmem:s23+$0x13220] =	vst.add.f32.msk $0xffff, v40  }
0x4b3: {  	[tilespmem:s23+$0x13230] =	vst.add.f32.msk $0xffff, v41  }
0x4b4: {  	[tilespmem:s23+$0x13240] =	vst.add.f32.msk $0xffff, v42  }
0x4b5: {  	[tilespmem:s23+$0x13250] =	vst.add.f32.msk $0xffff, v43  }
0x4b6: {  	[tilespmem:s23+$0x13260] =	vst.add.f32.msk $0xffff, v44  }
.Ltmp3:
0x4b7: {  	[tilespmem:s23+$0x13270] =	vst.add.f32.msk $0xffff, v45;
	(pc) =	sbr.rel @p0 .LBB2_9-.Ltmp3, $4  }
0x4b8: {  	[tilespmem:s23+$0x13600] =	vst.add.f32.msk $0xffff, v46  }
0x4b9: {  	[tilespmem:s23+$0x13610] =	vst.add.f32.msk $0xffff, v47  }
0x4ba: {  	[tilespmem:s23+$0x13620] =	vst.add.f32.msk $0xffff, v48  }
0x4bb: {  	s25 =	sshrl.u32 s24, $0x3;
	s24 =	sadd.s32 $0x1, s24;
	[tilespmem:s23+$0x13630] =	vst.add.f32.msk $0xffff, v49  }
0x4bc: {  	s24 =	smul.u32 $0x1800, s25;
	[tilespmem:s23+$0x13640] =	vst.add.f32.msk $0xffff, v5;
	s22 =	sadd.s32 $0x80, s22  }
0x4bd: {  	[tilespmem:s23+$0x13650] =	vst.add.f32.msk $0xffff, v4;
	s22 =	sand.u32 $0x380, s22  }
0x4be: {  	[tilespmem:s23+$0x13660] =	vst.add.f32.msk $0xffff, v3;
	s22 =	sor.u32 s22, s24  }
0x4bf: {  	v3 =	vld [tilespmem:s22+$0x16670]  }
0x4c0: {  	v4 =	vld [tilespmem:s22+$0x15200]  }
0x4c1: {  	v5 =	vld [tilespmem:s22+$0x15210]  }
0x4c2: {  	v6 =	vld [tilespmem:s22+$0x15220]  }
0x4c3: {  	v7 =	vld [tilespmem:s22+$0x15230]  }
0x4c4: {  	v8 =	vld [tilespmem:s22+$0x15250]  }
0x4c5: {  	v9 =	vld [tilespmem:s22+$0x15260]  }
0x4c6: {  	v10 =	vld [tilespmem:s22+$0x15270]  }
0x4c7: {  	v11 =	vld [tilespmem:s22+$0x15600]  }
0x4c8: {  	v12 =	vld [tilespmem:s22+$0x15610]  }
0x4c9: {  	v13 =	vld [tilespmem:s22+$0x15620]  }
0x4ca: {  	v14 =	vld [tilespmem:s22+$0x15630]  }
0x4cb: {  	v15 =	vld [tilespmem:s22+$0x15640]  }
0x4cc: {  	v16 =	vld [tilespmem:s22+$0x15650]  }
0x4cd: {  	v17 =	vld [tilespmem:s22+$0x15660]  }
0x4ce: {  	v18 =	vld [tilespmem:s22+$0x15670]  }
0x4cf: {  	v19 =	vld [tilespmem:s22+$0x15A00]  }
0x4d0: {  	v20 =	vld [tilespmem:s22+$0x15A10]  }
0x4d1: {  	v21 =	vld [tilespmem:s22+$0x15A20]  }
0x4d2: {  	v22 =	vld [tilespmem:s22+$0x15A30]  }
0x4d3: {  	v23 =	vld [tilespmem:s22+$0x15A40]  }
0x4d4: {  	v24 =	vld [tilespmem:s22+$0x15A50]  }
0x4d5: {  	v25 =	vld [tilespmem:s22+$0x15A60]  }
0x4d6: {  	v26 =	vld [tilespmem:s22+$0x15A70]  }
0x4d7: {  	v27 =	vld [tilespmem:s22+$0x15E00]  }
0x4d8: {  	v28 =	vld [tilespmem:s22+$0x15E10]  }
0x4d9: {  	v29 =	vld [tilespmem:s22+$0x15E20]  }
0x4da: {  	v30 =	vld [tilespmem:s22+$0x15E30]  }
0x4db: {  	v31 =	vld [tilespmem:s22+$0x15E40]  }
0x4dc: {  	v32 =	vld [tilespmem:s22+$0x15E50]  }
0x4dd: {  	v33 =	vld [tilespmem:s22+$0x15E60]  }
0x4de: {  	v34 =	vld [tilespmem:s22+$0x15E70]  }
0x4df: {  	v35 =	vld [tilespmem:s22+$0x16200]  }
0x4e0: {  	v36 =	vld [tilespmem:s22+$0x16210]  }
0x4e1: {  	v37 =	vld [tilespmem:s22+$0x16220]  }
0x4e2: {  	v38 =	vld [tilespmem:s22+$0x16230]  }
0x4e3: {  	v39 =	vld [tilespmem:s22+$0x16240]  }
0x4e4: {  	v40 =	vld [tilespmem:s22+$0x16250]  }
0x4e5: {  	v41 =	vld [tilespmem:s22+$0x16260]  }
0x4e6: {  	v42 =	vld [tilespmem:s22+$0x16270]  }
0x4e7: {  	v43 =	vld [tilespmem:s22+$0x16600]  }
0x4e8: {  	v44 =	vld [tilespmem:s22+$0x16610]  }
0x4e9: {  	v45 =	vld [tilespmem:s22+$0x16620]  }
0x4ea: {  	v46 =	vld [tilespmem:s22+$0x16630]  }
0x4eb: {  	v47 =	vld [tilespmem:s22+$0x16640]  }
0x4ec: {  	v48 =	vld [tilespmem:s22+$0x16650]  }
0x4ed: {  	v49 =	vld [tilespmem:s22+$0x16660]  }
0x4ee: {  	[tilespmem:s22+$0x13670] =	vst.add.f32.msk $0xffff, v3  }
0x4ef: {  	v3 =	vld [tilespmem:s22+$0x15240]  }
0x4f0: {  	[tilespmem:s22+$0x12200] =	vst.add.f32.msk $0xffff, v4  }
0x4f1: {  	[tilespmem:s22+$0x12210] =	vst.add.f32.msk $0xffff, v5  }
0x4f2: {  	[tilespmem:s22+$0x12220] =	vst.add.f32.msk $0xffff, v6  }
0x4f3: {  	[tilespmem:s22+$0x12230] =	vst.add.f32.msk $0xffff, v7  }
0x4f4: {  	[tilespmem:s22+$0x12250] =	vst.add.f32.msk $0xffff, v8  }
0x4f5: {  	[tilespmem:s22+$0x12260] =	vst.add.f32.msk $0xffff, v9  }
0x4f6: {  	[tilespmem:s22+$0x12270] =	vst.add.f32.msk $0xffff, v10  }
0x4f7: {  	[tilespmem:s22+$0x12600] =	vst.add.f32.msk $0xffff, v11  }
0x4f8: {  	[tilespmem:s22+$0x12610] =	vst.add.f32.msk $0xffff, v12  }
0x4f9: {  	[tilespmem:s22+$0x12620] =	vst.add.f32.msk $0xffff, v13  }
0x4fa: {  	[tilespmem:s22+$0x12630] =	vst.add.f32.msk $0xffff, v14  }
0x4fb: {  	[tilespmem:s22+$0x12640] =	vst.add.f32.msk $0xffff, v15  }
0x4fc: {  	[tilespmem:s22+$0x12650] =	vst.add.f32.msk $0xffff, v16  }
0x4fd: {  	[tilespmem:s22+$0x12660] =	vst.add.f32.msk $0xffff, v17  }
0x4fe: {  	[tilespmem:s22+$0x12670] =	vst.add.f32.msk $0xffff, v18  }
0x4ff: {  	[tilespmem:s22+$0x12A00] =	vst.add.f32.msk $0xffff, v19  }
0x500: {  	[tilespmem:s22+$0x12A10] =	vst.add.f32.msk $0xffff, v20  }
0x501: {  	[tilespmem:s22+$0x12A20] =	vst.add.f32.msk $0xffff, v21  }
0x502: {  	[tilespmem:s22+$0x12A30] =	vst.add.f32.msk $0xffff, v22  }
0x503: {  	[tilespmem:s22+$0x12A40] =	vst.add.f32.msk $0xffff, v23  }
0x504: {  	[tilespmem:s22+$0x12A50] =	vst.add.f32.msk $0xffff, v24  }
0x505: {  	[tilespmem:s22+$0x12A60] =	vst.add.f32.msk $0xffff, v25  }
0x506: {  	[tilespmem:s22+$0x12A70] =	vst.add.f32.msk $0xffff, v26  }
0x507: {  	[tilespmem:s22+$0x12E00] =	vst.add.f32.msk $0xffff, v27  }
0x508: {  	[tilespmem:s22+$0x12E10] =	vst.add.f32.msk $0xffff, v28  }
0x509: {  	[tilespmem:s22+$0x12E20] =	vst.add.f32.msk $0xffff, v29  }
0x50a: {  	[tilespmem:s22+$0x12E30] =	vst.add.f32.msk $0xffff, v30  }
0x50b: {  	[tilespmem:s22+$0x12E40] =	vst.add.f32.msk $0xffff, v31  }
0x50c: {  	[tilespmem:s22+$0x12E50] =	vst.add.f32.msk $0xffff, v32  }
0x50d: {  	[tilespmem:s22+$0x12E60] =	vst.add.f32.msk $0xffff, v33  }
0x50e: {  	[tilespmem:s22+$0x12E70] =	vst.add.f32.msk $0xffff, v34  }
0x50f: {  	[tilespmem:s22+$0x13200] =	vst.add.f32.msk $0xffff, v35  }
0x510: {  	[tilespmem:s22+$0x13210] =	vst.add.f32.msk $0xffff, v36  }
0x511: {  	[tilespmem:s22+$0x13220] =	vst.add.f32.msk $0xffff, v37  }
0x512: {  	[tilespmem:s22+$0x13230] =	vst.add.f32.msk $0xffff, v38  }
0x513: {  	[tilespmem:s22+$0x13240] =	vst.add.f32.msk $0xffff, v39  }
0x514: {  	[tilespmem:s22+$0x13250] =	vst.add.f32.msk $0xffff, v40  }
0x515: {  	[tilespmem:s22+$0x13260] =	vst.add.f32.msk $0xffff, v41  }
0x516: {  	[tilespmem:s22+$0x13270] =	vst.add.f32.msk $0xffff, v42  }
0x517: {  	[tilespmem:s22+$0x13600] =	vst.add.f32.msk $0xffff, v43  }
0x518: {  	s21 =	sor.u32 s6, s21;
	[tilespmem:s22+$0x13610] =	vst.add.f32.msk $0xffff, v44  }
0x519: {  	s14 =	sadd.s32 $0x1, s14;
	s21 =	sshrl.u32 s21, $0x3;
	[tilespmem:s22+$0x13620] =	vst.add.f32.msk $0xffff, v45  }
0x51a: {  	p0 =	sne.s32 s14, $0x4;
	s21 =	smul.u32 $0x1800, s21;
	[tilespmem:s22+$0x13630] =	vst.add.f32.msk $0xffff, v46  }
.Ltmp4:
0x51b: {  	[tilespmem:s22+$0x13640] =	vst.add.f32.msk $0xffff, v47;
	(pc) =	sbr.rel @p0 .LBB2_2-.Ltmp4, $4  }
0x51c: {  	s21 =	sadd.s32 s11, s21;
	[tilespmem:s22+$0x13650] =	vst.add.f32.msk $0xffff, v48  }
0x51d: {  	s21 =	sshrl.u32 s21, $0x3;
	[tilespmem:s22+$0x13660] =	vst.add.f32.msk $0xffff, v49  }
0x51e: {  	s21 =	sadd.s32 s4, s21;
	[tilespmem:s22+$0x12240] =	vst.add.f32.msk $0xffff, v3  }
0x51f: {  	[hbm4b:s21+s5] =	stream.linear.scatter [tilespmem:s18], [sflag:$0x8], $0x3000, $0x38;
	[tilespmem:$0x18200] =	vst v63  }
0x520: {  	s14 =	simm.s32 $0x5  }
0x521: {  	_ =	swait.ge [sflag:s14], $0x3000  }
0x522: {  	[sflag:s14] =	ssyncset.done $0x0  }
0x523: {  	s26 =	simm.s32 $0x6;
	[sflag:s14] =	ssyncadd.s32 $0xFFFFD000  }
0x524: {  	_ =	swait.ge [sflag:s26], $0x3000  }
0x525: {  	[sflag:s26] =	ssyncset.done $0x0  }
0x526: {  	s28 =	simm.s32 $0x7;
	[sflag:s26] =	ssyncadd.s32 $0xFFFFD000  }
0x527: {  	_ =	swait.ge [sflag:s28], $0x3000  }
0x528: {  	[sflag:s28] =	ssyncset.done $0x0  }
0x529: {  	s21 =	simm.s32 $0x8;
	[sflag:s28] =	ssyncadd.s32 $0xFFFFD000  }
0x52a: {  	_ =	swait.ge [sflag:s21], $0x3000  }
0x52b: {  	s22 =	rddreg [dreg:$0x9]  }
0x52c: {  	s29 =	rddreg [dreg:$0x8];
	s22 =	sadd.s32 $0x1, s22  }
0x52d: {  	p0 =	sne.s32 s22, s29  }
.Ltmp5:
0x52e: {  	_ = 	snop;
	(pc) =	sbr.rel @p0 .LBB2_1-.Ltmp5, $3  }
0x52f: {  	_ =	sdelay $0x1  }
0x530: {  	[sflag:s21] =	ssyncset.done $0x0  }
0x531: {  	[sflag:s21] =	ssyncadd.s32 $0xFFFFD000  }
0x532: {  	_ =	sfence.sel $0x180000  }
0x533: {  	[bflag:$0x0] =	sbarrier.arrive $0xFFFF  }
0x534: {  	_ =	strace $0x90000047  }
0x535: {  	s0 =	stileid.u32;
	[bflag:$0x2] =	sbarrier.arrive $0xFFFF  }
0x536: {  	p0 =	sne.s32 s0, $0x0;
	s0 =	rddreg [dreg:$0x5]  }
0x537: {  	s0 =	sadd.s32 @!p0 $0x100000, s0  }
0x538: {  	[sflag:s0] =	ssyncadd.tile.s32 @!p0 $0x1;
	_ =	shalt  }
.Lfunc_end2:
_tile_overlayer_lowered:
.L_overlay_start_2:
0x539: {  	(tag) =	ssettag $0x2  }
0x53a: {  	s0 =	rddreg [dreg:$0x0];
	s2 =	stileid.u32  }
0x53b: {  	s1 =	rddreg [dreg:$0x1];
	p0 =	sne.s32 s2, $0x0  }
0x53c: {  	s3 =	rddreg [dreg:$0x2];
	[bflag:$0x3] =	sbarrier.arrive $0xFFFF;
	s2 =	simm.s32 @!p0 $0x1C09  }
0x53d: {  	[timem:s3], [sflag:s2] =	dma.local @!p0 [hbm:s0], s1  }
0x53e: {  	s0 =	simm.s32 @!p0 $0x9  }
0x53f: {  	_ =	swait.ge @!p0 [sflag:s0], s1  }
0x540: {  	s1 =	ssub.s32 @!p0 $0x0, s1;
	[sflag:s0] =	ssyncset.done @!p0 $0x0  }
0x541: {  	[sflag:s0] =	ssyncadd.s32 @!p0 s1  }
0x542: {  	[bflag:$0x3] =	sbarrier.arrive $0xFFFF  }
0x543: {  	_ =	shalt  }

</sc_bundles>
